<compile_context>
chip_gen: v7x
topology: tpu7x:2x2x1
jax: 0.10.2.dev20260603
libtpu: 0.0.44.dev20260713+nightly
codegen_flags: <defaults>
</compile_context>

<pallas_src>
import functools
import jax
import jax.numpy as jnp
from jax import lax
from jax.experimental import pallas as pl
from jax.experimental.pallas import tpu as pltpu, tpu_sc as plsc

_BASE_VOCAB_SHIFT = 100
_COORD_VOCAB_SHIFT = 1000
_QUANT_BINS = 1000
_MAX_INPUT_SIZE = 1024.0

_B, _S, _V = 32, 500, 3000
_N = _S // 5
_BT = 16
_BS = _B - _BT
_HALF = 50
_HP = 56
_NP = 2 * _HP
_W = 8

_NC = 2


@functools.cache
def _sc_gather_rows_fn():
    mesh = plsc.VectorSubcoreMesh(core_axis_name="c", subcore_axis_name="s")

    @functools.partial(
        pl.kernel, mesh=mesh,
        out_type=jax.ShapeDtypeStruct((_BS * _NP, _V), jnp.float32),
        scratch_types=[
            pltpu.VMEM((_W, _V), jnp.float32),
            pltpu.VMEM((_W, _V), jnp.float32),
            pltpu.SemaphoreType.DMA,
            pltpu.SemaphoreType.DMA,
            pltpu.SemaphoreType.DMA,
            pltpu.SemaphoreType.DMA,
        ],
    )
    def _sc_gather_rows(x_hbm, out_hbm, rows_a, rows_b,
                        gsem_a, gsem_b, wsem_a, wsem_b):
        w = lax.axis_index("s") * _NC + lax.axis_index("c")
        il = w // 2
        half = w % 2
        img = il + _BT
        dst0 = il * _NP + half * _HP
        row0 = half * _HALF
        bufs = (rows_a, rows_b)
        gsems = (gsem_a, gsem_b)
        wsems = (wsem_a, wsem_b)
        nwave = -(-_HALF // _W)

        def start_gathers(g, buf, sem):
            base = g * _W
            return [
                pltpu.async_copy(
                    x_hbm.at[img, 5 * (row0 + base + k) + 4],
                    buf.at[k], sem)
                for k in range(min(_W, _HALF - base))
            ]

        def start_write(g, buf, sem):
            dst = out_hbm.at[pl.ds(dst0 + _W * g, _W)]
            return [pltpu.async_copy(buf, dst, sem)]

        pend_g = start_gathers(0, bufs[0], gsems[0])
        pend_w = []
        for g in range(nwave):
            cur = g % 2
            for h in pend_g:
                h.wait()
            for h in pend_w:
                h.wait()
            if g + 1 < nwave:
                pend_g = start_gathers(g + 1, bufs[1 - cur], gsems[1 - cur])
            pend_w = start_write(g, bufs[cur], wsems[cur])
        for h in pend_w:
            h.wait()

    return _sc_gather_rows


def _core_decode(x, col):
    m = jnp.max(x, axis=-1, keepdims=True)
    denom = jnp.sum(jnp.exp(x - m), axis=-1, keepdims=True)
    inwin = (col >= _BASE_VOCAB_SHIFT) & (col < _COORD_VOCAB_SHIFT)
    xm = jnp.where(inwin, x, -jnp.inf)
    mw = jnp.max(xm, axis=-1, keepdims=True)
    idx = jnp.argmax(xm, axis=-1, keepdims=True)
    cls = jnp.maximum(idx - _BASE_VOCAB_SHIFT, 0)
    score = jnp.exp(mw - m) / denom
    return cls, score


def _bbox_decode(seq_ref, orig_ref, size_ref, k):
    sq = seq_ref[k]
    q = (sq - _COORD_VOCAB_SHIFT).astype(jnp.float32) / (_QUANT_BINS - 1)
    q = jnp.clip(q, 0.0, 1.0)
    sc = (_MAX_INPUT_SIZE / size_ref[k]) * orig_ref[k]
    bbox = jnp.concatenate(
        [q[:, 1:2], q[:, 0:1], q[:, 3:4], q[:, 2:3]], axis=1)
    scl4 = jnp.concatenate(
        [sc[:, 0:1], sc[:, 1:2], sc[:, 0:1], sc[:, 1:2]], axis=1)
    return bbox * scl4


def _tc_full_body(*refs):
    logits_a, logits_b, seq_ref, orig_ref, size_ref = refs[:5]
    cls_ref, bbox_ref, score_ref = refs[5:]
    for k, lref in enumerate((logits_a, logits_b)):
        x_all = lref[0]
        s, v = x_all.shape
        n = s // 5
        x = jnp.concatenate(
            [x_all[5 * i + 4:5 * i + 5] for i in range(n)])
        col = lax.broadcasted_iota(jnp.int32, (1, v), 1)
        cls, score = _core_decode(x, col)
        cls_ref[k] = cls
        score_ref[k] = score
        bbox_ref[k] = _bbox_decode(seq_ref, orig_ref, size_ref, k)


def _tc_compact_body(x_ref, seq_ref, orig_ref, size_ref,
                     cls_ref, bbox_ref, score_ref):
    x_np = x_ref[...]
    rows, v = x_np.shape
    x = jnp.concatenate([x_np[:_HALF], x_np[_HP:_HP + _HALF]])
    col = lax.broadcasted_iota(jnp.int32, (1, v), 1)
    cls, score = _core_decode(x, col)
    cls_ref[0] = cls
    score_ref[0] = score
    bbox_ref[0] = _bbox_decode(seq_ref, orig_ref, size_ref, 0)


def kernel(pred_seq_logits, pred_seq, orig_size, size, image_id):
    b, s, v = pred_seq_logits.shape
    n = s // 5
    seq3 = pred_seq.reshape(b, n, 5)
    orig_f = orig_size.astype(jnp.float32).reshape(b, 1, 2)
    size_f = size.astype(jnp.float32).reshape(b, 1, 2)

    compact = _sc_gather_rows_fn()(pred_seq_logits)

    def logits_spec(k):
        return pl.BlockSpec((1, s, v), lambda i, k=k: (2 * i + k, 0, 0))

    cls1, bbox1, score1 = pl.pallas_call(
        _tc_full_body,
        grid=(_BT // 2,),
        in_specs=[logits_spec(0), logits_spec(1)] + [
            pl.BlockSpec((2, n, 5), lambda i: (i, 0, 0)),
            pl.BlockSpec((2, 1, 2), lambda i: (i, 0, 0)),
            pl.BlockSpec((2, 1, 2), lambda i: (i, 0, 0)),
        ],
        out_specs=[
            pl.BlockSpec((2, n, 1), lambda i: (i, 0, 0)),
            pl.BlockSpec((2, n, 4), lambda i: (i, 0, 0)),
            pl.BlockSpec((2, n, 1), lambda i: (i, 0, 0)),
        ],
        out_shape=[
            jax.ShapeDtypeStruct((_BT, n, 1), jnp.int32),
            jax.ShapeDtypeStruct((_BT, n, 4), jnp.float32),
            jax.ShapeDtypeStruct((_BT, n, 1), jnp.float32),
        ],
        compiler_params=pltpu.CompilerParams(
            dimension_semantics=("arbitrary",)),
    )(pred_seq_logits, pred_seq_logits, seq3, orig_f, size_f)

    cls2, bbox2, score2 = pl.pallas_call(
        _tc_compact_body,
        grid=(_BS,),
        in_specs=[
            pl.BlockSpec((_NP, v), lambda i: (i, 0)),
            pl.BlockSpec((1, n, 5), lambda i: (i + _BT, 0, 0)),
            pl.BlockSpec((1, 1, 2), lambda i: (i + _BT, 0, 0)),
            pl.BlockSpec((1, 1, 2), lambda i: (i + _BT, 0, 0)),
        ],
        out_specs=[
            pl.BlockSpec((1, n, 1), lambda i: (i, 0, 0)),
            pl.BlockSpec((1, n, 4), lambda i: (i, 0, 0)),
            pl.BlockSpec((1, n, 1), lambda i: (i, 0, 0)),
        ],
        out_shape=[
            jax.ShapeDtypeStruct((_BS, n, 1), jnp.int32),
            jax.ShapeDtypeStruct((_BS, n, 4), jnp.float32),
            jax.ShapeDtypeStruct((_BS, n, 1), jnp.float32),
        ],
        compiler_params=pltpu.CompilerParams(
            dimension_semantics=("arbitrary",)),
    )(compact, seq3, orig_f, size_f)

    cls = jnp.concatenate([cls1[..., 0], cls2[..., 0]])
    bbox = jnp.concatenate([bbox1, bbox2])
    score = jnp.concatenate([score1[..., 0], score2[..., 0]])
    return cls, bbox, score

# --- scband reference (transcript-rebuilt; emitter-appended) ---
"""Pipeline reference for scband-post-process-18983755448553 (READ-ONLY COPY).

The authoritative reference and input builder live on the scoring server;
editing this copy changes nothing except your own understanding.
"""

import jax, jax.numpy as jnp
import numpy as np

BASE_VOCAB_SHIFT = 100
QUANT_BINS = 1000
COORD_VOCAB_SHIFT = 1000
MAX_INPUT_SIZE = 1024


def seq_to_bbox(seq, quantization_bins):
    # seq_format='xyxy_name' (default): coords at positions 0..3 of each 5-token group
    ymin = seq[:, 0::5, None]
    xmin = seq[:, 1::5, None]
    ymax = seq[:, 2::5, None]
    xmax = seq[:, 3::5, None]
    quantized_box = jnp.concatenate([xmin, ymin, xmax, ymax], -1).astype(jnp.float32)
    quantized_box = quantized_box / (quantization_bins - 1)
    return jnp.clip(quantized_box, 0.0, 1.0)


def setup_inputs(seed: int = 0):
    key = jax.random.key(seed)
    k1, k2, k3 = jax.random.split(key, 3)
    B, S, V = 32, 500, 3000
    pred_seq_logits = jax.random.normal(k1, (B, S, V), dtype=jnp.float32)
    pred_seq = jax.random.randint(k2, (B, S), 0, 2000, dtype=jnp.int32)
    orig_size = jax.random.randint(k3, (B, 2), 1, 1024, dtype=jnp.int32)
    size = jnp.ones((B, 2), dtype=jnp.int32)  # unpadded image size; ones avoid div-by-zero
    image_id = jnp.arange(B, dtype=jnp.int32)
    return {"pred_seq_logits": pred_seq_logits, "pred_seq": pred_seq, "orig_size": orig_size, "size": size, "image_id": image_id}


def reference(pred_seq_logits, pred_seq, orig_size, size, image_id):
    B, S, V = pred_seq_logits.shape
    # S % 5 == 0 for these shapes, so no truncation branch
    pred_class_p = jax.nn.softmax(pred_seq_logits, axis=-1)[:, 4::5]  # (B, N, V)
    mask = jnp.concatenate([
        jnp.zeros((BASE_VOCAB_SHIFT,), jnp.float32),
        jnp.ones((COORD_VOCAB_SHIFT - BASE_VOCAB_SHIFT,), jnp.float32),
        jnp.zeros((V - COORD_VOCAB_SHIFT,), jnp.float32),
    ])
    pred_class_idx = jnp.argmax(pred_class_p * mask, axis=-1, keepdims=True)  # (B, N, 1)
    pred_score = jnp.take_along_axis(pred_class_p, pred_class_idx, axis=-1)[..., 0]  # (B, N)
    pred_class = jnp.maximum(pred_class_idx[..., 0] - BASE_VOCAB_SHIFT, 0)  # (B, N)
    pred_bbox = seq_to_bbox(pred_seq - COORD_VOCAB_SHIFT, QUANT_BINS)  # (B, N, 4)
    # eval-mode scale computation
    image_size = jnp.array([MAX_INPUT_SIZE, MAX_INPUT_SIZE], dtype=jnp.float32)
    scale = image_size / size.astype(jnp.float32)  # (B, 2)
    scale = scale * orig_size.astype(jnp.float32)
    scale = scale[:, None]  # (B, 1, 2)
    # scale_points for dim==3: reshape (B, N, 2, 2) * scale.unsqueeze(-2)
    N = pred_bbox.shape[1]
    pred_bbox_rescaled = (pred_bbox.reshape(B, N, 2, 2) * scale[:, :, None, :]).reshape(B, N, 4)
    return (pred_class, pred_bbox_rescaled, pred_score)

if __name__ == "__main__":
    import jax
    _d = setup_inputs()
    print(jax.jit(kernel)(*tuple(_d.values())))

</pallas_src>

<mosaic_0001>
#map = affine_map<(d0, d1) -> (0, 0, 0)>
#map1 = affine_map<(d0, d1) -> (0, 0)>
module attributes {stable_mosaic.version = 14 : i64} {
  func.func @_sc_gather_rows(%arg0: i32, %arg1: i32, %arg2: memref<32x500x3000xf32, #tpu.memory_space<hbm>>, %arg3: memref<1792x3000xf32, #tpu.memory_space<hbm>>, %arg4: memref<8x3000xf32, #tpu.memory_space<vmem>>, %arg5: memref<8x3000xf32, #tpu.memory_space<vmem>>, %arg6: memref<!tpu.dma_semaphore, #tpu.memory_space<semaphore_mem>>, %arg7: memref<!tpu.dma_semaphore, #tpu.memory_space<semaphore_mem>>, %arg8: memref<!tpu.dma_semaphore, #tpu.memory_space<semaphore_mem>>, %arg9: memref<!tpu.dma_semaphore, #tpu.memory_space<semaphore_mem>>) attributes {dimension_semantics = [#tpu.dimension_semantics<core_parallel>, #tpu.dimension_semantics<subcore_parallel>], iteration_bounds = array<i64: 2, 16>, scalar_prefetch = 0 : i64, scratch_operands = 6 : i64, tpu.core_type = #tpu.core_type<sc_vector_subcore>, window_params = [{transform_indices = #map}, {transform_indices = #map1}]} {
    %mul3A = arith.constant 2 : i32
    %mul3A_0 = arith.muli %arg1, %mul3A : i32
    %add3A = arith.addi %mul3A_0, %arg0 : i32
    %jit3A = arith.constant 2 : i32
    %div3A = arith.divsi %add3A, %jit3A : i32
    %sign3A = arith.constant 0 : i32
    %sign3A_1 = arith.cmpi sgt, %add3A, %sign3A : i32
    %sign3A_2 = arith.extui %sign3A_1 : i1 to i32
    %sign3A_3 = arith.constant 0 : i32
    %sign3A_4 = arith.cmpi slt, %add3A, %sign3A_3 : i32
    %sign3A_5 = arith.extui %sign3A_4 : i1 to i32
    %sign3A_6 = arith.subi %sign3A_2, %sign3A_5 : i32
    %sign3A_7 = arith.constant 0 : i32
    %sign3A_8 = arith.cmpi sgt, %jit3A, %sign3A_7 : i32
    %sign3A_9 = arith.extui %sign3A_8 : i1 to i32
    %sign3A_10 = arith.constant 0 : i32
    %sign3A_11 = arith.cmpi slt, %jit3A, %sign3A_10 : i32
    %sign3A_12 = arith.extui %sign3A_11 : i1 to i32
    %sign3A_13 = arith.subi %sign3A_9, %sign3A_12 : i32
    %ne3A = arith.cmpi ne, %sign3A_6, %sign3A_13 : i32
    %rem3A = arith.remsi %add3A, %jit3A : i32
    %ne3A_14 = arith.constant 0 : i32
    %ne3A_15 = arith.cmpi ne, %rem3A, %ne3A_14 : i32
    %and3A = arith.andi %ne3A, %ne3A_15 : i1
    %sub3A = arith.constant 1 : i32
    %sub3A_16 = arith.subi %div3A, %sub3A : i32
    %select_n3A = arith.select %and3A, %sub3A_16, %div3A : i32
    %jit3A_17 = arith.constant 2 : i32
    %eq3A = arith.constant 0 : i32
    %eq3A_18 = arith.cmpi eq, %jit3A_17, %eq3A : i32
    %jit3A_19 = arith.constant 1 : i32
    %select_n3A_20 = arith.select %eq3A_18, %jit3A_19, %jit3A_17 : i32
    %rem3A_21 = arith.remsi %add3A, %select_n3A_20 : i32
    %ne3A_22 = arith.constant 0 : i32
    %ne3A_23 = arith.cmpi ne, %rem3A_21, %ne3A_22 : i32
    %lt3A = arith.constant 0 : i32
    %lt3A_24 = arith.cmpi slt, %rem3A_21, %lt3A : i32
    %lt3A_25 = arith.constant 0 : i32
    %lt3A_26 = arith.cmpi slt, %select_n3A_20, %lt3A_25 : i32
    %ne3A_27 = arith.xori %lt3A_24, %lt3A_26 : i1
    %and3A_28 = arith.andi %ne3A_27, %ne3A_23 : i1
    %add3A_29 = arith.addi %rem3A_21, %select_n3A_20 : i32
    %select_n3A_30 = arith.select %and3A_28, %add3A_29, %rem3A_21 : i32
    %add3A_31 = arith.constant 16 : i32
    %add3A_32 = arith.addi %select_n3A, %add3A_31 : i32
    %mul3A_33 = arith.constant 112 : i32
    %mul3A_34 = arith.muli %select_n3A, %mul3A_33 : i32
    %mul3A_35 = arith.constant 56 : i32
    %mul3A_36 = arith.muli %select_n3A_30, %mul3A_35 : i32
    %add3A_37 = arith.addi %mul3A_34, %mul3A_36 : i32
    %mul3A_38 = arith.constant 50 : i32
    %mul3A_39 = arith.muli %select_n3A_30, %mul3A_38 : i32
    %add3A_40 = arith.constant 0 : i32
    %add3A_41 = arith.addi %mul3A_39, %add3A_40 : i32
    %add3A_42 = arith.constant 0 : i32
    %add3A_43 = arith.addi %add3A_41, %add3A_42 : i32
    %mul3A_44 = arith.constant 5 : i32
    %mul3A_45 = arith.muli %mul3A_44, %add3A_43 : i32
    %add3A_46 = arith.constant 4 : i32
    %add3A_47 = arith.addi %mul3A_45, %add3A_46 : i32
    %dma_start3A = arith.constant 0 : i32
    %dma_start3A_48 = arith.constant 0 : i32
    %dma_start3A_49 = tpu.memref_slice %arg4[%dma_start3A, %dma_start3A_48] : memref<8x3000xf32, #tpu.memory_space<vmem>> -> memref<1x3000xf32, #tpu.memory_space<vmem>>
    %dma_start3A_50 = tpu.memref_squeeze %dma_start3A_49 : memref<1x3000xf32, #tpu.memory_space<vmem>> -> memref<3000xf32, #tpu.memory_space<vmem>>
    %dma_start3A_51 = arith.constant 0 : i32
    %dma_start3A_52 = tpu.memref_slice %arg2[%add3A_32, %add3A_47, %dma_start3A_51] : memref<32x500x3000xf32, #tpu.memory_space<hbm>> -> memref<1x1x3000xf32, #tpu.memory_space<hbm>>
    %dma_start3A_53 = tpu.memref_squeeze %dma_start3A_52 : memref<1x1x3000xf32, #tpu.memory_space<hbm>> -> memref<3000xf32, #tpu.memory_space<hbm>>
    %dma_start3A_54 = arith.constant 0 : i32
    %dma_start3A_55 = tpu.memref_slice %arg4[%dma_start3A, %dma_start3A_54] : memref<8x3000xf32, #tpu.memory_space<vmem>> -> memref<1x3000xf32, #tpu.memory_space<vmem>>
    %dma_start3A_56 = tpu.memref_squeeze %dma_start3A_55 : memref<1x3000xf32, #tpu.memory_space<vmem>> -> memref<3000xf32, #tpu.memory_space<vmem>>
    %dma_start3A_57 = arith.constant 0 : i32
    %dma_start3A_58 = tpu.memref_slice %arg2[%add3A_32, %add3A_47, %dma_start3A_57] : memref<32x500x3000xf32, #tpu.memory_space<hbm>> -> memref<1x1x3000xf32, #tpu.memory_space<hbm>>
    %dma_start3A_59 = tpu.memref_squeeze %dma_start3A_58 : memref<1x1x3000xf32, #tpu.memory_space<hbm>> -> memref<3000xf32, #tpu.memory_space<hbm>>
    tpu.enqueue_dma source(%dma_start3A_59 : memref<3000xf32, #tpu.memory_space<hbm>>) target(%dma_start3A_56 : memref<3000xf32, #tpu.memory_space<vmem>>) target_semaphore(%arg6 : memref<!tpu.dma_semaphore, #tpu.memory_space<semaphore_mem>>)
    %add3A_60 = arith.constant 0 : i32
    %add3A_61 = arith.addi %mul3A_39, %add3A_60 : i32
    %add3A_62 = arith.constant 1 : i32
    %add3A_63 = arith.addi %add3A_61, %add3A_62 : i32
    %mul3A_64 = arith.constant 5 : i32
    %mul3A_65 = arith.muli %mul3A_64, %add3A_63 : i32
    %add3A_66 = arith.constant 4 : i32
    %add3A_67 = arith.addi %mul3A_65, %add3A_66 : i32
    %dma_start3A_68 = arith.constant 1 : i32
    %dma_start3A_69 = arith.constant 0 : i32
    %dma_start3A_70 = tpu.memref_slice %arg4[%dma_start3A_68, %dma_start3A_69] : memref<8x3000xf32, #tpu.memory_space<vmem>> -> memref<1x3000xf32, #tpu.memory_space<vmem>>
    %dma_start3A_71 = tpu.memref_squeeze %dma_start3A_70 : memref<1x3000xf32, #tpu.memory_space<vmem>> -> memref<3000xf32, #tpu.memory_space<vmem>>
    %dma_start3A_72 = arith.constant 0 : i32
    %dma_start3A_73 = tpu.memref_slice %arg2[%add3A_32, %add3A_67, %dma_start3A_72] : memref<32x500x3000xf32, #tpu.memory_space<hbm>> -> memref<1x1x3000xf32, #tpu.memory_space<hbm>>
    %dma_start3A_74 = tpu.memref_squeeze %dma_start3A_73 : memref<1x1x3000xf32, #tpu.memory_space<hbm>> -> memref<3000xf32, #tpu.memory_space<hbm>>
    %dma_start3A_75 = arith.constant 0 : i32
    %dma_start3A_76 = tpu.memref_slice %arg4[%dma_start3A_68, %dma_start3A_75] : memref<8x3000xf32, #tpu.memory_space<vmem>> -> memref<1x3000xf32, #tpu.memory_space<vmem>>
    %dma_start3A_77 = tpu.memref_squeeze %dma_start3A_76 : memref<1x3000xf32, #tpu.memory_space<vmem>> -> memref<3000xf32, #tpu.memory_space<vmem>>
    %dma_start3A_78 = arith.constant 0 : i32
    %dma_start3A_79 = tpu.memref_slice %arg2[%add3A_32, %add3A_67, %dma_start3A_78] : memref<32x500x3000xf32, #tpu.memory_space<hbm>> -> memref<1x1x3000xf32, #tpu.memory_space<hbm>>
    %dma_start3A_80 = tpu.memref_squeeze %dma_start3A_79 : memref<1x1x3000xf32, #tpu.memory_space<hbm>> -> memref<3000xf32, #tpu.memory_space<hbm>>
    tpu.enqueue_dma source(%dma_start3A_80 : memref<3000xf32, #tpu.memory_space<hbm>>) target(%dma_start3A_77 : memref<3000xf32, #tpu.memory_space<vmem>>) target_semaphore(%arg6 : memref<!tpu.dma_semaphore, #tpu.memory_space<semaphore_mem>>)
    %add3A_81 = arith.constant 0 : i32
    %add3A_82 = arith.addi %mul3A_39, %add3A_81 : i32
    %add3A_83 = arith.constant 2 : i32
    %add3A_84 = arith.addi %add3A_82, %add3A_83 : i32
    %mul3A_85 = arith.constant 5 : i32
    %mul3A_86 = arith.muli %mul3A_85, %add3A_84 : i32
    %add3A_87 = arith.constant 4 : i32
    %add3A_88 = arith.addi %mul3A_86, %add3A_87 : i32
    %dma_start3A_89 = arith.constant 2 : i32
    %dma_start3A_90 = arith.constant 0 : i32
    %dma_start3A_91 = tpu.memref_slice %arg4[%dma_start3A_89, %dma_start3A_90] : memref<8x3000xf32, #tpu.memory_space<vmem>> -> memref<1x3000xf32, #tpu.memory_space<vmem>>
    %dma_start3A_92 = tpu.memref_squeeze %dma_start3A_91 : memref<1x3000xf32, #tpu.memory_space<vmem>> -> memref<3000xf32, #tpu.memory_space<vmem>>
    %dma_start3A_93 = arith.constant 0 : i32
    %dma_start3A_94 = tpu.memref_slice %arg2[%add3A_32, %add3A_88, %dma_start3A_93] : memref<32x500x3000xf32, #tpu.memory_space<hbm>> -> memref<1x1x3000xf32, #tpu.memory_space<hbm>>
    %dma_start3A_95 = tpu.memref_squeeze %dma_start3A_94 : memref<1x1x3000xf32, #tpu.memory_space<hbm>> -> memref<3000xf32, #tpu.memory_space<hbm>>
    %dma_start3A_96 = arith.constant 0 : i32
    %dma_start3A_97 = tpu.memref_slice %arg4[%dma_start3A_89, %dma_start3A_96] : memref<8x3000xf32, #tpu.memory_space<vmem>> -> memref<1x3000xf32, #tpu.memory_space<vmem>>
    %dma_start3A_98 = tpu.memref_squeeze %dma_start3A_97 : memref<1x3000xf32, #tpu.memory_space<vmem>> -> memref<3000xf32, #tpu.memory_space<vmem>>
    %dma_start3A_99 = arith.constant 0 : i32
    %dma_start3A_100 = tpu.memref_slice %arg2[%add3A_32, %add3A_88, %dma_start3A_99] : memref<32x500x3000xf32, #tpu.memory_space<hbm>> -> memref<1x1x3000xf32, #tpu.memory_space<hbm>>
    %dma_start3A_101 = tpu.memref_squeeze %dma_start3A_100 : memref<1x1x3000xf32, #tpu.memory_space<hbm>> -> memref<3000xf32, #tpu.memory_space<hbm>>
    tpu.enqueue_dma source(%dma_start3A_101 : memref<3000xf32, #tpu.memory_space<hbm>>) target(%dma_start3A_98 : memref<3000xf32, #tpu.memory_space<vmem>>) target_semaphore(%arg6 : memref<!tpu.dma_semaphore, #tpu.memory_space<semaphore_mem>>)
    %add3A_102 = arith.constant 0 : i32
    %add3A_103 = arith.addi %mul3A_39, %add3A_102 : i32
    %add3A_104 = arith.constant 3 : i32
    %add3A_105 = arith.addi %add3A_103, %add3A_104 : i32
    %mul3A_106 = arith.constant 5 : i32
    %mul3A_107 = arith.muli %mul3A_106, %add3A_105 : i32
    %add3A_108 = arith.constant 4 : i32
    %add3A_109 = arith.addi %mul3A_107, %add3A_108 : i32
    %dma_start3A_110 = arith.constant 3 : i32
    %dma_start3A_111 = arith.constant 0 : i32
    %dma_start3A_112 = tpu.memref_slice %arg4[%dma_start3A_110, %dma_start3A_111] : memref<8x3000xf32, #tpu.memory_space<vmem>> -> memref<1x3000xf32, #tpu.memory_space<vmem>>
    %dma_start3A_113 = tpu.memref_squeeze %dma_start3A_112 : memref<1x3000xf32, #tpu.memory_space<vmem>> -> memref<3000xf32, #tpu.memory_space<vmem>>
    %dma_start3A_114 = arith.constant 0 : i32
    %dma_start3A_115 = tpu.memref_slice %arg2[%add3A_32, %add3A_109, %dma_start3A_114] : memref<32x500x3000xf32, #tpu.memory_space<hbm>> -> memref<1x1x3000xf32, #tpu.memory_space<hbm>>
    %dma_start3A_116 = tpu.memref_squeeze %dma_start3A_115 : memref<1x1x3000xf32, #tpu.memory_space<hbm>> -> memref<3000xf32, #tpu.memory_space<hbm>>
    %dma_start3A_117 = arith.constant 0 : i32
    %dma_start3A_118 = tpu.memref_slice %arg4[%dma_start3A_110, %dma_start3A_117] : memref<8x3000xf32, #tpu.memory_space<vmem>> -> memref<1x3000xf32, #tpu.memory_space<vmem>>
    %dma_start3A_119 = tpu.memref_squeeze %dma_start3A_118 : memref<1x3000xf32, #tpu.memory_space<vmem>> -> memref<3000xf32, #tpu.memory_space<vmem>>
    %dma_start3A_120 = arith.constant 0 : i32
    %dma_start3A_121 = tpu.memref_slice %arg2[%add3A_32, %add3A_109, %dma_start3A_120] : memref<32x500x3000xf32, #tpu.memory_space<hbm>> -> memref<1x1x3000xf32, #tpu.memory_space<hbm>>
    %dma_start3A_122 = tpu.memref_squeeze %dma_start3A_121 : memref<1x1x3000xf32, #tpu.memory_space<hbm>> -> memref<3000xf32, #tpu.memory_space<hbm>>
    tpu.enqueue_dma source(%dma_start3A_122 : memref<3000xf32, #tpu.memory_space<hbm>>) target(%dma_start3A_119 : memref<3000xf32, #tpu.memory_space<vmem>>) target_semaphore(%arg6 : memref<!tpu.dma_semaphore, #tpu.memory_space<semaphore_mem>>)
    %add3A_123 = arith.constant 0 : i32
    %add3A_124 = arith.addi %mul3A_39, %add3A_123 : i32
    %add3A_125 = arith.constant 4 : i32
    %add3A_126 = arith.addi %add3A_124, %add3A_125 : i32
    %mul3A_127 = arith.constant 5 : i32
    %mul3A_128 = arith.muli %mul3A_127, %add3A_126 : i32
    %add3A_129 = arith.constant 4 : i32
    %add3A_130 = arith.addi %mul3A_128, %add3A_129 : i32
    %dma_start3A_131 = arith.constant 4 : i32
    %dma_start3A_132 = arith.constant 0 : i32
    %dma_start3A_133 = tpu.memref_slice %arg4[%dma_start3A_131, %dma_start3A_132] : memref<8x3000xf32, #tpu.memory_space<vmem>> -> memref<1x3000xf32, #tpu.memory_space<vmem>>
    %dma_start3A_134 = tpu.memref_squeeze %dma_start3A_133 : memref<1x3000xf32, #tpu.memory_space<vmem>> -> memref<3000xf32, #tpu.memory_space<vmem>>
    %dma_start3A_135 = arith.constant 0 : i32
    %dma_start3A_136 = tpu.memref_slice %arg2[%add3A_32, %add3A_130, %dma_start3A_135] : memref<32x500x3000xf32, #tpu.memory_space<hbm>> -> memref<1x1x3000xf32, #tpu.memory_space<hbm>>
    %dma_start3A_137 = tpu.memref_squeeze %dma_start3A_136 : memref<1x1x3000xf32, #tpu.memory_space<hbm>> -> memref<3000xf32, #tpu.memory_space<hbm>>
    %dma_start3A_138 = arith.constant 0 : i32
    %dma_start3A_139 = tpu.memref_slice %arg4[%dma_start3A_131, %dma_start3A_138] : memref<8x3000xf32, #tpu.memory_space<vmem>> -> memref<1x3000xf32, #tpu.memory_space<vmem>>
    %dma_start3A_140 = tpu.memref_squeeze %dma_start3A_139 : memref<1x3000xf32, #tpu.memory_space<vmem>> -> memref<3000xf32, #tpu.memory_space<vmem>>
    %dma_start3A_141 = arith.constant 0 : i32
    %dma_start3A_142 = tpu.memref_slice %arg2[%add3A_32, %add3A_130, %dma_start3A_141] : memref<32x500x3000xf32, #tpu.memory_space<hbm>> -> memref<1x1x3000xf32, #tpu.memory_space<hbm>>
    %dma_start3A_143 = tpu.memref_squeeze %dma_start3A_142 : memref<1x1x3000xf32, #tpu.memory_space<hbm>> -> memref<3000xf32, #tpu.memory_space<hbm>>
    tpu.enqueue_dma source(%dma_start3A_143 : memref<3000xf32, #tpu.memory_space<hbm>>) target(%dma_start3A_140 : memref<3000xf32, #tpu.memory_space<vmem>>) target_semaphore(%arg6 : memref<!tpu.dma_semaphore, #tpu.memory_space<semaphore_mem>>)
    %add3A_144 = arith.constant 0 : i32
    %add3A_145 = arith.addi %mul3A_39, %add3A_144 : i32
    %add3A_146 = arith.constant 5 : i32
    %add3A_147 = arith.addi %add3A_145, %add3A_146 : i32
    %mul3A_148 = arith.constant 5 : i32
    %mul3A_149 = arith.muli %mul3A_148, %add3A_147 : i32
    %add3A_150 = arith.constant 4 : i32
    %add3A_151 = arith.addi %mul3A_149, %add3A_150 : i32
    %dma_start3A_152 = arith.constant 5 : i32
    %dma_start3A_153 = arith.constant 0 : i32
    %dma_start3A_154 = tpu.memref_slice %arg4[%dma_start3A_152, %dma_start3A_153] : memref<8x3000xf32, #tpu.memory_space<vmem>> -> memref<1x3000xf32, #tpu.memory_space<vmem>>
    %dma_start3A_155 = tpu.memref_squeeze %dma_start3A_154 : memref<1x3000xf32, #tpu.memory_space<vmem>> -> memref<3000xf32, #tpu.memory_space<vmem>>
    %dma_start3A_156 = arith.constant 0 : i32
    %dma_start3A_157 = tpu.memref_slice %arg2[%add3A_32, %add3A_151, %dma_start3A_156] : memref<32x500x3000xf32, #tpu.memory_space<hbm>> -> memref<1x1x3000xf32, #tpu.memory_space<hbm>>
    %dma_start3A_158 = tpu.memref_squeeze %dma_start3A_157 : memref<1x1x3000xf32, #tpu.memory_space<hbm>> -> memref<3000xf32, #tpu.memory_space<hbm>>
    %dma_start3A_159 = arith.constant 0 : i32
    %dma_start3A_160 = tpu.memref_slice %arg4[%dma_start3A_152, %dma_start3A_159] : memref<8x3000xf32, #tpu.memory_space<vmem>> -> memref<1x3000xf32, #tpu.memory_space<vmem>>
    %dma_start3A_161 = tpu.memref_squeeze %dma_start3A_160 : memref<1x3000xf32, #tpu.memory_space<vmem>> -> memref<3000xf32, #tpu.memory_space<vmem>>
    %dma_start3A_162 = arith.constant 0 : i32
    %dma_start3A_163 = tpu.memref_slice %arg2[%add3A_32, %add3A_151, %dma_start3A_162] : memref<32x500x3000xf32, #tpu.memory_space<hbm>> -> memref<1x1x3000xf32, #tpu.memory_space<hbm>>
    %dma_start3A_164 = tpu.memref_squeeze %dma_start3A_163 : memref<1x1x3000xf32, #tpu.memory_space<hbm>> -> memref<3000xf32, #tpu.memory_space<hbm>>
    tpu.enqueue_dma source(%dma_start3A_164 : memref<3000xf32, #tpu.memory_space<hbm>>) target(%dma_start3A_161 : memref<3000xf32, #tpu.memory_space<vmem>>) target_semaphore(%arg6 : memref<!tpu.dma_semaphore, #tpu.memory_space<semaphore_mem>>)
    %add3A_165 = arith.constant 0 : i32
    %add3A_166 = arith.addi %mul3A_39, %add3A_165 : i32
    %add3A_167 = arith.constant 6 : i32
    %add3A_168 = arith.addi %add3A_166, %add3A_167 : i32
    %mul3A_169 = arith.constant 5 : i32
    %mul3A_170 = arith.muli %mul3A_169, %add3A_168 : i32
    %add3A_171 = arith.constant 4 : i32
    %add3A_172 = arith.addi %mul3A_170, %add3A_171 : i32
    %dma_start3A_173 = arith.constant 6 : i32
    %dma_start3A_174 = arith.constant 0 : i32
    %dma_start3A_175 = tpu.memref_slice %arg4[%dma_start3A_173, %dma_start3A_174] : memref<8x3000xf32, #tpu.memory_space<vmem>> -> memref<1x3000xf32, #tpu.memory_space<vmem>>
    %dma_start3A_176 = tpu.memref_squeeze %dma_start3A_175 : memref<1x3000xf32, #tpu.memory_space<vmem>> -> memref<3000xf32, #tpu.memory_space<vmem>>
    %dma_start3A_177 = arith.constant 0 : i32
    %dma_start3A_178 = tpu.memref_slice %arg2[%add3A_32, %add3A_172, %dma_start3A_177] : memref<32x500x3000xf32, #tpu.memory_space<hbm>> -> memref<1x1x3000xf32, #tpu.memory_space<hbm>>
    %dma_start3A_179 = tpu.memref_squeeze %dma_start3A_178 : memref<1x1x3000xf32, #tpu.memory_space<hbm>> -> memref<3000xf32, #tpu.memory_space<hbm>>
    %dma_start3A_180 = arith.constant 0 : i32
    %dma_start3A_181 = tpu.memref_slice %arg4[%dma_start3A_173, %dma_start3A_180] : memref<8x3000xf32, #tpu.memory_space<vmem>> -> memref<1x3000xf32, #tpu.memory_space<vmem>>
    %dma_start3A_182 = tpu.memref_squeeze %dma_start3A_181 : memref<1x3000xf32, #tpu.memory_space<vmem>> -> memref<3000xf32, #tpu.memory_space<vmem>>
    %dma_start3A_183 = arith.constant 0 : i32
    %dma_start3A_184 = tpu.memref_slice %arg2[%add3A_32, %add3A_172, %dma_start3A_183] : memref<32x500x3000xf32, #tpu.memory_space<hbm>> -> memref<1x1x3000xf32, #tpu.memory_space<hbm>>
    %dma_start3A_185 = tpu.memref_squeeze %dma_start3A_184 : memref<1x1x3000xf32, #tpu.memory_space<hbm>> -> memref<3000xf32, #tpu.memory_space<hbm>>
    tpu.enqueue_dma source(%dma_start3A_185 : memref<3000xf32, #tpu.memory_space<hbm>>) target(%dma_start3A_182 : memref<3000xf32, #tpu.memory_space<vmem>>) target_semaphore(%arg6 : memref<!tpu.dma_semaphore, #tpu.memory_space<semaphore_mem>>)
    %add3A_186 = arith.constant 0 : i32
    %add3A_187 = arith.addi %mul3A_39, %add3A_186 : i32
    %add3A_188 = arith.constant 7 : i32
    %add3A_189 = arith.addi %add3A_187, %add3A_188 : i32
    %mul3A_190 = arith.constant 5 : i32
    %mul3A_191 = arith.muli %mul3A_190, %add3A_189 : i32
    %add3A_192 = arith.constant 4 : i32
    %add3A_193 = arith.addi %mul3A_191, %add3A_192 : i32
    %dma_start3A_194 = arith.constant 7 : i32
    %dma_start3A_195 = arith.constant 0 : i32
    %dma_start3A_196 = tpu.memref_slice %arg4[%dma_start3A_194, %dma_start3A_195] : memref<8x3000xf32, #tpu.memory_space<vmem>> -> memref<1x3000xf32, #tpu.memory_space<vmem>>
    %dma_start3A_197 = tpu.memref_squeeze %dma_start3A_196 : memref<1x3000xf32, #tpu.memory_space<vmem>> -> memref<3000xf32, #tpu.memory_space<vmem>>
    %dma_start3A_198 = arith.constant 0 : i32
    %dma_start3A_199 = tpu.memref_slice %arg2[%add3A_32, %add3A_193, %dma_start3A_198] : memref<32x500x3000xf32, #tpu.memory_space<hbm>> -> memref<1x1x3000xf32, #tpu.memory_space<hbm>>
    %dma_start3A_200 = tpu.memref_squeeze %dma_start3A_199 : memref<1x1x3000xf32, #tpu.memory_space<hbm>> -> memref<3000xf32, #tpu.memory_space<hbm>>
    %dma_start3A_201 = arith.constant 0 : i32
    %dma_start3A_202 = tpu.memref_slice %arg4[%dma_start3A_194, %dma_start3A_201] : memref<8x3000xf32, #tpu.memory_space<vmem>> -> memref<1x3000xf32, #tpu.memory_space<vmem>>
    %dma_start3A_203 = tpu.memref_squeeze %dma_start3A_202 : memref<1x3000xf32, #tpu.memory_space<vmem>> -> memref<3000xf32, #tpu.memory_space<vmem>>
    %dma_start3A_204 = arith.constant 0 : i32
    %dma_start3A_205 = tpu.memref_slice %arg2[%add3A_32, %add3A_193, %dma_start3A_204] : memref<32x500x3000xf32, #tpu.memory_space<hbm>> -> memref<1x1x3000xf32, #tpu.memory_space<hbm>>
    %dma_start3A_206 = tpu.memref_squeeze %dma_start3A_205 : memref<1x1x3000xf32, #tpu.memory_space<hbm>> -> memref<3000xf32, #tpu.memory_space<hbm>>
    tpu.enqueue_dma source(%dma_start3A_206 : memref<3000xf32, #tpu.memory_space<hbm>>) target(%dma_start3A_203 : memref<3000xf32, #tpu.memory_space<vmem>>) target_semaphore(%arg6 : memref<!tpu.dma_semaphore, #tpu.memory_space<semaphore_mem>>)
    %dma_wait3A = arith.constant 0 : i32
    %dma_wait3A_207 = arith.constant 0 : i32
    %dma_wait3A_208 = tpu.memref_slice %arg4[%dma_wait3A, %dma_wait3A_207] : memref<8x3000xf32, #tpu.memory_space<vmem>> -> memref<1x3000xf32, #tpu.memory_space<vmem>>
    %dma_wait3A_209 = tpu.memref_squeeze %dma_wait3A_208 : memref<1x3000xf32, #tpu.memory_space<vmem>> -> memref<3000xf32, #tpu.memory_space<vmem>>
    %dma_wait3A_210 = arith.constant 0 : i32
    %dma_wait3A_211 = tpu.memref_slice %arg2[%add3A_32, %add3A_47, %dma_wait3A_210] : memref<32x500x3000xf32, #tpu.memory_space<hbm>> -> memref<1x1x3000xf32, #tpu.memory_space<hbm>>
    %dma_wait3A_212 = tpu.memref_squeeze %dma_wait3A_211 : memref<1x1x3000xf32, #tpu.memory_space<hbm>> -> memref<3000xf32, #tpu.memory_space<hbm>>
    %dma_wait3A_213 = arith.constant 0 : i32
    %dma_wait3A_214 = tpu.memref_slice %arg4[%dma_wait3A, %dma_wait3A_213] : memref<8x3000xf32, #tpu.memory_space<vmem>> -> memref<1x3000xf32, #tpu.memory_space<vmem>>
    %dma_wait3A_215 = tpu.memref_squeeze %dma_wait3A_214 : memref<1x3000xf32, #tpu.memory_space<vmem>> -> memref<3000xf32, #tpu.memory_space<vmem>>
    %dma_wait3A_216 = arith.constant 0 : i32
    %dma_wait3A_217 = tpu.memref_slice %arg2[%add3A_32, %add3A_47, %dma_wait3A_216] : memref<32x500x3000xf32, #tpu.memory_space<hbm>> -> memref<1x1x3000xf32, #tpu.memory_space<hbm>>
    %dma_wait3A_218 = tpu.memref_squeeze %dma_wait3A_217 : memref<1x1x3000xf32, #tpu.memory_space<hbm>> -> memref<3000xf32, #tpu.memory_space<hbm>>
    tpu.wait_dma2 semaphore(%arg6 : memref<!tpu.dma_semaphore, #tpu.memory_space<semaphore_mem>>) src(%dma_wait3A_218 : memref<3000xf32, #tpu.memory_space<hbm>>) dst(%dma_wait3A_215 : memref<3000xf32, #tpu.memory_space<vmem>>)
    %dma_wait3A_219 = arith.constant 1 : i32
    %dma_wait3A_220 = arith.constant 0 : i32
    %dma_wait3A_221 = tpu.memref_slice %arg4[%dma_wait3A_219, %dma_wait3A_220] : memref<8x3000xf32, #tpu.memory_space<vmem>> -> memref<1x3000xf32, #tpu.memory_space<vmem>>
    %dma_wait3A_222 = tpu.memref_squeeze %dma_wait3A_221 : memref<1x3000xf32, #tpu.memory_space<vmem>> -> memref<3000xf32, #tpu.memory_space<vmem>>
    %dma_wait3A_223 = arith.constant 0 : i32
    %dma_wait3A_224 = tpu.memref_slice %arg2[%add3A_32, %add3A_67, %dma_wait3A_223] : memref<32x500x3000xf32, #tpu.memory_space<hbm>> -> memref<1x1x3000xf32, #tpu.memory_space<hbm>>
    %dma_wait3A_225 = tpu.memref_squeeze %dma_wait3A_224 : memref<1x1x3000xf32, #tpu.memory_space<hbm>> -> memref<3000xf32, #tpu.memory_space<hbm>>
    %dma_wait3A_226 = arith.constant 0 : i32
    %dma_wait3A_227 = tpu.memref_slice %arg4[%dma_wait3A_219, %dma_wait3A_226] : memref<8x3000xf32, #tpu.memory_space<vmem>> -> memref<1x3000xf32, #tpu.memory_space<vmem>>
    %dma_wait3A_228 = tpu.memref_squeeze %dma_wait3A_227 : memref<1x3000xf32, #tpu.memory_space<vmem>> -> memref<3000xf32, #tpu.memory_space<vmem>>
    %dma_wait3A_229 = arith.constant 0 : i32
    %dma_wait3A_230 = tpu.memref_slice %arg2[%add3A_32, %add3A_67, %dma_wait3A_229] : memref<32x500x3000xf32, #tpu.memory_space<hbm>> -> memref<1x1x3000xf32, #tpu.memory_space<hbm>>
    %dma_wait3A_231 = tpu.memref_squeeze %dma_wait3A_230 : memref<1x1x3000xf32, #tpu.memory_space<hbm>> -> memref<3000xf32, #tpu.memory_space<hbm>>
    tpu.wait_dma2 semaphore(%arg6 : memref<!tpu.dma_semaphore, #tpu.memory_space<semaphore_mem>>) src(%dma_wait3A_231 : memref<3000xf32, #tpu.memory_space<hbm>>) dst(%dma_wait3A_228 : memref<3000xf32, #tpu.memory_space<vmem>>)
    %dma_wait3A_232 = arith.constant 2 : i32
    %dma_wait3A_233 = arith.constant 0 : i32
    %dma_wait3A_234 = tpu.memref_slice %arg4[%dma_wait3A_232, %dma_wait3A_233] : memref<8x3000xf32, #tpu.memory_space<vmem>> -> memref<1x3000xf32, #tpu.memory_space<vmem>>
    %dma_wait3A_235 = tpu.memref_squeeze %dma_wait3A_234 : memref<1x3000xf32, #tpu.memory_space<vmem>> -> memref<3000xf32, #tpu.memory_space<vmem>>
    %dma_wait3A_236 = arith.constant 0 : i32
    %dma_wait3A_237 = tpu.memref_slice %arg2[%add3A_32, %add3A_88, %dma_wait3A_236] : memref<32x500x3000xf32, #tpu.memory_space<hbm>> -> memref<1x1x3000xf32, #tpu.memory_space<hbm>>
    %dma_wait3A_238 = tpu.memref_squeeze %dma_wait3A_237 : memref<1x1x3000xf32, #tpu.memory_space<hbm>> -> memref<3000xf32, #tpu.memory_space<hbm>>
    %dma_wait3A_239 = arith.constant 0 : i32
    %dma_wait3A_240 = tpu.memref_slice %arg4[%dma_wait3A_232, %dma_wait3A_239] : memref<8x3000xf32, #tpu.memory_space<vmem>> -> memref<1x3000xf32, #tpu.memory_space<vmem>>
    %dma_wait3A_241 = tpu.memref_squeeze %dma_wait3A_240 : memref<1x3000xf32, #tpu.memory_space<vmem>> -> memref<3000xf32, #tpu.memory_space<vmem>>
    %dma_wait3A_242 = arith.constant 0 : i32
    %dma_wait3A_243 = tpu.memref_slice %arg2[%add3A_32, %add3A_88, %dma_wait3A_242] : memref<32x500x3000xf32, #tpu.memory_space<hbm>> -> memref<1x1x3000xf32, #tpu.memory_space<hbm>>
    %dma_wait3A_244 = tpu.memref_squeeze %dma_wait3A_243 : memref<1x1x3000xf32, #tpu.memory_space<hbm>> -> memref<3000xf32, #tpu.memory_space<hbm>>
    tpu.wait_dma2 semaphore(%arg6 : memref<!tpu.dma_semaphore, #tpu.memory_space<semaphore_mem>>) src(%dma_wait3A_244 : memref<3000xf32, #tpu.memory_space<hbm>>) dst(%dma_wait3A_241 : memref<3000xf32, #tpu.memory_space<vmem>>)
    %dma_wait3A_245 = arith.constant 3 : i32
    %dma_wait3A_246 = arith.constant 0 : i32
    %dma_wait3A_247 = tpu.memref_slice %arg4[%dma_wait3A_245, %dma_wait3A_246] : memref<8x3000xf32, #tpu.memory_space<vmem>> -> memref<1x3000xf32, #tpu.memory_space<vmem>>
    %dma_wait3A_248 = tpu.memref_squeeze %dma_wait3A_247 : memref<1x3000xf32, #tpu.memory_space<vmem>> -> memref<3000xf32, #tpu.memory_space<vmem>>
    %dma_wait3A_249 = arith.constant 0 : i32
    %dma_wait3A_250 = tpu.memref_slice %arg2[%add3A_32, %add3A_109, %dma_wait3A_249] : memref<32x500x3000xf32, #tpu.memory_space<hbm>> -> memref<1x1x3000xf32, #tpu.memory_space<hbm>>
    %dma_wait3A_251 = tpu.memref_squeeze %dma_wait3A_250 : memref<1x1x3000xf32, #tpu.memory_space<hbm>> -> memref<3000xf32, #tpu.memory_space<hbm>>
    %dma_wait3A_252 = arith.constant 0 : i32
    %dma_wait3A_253 = tpu.memref_slice %arg4[%dma_wait3A_245, %dma_wait3A_252] : memref<8x3000xf32, #tpu.memory_space<vmem>> -> memref<1x3000xf32, #tpu.memory_space<vmem>>
    %dma_wait3A_254 = tpu.memref_squeeze %dma_wait3A_253 : memref<1x3000xf32, #tpu.memory_space<vmem>> -> memref<3000xf32, #tpu.memory_space<vmem>>
    %dma_wait3A_255 = arith.constant 0 : i32
    %dma_wait3A_256 = tpu.memref_slice %arg2[%add3A_32, %add3A_109, %dma_wait3A_255] : memref<32x500x3000xf32, #tpu.memory_space<hbm>> -> memref<1x1x3000xf32, #tpu.memory_space<hbm>>
    %dma_wait3A_257 = tpu.memref_squeeze %dma_wait3A_256 : memref<1x1x3000xf32, #tpu.memory_space<hbm>> -> memref<3000xf32, #tpu.memory_space<hbm>>
    tpu.wait_dma2 semaphore(%arg6 : memref<!tpu.dma_semaphore, #tpu.memory_space<semaphore_mem>>) src(%dma_wait3A_257 : memref<3000xf32, #tpu.memory_space<hbm>>) dst(%dma_wait3A_254 : memref<3000xf32, #tpu.memory_space<vmem>>)
    %dma_wait3A_258 = arith.constant 4 : i32
    %dma_wait3A_259 = arith.constant 0 : i32
    %dma_wait3A_260 = tpu.memref_slice %arg4[%dma_wait3A_258, %dma_wait3A_259] : memref<8x3000xf32, #tpu.memory_space<vmem>> -> memref<1x3000xf32, #tpu.memory_space<vmem>>
    %dma_wait3A_261 = tpu.memref_squeeze %dma_wait3A_260 : memref<1x3000xf32, #tpu.memory_space<vmem>> -> memref<3000xf32, #tpu.memory_space<vmem>>
    %dma_wait3A_262 = arith.constant 0 : i32
    %dma_wait3A_263 = tpu.memref_slice %arg2[%add3A_32, %add3A_130, %dma_wait3A_262] : memref<32x500x3000xf32, #tpu.memory_space<hbm>> -> memref<1x1x3000xf32, #tpu.memory_space<hbm>>
    %dma_wait3A_264 = tpu.memref_squeeze %dma_wait3A_263 : memref<1x1x3000xf32, #tpu.memory_space<hbm>> -> memref<3000xf32, #tpu.memory_space<hbm>>
    %dma_wait3A_265 = arith.constant 0 : i32
    %dma_wait3A_266 = tpu.memref_slice %arg4[%dma_wait3A_258, %dma_wait3A_265] : memref<8x3000xf32, #tpu.memory_space<vmem>> -> memref<1x3000xf32, #tpu.memory_space<vmem>>
    %dma_wait3A_267 = tpu.memref_squeeze %dma_wait3A_266 : memref<1x3000xf32, #tpu.memory_space<vmem>> -> memref<3000xf32, #tpu.memory_space<vmem>>
    %dma_wait3A_268 = arith.constant 0 : i32
    %dma_wait3A_269 = tpu.memref_slice %arg2[%add3A_32, %add3A_130, %dma_wait3A_268] : memref<32x500x3000xf32, #tpu.memory_space<hbm>> -> memref<1x1x3000xf32, #tpu.memory_space<hbm>>
    %dma_wait3A_270 = tpu.memref_squeeze %dma_wait3A_269 : memref<1x1x3000xf32, #tpu.memory_space<hbm>> -> memref<3000xf32, #tpu.memory_space<hbm>>
    tpu.wait_dma2 semaphore(%arg6 : memref<!tpu.dma_semaphore, #tpu.memory_space<semaphore_mem>>) src(%dma_wait3A_270 : memref<3000xf32, #tpu.memory_space<hbm>>) dst(%dma_wait3A_267 : memref<3000xf32, #tpu.memory_space<vmem>>)
    %dma_wait3A_271 = arith.constant 5 : i32
    %dma_wait3A_272 = arith.constant 0 : i32
    %dma_wait3A_273 = tpu.memref_slice %arg4[%dma_wait3A_271, %dma_wait3A_272] : memref<8x3000xf32, #tpu.memory_space<vmem>> -> memref<1x3000xf32, #tpu.memory_space<vmem>>
    %dma_wait3A_274 = tpu.memref_squeeze %dma_wait3A_273 : memref<1x3000xf32, #tpu.memory_space<vmem>> -> memref<3000xf32, #tpu.memory_space<vmem>>
    %dma_wait3A_275 = arith.constant 0 : i32
    %dma_wait3A_276 = tpu.memref_slice %arg2[%add3A_32, %add3A_151, %dma_wait3A_275] : memref<32x500x3000xf32, #tpu.memory_space<hbm>> -> memref<1x1x3000xf32, #tpu.memory_space<hbm>>
    %dma_wait3A_277 = tpu.memref_squeeze %dma_wait3A_276 : memref<1x1x3000xf32, #tpu.memory_space<hbm>> -> memref<3000xf32, #tpu.memory_space<hbm>>
    %dma_wait3A_278 = arith.constant 0 : i32
    %dma_wait3A_279 = tpu.memref_slice %arg4[%dma_wait3A_271, %dma_wait3A_278] : memref<8x3000xf32, #tpu.memory_space<vmem>> -> memref<1x3000xf32, #tpu.memory_space<vmem>>
    %dma_wait3A_280 = tpu.memref_squeeze %dma_wait3A_279 : memref<1x3000xf32, #tpu.memory_space<vmem>> -> memref<3000xf32, #tpu.memory_space<vmem>>
    %dma_wait3A_281 = arith.constant 0 : i32
    %dma_wait3A_282 = tpu.memref_slice %arg2[%add3A_32, %add3A_151, %dma_wait3A_281] : memref<32x500x3000xf32, #tpu.memory_space<hbm>> -> memref<1x1x3000xf32, #tpu.memory_space<hbm>>
    %dma_wait3A_283 = tpu.memref_squeeze %dma_wait3A_282 : memref<1x1x3000xf32, #tpu.memory_space<hbm>> -> memref<3000xf32, #tpu.memory_space<hbm>>
    tpu.wait_dma2 semaphore(%arg6 : memref<!tpu.dma_semaphore, #tpu.memory_space<semaphore_mem>>) src(%dma_wait3A_283 : memref<3000xf32, #tpu.memory_space<hbm>>) dst(%dma_wait3A_280 : memref<3000xf32, #tpu.memory_space<vmem>>)
    %dma_wait3A_284 = arith.constant 6 : i32
    %dma_wait3A_285 = arith.constant 0 : i32
    %dma_wait3A_286 = tpu.memref_slice %arg4[%dma_wait3A_284, %dma_wait3A_285] : memref<8x3000xf32, #tpu.memory_space<vmem>> -> memref<1x3000xf32, #tpu.memory_space<vmem>>
    %dma_wait3A_287 = tpu.memref_squeeze %dma_wait3A_286 : memref<1x3000xf32, #tpu.memory_space<vmem>> -> memref<3000xf32, #tpu.memory_space<vmem>>
    %dma_wait3A_288 = arith.constant 0 : i32
    %dma_wait3A_289 = tpu.memref_slice %arg2[%add3A_32, %add3A_172, %dma_wait3A_288] : memref<32x500x3000xf32, #tpu.memory_space<hbm>> -> memref<1x1x3000xf32, #tpu.memory_space<hbm>>
    %dma_wait3A_290 = tpu.memref_squeeze %dma_wait3A_289 : memref<1x1x3000xf32, #tpu.memory_space<hbm>> -> memref<3000xf32, #tpu.memory_space<hbm>>
    %dma_wait3A_291 = arith.constant 0 : i32
    %dma_wait3A_292 = tpu.memref_slice %arg4[%dma_wait3A_284, %dma_wait3A_291] : memref<8x3000xf32, #tpu.memory_space<vmem>> -> memref<1x3000xf32, #tpu.memory_space<vmem>>
    %dma_wait3A_293 = tpu.memref_squeeze %dma_wait3A_292 : memref<1x3000xf32, #tpu.memory_space<vmem>> -> memref<3000xf32, #tpu.memory_space<vmem>>
    %dma_wait3A_294 = arith.constant 0 : i32
    %dma_wait3A_295 = tpu.memref_slice %arg2[%add3A_32, %add3A_172, %dma_wait3A_294] : memref<32x500x3000xf32, #tpu.memory_space<hbm>> -> memref<1x1x3000xf32, #tpu.memory_space<hbm>>
    %dma_wait3A_296 = tpu.memref_squeeze %dma_wait3A_295 : memref<1x1x3000xf32, #tpu.memory_space<hbm>> -> memref<3000xf32, #tpu.memory_space<hbm>>
    tpu.wait_dma2 semaphore(%arg6 : memref<!tpu.dma_semaphore, #tpu.memory_space<semaphore_mem>>) src(%dma_wait3A_296 : memref<3000xf32, #tpu.memory_space<hbm>>) dst(%dma_wait3A_293 : memref<3000xf32, #tpu.memory_space<vmem>>)
    %dma_wait3A_297 = arith.constant 7 : i32
    %dma_wait3A_298 = arith.constant 0 : i32
    %dma_wait3A_299 = tpu.memref_slice %arg4[%dma_wait3A_297, %dma_wait3A_298] : memref<8x3000xf32, #tpu.memory_space<vmem>> -> memref<1x3000xf32, #tpu.memory_space<vmem>>
    %dma_wait3A_300 = tpu.memref_squeeze %dma_wait3A_299 : memref<1x3000xf32, #tpu.memory_space<vmem>> -> memref<3000xf32, #tpu.memory_space<vmem>>
    %dma_wait3A_301 = arith.constant 0 : i32
    %dma_wait3A_302 = tpu.memref_slice %arg2[%add3A_32, %add3A_193, %dma_wait3A_301] : memref<32x500x3000xf32, #tpu.memory_space<hbm>> -> memref<1x1x3000xf32, #tpu.memory_space<hbm>>
    %dma_wait3A_303 = tpu.memref_squeeze %dma_wait3A_302 : memref<1x1x3000xf32, #tpu.memory_space<hbm>> -> memref<3000xf32, #tpu.memory_space<hbm>>
    %dma_wait3A_304 = arith.constant 0 : i32
    %dma_wait3A_305 = tpu.memref_slice %arg4[%dma_wait3A_297, %dma_wait3A_304] : memref<8x3000xf32, #tpu.memory_space<vmem>> -> memref<1x3000xf32, #tpu.memory_space<vmem>>
    %dma_wait3A_306 = tpu.memref_squeeze %dma_wait3A_305 : memref<1x3000xf32, #tpu.memory_space<vmem>> -> memref<3000xf32, #tpu.memory_space<vmem>>
    %dma_wait3A_307 = arith.constant 0 : i32
    %dma_wait3A_308 = tpu.memref_slice %arg2[%add3A_32, %add3A_193, %dma_wait3A_307] : memref<32x500x3000xf32, #tpu.memory_space<hbm>> -> memref<1x1x3000xf32, #tpu.memory_space<hbm>>
    %dma_wait3A_309 = tpu.memref_squeeze %dma_wait3A_308 : memref<1x1x3000xf32, #tpu.memory_space<hbm>> -> memref<3000xf32, #tpu.memory_space<hbm>>
    tpu.wait_dma2 semaphore(%arg6 : memref<!tpu.dma_semaphore, #tpu.memory_space<semaphore_mem>>) src(%dma_wait3A_309 : memref<3000xf32, #tpu.memory_space<hbm>>) dst(%dma_wait3A_306 : memref<3000xf32, #tpu.memory_space<vmem>>)
    %add3A_310 = arith.constant 8 : i32
    %add3A_311 = arith.addi %mul3A_39, %add3A_310 : i32
    %add3A_312 = arith.constant 0 : i32
    %add3A_313 = arith.addi %add3A_311, %add3A_312 : i32
    %mul3A_314 = arith.constant 5 : i32
    %mul3A_315 = arith.muli %mul3A_314, %add3A_313 : i32
    %add3A_316 = arith.constant 4 : i32
    %add3A_317 = arith.addi %mul3A_315, %add3A_316 : i32
    %dma_start3A_318 = arith.constant 0 : i32
    %dma_start3A_319 = arith.constant 0 : i32
    %dma_start3A_320 = tpu.memref_slice %arg5[%dma_start3A_318, %dma_start3A_319] : memref<8x3000xf32, #tpu.memory_space<vmem>> -> memref<1x3000xf32, #tpu.memory_space<vmem>>
    %dma_start3A_321 = tpu.memref_squeeze %dma_start3A_320 : memref<1x3000xf32, #tpu.memory_space<vmem>> -> memref<3000xf32, #tpu.memory_space<vmem>>
    %dma_start3A_322 = arith.constant 0 : i32
    %dma_start3A_323 = tpu.memref_slice %arg2[%add3A_32, %add3A_317, %dma_start3A_322] : memref<32x500x3000xf32, #tpu.memory_space<hbm>> -> memref<1x1x3000xf32, #tpu.memory_space<hbm>>
    %dma_start3A_324 = tpu.memref_squeeze %dma_start3A_323 : memref<1x1x3000xf32, #tpu.memory_space<hbm>> -> memref<3000xf32, #tpu.memory_space<hbm>>
    %dma_start3A_325 = arith.constant 0 : i32
    %dma_start3A_326 = tpu.memref_slice %arg5[%dma_start3A_318, %dma_start3A_325] : memref<8x3000xf32, #tpu.memory_space<vmem>> -> memref<1x3000xf32, #tpu.memory_space<vmem>>
    %dma_start3A_327 = tpu.memref_squeeze %dma_start3A_326 : memref<1x3000xf32, #tpu.memory_space<vmem>> -> memref<3000xf32, #tpu.memory_space<vmem>>
    %dma_start3A_328 = arith.constant 0 : i32
    %dma_start3A_329 = tpu.memref_slice %arg2[%add3A_32, %add3A_317, %dma_start3A_328] : memref<32x500x3000xf32, #tpu.memory_space<hbm>> -> memref<1x1x3000xf32, #tpu.memory_space<hbm>>
    %dma_start3A_330 = tpu.memref_squeeze %dma_start3A_329 : memref<1x1x3000xf32, #tpu.memory_space<hbm>> -> memref<3000xf32, #tpu.memory_space<hbm>>
    tpu.enqueue_dma source(%dma_start3A_330 : memref<3000xf32, #tpu.memory_space<hbm>>) target(%dma_start3A_327 : memref<3000xf32, #tpu.memory_space<vmem>>) target_semaphore(%arg7 : memref<!tpu.dma_semaphore, #tpu.memory_space<semaphore_mem>>)
    %add3A_331 = arith.constant 8 : i32
    %add3A_332 = arith.addi %mul3A_39, %add3A_331 : i32
    %add3A_333 = arith.constant 1 : i32
    %add3A_334 = arith.addi %add3A_332, %add3A_333 : i32
    %mul3A_335 = arith.constant 5 : i32
    %mul3A_336 = arith.muli %mul3A_335, %add3A_334 : i32
    %add3A_337 = arith.constant 4 : i32
    %add3A_338 = arith.addi %mul3A_336, %add3A_337 : i32
    %dma_start3A_339 = arith.constant 1 : i32
    %dma_start3A_340 = arith.constant 0 : i32
    %dma_start3A_341 = tpu.memref_slice %arg5[%dma_start3A_339, %dma_start3A_340] : memref<8x3000xf32, #tpu.memory_space<vmem>> -> memref<1x3000xf32, #tpu.memory_space<vmem>>
    %dma_start3A_342 = tpu.memref_squeeze %dma_start3A_341 : memref<1x3000xf32, #tpu.memory_space<vmem>> -> memref<3000xf32, #tpu.memory_space<vmem>>
    %dma_start3A_343 = arith.constant 0 : i32
    %dma_start3A_344 = tpu.memref_slice %arg2[%add3A_32, %add3A_338, %dma_start3A_343] : memref<32x500x3000xf32, #tpu.memory_space<hbm>> -> memref<1x1x3000xf32, #tpu.memory_space<hbm>>
    %dma_start3A_345 = tpu.memref_squeeze %dma_start3A_344 : memref<1x1x3000xf32, #tpu.memory_space<hbm>> -> memref<3000xf32, #tpu.memory_space<hbm>>
    %dma_start3A_346 = arith.constant 0 : i32
    %dma_start3A_347 = tpu.memref_slice %arg5[%dma_start3A_339, %dma_start3A_346] : memref<8x3000xf32, #tpu.memory_space<vmem>> -> memref<1x3000xf32, #tpu.memory_space<vmem>>
    %dma_start3A_348 = tpu.memref_squeeze %dma_start3A_347 : memref<1x3000xf32, #tpu.memory_space<vmem>> -> memref<3000xf32, #tpu.memory_space<vmem>>
    %dma_start3A_349 = arith.constant 0 : i32
    %dma_start3A_350 = tpu.memref_slice %arg2[%add3A_32, %add3A_338, %dma_start3A_349] : memref<32x500x3000xf32, #tpu.memory_space<hbm>> -> memref<1x1x3000xf32, #tpu.memory_space<hbm>>
    %dma_start3A_351 = tpu.memref_squeeze %dma_start3A_350 : memref<1x1x3000xf32, #tpu.memory_space<hbm>> -> memref<3000xf32, #tpu.memory_space<hbm>>
    tpu.enqueue_dma source(%dma_start3A_351 : memref<3000xf32, #tpu.memory_space<hbm>>) target(%dma_start3A_348 : memref<3000xf32, #tpu.memory_space<vmem>>) target_semaphore(%arg7 : memref<!tpu.dma_semaphore, #tpu.memory_space<semaphore_mem>>)
    %add3A_352 = arith.constant 8 : i32
    %add3A_353 = arith.addi %mul3A_39, %add3A_352 : i32
    %add3A_354 = arith.constant 2 : i32
    %add3A_355 = arith.addi %add3A_353, %add3A_354 : i32
    %mul3A_356 = arith.constant 5 : i32
    %mul3A_357 = arith.muli %mul3A_356, %add3A_355 : i32
    %add3A_358 = arith.constant 4 : i32
    %add3A_359 = arith.addi %mul3A_357, %add3A_358 : i32
    %dma_start3A_360 = arith.constant 2 : i32
    %dma_start3A_361 = arith.constant 0 : i32
    %dma_start3A_362 = tpu.memref_slice %arg5[%dma_start3A_360, %dma_start3A_361] : memref<8x3000xf32, #tpu.memory_space<vmem>> -> memref<1x3000xf32, #tpu.memory_space<vmem>>
    %dma_start3A_363 = tpu.memref_squeeze %dma_start3A_362 : memref<1x3000xf32, #tpu.memory_space<vmem>> -> memref<3000xf32, #tpu.memory_space<vmem>>
    %dma_start3A_364 = arith.constant 0 : i32
    %dma_start3A_365 = tpu.memref_slice %arg2[%add3A_32, %add3A_359, %dma_start3A_364] : memref<32x500x3000xf32, #tpu.memory_space<hbm>> -> memref<1x1x3000xf32, #tpu.memory_space<hbm>>
    %dma_start3A_366 = tpu.memref_squeeze %dma_start3A_365 : memref<1x1x3000xf32, #tpu.memory_space<hbm>> -> memref<3000xf32, #tpu.memory_space<hbm>>
    %dma_start3A_367 = arith.constant 0 : i32
    %dma_start3A_368 = tpu.memref_slice %arg5[%dma_start3A_360, %dma_start3A_367] : memref<8x3000xf32, #tpu.memory_space<vmem>> -> memref<1x3000xf32, #tpu.memory_space<vmem>>
    %dma_start3A_369 = tpu.memref_squeeze %dma_start3A_368 : memref<1x3000xf32, #tpu.memory_space<vmem>> -> memref<3000xf32, #tpu.memory_space<vmem>>
    %dma_start3A_370 = arith.constant 0 : i32
    %dma_start3A_371 = tpu.memref_slice %arg2[%add3A_32, %add3A_359, %dma_start3A_370] : memref<32x500x3000xf32, #tpu.memory_space<hbm>> -> memref<1x1x3000xf32, #tpu.memory_space<hbm>>
    %dma_start3A_372 = tpu.memref_squeeze %dma_start3A_371 : memref<1x1x3000xf32, #tpu.memory_space<hbm>> -> memref<3000xf32, #tpu.memory_space<hbm>>
    tpu.enqueue_dma source(%dma_start3A_372 : memref<3000xf32, #tpu.memory_space<hbm>>) target(%dma_start3A_369 : memref<3000xf32, #tpu.memory_space<vmem>>) target_semaphore(%arg7 : memref<!tpu.dma_semaphore, #tpu.memory_space<semaphore_mem>>)
    %add3A_373 = arith.constant 8 : i32
    %add3A_374 = arith.addi %mul3A_39, %add3A_373 : i32
    %add3A_375 = arith.constant 3 : i32
    %add3A_376 = arith.addi %add3A_374, %add3A_375 : i32
    %mul3A_377 = arith.constant 5 : i32
    %mul3A_378 = arith.muli %mul3A_377, %add3A_376 : i32
    %add3A_379 = arith.constant 4 : i32
    %add3A_380 = arith.addi %mul3A_378, %add3A_379 : i32
    %dma_start3A_381 = arith.constant 3 : i32
    %dma_start3A_382 = arith.constant 0 : i32
    %dma_start3A_383 = tpu.memref_slice %arg5[%dma_start3A_381, %dma_start3A_382] : memref<8x3000xf32, #tpu.memory_space<vmem>> -> memref<1x3000xf32, #tpu.memory_space<vmem>>
    %dma_start3A_384 = tpu.memref_squeeze %dma_start3A_383 : memref<1x3000xf32, #tpu.memory_space<vmem>> -> memref<3000xf32, #tpu.memory_space<vmem>>
    %dma_start3A_385 = arith.constant 0 : i32
    %dma_start3A_386 = tpu.memref_slice %arg2[%add3A_32, %add3A_380, %dma_start3A_385] : memref<32x500x3000xf32, #tpu.memory_space<hbm>> -> memref<1x1x3000xf32, #tpu.memory_space<hbm>>
    %dma_start3A_387 = tpu.memref_squeeze %dma_start3A_386 : memref<1x1x3000xf32, #tpu.memory_space<hbm>> -> memref<3000xf32, #tpu.memory_space<hbm>>
    %dma_start3A_388 = arith.constant 0 : i32
    %dma_start3A_389 = tpu.memref_slice %arg5[%dma_start3A_381, %dma_start3A_388] : memref<8x3000xf32, #tpu.memory_space<vmem>> -> memref<1x3000xf32, #tpu.memory_space<vmem>>
    %dma_start3A_390 = tpu.memref_squeeze %dma_start3A_389 : memref<1x3000xf32, #tpu.memory_space<vmem>> -> memref<3000xf32, #tpu.memory_space<vmem>>
    %dma_start3A_391 = arith.constant 0 : i32
    %dma_start3A_392 = tpu.memref_slice %arg2[%add3A_32, %add3A_380, %dma_start3A_391] : memref<32x500x3000xf32, #tpu.memory_space<hbm>> -> memref<1x1x3000xf32, #tpu.memory_space<hbm>>
    %dma_start3A_393 = tpu.memref_squeeze %dma_start3A_392 : memref<1x1x3000xf32, #tpu.memory_space<hbm>> -> memref<3000xf32, #tpu.memory_space<hbm>>
    tpu.enqueue_dma source(%dma_start3A_393 : memref<3000xf32, #tpu.memory_space<hbm>>) target(%dma_start3A_390 : memref<3000xf32, #tpu.memory_space<vmem>>) target_semaphore(%arg7 : memref<!tpu.dma_semaphore, #tpu.memory_space<semaphore_mem>>)
    %add3A_394 = arith.constant 8 : i32
    %add3A_395 = arith.addi %mul3A_39, %add3A_394 : i32
    %add3A_396 = arith.constant 4 : i32
    %add3A_397 = arith.addi %add3A_395, %add3A_396 : i32
    %mul3A_398 = arith.constant 5 : i32
    %mul3A_399 = arith.muli %mul3A_398, %add3A_397 : i32
    %add3A_400 = arith.constant 4 : i32
    %add3A_401 = arith.addi %mul3A_399, %add3A_400 : i32
    %dma_start3A_402 = arith.constant 4 : i32
    %dma_start3A_403 = arith.constant 0 : i32
    %dma_start3A_404 = tpu.memref_slice %arg5[%dma_start3A_402, %dma_start3A_403] : memref<8x3000xf32, #tpu.memory_space<vmem>> -> memref<1x3000xf32, #tpu.memory_space<vmem>>
    %dma_start3A_405 = tpu.memref_squeeze %dma_start3A_404 : memref<1x3000xf32, #tpu.memory_space<vmem>> -> memref<3000xf32, #tpu.memory_space<vmem>>
    %dma_start3A_406 = arith.constant 0 : i32
    %dma_start3A_407 = tpu.memref_slice %arg2[%add3A_32, %add3A_401, %dma_start3A_406] : memref<32x500x3000xf32, #tpu.memory_space<hbm>> -> memref<1x1x3000xf32, #tpu.memory_space<hbm>>
    %dma_start3A_408 = tpu.memref_squeeze %dma_start3A_407 : memref<1x1x3000xf32, #tpu.memory_space<hbm>> -> memref<3000xf32, #tpu.memory_space<hbm>>
    %dma_start3A_409 = arith.constant 0 : i32
    %dma_start3A_410 = tpu.memref_slice %arg5[%dma_start3A_402, %dma_start3A_409] : memref<8x3000xf32, #tpu.memory_space<vmem>> -> memref<1x3000xf32, #tpu.memory_space<vmem>>
    %dma_start3A_411 = tpu.memref_squeeze %dma_start3A_410 : memref<1x3000xf32, #tpu.memory_space<vmem>> -> memref<3000xf32, #tpu.memory_space<vmem>>
    %dma_start3A_412 = arith.constant 0 : i32
    %dma_start3A_413 = tpu.memref_slice %arg2[%add3A_32, %add3A_401, %dma_start3A_412] : memref<32x500x3000xf32, #tpu.memory_space<hbm>> -> memref<1x1x3000xf32, #tpu.memory_space<hbm>>
    %dma_start3A_414 = tpu.memref_squeeze %dma_start3A_413 : memref<1x1x3000xf32, #tpu.memory_space<hbm>> -> memref<3000xf32, #tpu.memory_space<hbm>>
    tpu.enqueue_dma source(%dma_start3A_414 : memref<3000xf32, #tpu.memory_space<hbm>>) target(%dma_start3A_411 : memref<3000xf32, #tpu.memory_space<vmem>>) target_semaphore(%arg7 : memref<!tpu.dma_semaphore, #tpu.memory_space<semaphore_mem>>)
    %add3A_415 = arith.constant 8 : i32
    %add3A_416 = arith.addi %mul3A_39, %add3A_415 : i32
    %add3A_417 = arith.constant 5 : i32
    %add3A_418 = arith.addi %add3A_416, %add3A_417 : i32
    %mul3A_419 = arith.constant 5 : i32
    %mul3A_420 = arith.muli %mul3A_419, %add3A_418 : i32
    %add3A_421 = arith.constant 4 : i32
    %add3A_422 = arith.addi %mul3A_420, %add3A_421 : i32
    %dma_start3A_423 = arith.constant 5 : i32
    %dma_start3A_424 = arith.constant 0 : i32
    %dma_start3A_425 = tpu.memref_slice %arg5[%dma_start3A_423, %dma_start3A_424] : memref<8x3000xf32, #tpu.memory_space<vmem>> -> memref<1x3000xf32, #tpu.memory_space<vmem>>
    %dma_start3A_426 = tpu.memref_squeeze %dma_start3A_425 : memref<1x3000xf32, #tpu.memory_space<vmem>> -> memref<3000xf32, #tpu.memory_space<vmem>>
    %dma_start3A_427 = arith.constant 0 : i32
    %dma_start3A_428 = tpu.memref_slice %arg2[%add3A_32, %add3A_422, %dma_start3A_427] : memref<32x500x3000xf32, #tpu.memory_space<hbm>> -> memref<1x1x3000xf32, #tpu.memory_space<hbm>>
    %dma_start3A_429 = tpu.memref_squeeze %dma_start3A_428 : memref<1x1x3000xf32, #tpu.memory_space<hbm>> -> memref<3000xf32, #tpu.memory_space<hbm>>
    %dma_start3A_430 = arith.constant 0 : i32
    %dma_start3A_431 = tpu.memref_slice %arg5[%dma_start3A_423, %dma_start3A_430] : memref<8x3000xf32, #tpu.memory_space<vmem>> -> memref<1x3000xf32, #tpu.memory_space<vmem>>
    %dma_start3A_432 = tpu.memref_squeeze %dma_start3A_431 : memref<1x3000xf32, #tpu.memory_space<vmem>> -> memref<3000xf32, #tpu.memory_space<vmem>>
    %dma_start3A_433 = arith.constant 0 : i32
    %dma_start3A_434 = tpu.memref_slice %arg2[%add3A_32, %add3A_422, %dma_start3A_433] : memref<32x500x3000xf32, #tpu.memory_space<hbm>> -> memref<1x1x3000xf32, #tpu.memory_space<hbm>>
    %dma_start3A_435 = tpu.memref_squeeze %dma_start3A_434 : memref<1x1x3000xf32, #tpu.memory_space<hbm>> -> memref<3000xf32, #tpu.memory_space<hbm>>
    tpu.enqueue_dma source(%dma_start3A_435 : memref<3000xf32, #tpu.memory_space<hbm>>) target(%dma_start3A_432 : memref<3000xf32, #tpu.memory_space<vmem>>) target_semaphore(%arg7 : memref<!tpu.dma_semaphore, #tpu.memory_space<semaphore_mem>>)
    %add3A_436 = arith.constant 8 : i32
    %add3A_437 = arith.addi %mul3A_39, %add3A_436 : i32
    %add3A_438 = arith.constant 6 : i32
    %add3A_439 = arith.addi %add3A_437, %add3A_438 : i32
    %mul3A_440 = arith.constant 5 : i32
    %mul3A_441 = arith.muli %mul3A_440, %add3A_439 : i32
    %add3A_442 = arith.constant 4 : i32
    %add3A_443 = arith.addi %mul3A_441, %add3A_442 : i32
    %dma_start3A_444 = arith.constant 6 : i32
    %dma_start3A_445 = arith.constant 0 : i32
    %dma_start3A_446 = tpu.memref_slice %arg5[%dma_start3A_444, %dma_start3A_445] : memref<8x3000xf32, #tpu.memory_space<vmem>> -> memref<1x3000xf32, #tpu.memory_space<vmem>>
    %dma_start3A_447 = tpu.memref_squeeze %dma_start3A_446 : memref<1x3000xf32, #tpu.memory_space<vmem>> -> memref<3000xf32, #tpu.memory_space<vmem>>
    %dma_start3A_448 = arith.constant 0 : i32
    %dma_start3A_449 = tpu.memref_slice %arg2[%add3A_32, %add3A_443, %dma_start3A_448] : memref<32x500x3000xf32, #tpu.memory_space<hbm>> -> memref<1x1x3000xf32, #tpu.memory_space<hbm>>
    %dma_start3A_450 = tpu.memref_squeeze %dma_start3A_449 : memref<1x1x3000xf32, #tpu.memory_space<hbm>> -> memref<3000xf32, #tpu.memory_space<hbm>>
    %dma_start3A_451 = arith.constant 0 : i32
    %dma_start3A_452 = tpu.memref_slice %arg5[%dma_start3A_444, %dma_start3A_451] : memref<8x3000xf32, #tpu.memory_space<vmem>> -> memref<1x3000xf32, #tpu.memory_space<vmem>>
    %dma_start3A_453 = tpu.memref_squeeze %dma_start3A_452 : memref<1x3000xf32, #tpu.memory_space<vmem>> -> memref<3000xf32, #tpu.memory_space<vmem>>
    %dma_start3A_454 = arith.constant 0 : i32
    %dma_start3A_455 = tpu.memref_slice %arg2[%add3A_32, %add3A_443, %dma_start3A_454] : memref<32x500x3000xf32, #tpu.memory_space<hbm>> -> memref<1x1x3000xf32, #tpu.memory_space<hbm>>
    %dma_start3A_456 = tpu.memref_squeeze %dma_start3A_455 : memref<1x1x3000xf32, #tpu.memory_space<hbm>> -> memref<3000xf32, #tpu.memory_space<hbm>>
    tpu.enqueue_dma source(%dma_start3A_456 : memref<3000xf32, #tpu.memory_space<hbm>>) target(%dma_start3A_453 : memref<3000xf32, #tpu.memory_space<vmem>>) target_semaphore(%arg7 : memref<!tpu.dma_semaphore, #tpu.memory_space<semaphore_mem>>)
    %add3A_457 = arith.constant 8 : i32
    %add3A_458 = arith.addi %mul3A_39, %add3A_457 : i32
    %add3A_459 = arith.constant 7 : i32
    %add3A_460 = arith.addi %add3A_458, %add3A_459 : i32
    %mul3A_461 = arith.constant 5 : i32
    %mul3A_462 = arith.muli %mul3A_461, %add3A_460 : i32
    %add3A_463 = arith.constant 4 : i32
    %add3A_464 = arith.addi %mul3A_462, %add3A_463 : i32
    %dma_start3A_465 = arith.constant 7 : i32
    %dma_start3A_466 = arith.constant 0 : i32
    %dma_start3A_467 = tpu.memref_slice %arg5[%dma_start3A_465, %dma_start3A_466] : memref<8x3000xf32, #tpu.memory_space<vmem>> -> memref<1x3000xf32, #tpu.memory_space<vmem>>
    %dma_start3A_468 = tpu.memref_squeeze %dma_start3A_467 : memref<1x3000xf32, #tpu.memory_space<vmem>> -> memref<3000xf32, #tpu.memory_space<vmem>>
    %dma_start3A_469 = arith.constant 0 : i32
    %dma_start3A_470 = tpu.memref_slice %arg2[%add3A_32, %add3A_464, %dma_start3A_469] : memref<32x500x3000xf32, #tpu.memory_space<hbm>> -> memref<1x1x3000xf32, #tpu.memory_space<hbm>>
    %dma_start3A_471 = tpu.memref_squeeze %dma_start3A_470 : memref<1x1x3000xf32, #tpu.memory_space<hbm>> -> memref<3000xf32, #tpu.memory_space<hbm>>
    %dma_start3A_472 = arith.constant 0 : i32
    %dma_start3A_473 = tpu.memref_slice %arg5[%dma_start3A_465, %dma_start3A_472] : memref<8x3000xf32, #tpu.memory_space<vmem>> -> memref<1x3000xf32, #tpu.memory_space<vmem>>
    %dma_start3A_474 = tpu.memref_squeeze %dma_start3A_473 : memref<1x3000xf32, #tpu.memory_space<vmem>> -> memref<3000xf32, #tpu.memory_space<vmem>>
    %dma_start3A_475 = arith.constant 0 : i32
    %dma_start3A_476 = tpu.memref_slice %arg2[%add3A_32, %add3A_464, %dma_start3A_475] : memref<32x500x3000xf32, #tpu.memory_space<hbm>> -> memref<1x1x3000xf32, #tpu.memory_space<hbm>>
    %dma_start3A_477 = tpu.memref_squeeze %dma_start3A_476 : memref<1x1x3000xf32, #tpu.memory_space<hbm>> -> memref<3000xf32, #tpu.memory_space<hbm>>
    tpu.enqueue_dma source(%dma_start3A_477 : memref<3000xf32, #tpu.memory_space<hbm>>) target(%dma_start3A_474 : memref<3000xf32, #tpu.memory_space<vmem>>) target_semaphore(%arg7 : memref<!tpu.dma_semaphore, #tpu.memory_space<semaphore_mem>>)
    %add3A_478 = arith.constant 0 : i32
    %add3A_479 = arith.addi %add3A_37, %add3A_478 : i32
    %dma_start3A_480 = arith.constant 0 : i32
    %dma_start3A_481 = tpu.memref_slice %arg3[%add3A_479, %dma_start3A_480] : memref<1792x3000xf32, #tpu.memory_space<hbm>> -> memref<8x3000xf32, #tpu.memory_space<hbm>>
    %dma_start3A_482 = arith.constant 0 : i32
    %dma_start3A_483 = tpu.memref_slice %arg3[%add3A_479, %dma_start3A_482] : memref<1792x3000xf32, #tpu.memory_space<hbm>> -> memref<8x3000xf32, #tpu.memory_space<hbm>>
    tpu.enqueue_dma source(%arg4 : memref<8x3000xf32, #tpu.memory_space<vmem>>) target(%dma_start3A_483 : memref<8x3000xf32, #tpu.memory_space<hbm>>) target_semaphore(%arg8 : memref<!tpu.dma_semaphore, #tpu.memory_space<semaphore_mem>>)
    %dma_wait3A_484 = arith.constant 0 : i32
    %dma_wait3A_485 = arith.constant 0 : i32
    %dma_wait3A_486 = tpu.memref_slice %arg5[%dma_wait3A_484, %dma_wait3A_485] : memref<8x3000xf32, #tpu.memory_space<vmem>> -> memref<1x3000xf32, #tpu.memory_space<vmem>>
    %dma_wait3A_487 = tpu.memref_squeeze %dma_wait3A_486 : memref<1x3000xf32, #tpu.memory_space<vmem>> -> memref<3000xf32, #tpu.memory_space<vmem>>
    %dma_wait3A_488 = arith.constant 0 : i32
    %dma_wait3A_489 = tpu.memref_slice %arg2[%add3A_32, %add3A_317, %dma_wait3A_488] : memref<32x500x3000xf32, #tpu.memory_space<hbm>> -> memref<1x1x3000xf32, #tpu.memory_space<hbm>>
    %dma_wait3A_490 = tpu.memref_squeeze %dma_wait3A_489 : memref<1x1x3000xf32, #tpu.memory_space<hbm>> -> memref<3000xf32, #tpu.memory_space<hbm>>
    %dma_wait3A_491 = arith.constant 0 : i32
    %dma_wait3A_492 = tpu.memref_slice %arg5[%dma_wait3A_484, %dma_wait3A_491] : memref<8x3000xf32, #tpu.memory_space<vmem>> -> memref<1x3000xf32, #tpu.memory_space<vmem>>
    %dma_wait3A_493 = tpu.memref_squeeze %dma_wait3A_492 : memref<1x3000xf32, #tpu.memory_space<vmem>> -> memref<3000xf32, #tpu.memory_space<vmem>>
    %dma_wait3A_494 = arith.constant 0 : i32
    %dma_wait3A_495 = tpu.memref_slice %arg2[%add3A_32, %add3A_317, %dma_wait3A_494] : memref<32x500x3000xf32, #tpu.memory_space<hbm>> -> memref<1x1x3000xf32, #tpu.memory_space<hbm>>
    %dma_wait3A_496 = tpu.memref_squeeze %dma_wait3A_495 : memref<1x1x3000xf32, #tpu.memory_space<hbm>> -> memref<3000xf32, #tpu.memory_space<hbm>>
    tpu.wait_dma2 semaphore(%arg7 : memref<!tpu.dma_semaphore, #tpu.memory_space<semaphore_mem>>) src(%dma_wait3A_496 : memref<3000xf32, #tpu.memory_space<hbm>>) dst(%dma_wait3A_493 : memref<3000xf32, #tpu.memory_space<vmem>>)
    %dma_wait3A_497 = arith.constant 1 : i32
    %dma_wait3A_498 = arith.constant 0 : i32
    %dma_wait3A_499 = tpu.memref_slice %arg5[%dma_wait3A_497, %dma_wait3A_498] : memref<8x3000xf32, #tpu.memory_space<vmem>> -> memref<1x3000xf32, #tpu.memory_space<vmem>>
    %dma_wait3A_500 = tpu.memref_squeeze %dma_wait3A_499 : memref<1x3000xf32, #tpu.memory_space<vmem>> -> memref<3000xf32, #tpu.memory_space<vmem>>
    %dma_wait3A_501 = arith.constant 0 : i32
    %dma_wait3A_502 = tpu.memref_slice %arg2[%add3A_32, %add3A_338, %dma_wait3A_501] : memref<32x500x3000xf32, #tpu.memory_space<hbm>> -> memref<1x1x3000xf32, #tpu.memory_space<hbm>>
    %dma_wait3A_503 = tpu.memref_squeeze %dma_wait3A_502 : memref<1x1x3000xf32, #tpu.memory_space<hbm>> -> memref<3000xf32, #tpu.memory_space<hbm>>
    %dma_wait3A_504 = arith.constant 0 : i32
    %dma_wait3A_505 = tpu.memref_slice %arg5[%dma_wait3A_497, %dma_wait3A_504] : memref<8x3000xf32, #tpu.memory_space<vmem>> -> memref<1x3000xf32, #tpu.memory_space<vmem>>
    %dma_wait3A_506 = tpu.memref_squeeze %dma_wait3A_505 : memref<1x3000xf32, #tpu.memory_space<vmem>> -> memref<3000xf32, #tpu.memory_space<vmem>>
    %dma_wait3A_507 = arith.constant 0 : i32
    %dma_wait3A_508 = tpu.memref_slice %arg2[%add3A_32, %add3A_338, %dma_wait3A_507] : memref<32x500x3000xf32, #tpu.memory_space<hbm>> -> memref<1x1x3000xf32, #tpu.memory_space<hbm>>
    %dma_wait3A_509 = tpu.memref_squeeze %dma_wait3A_508 : memref<1x1x3000xf32, #tpu.memory_space<hbm>> -> memref<3000xf32, #tpu.memory_space<hbm>>
    tpu.wait_dma2 semaphore(%arg7 : memref<!tpu.dma_semaphore, #tpu.memory_space<semaphore_mem>>) src(%dma_wait3A_509 : memref<3000xf32, #tpu.memory_space<hbm>>) dst(%dma_wait3A_506 : memref<3000xf32, #tpu.memory_space<vmem>>)
    %dma_wait3A_510 = arith.constant 2 : i32
    %dma_wait3A_511 = arith.constant 0 : i32
    %dma_wait3A_512 = tpu.memref_slice %arg5[%dma_wait3A_510, %dma_wait3A_511] : memref<8x3000xf32, #tpu.memory_space<vmem>> -> memref<1x3000xf32, #tpu.memory_space<vmem>>
    %dma_wait3A_513 = tpu.memref_squeeze %dma_wait3A_512 : memref<1x3000xf32, #tpu.memory_space<vmem>> -> memref<3000xf32, #tpu.memory_space<vmem>>
    %dma_wait3A_514 = arith.constant 0 : i32
    %dma_wait3A_515 = tpu.memref_slice %arg2[%add3A_32, %add3A_359, %dma_wait3A_514] : memref<32x500x3000xf32, #tpu.memory_space<hbm>> -> memref<1x1x3000xf32, #tpu.memory_space<hbm>>
    %dma_wait3A_516 = tpu.memref_squeeze %dma_wait3A_515 : memref<1x1x3000xf32, #tpu.memory_space<hbm>> -> memref<3000xf32, #tpu.memory_space<hbm>>
    %dma_wait3A_517 = arith.constant 0 : i32
    %dma_wait3A_518 = tpu.memref_slice %arg5[%dma_wait3A_510, %dma_wait3A_517] : memref<8x3000xf32, #tpu.memory_space<vmem>> -> memref<1x3000xf32, #tpu.memory_space<vmem>>
    %dma_wait3A_519 = tpu.memref_squeeze %dma_wait3A_518 : memref<1x3000xf32, #tpu.memory_space<vmem>> -> memref<3000xf32, #tpu.memory_space<vmem>>
    %dma_wait3A_520 = arith.constant 0 : i32
    %dma_wait3A_521 = tpu.memref_slice %arg2[%add3A_32, %add3A_359, %dma_wait3A_520] : memref<32x500x3000xf32, #tpu.memory_space<hbm>> -> memref<1x1x3000xf32, #tpu.memory_space<hbm>>
    %dma_wait3A_522 = tpu.memref_squeeze %dma_wait3A_521 : memref<1x1x3000xf32, #tpu.memory_space<hbm>> -> memref<3000xf32, #tpu.memory_space<hbm>>
    tpu.wait_dma2 semaphore(%arg7 : memref<!tpu.dma_semaphore, #tpu.memory_space<semaphore_mem>>) src(%dma_wait3A_522 : memref<3000xf32, #tpu.memory_space<hbm>>) dst(%dma_wait3A_519 : memref<3000xf32, #tpu.memory_space<vmem>>)
    %dma_wait3A_523 = arith.constant 3 : i32
    %dma_wait3A_524 = arith.constant 0 : i32
    %dma_wait3A_525 = tpu.memref_slice %arg5[%dma_wait3A_523, %dma_wait3A_524] : memref<8x3000xf32, #tpu.memory_space<vmem>> -> memref<1x3000xf32, #tpu.memory_space<vmem>>
    %dma_wait3A_526 = tpu.memref_squeeze %dma_wait3A_525 : memref<1x3000xf32, #tpu.memory_space<vmem>> -> memref<3000xf32, #tpu.memory_space<vmem>>
    %dma_wait3A_527 = arith.constant 0 : i32
    %dma_wait3A_528 = tpu.memref_slice %arg2[%add3A_32, %add3A_380, %dma_wait3A_527] : memref<32x500x3000xf32, #tpu.memory_space<hbm>> -> memref<1x1x3000xf32, #tpu.memory_space<hbm>>
    %dma_wait3A_529 = tpu.memref_squeeze %dma_wait3A_528 : memref<1x1x3000xf32, #tpu.memory_space<hbm>> -> memref<3000xf32, #tpu.memory_space<hbm>>
    %dma_wait3A_530 = arith.constant 0 : i32
    %dma_wait3A_531 = tpu.memref_slice %arg5[%dma_wait3A_523, %dma_wait3A_530] : memref<8x3000xf32, #tpu.memory_space<vmem>> -> memref<1x3000xf32, #tpu.memory_space<vmem>>
    %dma_wait3A_532 = tpu.memref_squeeze %dma_wait3A_531 : memref<1x3000xf32, #tpu.memory_space<vmem>> -> memref<3000xf32, #tpu.memory_space<vmem>>
    %dma_wait3A_533 = arith.constant 0 : i32
    %dma_wait3A_534 = tpu.memref_slice %arg2[%add3A_32, %add3A_380, %dma_wait3A_533] : memref<32x500x3000xf32, #tpu.memory_space<hbm>> -> memref<1x1x3000xf32, #tpu.memory_space<hbm>>
    %dma_wait3A_535 = tpu.memref_squeeze %dma_wait3A_534 : memref<1x1x3000xf32, #tpu.memory_space<hbm>> -> memref<3000xf32, #tpu.memory_space<hbm>>
    tpu.wait_dma2 semaphore(%arg7 : memref<!tpu.dma_semaphore, #tpu.memory_space<semaphore_mem>>) src(%dma_wait3A_535 : memref<3000xf32, #tpu.memory_space<hbm>>) dst(%dma_wait3A_532 : memref<3000xf32, #tpu.memory_space<vmem>>)
    %dma_wait3A_536 = arith.constant 4 : i32
    %dma_wait3A_537 = arith.constant 0 : i32
    %dma_wait3A_538 = tpu.memref_slice %arg5[%dma_wait3A_536, %dma_wait3A_537] : memref<8x3000xf32, #tpu.memory_space<vmem>> -> memref<1x3000xf32, #tpu.memory_space<vmem>>
    %dma_wait3A_539 = tpu.memref_squeeze %dma_wait3A_538 : memref<1x3000xf32, #tpu.memory_space<vmem>> -> memref<3000xf32, #tpu.memory_space<vmem>>
    %dma_wait3A_540 = arith.constant 0 : i32
    %dma_wait3A_541 = tpu.memref_slice %arg2[%add3A_32, %add3A_401, %dma_wait3A_540] : memref<32x500x3000xf32, #tpu.memory_space<hbm>> -> memref<1x1x3000xf32, #tpu.memory_space<hbm>>
    %dma_wait3A_542 = tpu.memref_squeeze %dma_wait3A_541 : memref<1x1x3000xf32, #tpu.memory_space<hbm>> -> memref<3000xf32, #tpu.memory_space<hbm>>
    %dma_wait3A_543 = arith.constant 0 : i32
    %dma_wait3A_544 = tpu.memref_slice %arg5[%dma_wait3A_536, %dma_wait3A_543] : memref<8x3000xf32, #tpu.memory_space<vmem>> -> memref<1x3000xf32, #tpu.memory_space<vmem>>
    %dma_wait3A_545 = tpu.memref_squeeze %dma_wait3A_544 : memref<1x3000xf32, #tpu.memory_space<vmem>> -> memref<3000xf32, #tpu.memory_space<vmem>>
    %dma_wait3A_546 = arith.constant 0 : i32
    %dma_wait3A_547 = tpu.memref_slice %arg2[%add3A_32, %add3A_401, %dma_wait3A_546] : memref<32x500x3000xf32, #tpu.memory_space<hbm>> -> memref<1x1x3000xf32, #tpu.memory_space<hbm>>
    %dma_wait3A_548 = tpu.memref_squeeze %dma_wait3A_547 : memref<1x1x3000xf32, #tpu.memory_space<hbm>> -> memref<3000xf32, #tpu.memory_space<hbm>>
    tpu.wait_dma2 semaphore(%arg7 : memref<!tpu.dma_semaphore, #tpu.memory_space<semaphore_mem>>) src(%dma_wait3A_548 : memref<3000xf32, #tpu.memory_space<hbm>>) dst(%dma_wait3A_545 : memref<3000xf32, #tpu.memory_space<vmem>>)
    %dma_wait3A_549 = arith.constant 5 : i32
    %dma_wait3A_550 = arith.constant 0 : i32
    %dma_wait3A_551 = tpu.memref_slice %arg5[%dma_wait3A_549, %dma_wait3A_550] : memref<8x3000xf32, #tpu.memory_space<vmem>> -> memref<1x3000xf32, #tpu.memory_space<vmem>>
    %dma_wait3A_552 = tpu.memref_squeeze %dma_wait3A_551 : memref<1x3000xf32, #tpu.memory_space<vmem>> -> memref<3000xf32, #tpu.memory_space<vmem>>
    %dma_wait3A_553 = arith.constant 0 : i32
    %dma_wait3A_554 = tpu.memref_slice %arg2[%add3A_32, %add3A_422, %dma_wait3A_553] : memref<32x500x3000xf32, #tpu.memory_space<hbm>> -> memref<1x1x3000xf32, #tpu.memory_space<hbm>>
    %dma_wait3A_555 = tpu.memref_squeeze %dma_wait3A_554 : memref<1x1x3000xf32, #tpu.memory_space<hbm>> -> memref<3000xf32, #tpu.memory_space<hbm>>
    %dma_wait3A_556 = arith.constant 0 : i32
    %dma_wait3A_557 = tpu.memref_slice %arg5[%dma_wait3A_549, %dma_wait3A_556] : memref<8x3000xf32, #tpu.memory_space<vmem>> -> memref<1x3000xf32, #tpu.memory_space<vmem>>
    %dma_wait3A_558 = tpu.memref_squeeze %dma_wait3A_557 : memref<1x3000xf32, #tpu.memory_space<vmem>> -> memref<3000xf32, #tpu.memory_space<vmem>>
    %dma_wait3A_559 = arith.constant 0 : i32
    %dma_wait3A_560 = tpu.memref_slice %arg2[%add3A_32, %add3A_422, %dma_wait3A_559] : memref<32x500x3000xf32, #tpu.memory_space<hbm>> -> memref<1x1x3000xf32, #tpu.memory_space<hbm>>
    %dma_wait3A_561 = tpu.memref_squeeze %dma_wait3A_560 : memref<1x1x3000xf32, #tpu.memory_space<hbm>> -> memref<3000xf32, #tpu.memory_space<hbm>>
    tpu.wait_dma2 semaphore(%arg7 : memref<!tpu.dma_semaphore, #tpu.memory_space<semaphore_mem>>) src(%dma_wait3A_561 : memref<3000xf32, #tpu.memory_space<hbm>>) dst(%dma_wait3A_558 : memref<3000xf32, #tpu.memory_space<vmem>>)
    %dma_wait3A_562 = arith.constant 6 : i32
    %dma_wait3A_563 = arith.constant 0 : i32
    %dma_wait3A_564 = tpu.memref_slice %arg5[%dma_wait3A_562, %dma_wait3A_563] : memref<8x3000xf32, #tpu.memory_space<vmem>> -> memref<1x3000xf32, #tpu.memory_space<vmem>>
    %dma_wait3A_565 = tpu.memref_squeeze %dma_wait3A_564 : memref<1x3000xf32, #tpu.memory_space<vmem>> -> memref<3000xf32, #tpu.memory_space<vmem>>
    %dma_wait3A_566 = arith.constant 0 : i32
    %dma_wait3A_567 = tpu.memref_slice %arg2[%add3A_32, %add3A_443, %dma_wait3A_566] : memref<32x500x3000xf32, #tpu.memory_space<hbm>> -> memref<1x1x3000xf32, #tpu.memory_space<hbm>>
    %dma_wait3A_568 = tpu.memref_squeeze %dma_wait3A_567 : memref<1x1x3000xf32, #tpu.memory_space<hbm>> -> memref<3000xf32, #tpu.memory_space<hbm>>
    %dma_wait3A_569 = arith.constant 0 : i32
    %dma_wait3A_570 = tpu.memref_slice %arg5[%dma_wait3A_562, %dma_wait3A_569] : memref<8x3000xf32, #tpu.memory_space<vmem>> -> memref<1x3000xf32, #tpu.memory_space<vmem>>
    %dma_wait3A_571 = tpu.memref_squeeze %dma_wait3A_570 : memref<1x3000xf32, #tpu.memory_space<vmem>> -> memref<3000xf32, #tpu.memory_space<vmem>>
    %dma_wait3A_572 = arith.constant 0 : i32
    %dma_wait3A_573 = tpu.memref_slice %arg2[%add3A_32, %add3A_443, %dma_wait3A_572] : memref<32x500x3000xf32, #tpu.memory_space<hbm>> -> memref<1x1x3000xf32, #tpu.memory_space<hbm>>
    %dma_wait3A_574 = tpu.memref_squeeze %dma_wait3A_573 : memref<1x1x3000xf32, #tpu.memory_space<hbm>> -> memref<3000xf32, #tpu.memory_space<hbm>>
    tpu.wait_dma2 semaphore(%arg7 : memref<!tpu.dma_semaphore, #tpu.memory_space<semaphore_mem>>) src(%dma_wait3A_574 : memref<3000xf32, #tpu.memory_space<hbm>>) dst(%dma_wait3A_571 : memref<3000xf32, #tpu.memory_space<vmem>>)
    %dma_wait3A_575 = arith.constant 7 : i32
    %dma_wait3A_576 = arith.constant 0 : i32
    %dma_wait3A_577 = tpu.memref_slice %arg5[%dma_wait3A_575, %dma_wait3A_576] : memref<8x3000xf32, #tpu.memory_space<vmem>> -> memref<1x3000xf32, #tpu.memory_space<vmem>>
    %dma_wait3A_578 = tpu.memref_squeeze %dma_wait3A_577 : memref<1x3000xf32, #tpu.memory_space<vmem>> -> memref<3000xf32, #tpu.memory_space<vmem>>
    %dma_wait3A_579 = arith.constant 0 : i32
    %dma_wait3A_580 = tpu.memref_slice %arg2[%add3A_32, %add3A_464, %dma_wait3A_579] : memref<32x500x3000xf32, #tpu.memory_space<hbm>> -> memref<1x1x3000xf32, #tpu.memory_space<hbm>>
    %dma_wait3A_581 = tpu.memref_squeeze %dma_wait3A_580 : memref<1x1x3000xf32, #tpu.memory_space<hbm>> -> memref<3000xf32, #tpu.memory_space<hbm>>
    %dma_wait3A_582 = arith.constant 0 : i32
    %dma_wait3A_583 = tpu.memref_slice %arg5[%dma_wait3A_575, %dma_wait3A_582] : memref<8x3000xf32, #tpu.memory_space<vmem>> -> memref<1x3000xf32, #tpu.memory_space<vmem>>
    %dma_wait3A_584 = tpu.memref_squeeze %dma_wait3A_583 : memref<1x3000xf32, #tpu.memory_space<vmem>> -> memref<3000xf32, #tpu.memory_space<vmem>>
    %dma_wait3A_585 = arith.constant 0 : i32
    %dma_wait3A_586 = tpu.memref_slice %arg2[%add3A_32, %add3A_464, %dma_wait3A_585] : memref<32x500x3000xf32, #tpu.memory_space<hbm>> -> memref<1x1x3000xf32, #tpu.memory_space<hbm>>
    %dma_wait3A_587 = tpu.memref_squeeze %dma_wait3A_586 : memref<1x1x3000xf32, #tpu.memory_space<hbm>> -> memref<3000xf32, #tpu.memory_space<hbm>>
    tpu.wait_dma2 semaphore(%arg7 : memref<!tpu.dma_semaphore, #tpu.memory_space<semaphore_mem>>) src(%dma_wait3A_587 : memref<3000xf32, #tpu.memory_space<hbm>>) dst(%dma_wait3A_584 : memref<3000xf32, #tpu.memory_space<vmem>>)
    %dma_wait3A_588 = arith.constant 0 : i32
    %dma_wait3A_589 = tpu.memref_slice %arg3[%add3A_479, %dma_wait3A_588] : memref<1792x3000xf32, #tpu.memory_space<hbm>> -> memref<8x3000xf32, #tpu.memory_space<hbm>>
    %dma_wait3A_590 = arith.constant 0 : i32
    %dma_wait3A_591 = tpu.memref_slice %arg3[%add3A_479, %dma_wait3A_590] : memref<1792x3000xf32, #tpu.memory_space<hbm>> -> memref<8x3000xf32, #tpu.memory_space<hbm>>
    tpu.wait_dma2 semaphore(%arg8 : memref<!tpu.dma_semaphore, #tpu.memory_space<semaphore_mem>>) src(%arg4 : memref<8x3000xf32, #tpu.memory_space<vmem>>) dst(%dma_wait3A_591 : memref<8x3000xf32, #tpu.memory_space<hbm>>)
    %add3A_592 = arith.constant 16 : i32
    %add3A_593 = arith.addi %mul3A_39, %add3A_592 : i32
    %add3A_594 = arith.constant 0 : i32
    %add3A_595 = arith.addi %add3A_593, %add3A_594 : i32
    %mul3A_596 = arith.constant 5 : i32
    %mul3A_597 = arith.muli %mul3A_596, %add3A_595 : i32
    %add3A_598 = arith.constant 4 : i32
    %add3A_599 = arith.addi %mul3A_597, %add3A_598 : i32
    %dma_start3A_600 = arith.constant 0 : i32
    %dma_start3A_601 = arith.constant 0 : i32
    %dma_start3A_602 = tpu.memref_slice %arg4[%dma_start3A_600, %dma_start3A_601] : memref<8x3000xf32, #tpu.memory_space<vmem>> -> memref<1x3000xf32, #tpu.memory_space<vmem>>
    %dma_start3A_603 = tpu.memref_squeeze %dma_start3A_602 : memref<1x3000xf32, #tpu.memory_space<vmem>> -> memref<3000xf32, #tpu.memory_space<vmem>>
    %dma_start3A_604 = arith.constant 0 : i32
    %dma_start3A_605 = tpu.memref_slice %arg2[%add3A_32, %add3A_599, %dma_start3A_604] : memref<32x500x3000xf32, #tpu.memory_space<hbm>> -> memref<1x1x3000xf32, #tpu.memory_space<hbm>>
    %dma_start3A_606 = tpu.memref_squeeze %dma_start3A_605 : memref<1x1x3000xf32, #tpu.memory_space<hbm>> -> memref<3000xf32, #tpu.memory_space<hbm>>
    %dma_start3A_607 = arith.constant 0 : i32
    %dma_start3A_608 = tpu.memref_slice %arg4[%dma_start3A_600, %dma_start3A_607] : memref<8x3000xf32, #tpu.memory_space<vmem>> -> memref<1x3000xf32, #tpu.memory_space<vmem>>
    %dma_start3A_609 = tpu.memref_squeeze %dma_start3A_608 : memref<1x3000xf32, #tpu.memory_space<vmem>> -> memref<3000xf32, #tpu.memory_space<vmem>>
    %dma_start3A_610 = arith.constant 0 : i32
    %dma_start3A_611 = tpu.memref_slice %arg2[%add3A_32, %add3A_599, %dma_start3A_610] : memref<32x500x3000xf32, #tpu.memory_space<hbm>> -> memref<1x1x3000xf32, #tpu.memory_space<hbm>>
    %dma_start3A_612 = tpu.memref_squeeze %dma_start3A_611 : memref<1x1x3000xf32, #tpu.memory_space<hbm>> -> memref<3000xf32, #tpu.memory_space<hbm>>
    tpu.enqueue_dma source(%dma_start3A_612 : memref<3000xf32, #tpu.memory_space<hbm>>) target(%dma_start3A_609 : memref<3000xf32, #tpu.memory_space<vmem>>) target_semaphore(%arg6 : memref<!tpu.dma_semaphore, #tpu.memory_space<semaphore_mem>>)
    %add3A_613 = arith.constant 16 : i32
    %add3A_614 = arith.addi %mul3A_39, %add3A_613 : i32
    %add3A_615 = arith.constant 1 : i32
    %add3A_616 = arith.addi %add3A_614, %add3A_615 : i32
    %mul3A_617 = arith.constant 5 : i32
    %mul3A_618 = arith.muli %mul3A_617, %add3A_616 : i32
    %add3A_619 = arith.constant 4 : i32
    %add3A_620 = arith.addi %mul3A_618, %add3A_619 : i32
    %dma_start3A_621 = arith.constant 1 : i32
    %dma_start3A_622 = arith.constant 0 : i32
    %dma_start3A_623 = tpu.memref_slice %arg4[%dma_start3A_621, %dma_start3A_622] : memref<8x3000xf32, #tpu.memory_space<vmem>> -> memref<1x3000xf32, #tpu.memory_space<vmem>>
    %dma_start3A_624 = tpu.memref_squeeze %dma_start3A_623 : memref<1x3000xf32, #tpu.memory_space<vmem>> -> memref<3000xf32, #tpu.memory_space<vmem>>
    %dma_start3A_625 = arith.constant 0 : i32
    %dma_start3A_626 = tpu.memref_slice %arg2[%add3A_32, %add3A_620, %dma_start3A_625] : memref<32x500x3000xf32, #tpu.memory_space<hbm>> -> memref<1x1x3000xf32, #tpu.memory_space<hbm>>
    %dma_start3A_627 = tpu.memref_squeeze %dma_start3A_626 : memref<1x1x3000xf32, #tpu.memory_space<hbm>> -> memref<3000xf32, #tpu.memory_space<hbm>>
    %dma_start3A_628 = arith.constant 0 : i32
    %dma_start3A_629 = tpu.memref_slice %arg4[%dma_start3A_621, %dma_start3A_628] : memref<8x3000xf32, #tpu.memory_space<vmem>> -> memref<1x3000xf32, #tpu.memory_space<vmem>>
    %dma_start3A_630 = tpu.memref_squeeze %dma_start3A_629 : memref<1x3000xf32, #tpu.memory_space<vmem>> -> memref<3000xf32, #tpu.memory_space<vmem>>
    %dma_start3A_631 = arith.constant 0 : i32
    %dma_start3A_632 = tpu.memref_slice %arg2[%add3A_32, %add3A_620, %dma_start3A_631] : memref<32x500x3000xf32, #tpu.memory_space<hbm>> -> memref<1x1x3000xf32, #tpu.memory_space<hbm>>
    %dma_start3A_633 = tpu.memref_squeeze %dma_start3A_632 : memref<1x1x3000xf32, #tpu.memory_space<hbm>> -> memref<3000xf32, #tpu.memory_space<hbm>>
    tpu.enqueue_dma source(%dma_start3A_633 : memref<3000xf32, #tpu.memory_space<hbm>>) target(%dma_start3A_630 : memref<3000xf32, #tpu.memory_space<vmem>>) target_semaphore(%arg6 : memref<!tpu.dma_semaphore, #tpu.memory_space<semaphore_mem>>)
    %add3A_634 = arith.constant 16 : i32
    %add3A_635 = arith.addi %mul3A_39, %add3A_634 : i32
    %add3A_636 = arith.constant 2 : i32
    %add3A_637 = arith.addi %add3A_635, %add3A_636 : i32
    %mul3A_638 = arith.constant 5 : i32
    %mul3A_639 = arith.muli %mul3A_638, %add3A_637 : i32
    %add3A_640 = arith.constant 4 : i32
    %add3A_641 = arith.addi %mul3A_639, %add3A_640 : i32
    %dma_start3A_642 = arith.constant 2 : i32
    %dma_start3A_643 = arith.constant 0 : i32
    %dma_start3A_644 = tpu.memref_slice %arg4[%dma_start3A_642, %dma_start3A_643] : memref<8x3000xf32, #tpu.memory_space<vmem>> -> memref<1x3000xf32, #tpu.memory_space<vmem>>
    %dma_start3A_645 = tpu.memref_squeeze %dma_start3A_644 : memref<1x3000xf32, #tpu.memory_space<vmem>> -> memref<3000xf32, #tpu.memory_space<vmem>>
    %dma_start3A_646 = arith.constant 0 : i32
    %dma_start3A_647 = tpu.memref_slice %arg2[%add3A_32, %add3A_641, %dma_start3A_646] : memref<32x500x3000xf32, #tpu.memory_space<hbm>> -> memref<1x1x3000xf32, #tpu.memory_space<hbm>>
    %dma_start3A_648 = tpu.memref_squeeze %dma_start3A_647 : memref<1x1x3000xf32, #tpu.memory_space<hbm>> -> memref<3000xf32, #tpu.memory_space<hbm>>
    %dma_start3A_649 = arith.constant 0 : i32
    %dma_start3A_650 = tpu.memref_slice %arg4[%dma_start3A_642, %dma_start3A_649] : memref<8x3000xf32, #tpu.memory_space<vmem>> -> memref<1x3000xf32, #tpu.memory_space<vmem>>
    %dma_start3A_651 = tpu.memref_squeeze %dma_start3A_650 : memref<1x3000xf32, #tpu.memory_space<vmem>> -> memref<3000xf32, #tpu.memory_space<vmem>>
    %dma_start3A_652 = arith.constant 0 : i32
    %dma_start3A_653 = tpu.memref_slice %arg2[%add3A_32, %add3A_641, %dma_start3A_652] : memref<32x500x3000xf32, #tpu.memory_space<hbm>> -> memref<1x1x3000xf32, #tpu.memory_space<hbm>>
    %dma_start3A_654 = tpu.memref_squeeze %dma_start3A_653 : memref<1x1x3000xf32, #tpu.memory_space<hbm>> -> memref<3000xf32, #tpu.memory_space<hbm>>
    tpu.enqueue_dma source(%dma_start3A_654 : memref<3000xf32, #tpu.memory_space<hbm>>) target(%dma_start3A_651 : memref<3000xf32, #tpu.memory_space<vmem>>) target_semaphore(%arg6 : memref<!tpu.dma_semaphore, #tpu.memory_space<semaphore_mem>>)
    %add3A_655 = arith.constant 16 : i32
    %add3A_656 = arith.addi %mul3A_39, %add3A_655 : i32
    %add3A_657 = arith.constant 3 : i32
    %add3A_658 = arith.addi %add3A_656, %add3A_657 : i32
    %mul3A_659 = arith.constant 5 : i32
    %mul3A_660 = arith.muli %mul3A_659, %add3A_658 : i32
    %add3A_661 = arith.constant 4 : i32
    %add3A_662 = arith.addi %mul3A_660, %add3A_661 : i32
    %dma_start3A_663 = arith.constant 3 : i32
    %dma_start3A_664 = arith.constant 0 : i32
    %dma_start3A_665 = tpu.memref_slice %arg4[%dma_start3A_663, %dma_start3A_664] : memref<8x3000xf32, #tpu.memory_space<vmem>> -> memref<1x3000xf32, #tpu.memory_space<vmem>>
    %dma_start3A_666 = tpu.memref_squeeze %dma_start3A_665 : memref<1x3000xf32, #tpu.memory_space<vmem>> -> memref<3000xf32, #tpu.memory_space<vmem>>
    %dma_start3A_667 = arith.constant 0 : i32
    %dma_start3A_668 = tpu.memref_slice %arg2[%add3A_32, %add3A_662, %dma_start3A_667] : memref<32x500x3000xf32, #tpu.memory_space<hbm>> -> memref<1x1x3000xf32, #tpu.memory_space<hbm>>
    %dma_start3A_669 = tpu.memref_squeeze %dma_start3A_668 : memref<1x1x3000xf32, #tpu.memory_space<hbm>> -> memref<3000xf32, #tpu.memory_space<hbm>>
    %dma_start3A_670 = arith.constant 0 : i32
    %dma_start3A_671 = tpu.memref_slice %arg4[%dma_start3A_663, %dma_start3A_670] : memref<8x3000xf32, #tpu.memory_space<vmem>> -> memref<1x3000xf32, #tpu.memory_space<vmem>>
    %dma_start3A_672 = tpu.memref_squeeze %dma_start3A_671 : memref<1x3000xf32, #tpu.memory_space<vmem>> -> memref<3000xf32, #tpu.memory_space<vmem>>
    %dma_start3A_673 = arith.constant 0 : i32
    %dma_start3A_674 = tpu.memref_slice %arg2[%add3A_32, %add3A_662, %dma_start3A_673] : memref<32x500x3000xf32, #tpu.memory_space<hbm>> -> memref<1x1x3000xf32, #tpu.memory_space<hbm>>
    %dma_start3A_675 = tpu.memref_squeeze %dma_start3A_674 : memref<1x1x3000xf32, #tpu.memory_space<hbm>> -> memref<3000xf32, #tpu.memory_space<hbm>>
    tpu.enqueue_dma source(%dma_start3A_675 : memref<3000xf32, #tpu.memory_space<hbm>>) target(%dma_start3A_672 : memref<3000xf32, #tpu.memory_space<vmem>>) target_semaphore(%arg6 : memref<!tpu.dma_semaphore, #tpu.memory_space<semaphore_mem>>)
    %add3A_676 = arith.constant 16 : i32
    %add3A_677 = arith.addi %mul3A_39, %add3A_676 : i32
    %add3A_678 = arith.constant 4 : i32
    %add3A_679 = arith.addi %add3A_677, %add3A_678 : i32
    %mul3A_680 = arith.constant 5 : i32
    %mul3A_681 = arith.muli %mul3A_680, %add3A_679 : i32
    %add3A_682 = arith.constant 4 : i32
    %add3A_683 = arith.addi %mul3A_681, %add3A_682 : i32
    %dma_start3A_684 = arith.constant 4 : i32
    %dma_start3A_685 = arith.constant 0 : i32
    %dma_start3A_686 = tpu.memref_slice %arg4[%dma_start3A_684, %dma_start3A_685] : memref<8x3000xf32, #tpu.memory_space<vmem>> -> memref<1x3000xf32, #tpu.memory_space<vmem>>
    %dma_start3A_687 = tpu.memref_squeeze %dma_start3A_686 : memref<1x3000xf32, #tpu.memory_space<vmem>> -> memref<3000xf32, #tpu.memory_space<vmem>>
    %dma_start3A_688 = arith.constant 0 : i32
    %dma_start3A_689 = tpu.memref_slice %arg2[%add3A_32, %add3A_683, %dma_start3A_688] : memref<32x500x3000xf32, #tpu.memory_space<hbm>> -> memref<1x1x3000xf32, #tpu.memory_space<hbm>>
    %dma_start3A_690 = tpu.memref_squeeze %dma_start3A_689 : memref<1x1x3000xf32, #tpu.memory_space<hbm>> -> memref<3000xf32, #tpu.memory_space<hbm>>
    %dma_start3A_691 = arith.constant 0 : i32
    %dma_start3A_692 = tpu.memref_slice %arg4[%dma_start3A_684, %dma_start3A_691] : memref<8x3000xf32, #tpu.memory_space<vmem>> -> memref<1x3000xf32, #tpu.memory_space<vmem>>
    %dma_start3A_693 = tpu.memref_squeeze %dma_start3A_692 : memref<1x3000xf32, #tpu.memory_space<vmem>> -> memref<3000xf32, #tpu.memory_space<vmem>>
    %dma_start3A_694 = arith.constant 0 : i32
    %dma_start3A_695 = tpu.memref_slice %arg2[%add3A_32, %add3A_683, %dma_start3A_694] : memref<32x500x3000xf32, #tpu.memory_space<hbm>> -> memref<1x1x3000xf32, #tpu.memory_space<hbm>>
    %dma_start3A_696 = tpu.memref_squeeze %dma_start3A_695 : memref<1x1x3000xf32, #tpu.memory_space<hbm>> -> memref<3000xf32, #tpu.memory_space<hbm>>
    tpu.enqueue_dma source(%dma_start3A_696 : memref<3000xf32, #tpu.memory_space<hbm>>) target(%dma_start3A_693 : memref<3000xf32, #tpu.memory_space<vmem>>) target_semaphore(%arg6 : memref<!tpu.dma_semaphore, #tpu.memory_space<semaphore_mem>>)
    %add3A_697 = arith.constant 16 : i32
    %add3A_698 = arith.addi %mul3A_39, %add3A_697 : i32
    %add3A_699 = arith.constant 5 : i32
    %add3A_700 = arith.addi %add3A_698, %add3A_699 : i32
    %mul3A_701 = arith.constant 5 : i32
    %mul3A_702 = arith.muli %mul3A_701, %add3A_700 : i32
    %add3A_703 = arith.constant 4 : i32
    %add3A_704 = arith.addi %mul3A_702, %add3A_703 : i32
    %dma_start3A_705 = arith.constant 5 : i32
    %dma_start3A_706 = arith.constant 0 : i32
    %dma_start3A_707 = tpu.memref_slice %arg4[%dma_start3A_705, %dma_start3A_706] : memref<8x3000xf32, #tpu.memory_space<vmem>> -> memref<1x3000xf32, #tpu.memory_space<vmem>>
    %dma_start3A_708 = tpu.memref_squeeze %dma_start3A_707 : memref<1x3000xf32, #tpu.memory_space<vmem>> -> memref<3000xf32, #tpu.memory_space<vmem>>
    %dma_start3A_709 = arith.constant 0 : i32
    %dma_start3A_710 = tpu.memref_slice %arg2[%add3A_32, %add3A_704, %dma_start3A_709] : memref<32x500x3000xf32, #tpu.memory_space<hbm>> -> memref<1x1x3000xf32, #tpu.memory_space<hbm>>
    %dma_start3A_711 = tpu.memref_squeeze %dma_start3A_710 : memref<1x1x3000xf32, #tpu.memory_space<hbm>> -> memref<3000xf32, #tpu.memory_space<hbm>>
    %dma_start3A_712 = arith.constant 0 : i32
    %dma_start3A_713 = tpu.memref_slice %arg4[%dma_start3A_705, %dma_start3A_712] : memref<8x3000xf32, #tpu.memory_space<vmem>> -> memref<1x3000xf32, #tpu.memory_space<vmem>>
    %dma_start3A_714 = tpu.memref_squeeze %dma_start3A_713 : memref<1x3000xf32, #tpu.memory_space<vmem>> -> memref<3000xf32, #tpu.memory_space<vmem>>
    %dma_start3A_715 = arith.constant 0 : i32
    %dma_start3A_716 = tpu.memref_slice %arg2[%add3A_32, %add3A_704, %dma_start3A_715] : memref<32x500x3000xf32, #tpu.memory_space<hbm>> -> memref<1x1x3000xf32, #tpu.memory_space<hbm>>
    %dma_start3A_717 = tpu.memref_squeeze %dma_start3A_716 : memref<1x1x3000xf32, #tpu.memory_space<hbm>> -> memref<3000xf32, #tpu.memory_space<hbm>>
    tpu.enqueue_dma source(%dma_start3A_717 : memref<3000xf32, #tpu.memory_space<hbm>>) target(%dma_start3A_714 : memref<3000xf32, #tpu.memory_space<vmem>>) target_semaphore(%arg6 : memref<!tpu.dma_semaphore, #tpu.memory_space<semaphore_mem>>)
    %add3A_718 = arith.constant 16 : i32
    %add3A_719 = arith.addi %mul3A_39, %add3A_718 : i32
    %add3A_720 = arith.constant 6 : i32
    %add3A_721 = arith.addi %add3A_719, %add3A_720 : i32
    %mul3A_722 = arith.constant 5 : i32
    %mul3A_723 = arith.muli %mul3A_722, %add3A_721 : i32
    %add3A_724 = arith.constant 4 : i32
    %add3A_725 = arith.addi %mul3A_723, %add3A_724 : i32
    %dma_start3A_726 = arith.constant 6 : i32
    %dma_start3A_727 = arith.constant 0 : i32
    %dma_start3A_728 = tpu.memref_slice %arg4[%dma_start3A_726, %dma_start3A_727] : memref<8x3000xf32, #tpu.memory_space<vmem>> -> memref<1x3000xf32, #tpu.memory_space<vmem>>
    %dma_start3A_729 = tpu.memref_squeeze %dma_start3A_728 : memref<1x3000xf32, #tpu.memory_space<vmem>> -> memref<3000xf32, #tpu.memory_space<vmem>>
    %dma_start3A_730 = arith.constant 0 : i32
    %dma_start3A_731 = tpu.memref_slice %arg2[%add3A_32, %add3A_725, %dma_start3A_730] : memref<32x500x3000xf32, #tpu.memory_space<hbm>> -> memref<1x1x3000xf32, #tpu.memory_space<hbm>>
    %dma_start3A_732 = tpu.memref_squeeze %dma_start3A_731 : memref<1x1x3000xf32, #tpu.memory_space<hbm>> -> memref<3000xf32, #tpu.memory_space<hbm>>
    %dma_start3A_733 = arith.constant 0 : i32
    %dma_start3A_734 = tpu.memref_slice %arg4[%dma_start3A_726, %dma_start3A_733] : memref<8x3000xf32, #tpu.memory_space<vmem>> -> memref<1x3000xf32, #tpu.memory_space<vmem>>
    %dma_start3A_735 = tpu.memref_squeeze %dma_start3A_734 : memref<1x3000xf32, #tpu.memory_space<vmem>> -> memref<3000xf32, #tpu.memory_space<vmem>>
    %dma_start3A_736 = arith.constant 0 : i32
    %dma_start3A_737 = tpu.memref_slice %arg2[%add3A_32, %add3A_725, %dma_start3A_736] : memref<32x500x3000xf32, #tpu.memory_space<hbm>> -> memref<1x1x3000xf32, #tpu.memory_space<hbm>>
    %dma_start3A_738 = tpu.memref_squeeze %dma_start3A_737 : memref<1x1x3000xf32, #tpu.memory_space<hbm>> -> memref<3000xf32, #tpu.memory_space<hbm>>
    tpu.enqueue_dma source(%dma_start3A_738 : memref<3000xf32, #tpu.memory_space<hbm>>) target(%dma_start3A_735 : memref<3000xf32, #tpu.memory_space<vmem>>) target_semaphore(%arg6 : memref<!tpu.dma_semaphore, #tpu.memory_space<semaphore_mem>>)
    %add3A_739 = arith.constant 16 : i32
    %add3A_740 = arith.addi %mul3A_39, %add3A_739 : i32
    %add3A_741 = arith.constant 7 : i32
    %add3A_742 = arith.addi %add3A_740, %add3A_741 : i32
    %mul3A_743 = arith.constant 5 : i32
    %mul3A_744 = arith.muli %mul3A_743, %add3A_742 : i32
    %add3A_745 = arith.constant 4 : i32
    %add3A_746 = arith.addi %mul3A_744, %add3A_745 : i32
    %dma_start3A_747 = arith.constant 7 : i32
    %dma_start3A_748 = arith.constant 0 : i32
    %dma_start3A_749 = tpu.memref_slice %arg4[%dma_start3A_747, %dma_start3A_748] : memref<8x3000xf32, #tpu.memory_space<vmem>> -> memref<1x3000xf32, #tpu.memory_space<vmem>>
    %dma_start3A_750 = tpu.memref_squeeze %dma_start3A_749 : memref<1x3000xf32, #tpu.memory_space<vmem>> -> memref<3000xf32, #tpu.memory_space<vmem>>
    %dma_start3A_751 = arith.constant 0 : i32
    %dma_start3A_752 = tpu.memref_slice %arg2[%add3A_32, %add3A_746, %dma_start3A_751] : memref<32x500x3000xf32, #tpu.memory_space<hbm>> -> memref<1x1x3000xf32, #tpu.memory_space<hbm>>
    %dma_start3A_753 = tpu.memref_squeeze %dma_start3A_752 : memref<1x1x3000xf32, #tpu.memory_space<hbm>> -> memref<3000xf32, #tpu.memory_space<hbm>>
    %dma_start3A_754 = arith.constant 0 : i32
    %dma_start3A_755 = tpu.memref_slice %arg4[%dma_start3A_747, %dma_start3A_754] : memref<8x3000xf32, #tpu.memory_space<vmem>> -> memref<1x3000xf32, #tpu.memory_space<vmem>>
    %dma_start3A_756 = tpu.memref_squeeze %dma_start3A_755 : memref<1x3000xf32, #tpu.memory_space<vmem>> -> memref<3000xf32, #tpu.memory_space<vmem>>
    %dma_start3A_757 = arith.constant 0 : i32
    %dma_start3A_758 = tpu.memref_slice %arg2[%add3A_32, %add3A_746, %dma_start3A_757] : memref<32x500x3000xf32, #tpu.memory_space<hbm>> -> memref<1x1x3000xf32, #tpu.memory_space<hbm>>
    %dma_start3A_759 = tpu.memref_squeeze %dma_start3A_758 : memref<1x1x3000xf32, #tpu.memory_space<hbm>> -> memref<3000xf32, #tpu.memory_space<hbm>>
    tpu.enqueue_dma source(%dma_start3A_759 : memref<3000xf32, #tpu.memory_space<hbm>>) target(%dma_start3A_756 : memref<3000xf32, #tpu.memory_space<vmem>>) target_semaphore(%arg6 : memref<!tpu.dma_semaphore, #tpu.memory_space<semaphore_mem>>)
    %add3A_760 = arith.constant 8 : i32
    %add3A_761 = arith.addi %add3A_37, %add3A_760 : i32
    %dma_start3A_762 = arith.constant 0 : i32
    %dma_start3A_763 = tpu.memref_slice %arg3[%add3A_761, %dma_start3A_762] : memref<1792x3000xf32, #tpu.memory_space<hbm>> -> memref<8x3000xf32, #tpu.memory_space<hbm>>
    %dma_start3A_764 = arith.constant 0 : i32
    %dma_start3A_765 = tpu.memref_slice %arg3[%add3A_761, %dma_start3A_764] : memref<1792x3000xf32, #tpu.memory_space<hbm>> -> memref<8x3000xf32, #tpu.memory_space<hbm>>
    tpu.enqueue_dma source(%arg5 : memref<8x3000xf32, #tpu.memory_space<vmem>>) target(%dma_start3A_765 : memref<8x3000xf32, #tpu.memory_space<hbm>>) target_semaphore(%arg9 : memref<!tpu.dma_semaphore, #tpu.memory_space<semaphore_mem>>)
    %dma_wait3A_766 = arith.constant 0 : i32
    %dma_wait3A_767 = arith.constant 0 : i32
    %dma_wait3A_768 = tpu.memref_slice %arg4[%dma_wait3A_766, %dma_wait3A_767] : memref<8x3000xf32, #tpu.memory_space<vmem>> -> memref<1x3000xf32, #tpu.memory_space<vmem>>
    %dma_wait3A_769 = tpu.memref_squeeze %dma_wait3A_768 : memref<1x3000xf32, #tpu.memory_space<vmem>> -> memref<3000xf32, #tpu.memory_space<vmem>>
    %dma_wait3A_770 = arith.constant 0 : i32
    %dma_wait3A_771 = tpu.memref_slice %arg2[%add3A_32, %add3A_599, %dma_wait3A_770] : memref<32x500x3000xf32, #tpu.memory_space<hbm>> -> memref<1x1x3000xf32, #tpu.memory_space<hbm>>
    %dma_wait3A_772 = tpu.memref_squeeze %dma_wait3A_771 : memref<1x1x3000xf32, #tpu.memory_space<hbm>> -> memref<3000xf32, #tpu.memory_space<hbm>>
    %dma_wait3A_773 = arith.constant 0 : i32
    %dma_wait3A_774 = tpu.memref_slice %arg4[%dma_wait3A_766, %dma_wait3A_773] : memref<8x3000xf32, #tpu.memory_space<vmem>> -> memref<1x3000xf32, #tpu.memory_space<vmem>>
    %dma_wait3A_775 = tpu.memref_squeeze %dma_wait3A_774 : memref<1x3000xf32, #tpu.memory_space<vmem>> -> memref<3000xf32, #tpu.memory_space<vmem>>
    %dma_wait3A_776 = arith.constant 0 : i32
    %dma_wait3A_777 = tpu.memref_slice %arg2[%add3A_32, %add3A_599, %dma_wait3A_776] : memref<32x500x3000xf32, #tpu.memory_space<hbm>> -> memref<1x1x3000xf32, #tpu.memory_space<hbm>>
    %dma_wait3A_778 = tpu.memref_squeeze %dma_wait3A_777 : memref<1x1x3000xf32, #tpu.memory_space<hbm>> -> memref<3000xf32, #tpu.memory_space<hbm>>
    tpu.wait_dma2 semaphore(%arg6 : memref<!tpu.dma_semaphore, #tpu.memory_space<semaphore_mem>>) src(%dma_wait3A_778 : memref<3000xf32, #tpu.memory_space<hbm>>) dst(%dma_wait3A_775 : memref<3000xf32, #tpu.memory_space<vmem>>)
    %dma_wait3A_779 = arith.constant 1 : i32
    %dma_wait3A_780 = arith.constant 0 : i32
    %dma_wait3A_781 = tpu.memref_slice %arg4[%dma_wait3A_779, %dma_wait3A_780] : memref<8x3000xf32, #tpu.memory_space<vmem>> -> memref<1x3000xf32, #tpu.memory_space<vmem>>
    %dma_wait3A_782 = tpu.memref_squeeze %dma_wait3A_781 : memref<1x3000xf32, #tpu.memory_space<vmem>> -> memref<3000xf32, #tpu.memory_space<vmem>>
    %dma_wait3A_783 = arith.constant 0 : i32
    %dma_wait3A_784 = tpu.memref_slice %arg2[%add3A_32, %add3A_620, %dma_wait3A_783] : memref<32x500x3000xf32, #tpu.memory_space<hbm>> -> memref<1x1x3000xf32, #tpu.memory_space<hbm>>
    %dma_wait3A_785 = tpu.memref_squeeze %dma_wait3A_784 : memref<1x1x3000xf32, #tpu.memory_space<hbm>> -> memref<3000xf32, #tpu.memory_space<hbm>>
    %dma_wait3A_786 = arith.constant 0 : i32
    %dma_wait3A_787 = tpu.memref_slice %arg4[%dma_wait3A_779, %dma_wait3A_786] : memref<8x3000xf32, #tpu.memory_space<vmem>> -> memref<1x3000xf32, #tpu.memory_space<vmem>>
    %dma_wait3A_788 = tpu.memref_squeeze %dma_wait3A_787 : memref<1x3000xf32, #tpu.memory_space<vmem>> -> memref<3000xf32, #tpu.memory_space<vmem>>
    %dma_wait3A_789 = arith.constant 0 : i32
    %dma_wait3A_790 = tpu.memref_slice %arg2[%add3A_32, %add3A_620, %dma_wait3A_789] : memref<32x500x3000xf32, #tpu.memory_space<hbm>> -> memref<1x1x3000xf32, #tpu.memory_space<hbm>>
    %dma_wait3A_791 = tpu.memref_squeeze %dma_wait3A_790 : memref<1x1x3000xf32, #tpu.memory_space<hbm>> -> memref<3000xf32, #tpu.memory_space<hbm>>
    tpu.wait_dma2 semaphore(%arg6 : memref<!tpu.dma_semaphore, #tpu.memory_space<semaphore_mem>>) src(%dma_wait3A_791 : memref<3000xf32, #tpu.memory_space<hbm>>) dst(%dma_wait3A_788 : memref<3000xf32, #tpu.memory_space<vmem>>)
    %dma_wait3A_792 = arith.constant 2 : i32
    %dma_wait3A_793 = arith.constant 0 : i32
    %dma_wait3A_794 = tpu.memref_slice %arg4[%dma_wait3A_792, %dma_wait3A_793] : memref<8x3000xf32, #tpu.memory_space<vmem>> -> memref<1x3000xf32, #tpu.memory_space<vmem>>
    %dma_wait3A_795 = tpu.memref_squeeze %dma_wait3A_794 : memref<1x3000xf32, #tpu.memory_space<vmem>> -> memref<3000xf32, #tpu.memory_space<vmem>>
    %dma_wait3A_796 = arith.constant 0 : i32
    %dma_wait3A_797 = tpu.memref_slice %arg2[%add3A_32, %add3A_641, %dma_wait3A_796] : memref<32x500x3000xf32, #tpu.memory_space<hbm>> -> memref<1x1x3000xf32, #tpu.memory_space<hbm>>
    %dma_wait3A_798 = tpu.memref_squeeze %dma_wait3A_797 : memref<1x1x3000xf32, #tpu.memory_space<hbm>> -> memref<3000xf32, #tpu.memory_space<hbm>>
    %dma_wait3A_799 = arith.constant 0 : i32
    %dma_wait3A_800 = tpu.memref_slice %arg4[%dma_wait3A_792, %dma_wait3A_799] : memref<8x3000xf32, #tpu.memory_space<vmem>> -> memref<1x3000xf32, #tpu.memory_space<vmem>>
    %dma_wait3A_801 = tpu.memref_squeeze %dma_wait3A_800 : memref<1x3000xf32, #tpu.memory_space<vmem>> -> memref<3000xf32, #tpu.memory_space<vmem>>
    %dma_wait3A_802 = arith.constant 0 : i32
    %dma_wait3A_803 = tpu.memref_slice %arg2[%add3A_32, %add3A_641, %dma_wait3A_802] : memref<32x500x3000xf32, #tpu.memory_space<hbm>> -> memref<1x1x3000xf32, #tpu.memory_space<hbm>>
    %dma_wait3A_804 = tpu.memref_squeeze %dma_wait3A_803 : memref<1x1x3000xf32, #tpu.memory_space<hbm>> -> memref<3000xf32, #tpu.memory_space<hbm>>
    tpu.wait_dma2 semaphore(%arg6 : memref<!tpu.dma_semaphore, #tpu.memory_space<semaphore_mem>>) src(%dma_wait3A_804 : memref<3000xf32, #tpu.memory_space<hbm>>) dst(%dma_wait3A_801 : memref<3000xf32, #tpu.memory_space<vmem>>)
    %dma_wait3A_805 = arith.constant 3 : i32
    %dma_wait3A_806 = arith.constant 0 : i32
    %dma_wait3A_807 = tpu.memref_slice %arg4[%dma_wait3A_805, %dma_wait3A_806] : memref<8x3000xf32, #tpu.memory_space<vmem>> -> memref<1x3000xf32, #tpu.memory_space<vmem>>
    %dma_wait3A_808 = tpu.memref_squeeze %dma_wait3A_807 : memref<1x3000xf32, #tpu.memory_space<vmem>> -> memref<3000xf32, #tpu.memory_space<vmem>>
    %dma_wait3A_809 = arith.constant 0 : i32
    %dma_wait3A_810 = tpu.memref_slice %arg2[%add3A_32, %add3A_662, %dma_wait3A_809] : memref<32x500x3000xf32, #tpu.memory_space<hbm>> -> memref<1x1x3000xf32, #tpu.memory_space<hbm>>
    %dma_wait3A_811 = tpu.memref_squeeze %dma_wait3A_810 : memref<1x1x3000xf32, #tpu.memory_space<hbm>> -> memref<3000xf32, #tpu.memory_space<hbm>>
    %dma_wait3A_812 = arith.constant 0 : i32
    %dma_wait3A_813 = tpu.memref_slice %arg4[%dma_wait3A_805, %dma_wait3A_812] : memref<8x3000xf32, #tpu.memory_space<vmem>> -> memref<1x3000xf32, #tpu.memory_space<vmem>>
    %dma_wait3A_814 = tpu.memref_squeeze %dma_wait3A_813 : memref<1x3000xf32, #tpu.memory_space<vmem>> -> memref<3000xf32, #tpu.memory_space<vmem>>
    %dma_wait3A_815 = arith.constant 0 : i32
    %dma_wait3A_816 = tpu.memref_slice %arg2[%add3A_32, %add3A_662, %dma_wait3A_815] : memref<32x500x3000xf32, #tpu.memory_space<hbm>> -> memref<1x1x3000xf32, #tpu.memory_space<hbm>>
    %dma_wait3A_817 = tpu.memref_squeeze %dma_wait3A_816 : memref<1x1x3000xf32, #tpu.memory_space<hbm>> -> memref<3000xf32, #tpu.memory_space<hbm>>
    tpu.wait_dma2 semaphore(%arg6 : memref<!tpu.dma_semaphore, #tpu.memory_space<semaphore_mem>>) src(%dma_wait3A_817 : memref<3000xf32, #tpu.memory_space<hbm>>) dst(%dma_wait3A_814 : memref<3000xf32, #tpu.memory_space<vmem>>)
    %dma_wait3A_818 = arith.constant 4 : i32
    %dma_wait3A_819 = arith.constant 0 : i32
    %dma_wait3A_820 = tpu.memref_slice %arg4[%dma_wait3A_818, %dma_wait3A_819] : memref<8x3000xf32, #tpu.memory_space<vmem>> -> memref<1x3000xf32, #tpu.memory_space<vmem>>
    %dma_wait3A_821 = tpu.memref_squeeze %dma_wait3A_820 : memref<1x3000xf32, #tpu.memory_space<vmem>> -> memref<3000xf32, #tpu.memory_space<vmem>>
    %dma_wait3A_822 = arith.constant 0 : i32
    %dma_wait3A_823 = tpu.memref_slice %arg2[%add3A_32, %add3A_683, %dma_wait3A_822] : memref<32x500x3000xf32, #tpu.memory_space<hbm>> -> memref<1x1x3000xf32, #tpu.memory_space<hbm>>
    %dma_wait3A_824 = tpu.memref_squeeze %dma_wait3A_823 : memref<1x1x3000xf32, #tpu.memory_space<hbm>> -> memref<3000xf32, #tpu.memory_space<hbm>>
    %dma_wait3A_825 = arith.constant 0 : i32
    %dma_wait3A_826 = tpu.memref_slice %arg4[%dma_wait3A_818, %dma_wait3A_825] : memref<8x3000xf32, #tpu.memory_space<vmem>> -> memref<1x3000xf32, #tpu.memory_space<vmem>>
    %dma_wait3A_827 = tpu.memref_squeeze %dma_wait3A_826 : memref<1x3000xf32, #tpu.memory_space<vmem>> -> memref<3000xf32, #tpu.memory_space<vmem>>
    %dma_wait3A_828 = arith.constant 0 : i32
    %dma_wait3A_829 = tpu.memref_slice %arg2[%add3A_32, %add3A_683, %dma_wait3A_828] : memref<32x500x3000xf32, #tpu.memory_space<hbm>> -> memref<1x1x3000xf32, #tpu.memory_space<hbm>>
    %dma_wait3A_830 = tpu.memref_squeeze %dma_wait3A_829 : memref<1x1x3000xf32, #tpu.memory_space<hbm>> -> memref<3000xf32, #tpu.memory_space<hbm>>
    tpu.wait_dma2 semaphore(%arg6 : memref<!tpu.dma_semaphore, #tpu.memory_space<semaphore_mem>>) src(%dma_wait3A_830 : memref<3000xf32, #tpu.memory_space<hbm>>) dst(%dma_wait3A_827 : memref<3000xf32, #tpu.memory_space<vmem>>)
    %dma_wait3A_831 = arith.constant 5 : i32
    %dma_wait3A_832 = arith.constant 0 : i32
    %dma_wait3A_833 = tpu.memref_slice %arg4[%dma_wait3A_831, %dma_wait3A_832] : memref<8x3000xf32, #tpu.memory_space<vmem>> -> memref<1x3000xf32, #tpu.memory_space<vmem>>
    %dma_wait3A_834 = tpu.memref_squeeze %dma_wait3A_833 : memref<1x3000xf32, #tpu.memory_space<vmem>> -> memref<3000xf32, #tpu.memory_space<vmem>>
    %dma_wait3A_835 = arith.constant 0 : i32
    %dma_wait3A_836 = tpu.memref_slice %arg2[%add3A_32, %add3A_704, %dma_wait3A_835] : memref<32x500x3000xf32, #tpu.memory_space<hbm>> -> memref<1x1x3000xf32, #tpu.memory_space<hbm>>
    %dma_wait3A_837 = tpu.memref_squeeze %dma_wait3A_836 : memref<1x1x3000xf32, #tpu.memory_space<hbm>> -> memref<3000xf32, #tpu.memory_space<hbm>>
    %dma_wait3A_838 = arith.constant 0 : i32
    %dma_wait3A_839 = tpu.memref_slice %arg4[%dma_wait3A_831, %dma_wait3A_838] : memref<8x3000xf32, #tpu.memory_space<vmem>> -> memref<1x3000xf32, #tpu.memory_space<vmem>>
    %dma_wait3A_840 = tpu.memref_squeeze %dma_wait3A_839 : memref<1x3000xf32, #tpu.memory_space<vmem>> -> memref<3000xf32, #tpu.memory_space<vmem>>
    %dma_wait3A_841 = arith.constant 0 : i32
    %dma_wait3A_842 = tpu.memref_slice %arg2[%add3A_32, %add3A_704, %dma_wait3A_841] : memref<32x500x3000xf32, #tpu.memory_space<hbm>> -> memref<1x1x3000xf32, #tpu.memory_space<hbm>>
    %dma_wait3A_843 = tpu.memref_squeeze %dma_wait3A_842 : memref<1x1x3000xf32, #tpu.memory_space<hbm>> -> memref<3000xf32, #tpu.memory_space<hbm>>
    tpu.wait_dma2 semaphore(%arg6 : memref<!tpu.dma_semaphore, #tpu.memory_space<semaphore_mem>>) src(%dma_wait3A_843 : memref<3000xf32, #tpu.memory_space<hbm>>) dst(%dma_wait3A_840 : memref<3000xf32, #tpu.memory_space<vmem>>)
    %dma_wait3A_844 = arith.constant 6 : i32
    %dma_wait3A_845 = arith.constant 0 : i32
    %dma_wait3A_846 = tpu.memref_slice %arg4[%dma_wait3A_844, %dma_wait3A_845] : memref<8x3000xf32, #tpu.memory_space<vmem>> -> memref<1x3000xf32, #tpu.memory_space<vmem>>
    %dma_wait3A_847 = tpu.memref_squeeze %dma_wait3A_846 : memref<1x3000xf32, #tpu.memory_space<vmem>> -> memref<3000xf32, #tpu.memory_space<vmem>>
    %dma_wait3A_848 = arith.constant 0 : i32
    %dma_wait3A_849 = tpu.memref_slice %arg2[%add3A_32, %add3A_725, %dma_wait3A_848] : memref<32x500x3000xf32, #tpu.memory_space<hbm>> -> memref<1x1x3000xf32, #tpu.memory_space<hbm>>
    %dma_wait3A_850 = tpu.memref_squeeze %dma_wait3A_849 : memref<1x1x3000xf32, #tpu.memory_space<hbm>> -> memref<3000xf32, #tpu.memory_space<hbm>>
    %dma_wait3A_851 = arith.constant 0 : i32
    %dma_wait3A_852 = tpu.memref_slice %arg4[%dma_wait3A_844, %dma_wait3A_851] : memref<8x3000xf32, #tpu.memory_space<vmem>> -> memref<1x3000xf32, #tpu.memory_space<vmem>>
    %dma_wait3A_853 = tpu.memref_squeeze %dma_wait3A_852 : memref<1x3000xf32, #tpu.memory_space<vmem>> -> memref<3000xf32, #tpu.memory_space<vmem>>
    %dma_wait3A_854 = arith.constant 0 : i32
    %dma_wait3A_855 = tpu.memref_slice %arg2[%add3A_32, %add3A_725, %dma_wait3A_854] : memref<32x500x3000xf32, #tpu.memory_space<hbm>> -> memref<1x1x3000xf32, #tpu.memory_space<hbm>>
    %dma_wait3A_856 = tpu.memref_squeeze %dma_wait3A_855 : memref<1x1x3000xf32, #tpu.memory_space<hbm>> -> memref<3000xf32, #tpu.memory_space<hbm>>
    tpu.wait_dma2 semaphore(%arg6 : memref<!tpu.dma_semaphore, #tpu.memory_space<semaphore_mem>>) src(%dma_wait3A_856 : memref<3000xf32, #tpu.memory_space<hbm>>) dst(%dma_wait3A_853 : memref<3000xf32, #tpu.memory_space<vmem>>)
    %dma_wait3A_857 = arith.constant 7 : i32
    %dma_wait3A_858 = arith.constant 0 : i32
    %dma_wait3A_859 = tpu.memref_slice %arg4[%dma_wait3A_857, %dma_wait3A_858] : memref<8x3000xf32, #tpu.memory_space<vmem>> -> memref<1x3000xf32, #tpu.memory_space<vmem>>
    %dma_wait3A_860 = tpu.memref_squeeze %dma_wait3A_859 : memref<1x3000xf32, #tpu.memory_space<vmem>> -> memref<3000xf32, #tpu.memory_space<vmem>>
    %dma_wait3A_861 = arith.constant 0 : i32
    %dma_wait3A_862 = tpu.memref_slice %arg2[%add3A_32, %add3A_746, %dma_wait3A_861] : memref<32x500x3000xf32, #tpu.memory_space<hbm>> -> memref<1x1x3000xf32, #tpu.memory_space<hbm>>
    %dma_wait3A_863 = tpu.memref_squeeze %dma_wait3A_862 : memref<1x1x3000xf32, #tpu.memory_space<hbm>> -> memref<3000xf32, #tpu.memory_space<hbm>>
    %dma_wait3A_864 = arith.constant 0 : i32
    %dma_wait3A_865 = tpu.memref_slice %arg4[%dma_wait3A_857, %dma_wait3A_864] : memref<8x3000xf32, #tpu.memory_space<vmem>> -> memref<1x3000xf32, #tpu.memory_space<vmem>>
    %dma_wait3A_866 = tpu.memref_squeeze %dma_wait3A_865 : memref<1x3000xf32, #tpu.memory_space<vmem>> -> memref<3000xf32, #tpu.memory_space<vmem>>
    %dma_wait3A_867 = arith.constant 0 : i32
    %dma_wait3A_868 = tpu.memref_slice %arg2[%add3A_32, %add3A_746, %dma_wait3A_867] : memref<32x500x3000xf32, #tpu.memory_space<hbm>> -> memref<1x1x3000xf32, #tpu.memory_space<hbm>>
    %dma_wait3A_869 = tpu.memref_squeeze %dma_wait3A_868 : memref<1x1x3000xf32, #tpu.memory_space<hbm>> -> memref<3000xf32, #tpu.memory_space<hbm>>
    tpu.wait_dma2 semaphore(%arg6 : memref<!tpu.dma_semaphore, #tpu.memory_space<semaphore_mem>>) src(%dma_wait3A_869 : memref<3000xf32, #tpu.memory_space<hbm>>) dst(%dma_wait3A_866 : memref<3000xf32, #tpu.memory_space<vmem>>)
    %dma_wait3A_870 = arith.constant 0 : i32
    %dma_wait3A_871 = tpu.memref_slice %arg3[%add3A_761, %dma_wait3A_870] : memref<1792x3000xf32, #tpu.memory_space<hbm>> -> memref<8x3000xf32, #tpu.memory_space<hbm>>
    %dma_wait3A_872 = arith.constant 0 : i32
    %dma_wait3A_873 = tpu.memref_slice %arg3[%add3A_761, %dma_wait3A_872] : memref<1792x3000xf32, #tpu.memory_space<hbm>> -> memref<8x3000xf32, #tpu.memory_space<hbm>>
    tpu.wait_dma2 semaphore(%arg9 : memref<!tpu.dma_semaphore, #tpu.memory_space<semaphore_mem>>) src(%arg5 : memref<8x3000xf32, #tpu.memory_space<vmem>>) dst(%dma_wait3A_873 : memref<8x3000xf32, #tpu.memory_space<hbm>>)
    %add3A_874 = arith.constant 24 : i32
    %add3A_875 = arith.addi %mul3A_39, %add3A_874 : i32
    %add3A_876 = arith.constant 0 : i32
    %add3A_877 = arith.addi %add3A_875, %add3A_876 : i32
    %mul3A_878 = arith.constant 5 : i32
    %mul3A_879 = arith.muli %mul3A_878, %add3A_877 : i32
    %add3A_880 = arith.constant 4 : i32
    %add3A_881 = arith.addi %mul3A_879, %add3A_880 : i32
    %dma_start3A_882 = arith.constant 0 : i32
    %dma_start3A_883 = arith.constant 0 : i32
    %dma_start3A_884 = tpu.memref_slice %arg5[%dma_start3A_882, %dma_start3A_883] : memref<8x3000xf32, #tpu.memory_space<vmem>> -> memref<1x3000xf32, #tpu.memory_space<vmem>>
    %dma_start3A_885 = tpu.memref_squeeze %dma_start3A_884 : memref<1x3000xf32, #tpu.memory_space<vmem>> -> memref<3000xf32, #tpu.memory_space<vmem>>
    %dma_start3A_886 = arith.constant 0 : i32
    %dma_start3A_887 = tpu.memref_slice %arg2[%add3A_32, %add3A_881, %dma_start3A_886] : memref<32x500x3000xf32, #tpu.memory_space<hbm>> -> memref<1x1x3000xf32, #tpu.memory_space<hbm>>
    %dma_start3A_888 = tpu.memref_squeeze %dma_start3A_887 : memref<1x1x3000xf32, #tpu.memory_space<hbm>> -> memref<3000xf32, #tpu.memory_space<hbm>>
    %dma_start3A_889 = arith.constant 0 : i32
    %dma_start3A_890 = tpu.memref_slice %arg5[%dma_start3A_882, %dma_start3A_889] : memref<8x3000xf32, #tpu.memory_space<vmem>> -> memref<1x3000xf32, #tpu.memory_space<vmem>>
    %dma_start3A_891 = tpu.memref_squeeze %dma_start3A_890 : memref<1x3000xf32, #tpu.memory_space<vmem>> -> memref<3000xf32, #tpu.memory_space<vmem>>
    %dma_start3A_892 = arith.constant 0 : i32
    %dma_start3A_893 = tpu.memref_slice %arg2[%add3A_32, %add3A_881, %dma_start3A_892] : memref<32x500x3000xf32, #tpu.memory_space<hbm>> -> memref<1x1x3000xf32, #tpu.memory_space<hbm>>
    %dma_start3A_894 = tpu.memref_squeeze %dma_start3A_893 : memref<1x1x3000xf32, #tpu.memory_space<hbm>> -> memref<3000xf32, #tpu.memory_space<hbm>>
    tpu.enqueue_dma source(%dma_start3A_894 : memref<3000xf32, #tpu.memory_space<hbm>>) target(%dma_start3A_891 : memref<3000xf32, #tpu.memory_space<vmem>>) target_semaphore(%arg7 : memref<!tpu.dma_semaphore, #tpu.memory_space<semaphore_mem>>)
    %add3A_895 = arith.constant 24 : i32
    %add3A_896 = arith.addi %mul3A_39, %add3A_895 : i32
    %add3A_897 = arith.constant 1 : i32
    %add3A_898 = arith.addi %add3A_896, %add3A_897 : i32
    %mul3A_899 = arith.constant 5 : i32
    %mul3A_900 = arith.muli %mul3A_899, %add3A_898 : i32
    %add3A_901 = arith.constant 4 : i32
    %add3A_902 = arith.addi %mul3A_900, %add3A_901 : i32
    %dma_start3A_903 = arith.constant 1 : i32
    %dma_start3A_904 = arith.constant 0 : i32
    %dma_start3A_905 = tpu.memref_slice %arg5[%dma_start3A_903, %dma_start3A_904] : memref<8x3000xf32, #tpu.memory_space<vmem>> -> memref<1x3000xf32, #tpu.memory_space<vmem>>
    %dma_start3A_906 = tpu.memref_squeeze %dma_start3A_905 : memref<1x3000xf32, #tpu.memory_space<vmem>> -> memref<3000xf32, #tpu.memory_space<vmem>>
    %dma_start3A_907 = arith.constant 0 : i32
    %dma_start3A_908 = tpu.memref_slice %arg2[%add3A_32, %add3A_902, %dma_start3A_907] : memref<32x500x3000xf32, #tpu.memory_space<hbm>> -> memref<1x1x3000xf32, #tpu.memory_space<hbm>>
    %dma_start3A_909 = tpu.memref_squeeze %dma_start3A_908 : memref<1x1x3000xf32, #tpu.memory_space<hbm>> -> memref<3000xf32, #tpu.memory_space<hbm>>
    %dma_start3A_910 = arith.constant 0 : i32
    %dma_start3A_911 = tpu.memref_slice %arg5[%dma_start3A_903, %dma_start3A_910] : memref<8x3000xf32, #tpu.memory_space<vmem>> -> memref<1x3000xf32, #tpu.memory_space<vmem>>
    %dma_start3A_912 = tpu.memref_squeeze %dma_start3A_911 : memref<1x3000xf32, #tpu.memory_space<vmem>> -> memref<3000xf32, #tpu.memory_space<vmem>>
    %dma_start3A_913 = arith.constant 0 : i32
    %dma_start3A_914 = tpu.memref_slice %arg2[%add3A_32, %add3A_902, %dma_start3A_913] : memref<32x500x3000xf32, #tpu.memory_space<hbm>> -> memref<1x1x3000xf32, #tpu.memory_space<hbm>>
    %dma_start3A_915 = tpu.memref_squeeze %dma_start3A_914 : memref<1x1x3000xf32, #tpu.memory_space<hbm>> -> memref<3000xf32, #tpu.memory_space<hbm>>
    tpu.enqueue_dma source(%dma_start3A_915 : memref<3000xf32, #tpu.memory_space<hbm>>) target(%dma_start3A_912 : memref<3000xf32, #tpu.memory_space<vmem>>) target_semaphore(%arg7 : memref<!tpu.dma_semaphore, #tpu.memory_space<semaphore_mem>>)
    %add3A_916 = arith.constant 24 : i32
    %add3A_917 = arith.addi %mul3A_39, %add3A_916 : i32
    %add3A_918 = arith.constant 2 : i32
    %add3A_919 = arith.addi %add3A_917, %add3A_918 : i32
    %mul3A_920 = arith.constant 5 : i32
    %mul3A_921 = arith.muli %mul3A_920, %add3A_919 : i32
    %add3A_922 = arith.constant 4 : i32
    %add3A_923 = arith.addi %mul3A_921, %add3A_922 : i32
    %dma_start3A_924 = arith.constant 2 : i32
    %dma_start3A_925 = arith.constant 0 : i32
    %dma_start3A_926 = tpu.memref_slice %arg5[%dma_start3A_924, %dma_start3A_925] : memref<8x3000xf32, #tpu.memory_space<vmem>> -> memref<1x3000xf32, #tpu.memory_space<vmem>>
    %dma_start3A_927 = tpu.memref_squeeze %dma_start3A_926 : memref<1x3000xf32, #tpu.memory_space<vmem>> -> memref<3000xf32, #tpu.memory_space<vmem>>
    %dma_start3A_928 = arith.constant 0 : i32
    %dma_start3A_929 = tpu.memref_slice %arg2[%add3A_32, %add3A_923, %dma_start3A_928] : memref<32x500x3000xf32, #tpu.memory_space<hbm>> -> memref<1x1x3000xf32, #tpu.memory_space<hbm>>
    %dma_start3A_930 = tpu.memref_squeeze %dma_start3A_929 : memref<1x1x3000xf32, #tpu.memory_space<hbm>> -> memref<3000xf32, #tpu.memory_space<hbm>>
    %dma_start3A_931 = arith.constant 0 : i32
    %dma_start3A_932 = tpu.memref_slice %arg5[%dma_start3A_924, %dma_start3A_931] : memref<8x3000xf32, #tpu.memory_space<vmem>> -> memref<1x3000xf32, #tpu.memory_space<vmem>>
    %dma_start3A_933 = tpu.memref_squeeze %dma_start3A_932 : memref<1x3000xf32, #tpu.memory_space<vmem>> -> memref<3000xf32, #tpu.memory_space<vmem>>
    %dma_start3A_934 = arith.constant 0 : i32
    %dma_start3A_935 = tpu.memref_slice %arg2[%add3A_32, %add3A_923, %dma_start3A_934] : memref<32x500x3000xf32, #tpu.memory_space<hbm>> -> memref<1x1x3000xf32, #tpu.memory_space<hbm>>
    %dma_start3A_936 = tpu.memref_squeeze %dma_start3A_935 : memref<1x1x3000xf32, #tpu.memory_space<hbm>> -> memref<3000xf32, #tpu.memory_space<hbm>>
    tpu.enqueue_dma source(%dma_start3A_936 : memref<3000xf32, #tpu.memory_space<hbm>>) target(%dma_start3A_933 : memref<3000xf32, #tpu.memory_space<vmem>>) target_semaphore(%arg7 : memref<!tpu.dma_semaphore, #tpu.memory_space<semaphore_mem>>)
    %add3A_937 = arith.constant 24 : i32
    %add3A_938 = arith.addi %mul3A_39, %add3A_937 : i32
    %add3A_939 = arith.constant 3 : i32
    %add3A_940 = arith.addi %add3A_938, %add3A_939 : i32
    %mul3A_941 = arith.constant 5 : i32
    %mul3A_942 = arith.muli %mul3A_941, %add3A_940 : i32
    %add3A_943 = arith.constant 4 : i32
    %add3A_944 = arith.addi %mul3A_942, %add3A_943 : i32
    %dma_start3A_945 = arith.constant 3 : i32
    %dma_start3A_946 = arith.constant 0 : i32
    %dma_start3A_947 = tpu.memref_slice %arg5[%dma_start3A_945, %dma_start3A_946] : memref<8x3000xf32, #tpu.memory_space<vmem>> -> memref<1x3000xf32, #tpu.memory_space<vmem>>
    %dma_start3A_948 = tpu.memref_squeeze %dma_start3A_947 : memref<1x3000xf32, #tpu.memory_space<vmem>> -> memref<3000xf32, #tpu.memory_space<vmem>>
    %dma_start3A_949 = arith.constant 0 : i32
    %dma_start3A_950 = tpu.memref_slice %arg2[%add3A_32, %add3A_944, %dma_start3A_949] : memref<32x500x3000xf32, #tpu.memory_space<hbm>> -> memref<1x1x3000xf32, #tpu.memory_space<hbm>>
    %dma_start3A_951 = tpu.memref_squeeze %dma_start3A_950 : memref<1x1x3000xf32, #tpu.memory_space<hbm>> -> memref<3000xf32, #tpu.memory_space<hbm>>
    %dma_start3A_952 = arith.constant 0 : i32
    %dma_start3A_953 = tpu.memref_slice %arg5[%dma_start3A_945, %dma_start3A_952] : memref<8x3000xf32, #tpu.memory_space<vmem>> -> memref<1x3000xf32, #tpu.memory_space<vmem>>
    %dma_start3A_954 = tpu.memref_squeeze %dma_start3A_953 : memref<1x3000xf32, #tpu.memory_space<vmem>> -> memref<3000xf32, #tpu.memory_space<vmem>>
    %dma_start3A_955 = arith.constant 0 : i32
    %dma_start3A_956 = tpu.memref_slice %arg2[%add3A_32, %add3A_944, %dma_start3A_955] : memref<32x500x3000xf32, #tpu.memory_space<hbm>> -> memref<1x1x3000xf32, #tpu.memory_space<hbm>>
    %dma_start3A_957 = tpu.memref_squeeze %dma_start3A_956 : memref<1x1x3000xf32, #tpu.memory_space<hbm>> -> memref<3000xf32, #tpu.memory_space<hbm>>
    tpu.enqueue_dma source(%dma_start3A_957 : memref<3000xf32, #tpu.memory_space<hbm>>) target(%dma_start3A_954 : memref<3000xf32, #tpu.memory_space<vmem>>) target_semaphore(%arg7 : memref<!tpu.dma_semaphore, #tpu.memory_space<semaphore_mem>>)
    %add3A_958 = arith.constant 24 : i32
    %add3A_959 = arith.addi %mul3A_39, %add3A_958 : i32
    %add3A_960 = arith.constant 4 : i32
    %add3A_961 = arith.addi %add3A_959, %add3A_960 : i32
    %mul3A_962 = arith.constant 5 : i32
    %mul3A_963 = arith.muli %mul3A_962, %add3A_961 : i32
    %add3A_964 = arith.constant 4 : i32
    %add3A_965 = arith.addi %mul3A_963, %add3A_964 : i32
    %dma_start3A_966 = arith.constant 4 : i32
    %dma_start3A_967 = arith.constant 0 : i32
    %dma_start3A_968 = tpu.memref_slice %arg5[%dma_start3A_966, %dma_start3A_967] : memref<8x3000xf32, #tpu.memory_space<vmem>> -> memref<1x3000xf32, #tpu.memory_space<vmem>>
    %dma_start3A_969 = tpu.memref_squeeze %dma_start3A_968 : memref<1x3000xf32, #tpu.memory_space<vmem>> -> memref<3000xf32, #tpu.memory_space<vmem>>
    %dma_start3A_970 = arith.constant 0 : i32
    %dma_start3A_971 = tpu.memref_slice %arg2[%add3A_32, %add3A_965, %dma_start3A_970] : memref<32x500x3000xf32, #tpu.memory_space<hbm>> -> memref<1x1x3000xf32, #tpu.memory_space<hbm>>
    %dma_start3A_972 = tpu.memref_squeeze %dma_start3A_971 : memref<1x1x3000xf32, #tpu.memory_space<hbm>> -> memref<3000xf32, #tpu.memory_space<hbm>>
    %dma_start3A_973 = arith.constant 0 : i32
    %dma_start3A_974 = tpu.memref_slice %arg5[%dma_start3A_966, %dma_start3A_973] : memref<8x3000xf32, #tpu.memory_space<vmem>> -> memref<1x3000xf32, #tpu.memory_space<vmem>>
    %dma_start3A_975 = tpu.memref_squeeze %dma_start3A_974 : memref<1x3000xf32, #tpu.memory_space<vmem>> -> memref<3000xf32, #tpu.memory_space<vmem>>
    %dma_start3A_976 = arith.constant 0 : i32
    %dma_start3A_977 = tpu.memref_slice %arg2[%add3A_32, %add3A_965, %dma_start3A_976] : memref<32x500x3000xf32, #tpu.memory_space<hbm>> -> memref<1x1x3000xf32, #tpu.memory_space<hbm>>
    %dma_start3A_978 = tpu.memref_squeeze %dma_start3A_977 : memref<1x1x3000xf32, #tpu.memory_space<hbm>> -> memref<3000xf32, #tpu.memory_space<hbm>>
    tpu.enqueue_dma source(%dma_start3A_978 : memref<3000xf32, #tpu.memory_space<hbm>>) target(%dma_start3A_975 : memref<3000xf32, #tpu.memory_space<vmem>>) target_semaphore(%arg7 : memref<!tpu.dma_semaphore, #tpu.memory_space<semaphore_mem>>)
    %add3A_979 = arith.constant 24 : i32
    %add3A_980 = arith.addi %mul3A_39, %add3A_979 : i32
    %add3A_981 = arith.constant 5 : i32
    %add3A_982 = arith.addi %add3A_980, %add3A_981 : i32
    %mul3A_983 = arith.constant 5 : i32
    %mul3A_984 = arith.muli %mul3A_983, %add3A_982 : i32
    %add3A_985 = arith.constant 4 : i32
    %add3A_986 = arith.addi %mul3A_984, %add3A_985 : i32
    %dma_start3A_987 = arith.constant 5 : i32
    %dma_start3A_988 = arith.constant 0 : i32
    %dma_start3A_989 = tpu.memref_slice %arg5[%dma_start3A_987, %dma_start3A_988] : memref<8x3000xf32, #tpu.memory_space<vmem>> -> memref<1x3000xf32, #tpu.memory_space<vmem>>
    %dma_start3A_990 = tpu.memref_squeeze %dma_start3A_989 : memref<1x3000xf32, #tpu.memory_space<vmem>> -> memref<3000xf32, #tpu.memory_space<vmem>>
    %dma_start3A_991 = arith.constant 0 : i32
    %dma_start3A_992 = tpu.memref_slice %arg2[%add3A_32, %add3A_986, %dma_start3A_991] : memref<32x500x3000xf32, #tpu.memory_space<hbm>> -> memref<1x1x3000xf32, #tpu.memory_space<hbm>>
    %dma_start3A_993 = tpu.memref_squeeze %dma_start3A_992 : memref<1x1x3000xf32, #tpu.memory_space<hbm>> -> memref<3000xf32, #tpu.memory_space<hbm>>
    %dma_start3A_994 = arith.constant 0 : i32
    %dma_start3A_995 = tpu.memref_slice %arg5[%dma_start3A_987, %dma_start3A_994] : memref<8x3000xf32, #tpu.memory_space<vmem>> -> memref<1x3000xf32, #tpu.memory_space<vmem>>
    %dma_start3A_996 = tpu.memref_squeeze %dma_start3A_995 : memref<1x3000xf32, #tpu.memory_space<vmem>> -> memref<3000xf32, #tpu.memory_space<vmem>>
    %dma_start3A_997 = arith.constant 0 : i32
    %dma_start3A_998 = tpu.memref_slice %arg2[%add3A_32, %add3A_986, %dma_start3A_997] : memref<32x500x3000xf32, #tpu.memory_space<hbm>> -> memref<1x1x3000xf32, #tpu.memory_space<hbm>>
    %dma_start3A_999 = tpu.memref_squeeze %dma_start3A_998 : memref<1x1x3000xf32, #tpu.memory_space<hbm>> -> memref<3000xf32, #tpu.memory_space<hbm>>
    tpu.enqueue_dma source(%dma_start3A_999 : memref<3000xf32, #tpu.memory_space<hbm>>) target(%dma_start3A_996 : memref<3000xf32, #tpu.memory_space<vmem>>) target_semaphore(%arg7 : memref<!tpu.dma_semaphore, #tpu.memory_space<semaphore_mem>>)
    %add3A_1000 = arith.constant 24 : i32
    %add3A_1001 = arith.addi %mul3A_39, %add3A_1000 : i32
    %add3A_1002 = arith.constant 6 : i32
    %add3A_1003 = arith.addi %add3A_1001, %add3A_1002 : i32
    %mul3A_1004 = arith.constant 5 : i32
    %mul3A_1005 = arith.muli %mul3A_1004, %add3A_1003 : i32
    %add3A_1006 = arith.constant 4 : i32
    %add3A_1007 = arith.addi %mul3A_1005, %add3A_1006 : i32
    %dma_start3A_1008 = arith.constant 6 : i32
    %dma_start3A_1009 = arith.constant 0 : i32
    %dma_start3A_1010 = tpu.memref_slice %arg5[%dma_start3A_1008, %dma_start3A_1009] : memref<8x3000xf32, #tpu.memory_space<vmem>> -> memref<1x3000xf32, #tpu.memory_space<vmem>>
    %dma_start3A_1011 = tpu.memref_squeeze %dma_start3A_1010 : memref<1x3000xf32, #tpu.memory_space<vmem>> -> memref<3000xf32, #tpu.memory_space<vmem>>
    %dma_start3A_1012 = arith.constant 0 : i32
    %dma_start3A_1013 = tpu.memref_slice %arg2[%add3A_32, %add3A_1007, %dma_start3A_1012] : memref<32x500x3000xf32, #tpu.memory_space<hbm>> -> memref<1x1x3000xf32, #tpu.memory_space<hbm>>
    %dma_start3A_1014 = tpu.memref_squeeze %dma_start3A_1013 : memref<1x1x3000xf32, #tpu.memory_space<hbm>> -> memref<3000xf32, #tpu.memory_space<hbm>>
    %dma_start3A_1015 = arith.constant 0 : i32
    %dma_start3A_1016 = tpu.memref_slice %arg5[%dma_start3A_1008, %dma_start3A_1015] : memref<8x3000xf32, #tpu.memory_space<vmem>> -> memref<1x3000xf32, #tpu.memory_space<vmem>>
    %dma_start3A_1017 = tpu.memref_squeeze %dma_start3A_1016 : memref<1x3000xf32, #tpu.memory_space<vmem>> -> memref<3000xf32, #tpu.memory_space<vmem>>
    %dma_start3A_1018 = arith.constant 0 : i32
    %dma_start3A_1019 = tpu.memref_slice %arg2[%add3A_32, %add3A_1007, %dma_start3A_1018] : memref<32x500x3000xf32, #tpu.memory_space<hbm>> -> memref<1x1x3000xf32, #tpu.memory_space<hbm>>
    %dma_start3A_1020 = tpu.memref_squeeze %dma_start3A_1019 : memref<1x1x3000xf32, #tpu.memory_space<hbm>> -> memref<3000xf32, #tpu.memory_space<hbm>>
    tpu.enqueue_dma source(%dma_start3A_1020 : memref<3000xf32, #tpu.memory_space<hbm>>) target(%dma_start3A_1017 : memref<3000xf32, #tpu.memory_space<vmem>>) target_semaphore(%arg7 : memref<!tpu.dma_semaphore, #tpu.memory_space<semaphore_mem>>)
    %add3A_1021 = arith.constant 24 : i32
    %add3A_1022 = arith.addi %mul3A_39, %add3A_1021 : i32
    %add3A_1023 = arith.constant 7 : i32
    %add3A_1024 = arith.addi %add3A_1022, %add3A_1023 : i32
    %mul3A_1025 = arith.constant 5 : i32
    %mul3A_1026 = arith.muli %mul3A_1025, %add3A_1024 : i32
    %add3A_1027 = arith.constant 4 : i32
    %add3A_1028 = arith.addi %mul3A_1026, %add3A_1027 : i32
    %dma_start3A_1029 = arith.constant 7 : i32
    %dma_start3A_1030 = arith.constant 0 : i32
    %dma_start3A_1031 = tpu.memref_slice %arg5[%dma_start3A_1029, %dma_start3A_1030] : memref<8x3000xf32, #tpu.memory_space<vmem>> -> memref<1x3000xf32, #tpu.memory_space<vmem>>
    %dma_start3A_1032 = tpu.memref_squeeze %dma_start3A_1031 : memref<1x3000xf32, #tpu.memory_space<vmem>> -> memref<3000xf32, #tpu.memory_space<vmem>>
    %dma_start3A_1033 = arith.constant 0 : i32
    %dma_start3A_1034 = tpu.memref_slice %arg2[%add3A_32, %add3A_1028, %dma_start3A_1033] : memref<32x500x3000xf32, #tpu.memory_space<hbm>> -> memref<1x1x3000xf32, #tpu.memory_space<hbm>>
    %dma_start3A_1035 = tpu.memref_squeeze %dma_start3A_1034 : memref<1x1x3000xf32, #tpu.memory_space<hbm>> -> memref<3000xf32, #tpu.memory_space<hbm>>
    %dma_start3A_1036 = arith.constant 0 : i32
    %dma_start3A_1037 = tpu.memref_slice %arg5[%dma_start3A_1029, %dma_start3A_1036] : memref<8x3000xf32, #tpu.memory_space<vmem>> -> memref<1x3000xf32, #tpu.memory_space<vmem>>
    %dma_start3A_1038 = tpu.memref_squeeze %dma_start3A_1037 : memref<1x3000xf32, #tpu.memory_space<vmem>> -> memref<3000xf32, #tpu.memory_space<vmem>>
    %dma_start3A_1039 = arith.constant 0 : i32
    %dma_start3A_1040 = tpu.memref_slice %arg2[%add3A_32, %add3A_1028, %dma_start3A_1039] : memref<32x500x3000xf32, #tpu.memory_space<hbm>> -> memref<1x1x3000xf32, #tpu.memory_space<hbm>>
    %dma_start3A_1041 = tpu.memref_squeeze %dma_start3A_1040 : memref<1x1x3000xf32, #tpu.memory_space<hbm>> -> memref<3000xf32, #tpu.memory_space<hbm>>
    tpu.enqueue_dma source(%dma_start3A_1041 : memref<3000xf32, #tpu.memory_space<hbm>>) target(%dma_start3A_1038 : memref<3000xf32, #tpu.memory_space<vmem>>) target_semaphore(%arg7 : memref<!tpu.dma_semaphore, #tpu.memory_space<semaphore_mem>>)
    %add3A_1042 = arith.constant 16 : i32
    %add3A_1043 = arith.addi %add3A_37, %add3A_1042 : i32
    %dma_start3A_1044 = arith.constant 0 : i32
    %dma_start3A_1045 = tpu.memref_slice %arg3[%add3A_1043, %dma_start3A_1044] : memref<1792x3000xf32, #tpu.memory_space<hbm>> -> memref<8x3000xf32, #tpu.memory_space<hbm>>
    %dma_start3A_1046 = arith.constant 0 : i32
    %dma_start3A_1047 = tpu.memref_slice %arg3[%add3A_1043, %dma_start3A_1046] : memref<1792x3000xf32, #tpu.memory_space<hbm>> -> memref<8x3000xf32, #tpu.memory_space<hbm>>
    tpu.enqueue_dma source(%arg4 : memref<8x3000xf32, #tpu.memory_space<vmem>>) target(%dma_start3A_1047 : memref<8x3000xf32, #tpu.memory_space<hbm>>) target_semaphore(%arg8 : memref<!tpu.dma_semaphore, #tpu.memory_space<semaphore_mem>>)
    %dma_wait3A_1048 = arith.constant 0 : i32
    %dma_wait3A_1049 = arith.constant 0 : i32
    %dma_wait3A_1050 = tpu.memref_slice %arg5[%dma_wait3A_1048, %dma_wait3A_1049] : memref<8x3000xf32, #tpu.memory_space<vmem>> -> memref<1x3000xf32, #tpu.memory_space<vmem>>
    %dma_wait3A_1051 = tpu.memref_squeeze %dma_wait3A_1050 : memref<1x3000xf32, #tpu.memory_space<vmem>> -> memref<3000xf32, #tpu.memory_space<vmem>>
    %dma_wait3A_1052 = arith.constant 0 : i32
    %dma_wait3A_1053 = tpu.memref_slice %arg2[%add3A_32, %add3A_881, %dma_wait3A_1052] : memref<32x500x3000xf32, #tpu.memory_space<hbm>> -> memref<1x1x3000xf32, #tpu.memory_space<hbm>>
    %dma_wait3A_1054 = tpu.memref_squeeze %dma_wait3A_1053 : memref<1x1x3000xf32, #tpu.memory_space<hbm>> -> memref<3000xf32, #tpu.memory_space<hbm>>
    %dma_wait3A_1055 = arith.constant 0 : i32
    %dma_wait3A_1056 = tpu.memref_slice %arg5[%dma_wait3A_1048, %dma_wait3A_1055] : memref<8x3000xf32, #tpu.memory_space<vmem>> -> memref<1x3000xf32, #tpu.memory_space<vmem>>
    %dma_wait3A_1057 = tpu.memref_squeeze %dma_wait3A_1056 : memref<1x3000xf32, #tpu.memory_space<vmem>> -> memref<3000xf32, #tpu.memory_space<vmem>>
    %dma_wait3A_1058 = arith.constant 0 : i32
    %dma_wait3A_1059 = tpu.memref_slice %arg2[%add3A_32, %add3A_881, %dma_wait3A_1058] : memref<32x500x3000xf32, #tpu.memory_space<hbm>> -> memref<1x1x3000xf32, #tpu.memory_space<hbm>>
    %dma_wait3A_1060 = tpu.memref_squeeze %dma_wait3A_1059 : memref<1x1x3000xf32, #tpu.memory_space<hbm>> -> memref<3000xf32, #tpu.memory_space<hbm>>
    tpu.wait_dma2 semaphore(%arg7 : memref<!tpu.dma_semaphore, #tpu.memory_space<semaphore_mem>>) src(%dma_wait3A_1060 : memref<3000xf32, #tpu.memory_space<hbm>>) dst(%dma_wait3A_1057 : memref<3000xf32, #tpu.memory_space<vmem>>)
    %dma_wait3A_1061 = arith.constant 1 : i32
    %dma_wait3A_1062 = arith.constant 0 : i32
    %dma_wait3A_1063 = tpu.memref_slice %arg5[%dma_wait3A_1061, %dma_wait3A_1062] : memref<8x3000xf32, #tpu.memory_space<vmem>> -> memref<1x3000xf32, #tpu.memory_space<vmem>>
    %dma_wait3A_1064 = tpu.memref_squeeze %dma_wait3A_1063 : memref<1x3000xf32, #tpu.memory_space<vmem>> -> memref<3000xf32, #tpu.memory_space<vmem>>
    %dma_wait3A_1065 = arith.constant 0 : i32
    %dma_wait3A_1066 = tpu.memref_slice %arg2[%add3A_32, %add3A_902, %dma_wait3A_1065] : memref<32x500x3000xf32, #tpu.memory_space<hbm>> -> memref<1x1x3000xf32, #tpu.memory_space<hbm>>
    %dma_wait3A_1067 = tpu.memref_squeeze %dma_wait3A_1066 : memref<1x1x3000xf32, #tpu.memory_space<hbm>> -> memref<3000xf32, #tpu.memory_space<hbm>>
    %dma_wait3A_1068 = arith.constant 0 : i32
    %dma_wait3A_1069 = tpu.memref_slice %arg5[%dma_wait3A_1061, %dma_wait3A_1068] : memref<8x3000xf32, #tpu.memory_space<vmem>> -> memref<1x3000xf32, #tpu.memory_space<vmem>>
    %dma_wait3A_1070 = tpu.memref_squeeze %dma_wait3A_1069 : memref<1x3000xf32, #tpu.memory_space<vmem>> -> memref<3000xf32, #tpu.memory_space<vmem>>
    %dma_wait3A_1071 = arith.constant 0 : i32
    %dma_wait3A_1072 = tpu.memref_slice %arg2[%add3A_32, %add3A_902, %dma_wait3A_1071] : memref<32x500x3000xf32, #tpu.memory_space<hbm>> -> memref<1x1x3000xf32, #tpu.memory_space<hbm>>
    %dma_wait3A_1073 = tpu.memref_squeeze %dma_wait3A_1072 : memref<1x1x3000xf32, #tpu.memory_space<hbm>> -> memref<3000xf32, #tpu.memory_space<hbm>>
    tpu.wait_dma2 semaphore(%arg7 : memref<!tpu.dma_semaphore, #tpu.memory_space<semaphore_mem>>) src(%dma_wait3A_1073 : memref<3000xf32, #tpu.memory_space<hbm>>) dst(%dma_wait3A_1070 : memref<3000xf32, #tpu.memory_space<vmem>>)
    %dma_wait3A_1074 = arith.constant 2 : i32
    %dma_wait3A_1075 = arith.constant 0 : i32
    %dma_wait3A_1076 = tpu.memref_slice %arg5[%dma_wait3A_1074, %dma_wait3A_1075] : memref<8x3000xf32, #tpu.memory_space<vmem>> -> memref<1x3000xf32, #tpu.memory_space<vmem>>
    %dma_wait3A_1077 = tpu.memref_squeeze %dma_wait3A_1076 : memref<1x3000xf32, #tpu.memory_space<vmem>> -> memref<3000xf32, #tpu.memory_space<vmem>>
    %dma_wait3A_1078 = arith.constant 0 : i32
    %dma_wait3A_1079 = tpu.memref_slice %arg2[%add3A_32, %add3A_923, %dma_wait3A_1078] : memref<32x500x3000xf32, #tpu.memory_space<hbm>> -> memref<1x1x3000xf32, #tpu.memory_space<hbm>>
    %dma_wait3A_1080 = tpu.memref_squeeze %dma_wait3A_1079 : memref<1x1x3000xf32, #tpu.memory_space<hbm>> -> memref<3000xf32, #tpu.memory_space<hbm>>
    %dma_wait3A_1081 = arith.constant 0 : i32
    %dma_wait3A_1082 = tpu.memref_slice %arg5[%dma_wait3A_1074, %dma_wait3A_1081] : memref<8x3000xf32, #tpu.memory_space<vmem>> -> memref<1x3000xf32, #tpu.memory_space<vmem>>
    %dma_wait3A_1083 = tpu.memref_squeeze %dma_wait3A_1082 : memref<1x3000xf32, #tpu.memory_space<vmem>> -> memref<3000xf32, #tpu.memory_space<vmem>>
    %dma_wait3A_1084 = arith.constant 0 : i32
    %dma_wait3A_1085 = tpu.memref_slice %arg2[%add3A_32, %add3A_923, %dma_wait3A_1084] : memref<32x500x3000xf32, #tpu.memory_space<hbm>> -> memref<1x1x3000xf32, #tpu.memory_space<hbm>>
    %dma_wait3A_1086 = tpu.memref_squeeze %dma_wait3A_1085 : memref<1x1x3000xf32, #tpu.memory_space<hbm>> -> memref<3000xf32, #tpu.memory_space<hbm>>
    tpu.wait_dma2 semaphore(%arg7 : memref<!tpu.dma_semaphore, #tpu.memory_space<semaphore_mem>>) src(%dma_wait3A_1086 : memref<3000xf32, #tpu.memory_space<hbm>>) dst(%dma_wait3A_1083 : memref<3000xf32, #tpu.memory_space<vmem>>)
    %dma_wait3A_1087 = arith.constant 3 : i32
    %dma_wait3A_1088 = arith.constant 0 : i32
    %dma_wait3A_1089 = tpu.memref_slice %arg5[%dma_wait3A_1087, %dma_wait3A_1088] : memref<8x3000xf32, #tpu.memory_space<vmem>> -> memref<1x3000xf32, #tpu.memory_space<vmem>>
    %dma_wait3A_1090 = tpu.memref_squeeze %dma_wait3A_1089 : memref<1x3000xf32, #tpu.memory_space<vmem>> -> memref<3000xf32, #tpu.memory_space<vmem>>
    %dma_wait3A_1091 = arith.constant 0 : i32
    %dma_wait3A_1092 = tpu.memref_slice %arg2[%add3A_32, %add3A_944, %dma_wait3A_1091] : memref<32x500x3000xf32, #tpu.memory_space<hbm>> -> memref<1x1x3000xf32, #tpu.memory_space<hbm>>
    %dma_wait3A_1093 = tpu.memref_squeeze %dma_wait3A_1092 : memref<1x1x3000xf32, #tpu.memory_space<hbm>> -> memref<3000xf32, #tpu.memory_space<hbm>>
    %dma_wait3A_1094 = arith.constant 0 : i32
    %dma_wait3A_1095 = tpu.memref_slice %arg5[%dma_wait3A_1087, %dma_wait3A_1094] : memref<8x3000xf32, #tpu.memory_space<vmem>> -> memref<1x3000xf32, #tpu.memory_space<vmem>>
    %dma_wait3A_1096 = tpu.memref_squeeze %dma_wait3A_1095 : memref<1x3000xf32, #tpu.memory_space<vmem>> -> memref<3000xf32, #tpu.memory_space<vmem>>
    %dma_wait3A_1097 = arith.constant 0 : i32
    %dma_wait3A_1098 = tpu.memref_slice %arg2[%add3A_32, %add3A_944, %dma_wait3A_1097] : memref<32x500x3000xf32, #tpu.memory_space<hbm>> -> memref<1x1x3000xf32, #tpu.memory_space<hbm>>
    %dma_wait3A_1099 = tpu.memref_squeeze %dma_wait3A_1098 : memref<1x1x3000xf32, #tpu.memory_space<hbm>> -> memref<3000xf32, #tpu.memory_space<hbm>>
    tpu.wait_dma2 semaphore(%arg7 : memref<!tpu.dma_semaphore, #tpu.memory_space<semaphore_mem>>) src(%dma_wait3A_1099 : memref<3000xf32, #tpu.memory_space<hbm>>) dst(%dma_wait3A_1096 : memref<3000xf32, #tpu.memory_space<vmem>>)
    %dma_wait3A_1100 = arith.constant 4 : i32
    %dma_wait3A_1101 = arith.constant 0 : i32
    %dma_wait3A_1102 = tpu.memref_slice %arg5[%dma_wait3A_1100, %dma_wait3A_1101] : memref<8x3000xf32, #tpu.memory_space<vmem>> -> memref<1x3000xf32, #tpu.memory_space<vmem>>
    %dma_wait3A_1103 = tpu.memref_squeeze %dma_wait3A_1102 : memref<1x3000xf32, #tpu.memory_space<vmem>> -> memref<3000xf32, #tpu.memory_space<vmem>>
    %dma_wait3A_1104 = arith.constant 0 : i32
    %dma_wait3A_1105 = tpu.memref_slice %arg2[%add3A_32, %add3A_965, %dma_wait3A_1104] : memref<32x500x3000xf32, #tpu.memory_space<hbm>> -> memref<1x1x3000xf32, #tpu.memory_space<hbm>>
    %dma_wait3A_1106 = tpu.memref_squeeze %dma_wait3A_1105 : memref<1x1x3000xf32, #tpu.memory_space<hbm>> -> memref<3000xf32, #tpu.memory_space<hbm>>
    %dma_wait3A_1107 = arith.constant 0 : i32
    %dma_wait3A_1108 = tpu.memref_slice %arg5[%dma_wait3A_1100, %dma_wait3A_1107] : memref<8x3000xf32, #tpu.memory_space<vmem>> -> memref<1x3000xf32, #tpu.memory_space<vmem>>
    %dma_wait3A_1109 = tpu.memref_squeeze %dma_wait3A_1108 : memref<1x3000xf32, #tpu.memory_space<vmem>> -> memref<3000xf32, #tpu.memory_space<vmem>>
    %dma_wait3A_1110 = arith.constant 0 : i32
    %dma_wait3A_1111 = tpu.memref_slice %arg2[%add3A_32, %add3A_965, %dma_wait3A_1110] : memref<32x500x3000xf32, #tpu.memory_space<hbm>> -> memref<1x1x3000xf32, #tpu.memory_space<hbm>>
    %dma_wait3A_1112 = tpu.memref_squeeze %dma_wait3A_1111 : memref<1x1x3000xf32, #tpu.memory_space<hbm>> -> memref<3000xf32, #tpu.memory_space<hbm>>
    tpu.wait_dma2 semaphore(%arg7 : memref<!tpu.dma_semaphore, #tpu.memory_space<semaphore_mem>>) src(%dma_wait3A_1112 : memref<3000xf32, #tpu.memory_space<hbm>>) dst(%dma_wait3A_1109 : memref<3000xf32, #tpu.memory_space<vmem>>)
    %dma_wait3A_1113 = arith.constant 5 : i32
    %dma_wait3A_1114 = arith.constant 0 : i32
    %dma_wait3A_1115 = tpu.memref_slice %arg5[%dma_wait3A_1113, %dma_wait3A_1114] : memref<8x3000xf32, #tpu.memory_space<vmem>> -> memref<1x3000xf32, #tpu.memory_space<vmem>>
    %dma_wait3A_1116 = tpu.memref_squeeze %dma_wait3A_1115 : memref<1x3000xf32, #tpu.memory_space<vmem>> -> memref<3000xf32, #tpu.memory_space<vmem>>
    %dma_wait3A_1117 = arith.constant 0 : i32
    %dma_wait3A_1118 = tpu.memref_slice %arg2[%add3A_32, %add3A_986, %dma_wait3A_1117] : memref<32x500x3000xf32, #tpu.memory_space<hbm>> -> memref<1x1x3000xf32, #tpu.memory_space<hbm>>
    %dma_wait3A_1119 = tpu.memref_squeeze %dma_wait3A_1118 : memref<1x1x3000xf32, #tpu.memory_space<hbm>> -> memref<3000xf32, #tpu.memory_space<hbm>>
    %dma_wait3A_1120 = arith.constant 0 : i32
    %dma_wait3A_1121 = tpu.memref_slice %arg5[%dma_wait3A_1113, %dma_wait3A_1120] : memref<8x3000xf32, #tpu.memory_space<vmem>> -> memref<1x3000xf32, #tpu.memory_space<vmem>>
    %dma_wait3A_1122 = tpu.memref_squeeze %dma_wait3A_1121 : memref<1x3000xf32, #tpu.memory_space<vmem>> -> memref<3000xf32, #tpu.memory_space<vmem>>
    %dma_wait3A_1123 = arith.constant 0 : i32
    %dma_wait3A_1124 = tpu.memref_slice %arg2[%add3A_32, %add3A_986, %dma_wait3A_1123] : memref<32x500x3000xf32, #tpu.memory_space<hbm>> -> memref<1x1x3000xf32, #tpu.memory_space<hbm>>
    %dma_wait3A_1125 = tpu.memref_squeeze %dma_wait3A_1124 : memref<1x1x3000xf32, #tpu.memory_space<hbm>> -> memref<3000xf32, #tpu.memory_space<hbm>>
    tpu.wait_dma2 semaphore(%arg7 : memref<!tpu.dma_semaphore, #tpu.memory_space<semaphore_mem>>) src(%dma_wait3A_1125 : memref<3000xf32, #tpu.memory_space<hbm>>) dst(%dma_wait3A_1122 : memref<3000xf32, #tpu.memory_space<vmem>>)
    %dma_wait3A_1126 = arith.constant 6 : i32
    %dma_wait3A_1127 = arith.constant 0 : i32
    %dma_wait3A_1128 = tpu.memref_slice %arg5[%dma_wait3A_1126, %dma_wait3A_1127] : memref<8x3000xf32, #tpu.memory_space<vmem>> -> memref<1x3000xf32, #tpu.memory_space<vmem>>
    %dma_wait3A_1129 = tpu.memref_squeeze %dma_wait3A_1128 : memref<1x3000xf32, #tpu.memory_space<vmem>> -> memref<3000xf32, #tpu.memory_space<vmem>>
    %dma_wait3A_1130 = arith.constant 0 : i32
    %dma_wait3A_1131 = tpu.memref_slice %arg2[%add3A_32, %add3A_1007, %dma_wait3A_1130] : memref<32x500x3000xf32, #tpu.memory_space<hbm>> -> memref<1x1x3000xf32, #tpu.memory_space<hbm>>
    %dma_wait3A_1132 = tpu.memref_squeeze %dma_wait3A_1131 : memref<1x1x3000xf32, #tpu.memory_space<hbm>> -> memref<3000xf32, #tpu.memory_space<hbm>>
    %dma_wait3A_1133 = arith.constant 0 : i32
    %dma_wait3A_1134 = tpu.memref_slice %arg5[%dma_wait3A_1126, %dma_wait3A_1133] : memref<8x3000xf32, #tpu.memory_space<vmem>> -> memref<1x3000xf32, #tpu.memory_space<vmem>>
    %dma_wait3A_1135 = tpu.memref_squeeze %dma_wait3A_1134 : memref<1x3000xf32, #tpu.memory_space<vmem>> -> memref<3000xf32, #tpu.memory_space<vmem>>
    %dma_wait3A_1136 = arith.constant 0 : i32
    %dma_wait3A_1137 = tpu.memref_slice %arg2[%add3A_32, %add3A_1007, %dma_wait3A_1136] : memref<32x500x3000xf32, #tpu.memory_space<hbm>> -> memref<1x1x3000xf32, #tpu.memory_space<hbm>>
    %dma_wait3A_1138 = tpu.memref_squeeze %dma_wait3A_1137 : memref<1x1x3000xf32, #tpu.memory_space<hbm>> -> memref<3000xf32, #tpu.memory_space<hbm>>
    tpu.wait_dma2 semaphore(%arg7 : memref<!tpu.dma_semaphore, #tpu.memory_space<semaphore_mem>>) src(%dma_wait3A_1138 : memref<3000xf32, #tpu.memory_space<hbm>>) dst(%dma_wait3A_1135 : memref<3000xf32, #tpu.memory_space<vmem>>)
    %dma_wait3A_1139 = arith.constant 7 : i32
    %dma_wait3A_1140 = arith.constant 0 : i32
    %dma_wait3A_1141 = tpu.memref_slice %arg5[%dma_wait3A_1139, %dma_wait3A_1140] : memref<8x3000xf32, #tpu.memory_space<vmem>> -> memref<1x3000xf32, #tpu.memory_space<vmem>>
    %dma_wait3A_1142 = tpu.memref_squeeze %dma_wait3A_1141 : memref<1x3000xf32, #tpu.memory_space<vmem>> -> memref<3000xf32, #tpu.memory_space<vmem>>
    %dma_wait3A_1143 = arith.constant 0 : i32
    %dma_wait3A_1144 = tpu.memref_slice %arg2[%add3A_32, %add3A_1028, %dma_wait3A_1143] : memref<32x500x3000xf32, #tpu.memory_space<hbm>> -> memref<1x1x3000xf32, #tpu.memory_space<hbm>>
    %dma_wait3A_1145 = tpu.memref_squeeze %dma_wait3A_1144 : memref<1x1x3000xf32, #tpu.memory_space<hbm>> -> memref<3000xf32, #tpu.memory_space<hbm>>
    %dma_wait3A_1146 = arith.constant 0 : i32
    %dma_wait3A_1147 = tpu.memref_slice %arg5[%dma_wait3A_1139, %dma_wait3A_1146] : memref<8x3000xf32, #tpu.memory_space<vmem>> -> memref<1x3000xf32, #tpu.memory_space<vmem>>
    %dma_wait3A_1148 = tpu.memref_squeeze %dma_wait3A_1147 : memref<1x3000xf32, #tpu.memory_space<vmem>> -> memref<3000xf32, #tpu.memory_space<vmem>>
    %dma_wait3A_1149 = arith.constant 0 : i32
    %dma_wait3A_1150 = tpu.memref_slice %arg2[%add3A_32, %add3A_1028, %dma_wait3A_1149] : memref<32x500x3000xf32, #tpu.memory_space<hbm>> -> memref<1x1x3000xf32, #tpu.memory_space<hbm>>
    %dma_wait3A_1151 = tpu.memref_squeeze %dma_wait3A_1150 : memref<1x1x3000xf32, #tpu.memory_space<hbm>> -> memref<3000xf32, #tpu.memory_space<hbm>>
    tpu.wait_dma2 semaphore(%arg7 : memref<!tpu.dma_semaphore, #tpu.memory_space<semaphore_mem>>) src(%dma_wait3A_1151 : memref<3000xf32, #tpu.memory_space<hbm>>) dst(%dma_wait3A_1148 : memref<3000xf32, #tpu.memory_space<vmem>>)
    %dma_wait3A_1152 = arith.constant 0 : i32
    %dma_wait3A_1153 = tpu.memref_slice %arg3[%add3A_1043, %dma_wait3A_1152] : memref<1792x3000xf32, #tpu.memory_space<hbm>> -> memref<8x3000xf32, #tpu.memory_space<hbm>>
    %dma_wait3A_1154 = arith.constant 0 : i32
    %dma_wait3A_1155 = tpu.memref_slice %arg3[%add3A_1043, %dma_wait3A_1154] : memref<1792x3000xf32, #tpu.memory_space<hbm>> -> memref<8x3000xf32, #tpu.memory_space<hbm>>
    tpu.wait_dma2 semaphore(%arg8 : memref<!tpu.dma_semaphore, #tpu.memory_space<semaphore_mem>>) src(%arg4 : memref<8x3000xf32, #tpu.memory_space<vmem>>) dst(%dma_wait3A_1155 : memref<8x3000xf32, #tpu.memory_space<hbm>>)
    %add3A_1156 = arith.constant 32 : i32
    %add3A_1157 = arith.addi %mul3A_39, %add3A_1156 : i32
    %add3A_1158 = arith.constant 0 : i32
    %add3A_1159 = arith.addi %add3A_1157, %add3A_1158 : i32
    %mul3A_1160 = arith.constant 5 : i32
    %mul3A_1161 = arith.muli %mul3A_1160, %add3A_1159 : i32
    %add3A_1162 = arith.constant 4 : i32
    %add3A_1163 = arith.addi %mul3A_1161, %add3A_1162 : i32
    %dma_start3A_1164 = arith.constant 0 : i32
    %dma_start3A_1165 = arith.constant 0 : i32
    %dma_start3A_1166 = tpu.memref_slice %arg4[%dma_start3A_1164, %dma_start3A_1165] : memref<8x3000xf32, #tpu.memory_space<vmem>> -> memref<1x3000xf32, #tpu.memory_space<vmem>>
    %dma_start3A_1167 = tpu.memref_squeeze %dma_start3A_1166 : memref<1x3000xf32, #tpu.memory_space<vmem>> -> memref<3000xf32, #tpu.memory_space<vmem>>
    %dma_start3A_1168 = arith.constant 0 : i32
    %dma_start3A_1169 = tpu.memref_slice %arg2[%add3A_32, %add3A_1163, %dma_start3A_1168] : memref<32x500x3000xf32, #tpu.memory_space<hbm>> -> memref<1x1x3000xf32, #tpu.memory_space<hbm>>
    %dma_start3A_1170 = tpu.memref_squeeze %dma_start3A_1169 : memref<1x1x3000xf32, #tpu.memory_space<hbm>> -> memref<3000xf32, #tpu.memory_space<hbm>>
    %dma_start3A_1171 = arith.constant 0 : i32
    %dma_start3A_1172 = tpu.memref_slice %arg4[%dma_start3A_1164, %dma_start3A_1171] : memref<8x3000xf32, #tpu.memory_space<vmem>> -> memref<1x3000xf32, #tpu.memory_space<vmem>>
    %dma_start3A_1173 = tpu.memref_squeeze %dma_start3A_1172 : memref<1x3000xf32, #tpu.memory_space<vmem>> -> memref<3000xf32, #tpu.memory_space<vmem>>
    %dma_start3A_1174 = arith.constant 0 : i32
    %dma_start3A_1175 = tpu.memref_slice %arg2[%add3A_32, %add3A_1163, %dma_start3A_1174] : memref<32x500x3000xf32, #tpu.memory_space<hbm>> -> memref<1x1x3000xf32, #tpu.memory_space<hbm>>
    %dma_start3A_1176 = tpu.memref_squeeze %dma_start3A_1175 : memref<1x1x3000xf32, #tpu.memory_space<hbm>> -> memref<3000xf32, #tpu.memory_space<hbm>>
    tpu.enqueue_dma source(%dma_start3A_1176 : memref<3000xf32, #tpu.memory_space<hbm>>) target(%dma_start3A_1173 : memref<3000xf32, #tpu.memory_space<vmem>>) target_semaphore(%arg6 : memref<!tpu.dma_semaphore, #tpu.memory_space<semaphore_mem>>)
    %add3A_1177 = arith.constant 32 : i32
    %add3A_1178 = arith.addi %mul3A_39, %add3A_1177 : i32
    %add3A_1179 = arith.constant 1 : i32
    %add3A_1180 = arith.addi %add3A_1178, %add3A_1179 : i32
    %mul3A_1181 = arith.constant 5 : i32
    %mul3A_1182 = arith.muli %mul3A_1181, %add3A_1180 : i32
    %add3A_1183 = arith.constant 4 : i32
    %add3A_1184 = arith.addi %mul3A_1182, %add3A_1183 : i32
    %dma_start3A_1185 = arith.constant 1 : i32
    %dma_start3A_1186 = arith.constant 0 : i32
    %dma_start3A_1187 = tpu.memref_slice %arg4[%dma_start3A_1185, %dma_start3A_1186] : memref<8x3000xf32, #tpu.memory_space<vmem>> -> memref<1x3000xf32, #tpu.memory_space<vmem>>
    %dma_start3A_1188 = tpu.memref_squeeze %dma_start3A_1187 : memref<1x3000xf32, #tpu.memory_space<vmem>> -> memref<3000xf32, #tpu.memory_space<vmem>>
    %dma_start3A_1189 = arith.constant 0 : i32
    %dma_start3A_1190 = tpu.memref_slice %arg2[%add3A_32, %add3A_1184, %dma_start3A_1189] : memref<32x500x3000xf32, #tpu.memory_space<hbm>> -> memref<1x1x3000xf32, #tpu.memory_space<hbm>>
    %dma_start3A_1191 = tpu.memref_squeeze %dma_start3A_1190 : memref<1x1x3000xf32, #tpu.memory_space<hbm>> -> memref<3000xf32, #tpu.memory_space<hbm>>
    %dma_start3A_1192 = arith.constant 0 : i32
    %dma_start3A_1193 = tpu.memref_slice %arg4[%dma_start3A_1185, %dma_start3A_1192] : memref<8x3000xf32, #tpu.memory_space<vmem>> -> memref<1x3000xf32, #tpu.memory_space<vmem>>
    %dma_start3A_1194 = tpu.memref_squeeze %dma_start3A_1193 : memref<1x3000xf32, #tpu.memory_space<vmem>> -> memref<3000xf32, #tpu.memory_space<vmem>>
    %dma_start3A_1195 = arith.constant 0 : i32
    %dma_start3A_1196 = tpu.memref_slice %arg2[%add3A_32, %add3A_1184, %dma_start3A_1195] : memref<32x500x3000xf32, #tpu.memory_space<hbm>> -> memref<1x1x3000xf32, #tpu.memory_space<hbm>>
    %dma_start3A_1197 = tpu.memref_squeeze %dma_start3A_1196 : memref<1x1x3000xf32, #tpu.memory_space<hbm>> -> memref<3000xf32, #tpu.memory_space<hbm>>
    tpu.enqueue_dma source(%dma_start3A_1197 : memref<3000xf32, #tpu.memory_space<hbm>>) target(%dma_start3A_1194 : memref<3000xf32, #tpu.memory_space<vmem>>) target_semaphore(%arg6 : memref<!tpu.dma_semaphore, #tpu.memory_space<semaphore_mem>>)
    %add3A_1198 = arith.constant 32 : i32
    %add3A_1199 = arith.addi %mul3A_39, %add3A_1198 : i32
    %add3A_1200 = arith.constant 2 : i32
    %add3A_1201 = arith.addi %add3A_1199, %add3A_1200 : i32
    %mul3A_1202 = arith.constant 5 : i32
    %mul3A_1203 = arith.muli %mul3A_1202, %add3A_1201 : i32
    %add3A_1204 = arith.constant 4 : i32
    %add3A_1205 = arith.addi %mul3A_1203, %add3A_1204 : i32
    %dma_start3A_1206 = arith.constant 2 : i32
    %dma_start3A_1207 = arith.constant 0 : i32
    %dma_start3A_1208 = tpu.memref_slice %arg4[%dma_start3A_1206, %dma_start3A_1207] : memref<8x3000xf32, #tpu.memory_space<vmem>> -> memref<1x3000xf32, #tpu.memory_space<vmem>>
    %dma_start3A_1209 = tpu.memref_squeeze %dma_start3A_1208 : memref<1x3000xf32, #tpu.memory_space<vmem>> -> memref<3000xf32, #tpu.memory_space<vmem>>
    %dma_start3A_1210 = arith.constant 0 : i32
    %dma_start3A_1211 = tpu.memref_slice %arg2[%add3A_32, %add3A_1205, %dma_start3A_1210] : memref<32x500x3000xf32, #tpu.memory_space<hbm>> -> memref<1x1x3000xf32, #tpu.memory_space<hbm>>
    %dma_start3A_1212 = tpu.memref_squeeze %dma_start3A_1211 : memref<1x1x3000xf32, #tpu.memory_space<hbm>> -> memref<3000xf32, #tpu.memory_space<hbm>>
    %dma_start3A_1213 = arith.constant 0 : i32
    %dma_start3A_1214 = tpu.memref_slice %arg4[%dma_start3A_1206, %dma_start3A_1213] : memref<8x3000xf32, #tpu.memory_space<vmem>> -> memref<1x3000xf32, #tpu.memory_space<vmem>>
    %dma_start3A_1215 = tpu.memref_squeeze %dma_start3A_1214 : memref<1x3000xf32, #tpu.memory_space<vmem>> -> memref<3000xf32, #tpu.memory_space<vmem>>
    %dma_start3A_1216 = arith.constant 0 : i32
    %dma_start3A_1217 = tpu.memref_slice %arg2[%add3A_32, %add3A_1205, %dma_start3A_1216] : memref<32x500x3000xf32, #tpu.memory_space<hbm>> -> memref<1x1x3000xf32, #tpu.memory_space<hbm>>
    %dma_start3A_1218 = tpu.memref_squeeze %dma_start3A_1217 : memref<1x1x3000xf32, #tpu.memory_space<hbm>> -> memref<3000xf32, #tpu.memory_space<hbm>>
    tpu.enqueue_dma source(%dma_start3A_1218 : memref<3000xf32, #tpu.memory_space<hbm>>) target(%dma_start3A_1215 : memref<3000xf32, #tpu.memory_space<vmem>>) target_semaphore(%arg6 : memref<!tpu.dma_semaphore, #tpu.memory_space<semaphore_mem>>)
    %add3A_1219 = arith.constant 32 : i32
    %add3A_1220 = arith.addi %mul3A_39, %add3A_1219 : i32
    %add3A_1221 = arith.constant 3 : i32
    %add3A_1222 = arith.addi %add3A_1220, %add3A_1221 : i32
    %mul3A_1223 = arith.constant 5 : i32
    %mul3A_1224 = arith.muli %mul3A_1223, %add3A_1222 : i32
    %add3A_1225 = arith.constant 4 : i32
    %add3A_1226 = arith.addi %mul3A_1224, %add3A_1225 : i32
    %dma_start3A_1227 = arith.constant 3 : i32
    %dma_start3A_1228 = arith.constant 0 : i32
    %dma_start3A_1229 = tpu.memref_slice %arg4[%dma_start3A_1227, %dma_start3A_1228] : memref<8x3000xf32, #tpu.memory_space<vmem>> -> memref<1x3000xf32, #tpu.memory_space<vmem>>
    %dma_start3A_1230 = tpu.memref_squeeze %dma_start3A_1229 : memref<1x3000xf32, #tpu.memory_space<vmem>> -> memref<3000xf32, #tpu.memory_space<vmem>>
    %dma_start3A_1231 = arith.constant 0 : i32
    %dma_start3A_1232 = tpu.memref_slice %arg2[%add3A_32, %add3A_1226, %dma_start3A_1231] : memref<32x500x3000xf32, #tpu.memory_space<hbm>> -> memref<1x1x3000xf32, #tpu.memory_space<hbm>>
    %dma_start3A_1233 = tpu.memref_squeeze %dma_start3A_1232 : memref<1x1x3000xf32, #tpu.memory_space<hbm>> -> memref<3000xf32, #tpu.memory_space<hbm>>
    %dma_start3A_1234 = arith.constant 0 : i32
    %dma_start3A_1235 = tpu.memref_slice %arg4[%dma_start3A_1227, %dma_start3A_1234] : memref<8x3000xf32, #tpu.memory_space<vmem>> -> memref<1x3000xf32, #tpu.memory_space<vmem>>
    %dma_start3A_1236 = tpu.memref_squeeze %dma_start3A_1235 : memref<1x3000xf32, #tpu.memory_space<vmem>> -> memref<3000xf32, #tpu.memory_space<vmem>>
    %dma_start3A_1237 = arith.constant 0 : i32
    %dma_start3A_1238 = tpu.memref_slice %arg2[%add3A_32, %add3A_1226, %dma_start3A_1237] : memref<32x500x3000xf32, #tpu.memory_space<hbm>> -> memref<1x1x3000xf32, #tpu.memory_space<hbm>>
    %dma_start3A_1239 = tpu.memref_squeeze %dma_start3A_1238 : memref<1x1x3000xf32, #tpu.memory_space<hbm>> -> memref<3000xf32, #tpu.memory_space<hbm>>
    tpu.enqueue_dma source(%dma_start3A_1239 : memref<3000xf32, #tpu.memory_space<hbm>>) target(%dma_start3A_1236 : memref<3000xf32, #tpu.memory_space<vmem>>) target_semaphore(%arg6 : memref<!tpu.dma_semaphore, #tpu.memory_space<semaphore_mem>>)
    %add3A_1240 = arith.constant 32 : i32
    %add3A_1241 = arith.addi %mul3A_39, %add3A_1240 : i32
    %add3A_1242 = arith.constant 4 : i32
    %add3A_1243 = arith.addi %add3A_1241, %add3A_1242 : i32
    %mul3A_1244 = arith.constant 5 : i32
    %mul3A_1245 = arith.muli %mul3A_1244, %add3A_1243 : i32
    %add3A_1246 = arith.constant 4 : i32
    %add3A_1247 = arith.addi %mul3A_1245, %add3A_1246 : i32
    %dma_start3A_1248 = arith.constant 4 : i32
    %dma_start3A_1249 = arith.constant 0 : i32
    %dma_start3A_1250 = tpu.memref_slice %arg4[%dma_start3A_1248, %dma_start3A_1249] : memref<8x3000xf32, #tpu.memory_space<vmem>> -> memref<1x3000xf32, #tpu.memory_space<vmem>>
    %dma_start3A_1251 = tpu.memref_squeeze %dma_start3A_1250 : memref<1x3000xf32, #tpu.memory_space<vmem>> -> memref<3000xf32, #tpu.memory_space<vmem>>
    %dma_start3A_1252 = arith.constant 0 : i32
    %dma_start3A_1253 = tpu.memref_slice %arg2[%add3A_32, %add3A_1247, %dma_start3A_1252] : memref<32x500x3000xf32, #tpu.memory_space<hbm>> -> memref<1x1x3000xf32, #tpu.memory_space<hbm>>
    %dma_start3A_1254 = tpu.memref_squeeze %dma_start3A_1253 : memref<1x1x3000xf32, #tpu.memory_space<hbm>> -> memref<3000xf32, #tpu.memory_space<hbm>>
    %dma_start3A_1255 = arith.constant 0 : i32
    %dma_start3A_1256 = tpu.memref_slice %arg4[%dma_start3A_1248, %dma_start3A_1255] : memref<8x3000xf32, #tpu.memory_space<vmem>> -> memref<1x3000xf32, #tpu.memory_space<vmem>>
    %dma_start3A_1257 = tpu.memref_squeeze %dma_start3A_1256 : memref<1x3000xf32, #tpu.memory_space<vmem>> -> memref<3000xf32, #tpu.memory_space<vmem>>
    %dma_start3A_1258 = arith.constant 0 : i32
    %dma_start3A_1259 = tpu.memref_slice %arg2[%add3A_32, %add3A_1247, %dma_start3A_1258] : memref<32x500x3000xf32, #tpu.memory_space<hbm>> -> memref<1x1x3000xf32, #tpu.memory_space<hbm>>
    %dma_start3A_1260 = tpu.memref_squeeze %dma_start3A_1259 : memref<1x1x3000xf32, #tpu.memory_space<hbm>> -> memref<3000xf32, #tpu.memory_space<hbm>>
    tpu.enqueue_dma source(%dma_start3A_1260 : memref<3000xf32, #tpu.memory_space<hbm>>) target(%dma_start3A_1257 : memref<3000xf32, #tpu.memory_space<vmem>>) target_semaphore(%arg6 : memref<!tpu.dma_semaphore, #tpu.memory_space<semaphore_mem>>)
    %add3A_1261 = arith.constant 32 : i32
    %add3A_1262 = arith.addi %mul3A_39, %add3A_1261 : i32
    %add3A_1263 = arith.constant 5 : i32
    %add3A_1264 = arith.addi %add3A_1262, %add3A_1263 : i32
    %mul3A_1265 = arith.constant 5 : i32
    %mul3A_1266 = arith.muli %mul3A_1265, %add3A_1264 : i32
    %add3A_1267 = arith.constant 4 : i32
    %add3A_1268 = arith.addi %mul3A_1266, %add3A_1267 : i32
    %dma_start3A_1269 = arith.constant 5 : i32
    %dma_start3A_1270 = arith.constant 0 : i32
    %dma_start3A_1271 = tpu.memref_slice %arg4[%dma_start3A_1269, %dma_start3A_1270] : memref<8x3000xf32, #tpu.memory_space<vmem>> -> memref<1x3000xf32, #tpu.memory_space<vmem>>
    %dma_start3A_1272 = tpu.memref_squeeze %dma_start3A_1271 : memref<1x3000xf32, #tpu.memory_space<vmem>> -> memref<3000xf32, #tpu.memory_space<vmem>>
    %dma_start3A_1273 = arith.constant 0 : i32
    %dma_start3A_1274 = tpu.memref_slice %arg2[%add3A_32, %add3A_1268, %dma_start3A_1273] : memref<32x500x3000xf32, #tpu.memory_space<hbm>> -> memref<1x1x3000xf32, #tpu.memory_space<hbm>>
    %dma_start3A_1275 = tpu.memref_squeeze %dma_start3A_1274 : memref<1x1x3000xf32, #tpu.memory_space<hbm>> -> memref<3000xf32, #tpu.memory_space<hbm>>
    %dma_start3A_1276 = arith.constant 0 : i32
    %dma_start3A_1277 = tpu.memref_slice %arg4[%dma_start3A_1269, %dma_start3A_1276] : memref<8x3000xf32, #tpu.memory_space<vmem>> -> memref<1x3000xf32, #tpu.memory_space<vmem>>
    %dma_start3A_1278 = tpu.memref_squeeze %dma_start3A_1277 : memref<1x3000xf32, #tpu.memory_space<vmem>> -> memref<3000xf32, #tpu.memory_space<vmem>>
    %dma_start3A_1279 = arith.constant 0 : i32
    %dma_start3A_1280 = tpu.memref_slice %arg2[%add3A_32, %add3A_1268, %dma_start3A_1279] : memref<32x500x3000xf32, #tpu.memory_space<hbm>> -> memref<1x1x3000xf32, #tpu.memory_space<hbm>>
    %dma_start3A_1281 = tpu.memref_squeeze %dma_start3A_1280 : memref<1x1x3000xf32, #tpu.memory_space<hbm>> -> memref<3000xf32, #tpu.memory_space<hbm>>
    tpu.enqueue_dma source(%dma_start3A_1281 : memref<3000xf32, #tpu.memory_space<hbm>>) target(%dma_start3A_1278 : memref<3000xf32, #tpu.memory_space<vmem>>) target_semaphore(%arg6 : memref<!tpu.dma_semaphore, #tpu.memory_space<semaphore_mem>>)
    %add3A_1282 = arith.constant 32 : i32
    %add3A_1283 = arith.addi %mul3A_39, %add3A_1282 : i32
    %add3A_1284 = arith.constant 6 : i32
    %add3A_1285 = arith.addi %add3A_1283, %add3A_1284 : i32
    %mul3A_1286 = arith.constant 5 : i32
    %mul3A_1287 = arith.muli %mul3A_1286, %add3A_1285 : i32
    %add3A_1288 = arith.constant 4 : i32
    %add3A_1289 = arith.addi %mul3A_1287, %add3A_1288 : i32
    %dma_start3A_1290 = arith.constant 6 : i32
    %dma_start3A_1291 = arith.constant 0 : i32
    %dma_start3A_1292 = tpu.memref_slice %arg4[%dma_start3A_1290, %dma_start3A_1291] : memref<8x3000xf32, #tpu.memory_space<vmem>> -> memref<1x3000xf32, #tpu.memory_space<vmem>>
    %dma_start3A_1293 = tpu.memref_squeeze %dma_start3A_1292 : memref<1x3000xf32, #tpu.memory_space<vmem>> -> memref<3000xf32, #tpu.memory_space<vmem>>
    %dma_start3A_1294 = arith.constant 0 : i32
    %dma_start3A_1295 = tpu.memref_slice %arg2[%add3A_32, %add3A_1289, %dma_start3A_1294] : memref<32x500x3000xf32, #tpu.memory_space<hbm>> -> memref<1x1x3000xf32, #tpu.memory_space<hbm>>
    %dma_start3A_1296 = tpu.memref_squeeze %dma_start3A_1295 : memref<1x1x3000xf32, #tpu.memory_space<hbm>> -> memref<3000xf32, #tpu.memory_space<hbm>>
    %dma_start3A_1297 = arith.constant 0 : i32
    %dma_start3A_1298 = tpu.memref_slice %arg4[%dma_start3A_1290, %dma_start3A_1297] : memref<8x3000xf32, #tpu.memory_space<vmem>> -> memref<1x3000xf32, #tpu.memory_space<vmem>>
    %dma_start3A_1299 = tpu.memref_squeeze %dma_start3A_1298 : memref<1x3000xf32, #tpu.memory_space<vmem>> -> memref<3000xf32, #tpu.memory_space<vmem>>
    %dma_start3A_1300 = arith.constant 0 : i32
    %dma_start3A_1301 = tpu.memref_slice %arg2[%add3A_32, %add3A_1289, %dma_start3A_1300] : memref<32x500x3000xf32, #tpu.memory_space<hbm>> -> memref<1x1x3000xf32, #tpu.memory_space<hbm>>
    %dma_start3A_1302 = tpu.memref_squeeze %dma_start3A_1301 : memref<1x1x3000xf32, #tpu.memory_space<hbm>> -> memref<3000xf32, #tpu.memory_space<hbm>>
    tpu.enqueue_dma source(%dma_start3A_1302 : memref<3000xf32, #tpu.memory_space<hbm>>) target(%dma_start3A_1299 : memref<3000xf32, #tpu.memory_space<vmem>>) target_semaphore(%arg6 : memref<!tpu.dma_semaphore, #tpu.memory_space<semaphore_mem>>)
    %add3A_1303 = arith.constant 32 : i32
    %add3A_1304 = arith.addi %mul3A_39, %add3A_1303 : i32
    %add3A_1305 = arith.constant 7 : i32
    %add3A_1306 = arith.addi %add3A_1304, %add3A_1305 : i32
    %mul3A_1307 = arith.constant 5 : i32
    %mul3A_1308 = arith.muli %mul3A_1307, %add3A_1306 : i32
    %add3A_1309 = arith.constant 4 : i32
    %add3A_1310 = arith.addi %mul3A_1308, %add3A_1309 : i32
    %dma_start3A_1311 = arith.constant 7 : i32
    %dma_start3A_1312 = arith.constant 0 : i32
    %dma_start3A_1313 = tpu.memref_slice %arg4[%dma_start3A_1311, %dma_start3A_1312] : memref<8x3000xf32, #tpu.memory_space<vmem>> -> memref<1x3000xf32, #tpu.memory_space<vmem>>
    %dma_start3A_1314 = tpu.memref_squeeze %dma_start3A_1313 : memref<1x3000xf32, #tpu.memory_space<vmem>> -> memref<3000xf32, #tpu.memory_space<vmem>>
    %dma_start3A_1315 = arith.constant 0 : i32
    %dma_start3A_1316 = tpu.memref_slice %arg2[%add3A_32, %add3A_1310, %dma_start3A_1315] : memref<32x500x3000xf32, #tpu.memory_space<hbm>> -> memref<1x1x3000xf32, #tpu.memory_space<hbm>>
    %dma_start3A_1317 = tpu.memref_squeeze %dma_start3A_1316 : memref<1x1x3000xf32, #tpu.memory_space<hbm>> -> memref<3000xf32, #tpu.memory_space<hbm>>
    %dma_start3A_1318 = arith.constant 0 : i32
    %dma_start3A_1319 = tpu.memref_slice %arg4[%dma_start3A_1311, %dma_start3A_1318] : memref<8x3000xf32, #tpu.memory_space<vmem>> -> memref<1x3000xf32, #tpu.memory_space<vmem>>
    %dma_start3A_1320 = tpu.memref_squeeze %dma_start3A_1319 : memref<1x3000xf32, #tpu.memory_space<vmem>> -> memref<3000xf32, #tpu.memory_space<vmem>>
    %dma_start3A_1321 = arith.constant 0 : i32
    %dma_start3A_1322 = tpu.memref_slice %arg2[%add3A_32, %add3A_1310, %dma_start3A_1321] : memref<32x500x3000xf32, #tpu.memory_space<hbm>> -> memref<1x1x3000xf32, #tpu.memory_space<hbm>>
    %dma_start3A_1323 = tpu.memref_squeeze %dma_start3A_1322 : memref<1x1x3000xf32, #tpu.memory_space<hbm>> -> memref<3000xf32, #tpu.memory_space<hbm>>
    tpu.enqueue_dma source(%dma_start3A_1323 : memref<3000xf32, #tpu.memory_space<hbm>>) target(%dma_start3A_1320 : memref<3000xf32, #tpu.memory_space<vmem>>) target_semaphore(%arg6 : memref<!tpu.dma_semaphore, #tpu.memory_space<semaphore_mem>>)
    %add3A_1324 = arith.constant 24 : i32
    %add3A_1325 = arith.addi %add3A_37, %add3A_1324 : i32
    %dma_start3A_1326 = arith.constant 0 : i32
    %dma_start3A_1327 = tpu.memref_slice %arg3[%add3A_1325, %dma_start3A_1326] : memref<1792x3000xf32, #tpu.memory_space<hbm>> -> memref<8x3000xf32, #tpu.memory_space<hbm>>
    %dma_start3A_1328 = arith.constant 0 : i32
    %dma_start3A_1329 = tpu.memref_slice %arg3[%add3A_1325, %dma_start3A_1328] : memref<1792x3000xf32, #tpu.memory_space<hbm>> -> memref<8x3000xf32, #tpu.memory_space<hbm>>
    tpu.enqueue_dma source(%arg5 : memref<8x3000xf32, #tpu.memory_space<vmem>>) target(%dma_start3A_1329 : memref<8x3000xf32, #tpu.memory_space<hbm>>) target_semaphore(%arg9 : memref<!tpu.dma_semaphore, #tpu.memory_space<semaphore_mem>>)
    %dma_wait3A_1330 = arith.constant 0 : i32
    %dma_wait3A_1331 = arith.constant 0 : i32
    %dma_wait3A_1332 = tpu.memref_slice %arg4[%dma_wait3A_1330, %dma_wait3A_1331] : memref<8x3000xf32, #tpu.memory_space<vmem>> -> memref<1x3000xf32, #tpu.memory_space<vmem>>
    %dma_wait3A_1333 = tpu.memref_squeeze %dma_wait3A_1332 : memref<1x3000xf32, #tpu.memory_space<vmem>> -> memref<3000xf32, #tpu.memory_space<vmem>>
    %dma_wait3A_1334 = arith.constant 0 : i32
    %dma_wait3A_1335 = tpu.memref_slice %arg2[%add3A_32, %add3A_1163, %dma_wait3A_1334] : memref<32x500x3000xf32, #tpu.memory_space<hbm>> -> memref<1x1x3000xf32, #tpu.memory_space<hbm>>
    %dma_wait3A_1336 = tpu.memref_squeeze %dma_wait3A_1335 : memref<1x1x3000xf32, #tpu.memory_space<hbm>> -> memref<3000xf32, #tpu.memory_space<hbm>>
    %dma_wait3A_1337 = arith.constant 0 : i32
    %dma_wait3A_1338 = tpu.memref_slice %arg4[%dma_wait3A_1330, %dma_wait3A_1337] : memref<8x3000xf32, #tpu.memory_space<vmem>> -> memref<1x3000xf32, #tpu.memory_space<vmem>>
    %dma_wait3A_1339 = tpu.memref_squeeze %dma_wait3A_1338 : memref<1x3000xf32, #tpu.memory_space<vmem>> -> memref<3000xf32, #tpu.memory_space<vmem>>
    %dma_wait3A_1340 = arith.constant 0 : i32
    %dma_wait3A_1341 = tpu.memref_slice %arg2[%add3A_32, %add3A_1163, %dma_wait3A_1340] : memref<32x500x3000xf32, #tpu.memory_space<hbm>> -> memref<1x1x3000xf32, #tpu.memory_space<hbm>>
    %dma_wait3A_1342 = tpu.memref_squeeze %dma_wait3A_1341 : memref<1x1x3000xf32, #tpu.memory_space<hbm>> -> memref<3000xf32, #tpu.memory_space<hbm>>
    tpu.wait_dma2 semaphore(%arg6 : memref<!tpu.dma_semaphore, #tpu.memory_space<semaphore_mem>>) src(%dma_wait3A_1342 : memref<3000xf32, #tpu.memory_space<hbm>>) dst(%dma_wait3A_1339 : memref<3000xf32, #tpu.memory_space<vmem>>)
    %dma_wait3A_1343 = arith.constant 1 : i32
    %dma_wait3A_1344 = arith.constant 0 : i32
    %dma_wait3A_1345 = tpu.memref_slice %arg4[%dma_wait3A_1343, %dma_wait3A_1344] : memref<8x3000xf32, #tpu.memory_space<vmem>> -> memref<1x3000xf32, #tpu.memory_space<vmem>>
    %dma_wait3A_1346 = tpu.memref_squeeze %dma_wait3A_1345 : memref<1x3000xf32, #tpu.memory_space<vmem>> -> memref<3000xf32, #tpu.memory_space<vmem>>
    %dma_wait3A_1347 = arith.constant 0 : i32
    %dma_wait3A_1348 = tpu.memref_slice %arg2[%add3A_32, %add3A_1184, %dma_wait3A_1347] : memref<32x500x3000xf32, #tpu.memory_space<hbm>> -> memref<1x1x3000xf32, #tpu.memory_space<hbm>>
    %dma_wait3A_1349 = tpu.memref_squeeze %dma_wait3A_1348 : memref<1x1x3000xf32, #tpu.memory_space<hbm>> -> memref<3000xf32, #tpu.memory_space<hbm>>
    %dma_wait3A_1350 = arith.constant 0 : i32
    %dma_wait3A_1351 = tpu.memref_slice %arg4[%dma_wait3A_1343, %dma_wait3A_1350] : memref<8x3000xf32, #tpu.memory_space<vmem>> -> memref<1x3000xf32, #tpu.memory_space<vmem>>
    %dma_wait3A_1352 = tpu.memref_squeeze %dma_wait3A_1351 : memref<1x3000xf32, #tpu.memory_space<vmem>> -> memref<3000xf32, #tpu.memory_space<vmem>>
    %dma_wait3A_1353 = arith.constant 0 : i32
    %dma_wait3A_1354 = tpu.memref_slice %arg2[%add3A_32, %add3A_1184, %dma_wait3A_1353] : memref<32x500x3000xf32, #tpu.memory_space<hbm>> -> memref<1x1x3000xf32, #tpu.memory_space<hbm>>
    %dma_wait3A_1355 = tpu.memref_squeeze %dma_wait3A_1354 : memref<1x1x3000xf32, #tpu.memory_space<hbm>> -> memref<3000xf32, #tpu.memory_space<hbm>>
    tpu.wait_dma2 semaphore(%arg6 : memref<!tpu.dma_semaphore, #tpu.memory_space<semaphore_mem>>) src(%dma_wait3A_1355 : memref<3000xf32, #tpu.memory_space<hbm>>) dst(%dma_wait3A_1352 : memref<3000xf32, #tpu.memory_space<vmem>>)
    %dma_wait3A_1356 = arith.constant 2 : i32
    %dma_wait3A_1357 = arith.constant 0 : i32
    %dma_wait3A_1358 = tpu.memref_slice %arg4[%dma_wait3A_1356, %dma_wait3A_1357] : memref<8x3000xf32, #tpu.memory_space<vmem>> -> memref<1x3000xf32, #tpu.memory_space<vmem>>
    %dma_wait3A_1359 = tpu.memref_squeeze %dma_wait3A_1358 : memref<1x3000xf32, #tpu.memory_space<vmem>> -> memref<3000xf32, #tpu.memory_space<vmem>>
    %dma_wait3A_1360 = arith.constant 0 : i32
    %dma_wait3A_1361 = tpu.memref_slice %arg2[%add3A_32, %add3A_1205, %dma_wait3A_1360] : memref<32x500x3000xf32, #tpu.memory_space<hbm>> -> memref<1x1x3000xf32, #tpu.memory_space<hbm>>
    %dma_wait3A_1362 = tpu.memref_squeeze %dma_wait3A_1361 : memref<1x1x3000xf32, #tpu.memory_space<hbm>> -> memref<3000xf32, #tpu.memory_space<hbm>>
    %dma_wait3A_1363 = arith.constant 0 : i32
    %dma_wait3A_1364 = tpu.memref_slice %arg4[%dma_wait3A_1356, %dma_wait3A_1363] : memref<8x3000xf32, #tpu.memory_space<vmem>> -> memref<1x3000xf32, #tpu.memory_space<vmem>>
    %dma_wait3A_1365 = tpu.memref_squeeze %dma_wait3A_1364 : memref<1x3000xf32, #tpu.memory_space<vmem>> -> memref<3000xf32, #tpu.memory_space<vmem>>
    %dma_wait3A_1366 = arith.constant 0 : i32
    %dma_wait3A_1367 = tpu.memref_slice %arg2[%add3A_32, %add3A_1205, %dma_wait3A_1366] : memref<32x500x3000xf32, #tpu.memory_space<hbm>> -> memref<1x1x3000xf32, #tpu.memory_space<hbm>>
    %dma_wait3A_1368 = tpu.memref_squeeze %dma_wait3A_1367 : memref<1x1x3000xf32, #tpu.memory_space<hbm>> -> memref<3000xf32, #tpu.memory_space<hbm>>
    tpu.wait_dma2 semaphore(%arg6 : memref<!tpu.dma_semaphore, #tpu.memory_space<semaphore_mem>>) src(%dma_wait3A_1368 : memref<3000xf32, #tpu.memory_space<hbm>>) dst(%dma_wait3A_1365 : memref<3000xf32, #tpu.memory_space<vmem>>)
    %dma_wait3A_1369 = arith.constant 3 : i32
    %dma_wait3A_1370 = arith.constant 0 : i32
    %dma_wait3A_1371 = tpu.memref_slice %arg4[%dma_wait3A_1369, %dma_wait3A_1370] : memref<8x3000xf32, #tpu.memory_space<vmem>> -> memref<1x3000xf32, #tpu.memory_space<vmem>>
    %dma_wait3A_1372 = tpu.memref_squeeze %dma_wait3A_1371 : memref<1x3000xf32, #tpu.memory_space<vmem>> -> memref<3000xf32, #tpu.memory_space<vmem>>
    %dma_wait3A_1373 = arith.constant 0 : i32
    %dma_wait3A_1374 = tpu.memref_slice %arg2[%add3A_32, %add3A_1226, %dma_wait3A_1373] : memref<32x500x3000xf32, #tpu.memory_space<hbm>> -> memref<1x1x3000xf32, #tpu.memory_space<hbm>>
    %dma_wait3A_1375 = tpu.memref_squeeze %dma_wait3A_1374 : memref<1x1x3000xf32, #tpu.memory_space<hbm>> -> memref<3000xf32, #tpu.memory_space<hbm>>
    %dma_wait3A_1376 = arith.constant 0 : i32
    %dma_wait3A_1377 = tpu.memref_slice %arg4[%dma_wait3A_1369, %dma_wait3A_1376] : memref<8x3000xf32, #tpu.memory_space<vmem>> -> memref<1x3000xf32, #tpu.memory_space<vmem>>
    %dma_wait3A_1378 = tpu.memref_squeeze %dma_wait3A_1377 : memref<1x3000xf32, #tpu.memory_space<vmem>> -> memref<3000xf32, #tpu.memory_space<vmem>>
    %dma_wait3A_1379 = arith.constant 0 : i32
    %dma_wait3A_1380 = tpu.memref_slice %arg2[%add3A_32, %add3A_1226, %dma_wait3A_1379] : memref<32x500x3000xf32, #tpu.memory_space<hbm>> -> memref<1x1x3000xf32, #tpu.memory_space<hbm>>
    %dma_wait3A_1381 = tpu.memref_squeeze %dma_wait3A_1380 : memref<1x1x3000xf32, #tpu.memory_space<hbm>> -> memref<3000xf32, #tpu.memory_space<hbm>>
    tpu.wait_dma2 semaphore(%arg6 : memref<!tpu.dma_semaphore, #tpu.memory_space<semaphore_mem>>) src(%dma_wait3A_1381 : memref<3000xf32, #tpu.memory_space<hbm>>) dst(%dma_wait3A_1378 : memref<3000xf32, #tpu.memory_space<vmem>>)
    %dma_wait3A_1382 = arith.constant 4 : i32
    %dma_wait3A_1383 = arith.constant 0 : i32
    %dma_wait3A_1384 = tpu.memref_slice %arg4[%dma_wait3A_1382, %dma_wait3A_1383] : memref<8x3000xf32, #tpu.memory_space<vmem>> -> memref<1x3000xf32, #tpu.memory_space<vmem>>
    %dma_wait3A_1385 = tpu.memref_squeeze %dma_wait3A_1384 : memref<1x3000xf32, #tpu.memory_space<vmem>> -> memref<3000xf32, #tpu.memory_space<vmem>>
    %dma_wait3A_1386 = arith.constant 0 : i32
    %dma_wait3A_1387 = tpu.memref_slice %arg2[%add3A_32, %add3A_1247, %dma_wait3A_1386] : memref<32x500x3000xf32, #tpu.memory_space<hbm>> -> memref<1x1x3000xf32, #tpu.memory_space<hbm>>
    %dma_wait3A_1388 = tpu.memref_squeeze %dma_wait3A_1387 : memref<1x1x3000xf32, #tpu.memory_space<hbm>> -> memref<3000xf32, #tpu.memory_space<hbm>>
    %dma_wait3A_1389 = arith.constant 0 : i32
    %dma_wait3A_1390 = tpu.memref_slice %arg4[%dma_wait3A_1382, %dma_wait3A_1389] : memref<8x3000xf32, #tpu.memory_space<vmem>> -> memref<1x3000xf32, #tpu.memory_space<vmem>>
    %dma_wait3A_1391 = tpu.memref_squeeze %dma_wait3A_1390 : memref<1x3000xf32, #tpu.memory_space<vmem>> -> memref<3000xf32, #tpu.memory_space<vmem>>
    %dma_wait3A_1392 = arith.constant 0 : i32
    %dma_wait3A_1393 = tpu.memref_slice %arg2[%add3A_32, %add3A_1247, %dma_wait3A_1392] : memref<32x500x3000xf32, #tpu.memory_space<hbm>> -> memref<1x1x3000xf32, #tpu.memory_space<hbm>>
    %dma_wait3A_1394 = tpu.memref_squeeze %dma_wait3A_1393 : memref<1x1x3000xf32, #tpu.memory_space<hbm>> -> memref<3000xf32, #tpu.memory_space<hbm>>
    tpu.wait_dma2 semaphore(%arg6 : memref<!tpu.dma_semaphore, #tpu.memory_space<semaphore_mem>>) src(%dma_wait3A_1394 : memref<3000xf32, #tpu.memory_space<hbm>>) dst(%dma_wait3A_1391 : memref<3000xf32, #tpu.memory_space<vmem>>)
    %dma_wait3A_1395 = arith.constant 5 : i32
    %dma_wait3A_1396 = arith.constant 0 : i32
    %dma_wait3A_1397 = tpu.memref_slice %arg4[%dma_wait3A_1395, %dma_wait3A_1396] : memref<8x3000xf32, #tpu.memory_space<vmem>> -> memref<1x3000xf32, #tpu.memory_space<vmem>>
    %dma_wait3A_1398 = tpu.memref_squeeze %dma_wait3A_1397 : memref<1x3000xf32, #tpu.memory_space<vmem>> -> memref<3000xf32, #tpu.memory_space<vmem>>
    %dma_wait3A_1399 = arith.constant 0 : i32
    %dma_wait3A_1400 = tpu.memref_slice %arg2[%add3A_32, %add3A_1268, %dma_wait3A_1399] : memref<32x500x3000xf32, #tpu.memory_space<hbm>> -> memref<1x1x3000xf32, #tpu.memory_space<hbm>>
    %dma_wait3A_1401 = tpu.memref_squeeze %dma_wait3A_1400 : memref<1x1x3000xf32, #tpu.memory_space<hbm>> -> memref<3000xf32, #tpu.memory_space<hbm>>
    %dma_wait3A_1402 = arith.constant 0 : i32
    %dma_wait3A_1403 = tpu.memref_slice %arg4[%dma_wait3A_1395, %dma_wait3A_1402] : memref<8x3000xf32, #tpu.memory_space<vmem>> -> memref<1x3000xf32, #tpu.memory_space<vmem>>
    %dma_wait3A_1404 = tpu.memref_squeeze %dma_wait3A_1403 : memref<1x3000xf32, #tpu.memory_space<vmem>> -> memref<3000xf32, #tpu.memory_space<vmem>>
    %dma_wait3A_1405 = arith.constant 0 : i32
    %dma_wait3A_1406 = tpu.memref_slice %arg2[%add3A_32, %add3A_1268, %dma_wait3A_1405] : memref<32x500x3000xf32, #tpu.memory_space<hbm>> -> memref<1x1x3000xf32, #tpu.memory_space<hbm>>
    %dma_wait3A_1407 = tpu.memref_squeeze %dma_wait3A_1406 : memref<1x1x3000xf32, #tpu.memory_space<hbm>> -> memref<3000xf32, #tpu.memory_space<hbm>>
    tpu.wait_dma2 semaphore(%arg6 : memref<!tpu.dma_semaphore, #tpu.memory_space<semaphore_mem>>) src(%dma_wait3A_1407 : memref<3000xf32, #tpu.memory_space<hbm>>) dst(%dma_wait3A_1404 : memref<3000xf32, #tpu.memory_space<vmem>>)
    %dma_wait3A_1408 = arith.constant 6 : i32
    %dma_wait3A_1409 = arith.constant 0 : i32
    %dma_wait3A_1410 = tpu.memref_slice %arg4[%dma_wait3A_1408, %dma_wait3A_1409] : memref<8x3000xf32, #tpu.memory_space<vmem>> -> memref<1x3000xf32, #tpu.memory_space<vmem>>
    %dma_wait3A_1411 = tpu.memref_squeeze %dma_wait3A_1410 : memref<1x3000xf32, #tpu.memory_space<vmem>> -> memref<3000xf32, #tpu.memory_space<vmem>>
    %dma_wait3A_1412 = arith.constant 0 : i32
    %dma_wait3A_1413 = tpu.memref_slice %arg2[%add3A_32, %add3A_1289, %dma_wait3A_1412] : memref<32x500x3000xf32, #tpu.memory_space<hbm>> -> memref<1x1x3000xf32, #tpu.memory_space<hbm>>
    %dma_wait3A_1414 = tpu.memref_squeeze %dma_wait3A_1413 : memref<1x1x3000xf32, #tpu.memory_space<hbm>> -> memref<3000xf32, #tpu.memory_space<hbm>>
    %dma_wait3A_1415 = arith.constant 0 : i32
    %dma_wait3A_1416 = tpu.memref_slice %arg4[%dma_wait3A_1408, %dma_wait3A_1415] : memref<8x3000xf32, #tpu.memory_space<vmem>> -> memref<1x3000xf32, #tpu.memory_space<vmem>>
    %dma_wait3A_1417 = tpu.memref_squeeze %dma_wait3A_1416 : memref<1x3000xf32, #tpu.memory_space<vmem>> -> memref<3000xf32, #tpu.memory_space<vmem>>
    %dma_wait3A_1418 = arith.constant 0 : i32
    %dma_wait3A_1419 = tpu.memref_slice %arg2[%add3A_32, %add3A_1289, %dma_wait3A_1418] : memref<32x500x3000xf32, #tpu.memory_space<hbm>> -> memref<1x1x3000xf32, #tpu.memory_space<hbm>>
    %dma_wait3A_1420 = tpu.memref_squeeze %dma_wait3A_1419 : memref<1x1x3000xf32, #tpu.memory_space<hbm>> -> memref<3000xf32, #tpu.memory_space<hbm>>
    tpu.wait_dma2 semaphore(%arg6 : memref<!tpu.dma_semaphore, #tpu.memory_space<semaphore_mem>>) src(%dma_wait3A_1420 : memref<3000xf32, #tpu.memory_space<hbm>>) dst(%dma_wait3A_1417 : memref<3000xf32, #tpu.memory_space<vmem>>)
    %dma_wait3A_1421 = arith.constant 7 : i32
    %dma_wait3A_1422 = arith.constant 0 : i32
    %dma_wait3A_1423 = tpu.memref_slice %arg4[%dma_wait3A_1421, %dma_wait3A_1422] : memref<8x3000xf32, #tpu.memory_space<vmem>> -> memref<1x3000xf32, #tpu.memory_space<vmem>>
    %dma_wait3A_1424 = tpu.memref_squeeze %dma_wait3A_1423 : memref<1x3000xf32, #tpu.memory_space<vmem>> -> memref<3000xf32, #tpu.memory_space<vmem>>
    %dma_wait3A_1425 = arith.constant 0 : i32
    %dma_wait3A_1426 = tpu.memref_slice %arg2[%add3A_32, %add3A_1310, %dma_wait3A_1425] : memref<32x500x3000xf32, #tpu.memory_space<hbm>> -> memref<1x1x3000xf32, #tpu.memory_space<hbm>>
    %dma_wait3A_1427 = tpu.memref_squeeze %dma_wait3A_1426 : memref<1x1x3000xf32, #tpu.memory_space<hbm>> -> memref<3000xf32, #tpu.memory_space<hbm>>
    %dma_wait3A_1428 = arith.constant 0 : i32
    %dma_wait3A_1429 = tpu.memref_slice %arg4[%dma_wait3A_1421, %dma_wait3A_1428] : memref<8x3000xf32, #tpu.memory_space<vmem>> -> memref<1x3000xf32, #tpu.memory_space<vmem>>
    %dma_wait3A_1430 = tpu.memref_squeeze %dma_wait3A_1429 : memref<1x3000xf32, #tpu.memory_space<vmem>> -> memref<3000xf32, #tpu.memory_space<vmem>>
    %dma_wait3A_1431 = arith.constant 0 : i32
    %dma_wait3A_1432 = tpu.memref_slice %arg2[%add3A_32, %add3A_1310, %dma_wait3A_1431] : memref<32x500x3000xf32, #tpu.memory_space<hbm>> -> memref<1x1x3000xf32, #tpu.memory_space<hbm>>
    %dma_wait3A_1433 = tpu.memref_squeeze %dma_wait3A_1432 : memref<1x1x3000xf32, #tpu.memory_space<hbm>> -> memref<3000xf32, #tpu.memory_space<hbm>>
    tpu.wait_dma2 semaphore(%arg6 : memref<!tpu.dma_semaphore, #tpu.memory_space<semaphore_mem>>) src(%dma_wait3A_1433 : memref<3000xf32, #tpu.memory_space<hbm>>) dst(%dma_wait3A_1430 : memref<3000xf32, #tpu.memory_space<vmem>>)
    %dma_wait3A_1434 = arith.constant 0 : i32
    %dma_wait3A_1435 = tpu.memref_slice %arg3[%add3A_1325, %dma_wait3A_1434] : memref<1792x3000xf32, #tpu.memory_space<hbm>> -> memref<8x3000xf32, #tpu.memory_space<hbm>>
    %dma_wait3A_1436 = arith.constant 0 : i32
    %dma_wait3A_1437 = tpu.memref_slice %arg3[%add3A_1325, %dma_wait3A_1436] : memref<1792x3000xf32, #tpu.memory_space<hbm>> -> memref<8x3000xf32, #tpu.memory_space<hbm>>
    tpu.wait_dma2 semaphore(%arg9 : memref<!tpu.dma_semaphore, #tpu.memory_space<semaphore_mem>>) src(%arg5 : memref<8x3000xf32, #tpu.memory_space<vmem>>) dst(%dma_wait3A_1437 : memref<8x3000xf32, #tpu.memory_space<hbm>>)
    %add3A_1438 = arith.constant 40 : i32
    %add3A_1439 = arith.addi %mul3A_39, %add3A_1438 : i32
    %add3A_1440 = arith.constant 0 : i32
    %add3A_1441 = arith.addi %add3A_1439, %add3A_1440 : i32
    %mul3A_1442 = arith.constant 5 : i32
    %mul3A_1443 = arith.muli %mul3A_1442, %add3A_1441 : i32
    %add3A_1444 = arith.constant 4 : i32
    %add3A_1445 = arith.addi %mul3A_1443, %add3A_1444 : i32
    %dma_start3A_1446 = arith.constant 0 : i32
    %dma_start3A_1447 = arith.constant 0 : i32
    %dma_start3A_1448 = tpu.memref_slice %arg5[%dma_start3A_1446, %dma_start3A_1447] : memref<8x3000xf32, #tpu.memory_space<vmem>> -> memref<1x3000xf32, #tpu.memory_space<vmem>>
    %dma_start3A_1449 = tpu.memref_squeeze %dma_start3A_1448 : memref<1x3000xf32, #tpu.memory_space<vmem>> -> memref<3000xf32, #tpu.memory_space<vmem>>
    %dma_start3A_1450 = arith.constant 0 : i32
    %dma_start3A_1451 = tpu.memref_slice %arg2[%add3A_32, %add3A_1445, %dma_start3A_1450] : memref<32x500x3000xf32, #tpu.memory_space<hbm>> -> memref<1x1x3000xf32, #tpu.memory_space<hbm>>
    %dma_start3A_1452 = tpu.memref_squeeze %dma_start3A_1451 : memref<1x1x3000xf32, #tpu.memory_space<hbm>> -> memref<3000xf32, #tpu.memory_space<hbm>>
    %dma_start3A_1453 = arith.constant 0 : i32
    %dma_start3A_1454 = tpu.memref_slice %arg5[%dma_start3A_1446, %dma_start3A_1453] : memref<8x3000xf32, #tpu.memory_space<vmem>> -> memref<1x3000xf32, #tpu.memory_space<vmem>>
    %dma_start3A_1455 = tpu.memref_squeeze %dma_start3A_1454 : memref<1x3000xf32, #tpu.memory_space<vmem>> -> memref<3000xf32, #tpu.memory_space<vmem>>
    %dma_start3A_1456 = arith.constant 0 : i32
    %dma_start3A_1457 = tpu.memref_slice %arg2[%add3A_32, %add3A_1445, %dma_start3A_1456] : memref<32x500x3000xf32, #tpu.memory_space<hbm>> -> memref<1x1x3000xf32, #tpu.memory_space<hbm>>
    %dma_start3A_1458 = tpu.memref_squeeze %dma_start3A_1457 : memref<1x1x3000xf32, #tpu.memory_space<hbm>> -> memref<3000xf32, #tpu.memory_space<hbm>>
    tpu.enqueue_dma source(%dma_start3A_1458 : memref<3000xf32, #tpu.memory_space<hbm>>) target(%dma_start3A_1455 : memref<3000xf32, #tpu.memory_space<vmem>>) target_semaphore(%arg7 : memref<!tpu.dma_semaphore, #tpu.memory_space<semaphore_mem>>)
    %add3A_1459 = arith.constant 40 : i32
    %add3A_1460 = arith.addi %mul3A_39, %add3A_1459 : i32
    %add3A_1461 = arith.constant 1 : i32
    %add3A_1462 = arith.addi %add3A_1460, %add3A_1461 : i32
    %mul3A_1463 = arith.constant 5 : i32
    %mul3A_1464 = arith.muli %mul3A_1463, %add3A_1462 : i32
    %add3A_1465 = arith.constant 4 : i32
    %add3A_1466 = arith.addi %mul3A_1464, %add3A_1465 : i32
    %dma_start3A_1467 = arith.constant 1 : i32
    %dma_start3A_1468 = arith.constant 0 : i32
    %dma_start3A_1469 = tpu.memref_slice %arg5[%dma_start3A_1467, %dma_start3A_1468] : memref<8x3000xf32, #tpu.memory_space<vmem>> -> memref<1x3000xf32, #tpu.memory_space<vmem>>
    %dma_start3A_1470 = tpu.memref_squeeze %dma_start3A_1469 : memref<1x3000xf32, #tpu.memory_space<vmem>> -> memref<3000xf32, #tpu.memory_space<vmem>>
    %dma_start3A_1471 = arith.constant 0 : i32
    %dma_start3A_1472 = tpu.memref_slice %arg2[%add3A_32, %add3A_1466, %dma_start3A_1471] : memref<32x500x3000xf32, #tpu.memory_space<hbm>> -> memref<1x1x3000xf32, #tpu.memory_space<hbm>>
    %dma_start3A_1473 = tpu.memref_squeeze %dma_start3A_1472 : memref<1x1x3000xf32, #tpu.memory_space<hbm>> -> memref<3000xf32, #tpu.memory_space<hbm>>
    %dma_start3A_1474 = arith.constant 0 : i32
    %dma_start3A_1475 = tpu.memref_slice %arg5[%dma_start3A_1467, %dma_start3A_1474] : memref<8x3000xf32, #tpu.memory_space<vmem>> -> memref<1x3000xf32, #tpu.memory_space<vmem>>
    %dma_start3A_1476 = tpu.memref_squeeze %dma_start3A_1475 : memref<1x3000xf32, #tpu.memory_space<vmem>> -> memref<3000xf32, #tpu.memory_space<vmem>>
    %dma_start3A_1477 = arith.constant 0 : i32
    %dma_start3A_1478 = tpu.memref_slice %arg2[%add3A_32, %add3A_1466, %dma_start3A_1477] : memref<32x500x3000xf32, #tpu.memory_space<hbm>> -> memref<1x1x3000xf32, #tpu.memory_space<hbm>>
    %dma_start3A_1479 = tpu.memref_squeeze %dma_start3A_1478 : memref<1x1x3000xf32, #tpu.memory_space<hbm>> -> memref<3000xf32, #tpu.memory_space<hbm>>
    tpu.enqueue_dma source(%dma_start3A_1479 : memref<3000xf32, #tpu.memory_space<hbm>>) target(%dma_start3A_1476 : memref<3000xf32, #tpu.memory_space<vmem>>) target_semaphore(%arg7 : memref<!tpu.dma_semaphore, #tpu.memory_space<semaphore_mem>>)
    %add3A_1480 = arith.constant 40 : i32
    %add3A_1481 = arith.addi %mul3A_39, %add3A_1480 : i32
    %add3A_1482 = arith.constant 2 : i32
    %add3A_1483 = arith.addi %add3A_1481, %add3A_1482 : i32
    %mul3A_1484 = arith.constant 5 : i32
    %mul3A_1485 = arith.muli %mul3A_1484, %add3A_1483 : i32
    %add3A_1486 = arith.constant 4 : i32
    %add3A_1487 = arith.addi %mul3A_1485, %add3A_1486 : i32
    %dma_start3A_1488 = arith.constant 2 : i32
    %dma_start3A_1489 = arith.constant 0 : i32
    %dma_start3A_1490 = tpu.memref_slice %arg5[%dma_start3A_1488, %dma_start3A_1489] : memref<8x3000xf32, #tpu.memory_space<vmem>> -> memref<1x3000xf32, #tpu.memory_space<vmem>>
    %dma_start3A_1491 = tpu.memref_squeeze %dma_start3A_1490 : memref<1x3000xf32, #tpu.memory_space<vmem>> -> memref<3000xf32, #tpu.memory_space<vmem>>
    %dma_start3A_1492 = arith.constant 0 : i32
    %dma_start3A_1493 = tpu.memref_slice %arg2[%add3A_32, %add3A_1487, %dma_start3A_1492] : memref<32x500x3000xf32, #tpu.memory_space<hbm>> -> memref<1x1x3000xf32, #tpu.memory_space<hbm>>
    %dma_start3A_1494 = tpu.memref_squeeze %dma_start3A_1493 : memref<1x1x3000xf32, #tpu.memory_space<hbm>> -> memref<3000xf32, #tpu.memory_space<hbm>>
    %dma_start3A_1495 = arith.constant 0 : i32
    %dma_start3A_1496 = tpu.memref_slice %arg5[%dma_start3A_1488, %dma_start3A_1495] : memref<8x3000xf32, #tpu.memory_space<vmem>> -> memref<1x3000xf32, #tpu.memory_space<vmem>>
    %dma_start3A_1497 = tpu.memref_squeeze %dma_start3A_1496 : memref<1x3000xf32, #tpu.memory_space<vmem>> -> memref<3000xf32, #tpu.memory_space<vmem>>
    %dma_start3A_1498 = arith.constant 0 : i32
    %dma_start3A_1499 = tpu.memref_slice %arg2[%add3A_32, %add3A_1487, %dma_start3A_1498] : memref<32x500x3000xf32, #tpu.memory_space<hbm>> -> memref<1x1x3000xf32, #tpu.memory_space<hbm>>
    %dma_start3A_1500 = tpu.memref_squeeze %dma_start3A_1499 : memref<1x1x3000xf32, #tpu.memory_space<hbm>> -> memref<3000xf32, #tpu.memory_space<hbm>>
    tpu.enqueue_dma source(%dma_start3A_1500 : memref<3000xf32, #tpu.memory_space<hbm>>) target(%dma_start3A_1497 : memref<3000xf32, #tpu.memory_space<vmem>>) target_semaphore(%arg7 : memref<!tpu.dma_semaphore, #tpu.memory_space<semaphore_mem>>)
    %add3A_1501 = arith.constant 40 : i32
    %add3A_1502 = arith.addi %mul3A_39, %add3A_1501 : i32
    %add3A_1503 = arith.constant 3 : i32
    %add3A_1504 = arith.addi %add3A_1502, %add3A_1503 : i32
    %mul3A_1505 = arith.constant 5 : i32
    %mul3A_1506 = arith.muli %mul3A_1505, %add3A_1504 : i32
    %add3A_1507 = arith.constant 4 : i32
    %add3A_1508 = arith.addi %mul3A_1506, %add3A_1507 : i32
    %dma_start3A_1509 = arith.constant 3 : i32
    %dma_start3A_1510 = arith.constant 0 : i32
    %dma_start3A_1511 = tpu.memref_slice %arg5[%dma_start3A_1509, %dma_start3A_1510] : memref<8x3000xf32, #tpu.memory_space<vmem>> -> memref<1x3000xf32, #tpu.memory_space<vmem>>
    %dma_start3A_1512 = tpu.memref_squeeze %dma_start3A_1511 : memref<1x3000xf32, #tpu.memory_space<vmem>> -> memref<3000xf32, #tpu.memory_space<vmem>>
    %dma_start3A_1513 = arith.constant 0 : i32
    %dma_start3A_1514 = tpu.memref_slice %arg2[%add3A_32, %add3A_1508, %dma_start3A_1513] : memref<32x500x3000xf32, #tpu.memory_space<hbm>> -> memref<1x1x3000xf32, #tpu.memory_space<hbm>>
    %dma_start3A_1515 = tpu.memref_squeeze %dma_start3A_1514 : memref<1x1x3000xf32, #tpu.memory_space<hbm>> -> memref<3000xf32, #tpu.memory_space<hbm>>
    %dma_start3A_1516 = arith.constant 0 : i32
    %dma_start3A_1517 = tpu.memref_slice %arg5[%dma_start3A_1509, %dma_start3A_1516] : memref<8x3000xf32, #tpu.memory_space<vmem>> -> memref<1x3000xf32, #tpu.memory_space<vmem>>
    %dma_start3A_1518 = tpu.memref_squeeze %dma_start3A_1517 : memref<1x3000xf32, #tpu.memory_space<vmem>> -> memref<3000xf32, #tpu.memory_space<vmem>>
    %dma_start3A_1519 = arith.constant 0 : i32
    %dma_start3A_1520 = tpu.memref_slice %arg2[%add3A_32, %add3A_1508, %dma_start3A_1519] : memref<32x500x3000xf32, #tpu.memory_space<hbm>> -> memref<1x1x3000xf32, #tpu.memory_space<hbm>>
    %dma_start3A_1521 = tpu.memref_squeeze %dma_start3A_1520 : memref<1x1x3000xf32, #tpu.memory_space<hbm>> -> memref<3000xf32, #tpu.memory_space<hbm>>
    tpu.enqueue_dma source(%dma_start3A_1521 : memref<3000xf32, #tpu.memory_space<hbm>>) target(%dma_start3A_1518 : memref<3000xf32, #tpu.memory_space<vmem>>) target_semaphore(%arg7 : memref<!tpu.dma_semaphore, #tpu.memory_space<semaphore_mem>>)
    %add3A_1522 = arith.constant 40 : i32
    %add3A_1523 = arith.addi %mul3A_39, %add3A_1522 : i32
    %add3A_1524 = arith.constant 4 : i32
    %add3A_1525 = arith.addi %add3A_1523, %add3A_1524 : i32
    %mul3A_1526 = arith.constant 5 : i32
    %mul3A_1527 = arith.muli %mul3A_1526, %add3A_1525 : i32
    %add3A_1528 = arith.constant 4 : i32
    %add3A_1529 = arith.addi %mul3A_1527, %add3A_1528 : i32
    %dma_start3A_1530 = arith.constant 4 : i32
    %dma_start3A_1531 = arith.constant 0 : i32
    %dma_start3A_1532 = tpu.memref_slice %arg5[%dma_start3A_1530, %dma_start3A_1531] : memref<8x3000xf32, #tpu.memory_space<vmem>> -> memref<1x3000xf32, #tpu.memory_space<vmem>>
    %dma_start3A_1533 = tpu.memref_squeeze %dma_start3A_1532 : memref<1x3000xf32, #tpu.memory_space<vmem>> -> memref<3000xf32, #tpu.memory_space<vmem>>
    %dma_start3A_1534 = arith.constant 0 : i32
    %dma_start3A_1535 = tpu.memref_slice %arg2[%add3A_32, %add3A_1529, %dma_start3A_1534] : memref<32x500x3000xf32, #tpu.memory_space<hbm>> -> memref<1x1x3000xf32, #tpu.memory_space<hbm>>
    %dma_start3A_1536 = tpu.memref_squeeze %dma_start3A_1535 : memref<1x1x3000xf32, #tpu.memory_space<hbm>> -> memref<3000xf32, #tpu.memory_space<hbm>>
    %dma_start3A_1537 = arith.constant 0 : i32
    %dma_start3A_1538 = tpu.memref_slice %arg5[%dma_start3A_1530, %dma_start3A_1537] : memref<8x3000xf32, #tpu.memory_space<vmem>> -> memref<1x3000xf32, #tpu.memory_space<vmem>>
    %dma_start3A_1539 = tpu.memref_squeeze %dma_start3A_1538 : memref<1x3000xf32, #tpu.memory_space<vmem>> -> memref<3000xf32, #tpu.memory_space<vmem>>
    %dma_start3A_1540 = arith.constant 0 : i32
    %dma_start3A_1541 = tpu.memref_slice %arg2[%add3A_32, %add3A_1529, %dma_start3A_1540] : memref<32x500x3000xf32, #tpu.memory_space<hbm>> -> memref<1x1x3000xf32, #tpu.memory_space<hbm>>
    %dma_start3A_1542 = tpu.memref_squeeze %dma_start3A_1541 : memref<1x1x3000xf32, #tpu.memory_space<hbm>> -> memref<3000xf32, #tpu.memory_space<hbm>>
    tpu.enqueue_dma source(%dma_start3A_1542 : memref<3000xf32, #tpu.memory_space<hbm>>) target(%dma_start3A_1539 : memref<3000xf32, #tpu.memory_space<vmem>>) target_semaphore(%arg7 : memref<!tpu.dma_semaphore, #tpu.memory_space<semaphore_mem>>)
    %add3A_1543 = arith.constant 40 : i32
    %add3A_1544 = arith.addi %mul3A_39, %add3A_1543 : i32
    %add3A_1545 = arith.constant 5 : i32
    %add3A_1546 = arith.addi %add3A_1544, %add3A_1545 : i32
    %mul3A_1547 = arith.constant 5 : i32
    %mul3A_1548 = arith.muli %mul3A_1547, %add3A_1546 : i32
    %add3A_1549 = arith.constant 4 : i32
    %add3A_1550 = arith.addi %mul3A_1548, %add3A_1549 : i32
    %dma_start3A_1551 = arith.constant 5 : i32
    %dma_start3A_1552 = arith.constant 0 : i32
    %dma_start3A_1553 = tpu.memref_slice %arg5[%dma_start3A_1551, %dma_start3A_1552] : memref<8x3000xf32, #tpu.memory_space<vmem>> -> memref<1x3000xf32, #tpu.memory_space<vmem>>
    %dma_start3A_1554 = tpu.memref_squeeze %dma_start3A_1553 : memref<1x3000xf32, #tpu.memory_space<vmem>> -> memref<3000xf32, #tpu.memory_space<vmem>>
    %dma_start3A_1555 = arith.constant 0 : i32
    %dma_start3A_1556 = tpu.memref_slice %arg2[%add3A_32, %add3A_1550, %dma_start3A_1555] : memref<32x500x3000xf32, #tpu.memory_space<hbm>> -> memref<1x1x3000xf32, #tpu.memory_space<hbm>>
    %dma_start3A_1557 = tpu.memref_squeeze %dma_start3A_1556 : memref<1x1x3000xf32, #tpu.memory_space<hbm>> -> memref<3000xf32, #tpu.memory_space<hbm>>
    %dma_start3A_1558 = arith.constant 0 : i32
    %dma_start3A_1559 = tpu.memref_slice %arg5[%dma_start3A_1551, %dma_start3A_1558] : memref<8x3000xf32, #tpu.memory_space<vmem>> -> memref<1x3000xf32, #tpu.memory_space<vmem>>
    %dma_start3A_1560 = tpu.memref_squeeze %dma_start3A_1559 : memref<1x3000xf32, #tpu.memory_space<vmem>> -> memref<3000xf32, #tpu.memory_space<vmem>>
    %dma_start3A_1561 = arith.constant 0 : i32
    %dma_start3A_1562 = tpu.memref_slice %arg2[%add3A_32, %add3A_1550, %dma_start3A_1561] : memref<32x500x3000xf32, #tpu.memory_space<hbm>> -> memref<1x1x3000xf32, #tpu.memory_space<hbm>>
    %dma_start3A_1563 = tpu.memref_squeeze %dma_start3A_1562 : memref<1x1x3000xf32, #tpu.memory_space<hbm>> -> memref<3000xf32, #tpu.memory_space<hbm>>
    tpu.enqueue_dma source(%dma_start3A_1563 : memref<3000xf32, #tpu.memory_space<hbm>>) target(%dma_start3A_1560 : memref<3000xf32, #tpu.memory_space<vmem>>) target_semaphore(%arg7 : memref<!tpu.dma_semaphore, #tpu.memory_space<semaphore_mem>>)
    %add3A_1564 = arith.constant 40 : i32
    %add3A_1565 = arith.addi %mul3A_39, %add3A_1564 : i32
    %add3A_1566 = arith.constant 6 : i32
    %add3A_1567 = arith.addi %add3A_1565, %add3A_1566 : i32
    %mul3A_1568 = arith.constant 5 : i32
    %mul3A_1569 = arith.muli %mul3A_1568, %add3A_1567 : i32
    %add3A_1570 = arith.constant 4 : i32
    %add3A_1571 = arith.addi %mul3A_1569, %add3A_1570 : i32
    %dma_start3A_1572 = arith.constant 6 : i32
    %dma_start3A_1573 = arith.constant 0 : i32
    %dma_start3A_1574 = tpu.memref_slice %arg5[%dma_start3A_1572, %dma_start3A_1573] : memref<8x3000xf32, #tpu.memory_space<vmem>> -> memref<1x3000xf32, #tpu.memory_space<vmem>>
    %dma_start3A_1575 = tpu.memref_squeeze %dma_start3A_1574 : memref<1x3000xf32, #tpu.memory_space<vmem>> -> memref<3000xf32, #tpu.memory_space<vmem>>
    %dma_start3A_1576 = arith.constant 0 : i32
    %dma_start3A_1577 = tpu.memref_slice %arg2[%add3A_32, %add3A_1571, %dma_start3A_1576] : memref<32x500x3000xf32, #tpu.memory_space<hbm>> -> memref<1x1x3000xf32, #tpu.memory_space<hbm>>
    %dma_start3A_1578 = tpu.memref_squeeze %dma_start3A_1577 : memref<1x1x3000xf32, #tpu.memory_space<hbm>> -> memref<3000xf32, #tpu.memory_space<hbm>>
    %dma_start3A_1579 = arith.constant 0 : i32
    %dma_start3A_1580 = tpu.memref_slice %arg5[%dma_start3A_1572, %dma_start3A_1579] : memref<8x3000xf32, #tpu.memory_space<vmem>> -> memref<1x3000xf32, #tpu.memory_space<vmem>>
    %dma_start3A_1581 = tpu.memref_squeeze %dma_start3A_1580 : memref<1x3000xf32, #tpu.memory_space<vmem>> -> memref<3000xf32, #tpu.memory_space<vmem>>
    %dma_start3A_1582 = arith.constant 0 : i32
    %dma_start3A_1583 = tpu.memref_slice %arg2[%add3A_32, %add3A_1571, %dma_start3A_1582] : memref<32x500x3000xf32, #tpu.memory_space<hbm>> -> memref<1x1x3000xf32, #tpu.memory_space<hbm>>
    %dma_start3A_1584 = tpu.memref_squeeze %dma_start3A_1583 : memref<1x1x3000xf32, #tpu.memory_space<hbm>> -> memref<3000xf32, #tpu.memory_space<hbm>>
    tpu.enqueue_dma source(%dma_start3A_1584 : memref<3000xf32, #tpu.memory_space<hbm>>) target(%dma_start3A_1581 : memref<3000xf32, #tpu.memory_space<vmem>>) target_semaphore(%arg7 : memref<!tpu.dma_semaphore, #tpu.memory_space<semaphore_mem>>)
    %add3A_1585 = arith.constant 40 : i32
    %add3A_1586 = arith.addi %mul3A_39, %add3A_1585 : i32
    %add3A_1587 = arith.constant 7 : i32
    %add3A_1588 = arith.addi %add3A_1586, %add3A_1587 : i32
    %mul3A_1589 = arith.constant 5 : i32
    %mul3A_1590 = arith.muli %mul3A_1589, %add3A_1588 : i32
    %add3A_1591 = arith.constant 4 : i32
    %add3A_1592 = arith.addi %mul3A_1590, %add3A_1591 : i32
    %dma_start3A_1593 = arith.constant 7 : i32
    %dma_start3A_1594 = arith.constant 0 : i32
    %dma_start3A_1595 = tpu.memref_slice %arg5[%dma_start3A_1593, %dma_start3A_1594] : memref<8x3000xf32, #tpu.memory_space<vmem>> -> memref<1x3000xf32, #tpu.memory_space<vmem>>
    %dma_start3A_1596 = tpu.memref_squeeze %dma_start3A_1595 : memref<1x3000xf32, #tpu.memory_space<vmem>> -> memref<3000xf32, #tpu.memory_space<vmem>>
    %dma_start3A_1597 = arith.constant 0 : i32
    %dma_start3A_1598 = tpu.memref_slice %arg2[%add3A_32, %add3A_1592, %dma_start3A_1597] : memref<32x500x3000xf32, #tpu.memory_space<hbm>> -> memref<1x1x3000xf32, #tpu.memory_space<hbm>>
    %dma_start3A_1599 = tpu.memref_squeeze %dma_start3A_1598 : memref<1x1x3000xf32, #tpu.memory_space<hbm>> -> memref<3000xf32, #tpu.memory_space<hbm>>
    %dma_start3A_1600 = arith.constant 0 : i32
    %dma_start3A_1601 = tpu.memref_slice %arg5[%dma_start3A_1593, %dma_start3A_1600] : memref<8x3000xf32, #tpu.memory_space<vmem>> -> memref<1x3000xf32, #tpu.memory_space<vmem>>
    %dma_start3A_1602 = tpu.memref_squeeze %dma_start3A_1601 : memref<1x3000xf32, #tpu.memory_space<vmem>> -> memref<3000xf32, #tpu.memory_space<vmem>>
    %dma_start3A_1603 = arith.constant 0 : i32
    %dma_start3A_1604 = tpu.memref_slice %arg2[%add3A_32, %add3A_1592, %dma_start3A_1603] : memref<32x500x3000xf32, #tpu.memory_space<hbm>> -> memref<1x1x3000xf32, #tpu.memory_space<hbm>>
    %dma_start3A_1605 = tpu.memref_squeeze %dma_start3A_1604 : memref<1x1x3000xf32, #tpu.memory_space<hbm>> -> memref<3000xf32, #tpu.memory_space<hbm>>
    tpu.enqueue_dma source(%dma_start3A_1605 : memref<3000xf32, #tpu.memory_space<hbm>>) target(%dma_start3A_1602 : memref<3000xf32, #tpu.memory_space<vmem>>) target_semaphore(%arg7 : memref<!tpu.dma_semaphore, #tpu.memory_space<semaphore_mem>>)
    %add3A_1606 = arith.constant 32 : i32
    %add3A_1607 = arith.addi %add3A_37, %add3A_1606 : i32
    %dma_start3A_1608 = arith.constant 0 : i32
    %dma_start3A_1609 = tpu.memref_slice %arg3[%add3A_1607, %dma_start3A_1608] : memref<1792x3000xf32, #tpu.memory_space<hbm>> -> memref<8x3000xf32, #tpu.memory_space<hbm>>
    %dma_start3A_1610 = arith.constant 0 : i32
    %dma_start3A_1611 = tpu.memref_slice %arg3[%add3A_1607, %dma_start3A_1610] : memref<1792x3000xf32, #tpu.memory_space<hbm>> -> memref<8x3000xf32, #tpu.memory_space<hbm>>
    tpu.enqueue_dma source(%arg4 : memref<8x3000xf32, #tpu.memory_space<vmem>>) target(%dma_start3A_1611 : memref<8x3000xf32, #tpu.memory_space<hbm>>) target_semaphore(%arg8 : memref<!tpu.dma_semaphore, #tpu.memory_space<semaphore_mem>>)
    %dma_wait3A_1612 = arith.constant 0 : i32
    %dma_wait3A_1613 = arith.constant 0 : i32
    %dma_wait3A_1614 = tpu.memref_slice %arg5[%dma_wait3A_1612, %dma_wait3A_1613] : memref<8x3000xf32, #tpu.memory_space<vmem>> -> memref<1x3000xf32, #tpu.memory_space<vmem>>
    %dma_wait3A_1615 = tpu.memref_squeeze %dma_wait3A_1614 : memref<1x3000xf32, #tpu.memory_space<vmem>> -> memref<3000xf32, #tpu.memory_space<vmem>>
    %dma_wait3A_1616 = arith.constant 0 : i32
    %dma_wait3A_1617 = tpu.memref_slice %arg2[%add3A_32, %add3A_1445, %dma_wait3A_1616] : memref<32x500x3000xf32, #tpu.memory_space<hbm>> -> memref<1x1x3000xf32, #tpu.memory_space<hbm>>
    %dma_wait3A_1618 = tpu.memref_squeeze %dma_wait3A_1617 : memref<1x1x3000xf32, #tpu.memory_space<hbm>> -> memref<3000xf32, #tpu.memory_space<hbm>>
    %dma_wait3A_1619 = arith.constant 0 : i32
    %dma_wait3A_1620 = tpu.memref_slice %arg5[%dma_wait3A_1612, %dma_wait3A_1619] : memref<8x3000xf32, #tpu.memory_space<vmem>> -> memref<1x3000xf32, #tpu.memory_space<vmem>>
    %dma_wait3A_1621 = tpu.memref_squeeze %dma_wait3A_1620 : memref<1x3000xf32, #tpu.memory_space<vmem>> -> memref<3000xf32, #tpu.memory_space<vmem>>
    %dma_wait3A_1622 = arith.constant 0 : i32
    %dma_wait3A_1623 = tpu.memref_slice %arg2[%add3A_32, %add3A_1445, %dma_wait3A_1622] : memref<32x500x3000xf32, #tpu.memory_space<hbm>> -> memref<1x1x3000xf32, #tpu.memory_space<hbm>>
    %dma_wait3A_1624 = tpu.memref_squeeze %dma_wait3A_1623 : memref<1x1x3000xf32, #tpu.memory_space<hbm>> -> memref<3000xf32, #tpu.memory_space<hbm>>
    tpu.wait_dma2 semaphore(%arg7 : memref<!tpu.dma_semaphore, #tpu.memory_space<semaphore_mem>>) src(%dma_wait3A_1624 : memref<3000xf32, #tpu.memory_space<hbm>>) dst(%dma_wait3A_1621 : memref<3000xf32, #tpu.memory_space<vmem>>)
    %dma_wait3A_1625 = arith.constant 1 : i32
    %dma_wait3A_1626 = arith.constant 0 : i32
    %dma_wait3A_1627 = tpu.memref_slice %arg5[%dma_wait3A_1625, %dma_wait3A_1626] : memref<8x3000xf32, #tpu.memory_space<vmem>> -> memref<1x3000xf32, #tpu.memory_space<vmem>>
    %dma_wait3A_1628 = tpu.memref_squeeze %dma_wait3A_1627 : memref<1x3000xf32, #tpu.memory_space<vmem>> -> memref<3000xf32, #tpu.memory_space<vmem>>
    %dma_wait3A_1629 = arith.constant 0 : i32
    %dma_wait3A_1630 = tpu.memref_slice %arg2[%add3A_32, %add3A_1466, %dma_wait3A_1629] : memref<32x500x3000xf32, #tpu.memory_space<hbm>> -> memref<1x1x3000xf32, #tpu.memory_space<hbm>>
    %dma_wait3A_1631 = tpu.memref_squeeze %dma_wait3A_1630 : memref<1x1x3000xf32, #tpu.memory_space<hbm>> -> memref<3000xf32, #tpu.memory_space<hbm>>
    %dma_wait3A_1632 = arith.constant 0 : i32
    %dma_wait3A_1633 = tpu.memref_slice %arg5[%dma_wait3A_1625, %dma_wait3A_1632] : memref<8x3000xf32, #tpu.memory_space<vmem>> -> memref<1x3000xf32, #tpu.memory_space<vmem>>
    %dma_wait3A_1634 = tpu.memref_squeeze %dma_wait3A_1633 : memref<1x3000xf32, #tpu.memory_space<vmem>> -> memref<3000xf32, #tpu.memory_space<vmem>>
    %dma_wait3A_1635 = arith.constant 0 : i32
    %dma_wait3A_1636 = tpu.memref_slice %arg2[%add3A_32, %add3A_1466, %dma_wait3A_1635] : memref<32x500x3000xf32, #tpu.memory_space<hbm>> -> memref<1x1x3000xf32, #tpu.memory_space<hbm>>
    %dma_wait3A_1637 = tpu.memref_squeeze %dma_wait3A_1636 : memref<1x1x3000xf32, #tpu.memory_space<hbm>> -> memref<3000xf32, #tpu.memory_space<hbm>>
    tpu.wait_dma2 semaphore(%arg7 : memref<!tpu.dma_semaphore, #tpu.memory_space<semaphore_mem>>) src(%dma_wait3A_1637 : memref<3000xf32, #tpu.memory_space<hbm>>) dst(%dma_wait3A_1634 : memref<3000xf32, #tpu.memory_space<vmem>>)
    %dma_wait3A_1638 = arith.constant 2 : i32
    %dma_wait3A_1639 = arith.constant 0 : i32
    %dma_wait3A_1640 = tpu.memref_slice %arg5[%dma_wait3A_1638, %dma_wait3A_1639] : memref<8x3000xf32, #tpu.memory_space<vmem>> -> memref<1x3000xf32, #tpu.memory_space<vmem>>
    %dma_wait3A_1641 = tpu.memref_squeeze %dma_wait3A_1640 : memref<1x3000xf32, #tpu.memory_space<vmem>> -> memref<3000xf32, #tpu.memory_space<vmem>>
    %dma_wait3A_1642 = arith.constant 0 : i32
    %dma_wait3A_1643 = tpu.memref_slice %arg2[%add3A_32, %add3A_1487, %dma_wait3A_1642] : memref<32x500x3000xf32, #tpu.memory_space<hbm>> -> memref<1x1x3000xf32, #tpu.memory_space<hbm>>
    %dma_wait3A_1644 = tpu.memref_squeeze %dma_wait3A_1643 : memref<1x1x3000xf32, #tpu.memory_space<hbm>> -> memref<3000xf32, #tpu.memory_space<hbm>>
    %dma_wait3A_1645 = arith.constant 0 : i32
    %dma_wait3A_1646 = tpu.memref_slice %arg5[%dma_wait3A_1638, %dma_wait3A_1645] : memref<8x3000xf32, #tpu.memory_space<vmem>> -> memref<1x3000xf32, #tpu.memory_space<vmem>>
    %dma_wait3A_1647 = tpu.memref_squeeze %dma_wait3A_1646 : memref<1x3000xf32, #tpu.memory_space<vmem>> -> memref<3000xf32, #tpu.memory_space<vmem>>
    %dma_wait3A_1648 = arith.constant 0 : i32
    %dma_wait3A_1649 = tpu.memref_slice %arg2[%add3A_32, %add3A_1487, %dma_wait3A_1648] : memref<32x500x3000xf32, #tpu.memory_space<hbm>> -> memref<1x1x3000xf32, #tpu.memory_space<hbm>>
    %dma_wait3A_1650 = tpu.memref_squeeze %dma_wait3A_1649 : memref<1x1x3000xf32, #tpu.memory_space<hbm>> -> memref<3000xf32, #tpu.memory_space<hbm>>
    tpu.wait_dma2 semaphore(%arg7 : memref<!tpu.dma_semaphore, #tpu.memory_space<semaphore_mem>>) src(%dma_wait3A_1650 : memref<3000xf32, #tpu.memory_space<hbm>>) dst(%dma_wait3A_1647 : memref<3000xf32, #tpu.memory_space<vmem>>)
    %dma_wait3A_1651 = arith.constant 3 : i32
    %dma_wait3A_1652 = arith.constant 0 : i32
    %dma_wait3A_1653 = tpu.memref_slice %arg5[%dma_wait3A_1651, %dma_wait3A_1652] : memref<8x3000xf32, #tpu.memory_space<vmem>> -> memref<1x3000xf32, #tpu.memory_space<vmem>>
    %dma_wait3A_1654 = tpu.memref_squeeze %dma_wait3A_1653 : memref<1x3000xf32, #tpu.memory_space<vmem>> -> memref<3000xf32, #tpu.memory_space<vmem>>
    %dma_wait3A_1655 = arith.constant 0 : i32
    %dma_wait3A_1656 = tpu.memref_slice %arg2[%add3A_32, %add3A_1508, %dma_wait3A_1655] : memref<32x500x3000xf32, #tpu.memory_space<hbm>> -> memref<1x1x3000xf32, #tpu.memory_space<hbm>>
    %dma_wait3A_1657 = tpu.memref_squeeze %dma_wait3A_1656 : memref<1x1x3000xf32, #tpu.memory_space<hbm>> -> memref<3000xf32, #tpu.memory_space<hbm>>
    %dma_wait3A_1658 = arith.constant 0 : i32
    %dma_wait3A_1659 = tpu.memref_slice %arg5[%dma_wait3A_1651, %dma_wait3A_1658] : memref<8x3000xf32, #tpu.memory_space<vmem>> -> memref<1x3000xf32, #tpu.memory_space<vmem>>
    %dma_wait3A_1660 = tpu.memref_squeeze %dma_wait3A_1659 : memref<1x3000xf32, #tpu.memory_space<vmem>> -> memref<3000xf32, #tpu.memory_space<vmem>>
    %dma_wait3A_1661 = arith.constant 0 : i32
    %dma_wait3A_1662 = tpu.memref_slice %arg2[%add3A_32, %add3A_1508, %dma_wait3A_1661] : memref<32x500x3000xf32, #tpu.memory_space<hbm>> -> memref<1x1x3000xf32, #tpu.memory_space<hbm>>
    %dma_wait3A_1663 = tpu.memref_squeeze %dma_wait3A_1662 : memref<1x1x3000xf32, #tpu.memory_space<hbm>> -> memref<3000xf32, #tpu.memory_space<hbm>>
    tpu.wait_dma2 semaphore(%arg7 : memref<!tpu.dma_semaphore, #tpu.memory_space<semaphore_mem>>) src(%dma_wait3A_1663 : memref<3000xf32, #tpu.memory_space<hbm>>) dst(%dma_wait3A_1660 : memref<3000xf32, #tpu.memory_space<vmem>>)
    %dma_wait3A_1664 = arith.constant 4 : i32
    %dma_wait3A_1665 = arith.constant 0 : i32
    %dma_wait3A_1666 = tpu.memref_slice %arg5[%dma_wait3A_1664, %dma_wait3A_1665] : memref<8x3000xf32, #tpu.memory_space<vmem>> -> memref<1x3000xf32, #tpu.memory_space<vmem>>
    %dma_wait3A_1667 = tpu.memref_squeeze %dma_wait3A_1666 : memref<1x3000xf32, #tpu.memory_space<vmem>> -> memref<3000xf32, #tpu.memory_space<vmem>>
    %dma_wait3A_1668 = arith.constant 0 : i32
    %dma_wait3A_1669 = tpu.memref_slice %arg2[%add3A_32, %add3A_1529, %dma_wait3A_1668] : memref<32x500x3000xf32, #tpu.memory_space<hbm>> -> memref<1x1x3000xf32, #tpu.memory_space<hbm>>
    %dma_wait3A_1670 = tpu.memref_squeeze %dma_wait3A_1669 : memref<1x1x3000xf32, #tpu.memory_space<hbm>> -> memref<3000xf32, #tpu.memory_space<hbm>>
    %dma_wait3A_1671 = arith.constant 0 : i32
    %dma_wait3A_1672 = tpu.memref_slice %arg5[%dma_wait3A_1664, %dma_wait3A_1671] : memref<8x3000xf32, #tpu.memory_space<vmem>> -> memref<1x3000xf32, #tpu.memory_space<vmem>>
    %dma_wait3A_1673 = tpu.memref_squeeze %dma_wait3A_1672 : memref<1x3000xf32, #tpu.memory_space<vmem>> -> memref<3000xf32, #tpu.memory_space<vmem>>
    %dma_wait3A_1674 = arith.constant 0 : i32
    %dma_wait3A_1675 = tpu.memref_slice %arg2[%add3A_32, %add3A_1529, %dma_wait3A_1674] : memref<32x500x3000xf32, #tpu.memory_space<hbm>> -> memref<1x1x3000xf32, #tpu.memory_space<hbm>>
    %dma_wait3A_1676 = tpu.memref_squeeze %dma_wait3A_1675 : memref<1x1x3000xf32, #tpu.memory_space<hbm>> -> memref<3000xf32, #tpu.memory_space<hbm>>
    tpu.wait_dma2 semaphore(%arg7 : memref<!tpu.dma_semaphore, #tpu.memory_space<semaphore_mem>>) src(%dma_wait3A_1676 : memref<3000xf32, #tpu.memory_space<hbm>>) dst(%dma_wait3A_1673 : memref<3000xf32, #tpu.memory_space<vmem>>)
    %dma_wait3A_1677 = arith.constant 5 : i32
    %dma_wait3A_1678 = arith.constant 0 : i32
    %dma_wait3A_1679 = tpu.memref_slice %arg5[%dma_wait3A_1677, %dma_wait3A_1678] : memref<8x3000xf32, #tpu.memory_space<vmem>> -> memref<1x3000xf32, #tpu.memory_space<vmem>>
    %dma_wait3A_1680 = tpu.memref_squeeze %dma_wait3A_1679 : memref<1x3000xf32, #tpu.memory_space<vmem>> -> memref<3000xf32, #tpu.memory_space<vmem>>
    %dma_wait3A_1681 = arith.constant 0 : i32
    %dma_wait3A_1682 = tpu.memref_slice %arg2[%add3A_32, %add3A_1550, %dma_wait3A_1681] : memref<32x500x3000xf32, #tpu.memory_space<hbm>> -> memref<1x1x3000xf32, #tpu.memory_space<hbm>>
    %dma_wait3A_1683 = tpu.memref_squeeze %dma_wait3A_1682 : memref<1x1x3000xf32, #tpu.memory_space<hbm>> -> memref<3000xf32, #tpu.memory_space<hbm>>
    %dma_wait3A_1684 = arith.constant 0 : i32
    %dma_wait3A_1685 = tpu.memref_slice %arg5[%dma_wait3A_1677, %dma_wait3A_1684] : memref<8x3000xf32, #tpu.memory_space<vmem>> -> memref<1x3000xf32, #tpu.memory_space<vmem>>
    %dma_wait3A_1686 = tpu.memref_squeeze %dma_wait3A_1685 : memref<1x3000xf32, #tpu.memory_space<vmem>> -> memref<3000xf32, #tpu.memory_space<vmem>>
    %dma_wait3A_1687 = arith.constant 0 : i32
    %dma_wait3A_1688 = tpu.memref_slice %arg2[%add3A_32, %add3A_1550, %dma_wait3A_1687] : memref<32x500x3000xf32, #tpu.memory_space<hbm>> -> memref<1x1x3000xf32, #tpu.memory_space<hbm>>
    %dma_wait3A_1689 = tpu.memref_squeeze %dma_wait3A_1688 : memref<1x1x3000xf32, #tpu.memory_space<hbm>> -> memref<3000xf32, #tpu.memory_space<hbm>>
    tpu.wait_dma2 semaphore(%arg7 : memref<!tpu.dma_semaphore, #tpu.memory_space<semaphore_mem>>) src(%dma_wait3A_1689 : memref<3000xf32, #tpu.memory_space<hbm>>) dst(%dma_wait3A_1686 : memref<3000xf32, #tpu.memory_space<vmem>>)
    %dma_wait3A_1690 = arith.constant 6 : i32
    %dma_wait3A_1691 = arith.constant 0 : i32
    %dma_wait3A_1692 = tpu.memref_slice %arg5[%dma_wait3A_1690, %dma_wait3A_1691] : memref<8x3000xf32, #tpu.memory_space<vmem>> -> memref<1x3000xf32, #tpu.memory_space<vmem>>
    %dma_wait3A_1693 = tpu.memref_squeeze %dma_wait3A_1692 : memref<1x3000xf32, #tpu.memory_space<vmem>> -> memref<3000xf32, #tpu.memory_space<vmem>>
    %dma_wait3A_1694 = arith.constant 0 : i32
    %dma_wait3A_1695 = tpu.memref_slice %arg2[%add3A_32, %add3A_1571, %dma_wait3A_1694] : memref<32x500x3000xf32, #tpu.memory_space<hbm>> -> memref<1x1x3000xf32, #tpu.memory_space<hbm>>
    %dma_wait3A_1696 = tpu.memref_squeeze %dma_wait3A_1695 : memref<1x1x3000xf32, #tpu.memory_space<hbm>> -> memref<3000xf32, #tpu.memory_space<hbm>>
    %dma_wait3A_1697 = arith.constant 0 : i32
    %dma_wait3A_1698 = tpu.memref_slice %arg5[%dma_wait3A_1690, %dma_wait3A_1697] : memref<8x3000xf32, #tpu.memory_space<vmem>> -> memref<1x3000xf32, #tpu.memory_space<vmem>>
    %dma_wait3A_1699 = tpu.memref_squeeze %dma_wait3A_1698 : memref<1x3000xf32, #tpu.memory_space<vmem>> -> memref<3000xf32, #tpu.memory_space<vmem>>
    %dma_wait3A_1700 = arith.constant 0 : i32
    %dma_wait3A_1701 = tpu.memref_slice %arg2[%add3A_32, %add3A_1571, %dma_wait3A_1700] : memref<32x500x3000xf32, #tpu.memory_space<hbm>> -> memref<1x1x3000xf32, #tpu.memory_space<hbm>>
    %dma_wait3A_1702 = tpu.memref_squeeze %dma_wait3A_1701 : memref<1x1x3000xf32, #tpu.memory_space<hbm>> -> memref<3000xf32, #tpu.memory_space<hbm>>
    tpu.wait_dma2 semaphore(%arg7 : memref<!tpu.dma_semaphore, #tpu.memory_space<semaphore_mem>>) src(%dma_wait3A_1702 : memref<3000xf32, #tpu.memory_space<hbm>>) dst(%dma_wait3A_1699 : memref<3000xf32, #tpu.memory_space<vmem>>)
    %dma_wait3A_1703 = arith.constant 7 : i32
    %dma_wait3A_1704 = arith.constant 0 : i32
    %dma_wait3A_1705 = tpu.memref_slice %arg5[%dma_wait3A_1703, %dma_wait3A_1704] : memref<8x3000xf32, #tpu.memory_space<vmem>> -> memref<1x3000xf32, #tpu.memory_space<vmem>>
    %dma_wait3A_1706 = tpu.memref_squeeze %dma_wait3A_1705 : memref<1x3000xf32, #tpu.memory_space<vmem>> -> memref<3000xf32, #tpu.memory_space<vmem>>
    %dma_wait3A_1707 = arith.constant 0 : i32
    %dma_wait3A_1708 = tpu.memref_slice %arg2[%add3A_32, %add3A_1592, %dma_wait3A_1707] : memref<32x500x3000xf32, #tpu.memory_space<hbm>> -> memref<1x1x3000xf32, #tpu.memory_space<hbm>>
    %dma_wait3A_1709 = tpu.memref_squeeze %dma_wait3A_1708 : memref<1x1x3000xf32, #tpu.memory_space<hbm>> -> memref<3000xf32, #tpu.memory_space<hbm>>
    %dma_wait3A_1710 = arith.constant 0 : i32
    %dma_wait3A_1711 = tpu.memref_slice %arg5[%dma_wait3A_1703, %dma_wait3A_1710] : memref<8x3000xf32, #tpu.memory_space<vmem>> -> memref<1x3000xf32, #tpu.memory_space<vmem>>
    %dma_wait3A_1712 = tpu.memref_squeeze %dma_wait3A_1711 : memref<1x3000xf32, #tpu.memory_space<vmem>> -> memref<3000xf32, #tpu.memory_space<vmem>>
    %dma_wait3A_1713 = arith.constant 0 : i32
    %dma_wait3A_1714 = tpu.memref_slice %arg2[%add3A_32, %add3A_1592, %dma_wait3A_1713] : memref<32x500x3000xf32, #tpu.memory_space<hbm>> -> memref<1x1x3000xf32, #tpu.memory_space<hbm>>
    %dma_wait3A_1715 = tpu.memref_squeeze %dma_wait3A_1714 : memref<1x1x3000xf32, #tpu.memory_space<hbm>> -> memref<3000xf32, #tpu.memory_space<hbm>>
    tpu.wait_dma2 semaphore(%arg7 : memref<!tpu.dma_semaphore, #tpu.memory_space<semaphore_mem>>) src(%dma_wait3A_1715 : memref<3000xf32, #tpu.memory_space<hbm>>) dst(%dma_wait3A_1712 : memref<3000xf32, #tpu.memory_space<vmem>>)
    %dma_wait3A_1716 = arith.constant 0 : i32
    %dma_wait3A_1717 = tpu.memref_slice %arg3[%add3A_1607, %dma_wait3A_1716] : memref<1792x3000xf32, #tpu.memory_space<hbm>> -> memref<8x3000xf32, #tpu.memory_space<hbm>>
    %dma_wait3A_1718 = arith.constant 0 : i32
    %dma_wait3A_1719 = tpu.memref_slice %arg3[%add3A_1607, %dma_wait3A_1718] : memref<1792x3000xf32, #tpu.memory_space<hbm>> -> memref<8x3000xf32, #tpu.memory_space<hbm>>
    tpu.wait_dma2 semaphore(%arg8 : memref<!tpu.dma_semaphore, #tpu.memory_space<semaphore_mem>>) src(%arg4 : memref<8x3000xf32, #tpu.memory_space<vmem>>) dst(%dma_wait3A_1719 : memref<8x3000xf32, #tpu.memory_space<hbm>>)
    %add3A_1720 = arith.constant 48 : i32
    %add3A_1721 = arith.addi %mul3A_39, %add3A_1720 : i32
    %add3A_1722 = arith.constant 0 : i32
    %add3A_1723 = arith.addi %add3A_1721, %add3A_1722 : i32
    %mul3A_1724 = arith.constant 5 : i32
    %mul3A_1725 = arith.muli %mul3A_1724, %add3A_1723 : i32
    %add3A_1726 = arith.constant 4 : i32
    %add3A_1727 = arith.addi %mul3A_1725, %add3A_1726 : i32
    %dma_start3A_1728 = arith.constant 0 : i32
    %dma_start3A_1729 = arith.constant 0 : i32
    %dma_start3A_1730 = tpu.memref_slice %arg4[%dma_start3A_1728, %dma_start3A_1729] : memref<8x3000xf32, #tpu.memory_space<vmem>> -> memref<1x3000xf32, #tpu.memory_space<vmem>>
    %dma_start3A_1731 = tpu.memref_squeeze %dma_start3A_1730 : memref<1x3000xf32, #tpu.memory_space<vmem>> -> memref<3000xf32, #tpu.memory_space<vmem>>
    %dma_start3A_1732 = arith.constant 0 : i32
    %dma_start3A_1733 = tpu.memref_slice %arg2[%add3A_32, %add3A_1727, %dma_start3A_1732] : memref<32x500x3000xf32, #tpu.memory_space<hbm>> -> memref<1x1x3000xf32, #tpu.memory_space<hbm>>
    %dma_start3A_1734 = tpu.memref_squeeze %dma_start3A_1733 : memref<1x1x3000xf32, #tpu.memory_space<hbm>> -> memref<3000xf32, #tpu.memory_space<hbm>>
    %dma_start3A_1735 = arith.constant 0 : i32
    %dma_start3A_1736 = tpu.memref_slice %arg4[%dma_start3A_1728, %dma_start3A_1735] : memref<8x3000xf32, #tpu.memory_space<vmem>> -> memref<1x3000xf32, #tpu.memory_space<vmem>>
    %dma_start3A_1737 = tpu.memref_squeeze %dma_start3A_1736 : memref<1x3000xf32, #tpu.memory_space<vmem>> -> memref<3000xf32, #tpu.memory_space<vmem>>
    %dma_start3A_1738 = arith.constant 0 : i32
    %dma_start3A_1739 = tpu.memref_slice %arg2[%add3A_32, %add3A_1727, %dma_start3A_1738] : memref<32x500x3000xf32, #tpu.memory_space<hbm>> -> memref<1x1x3000xf32, #tpu.memory_space<hbm>>
    %dma_start3A_1740 = tpu.memref_squeeze %dma_start3A_1739 : memref<1x1x3000xf32, #tpu.memory_space<hbm>> -> memref<3000xf32, #tpu.memory_space<hbm>>
    tpu.enqueue_dma source(%dma_start3A_1740 : memref<3000xf32, #tpu.memory_space<hbm>>) target(%dma_start3A_1737 : memref<3000xf32, #tpu.memory_space<vmem>>) target_semaphore(%arg6 : memref<!tpu.dma_semaphore, #tpu.memory_space<semaphore_mem>>)
    %add3A_1741 = arith.constant 48 : i32
    %add3A_1742 = arith.addi %mul3A_39, %add3A_1741 : i32
    %add3A_1743 = arith.constant 1 : i32
    %add3A_1744 = arith.addi %add3A_1742, %add3A_1743 : i32
    %mul3A_1745 = arith.constant 5 : i32
    %mul3A_1746 = arith.muli %mul3A_1745, %add3A_1744 : i32
    %add3A_1747 = arith.constant 4 : i32
    %add3A_1748 = arith.addi %mul3A_1746, %add3A_1747 : i32
    %dma_start3A_1749 = arith.constant 1 : i32
    %dma_start3A_1750 = arith.constant 0 : i32
    %dma_start3A_1751 = tpu.memref_slice %arg4[%dma_start3A_1749, %dma_start3A_1750] : memref<8x3000xf32, #tpu.memory_space<vmem>> -> memref<1x3000xf32, #tpu.memory_space<vmem>>
    %dma_start3A_1752 = tpu.memref_squeeze %dma_start3A_1751 : memref<1x3000xf32, #tpu.memory_space<vmem>> -> memref<3000xf32, #tpu.memory_space<vmem>>
    %dma_start3A_1753 = arith.constant 0 : i32
    %dma_start3A_1754 = tpu.memref_slice %arg2[%add3A_32, %add3A_1748, %dma_start3A_1753] : memref<32x500x3000xf32, #tpu.memory_space<hbm>> -> memref<1x1x3000xf32, #tpu.memory_space<hbm>>
    %dma_start3A_1755 = tpu.memref_squeeze %dma_start3A_1754 : memref<1x1x3000xf32, #tpu.memory_space<hbm>> -> memref<3000xf32, #tpu.memory_space<hbm>>
    %dma_start3A_1756 = arith.constant 0 : i32
    %dma_start3A_1757 = tpu.memref_slice %arg4[%dma_start3A_1749, %dma_start3A_1756] : memref<8x3000xf32, #tpu.memory_space<vmem>> -> memref<1x3000xf32, #tpu.memory_space<vmem>>
    %dma_start3A_1758 = tpu.memref_squeeze %dma_start3A_1757 : memref<1x3000xf32, #tpu.memory_space<vmem>> -> memref<3000xf32, #tpu.memory_space<vmem>>
    %dma_start3A_1759 = arith.constant 0 : i32
    %dma_start3A_1760 = tpu.memref_slice %arg2[%add3A_32, %add3A_1748, %dma_start3A_1759] : memref<32x500x3000xf32, #tpu.memory_space<hbm>> -> memref<1x1x3000xf32, #tpu.memory_space<hbm>>
    %dma_start3A_1761 = tpu.memref_squeeze %dma_start3A_1760 : memref<1x1x3000xf32, #tpu.memory_space<hbm>> -> memref<3000xf32, #tpu.memory_space<hbm>>
    tpu.enqueue_dma source(%dma_start3A_1761 : memref<3000xf32, #tpu.memory_space<hbm>>) target(%dma_start3A_1758 : memref<3000xf32, #tpu.memory_space<vmem>>) target_semaphore(%arg6 : memref<!tpu.dma_semaphore, #tpu.memory_space<semaphore_mem>>)
    %add3A_1762 = arith.constant 40 : i32
    %add3A_1763 = arith.addi %add3A_37, %add3A_1762 : i32
    %dma_start3A_1764 = arith.constant 0 : i32
    %dma_start3A_1765 = tpu.memref_slice %arg3[%add3A_1763, %dma_start3A_1764] : memref<1792x3000xf32, #tpu.memory_space<hbm>> -> memref<8x3000xf32, #tpu.memory_space<hbm>>
    %dma_start3A_1766 = arith.constant 0 : i32
    %dma_start3A_1767 = tpu.memref_slice %arg3[%add3A_1763, %dma_start3A_1766] : memref<1792x3000xf32, #tpu.memory_space<hbm>> -> memref<8x3000xf32, #tpu.memory_space<hbm>>
    tpu.enqueue_dma source(%arg5 : memref<8x3000xf32, #tpu.memory_space<vmem>>) target(%dma_start3A_1767 : memref<8x3000xf32, #tpu.memory_space<hbm>>) target_semaphore(%arg9 : memref<!tpu.dma_semaphore, #tpu.memory_space<semaphore_mem>>)
    %dma_wait3A_1768 = arith.constant 0 : i32
    %dma_wait3A_1769 = arith.constant 0 : i32
    %dma_wait3A_1770 = tpu.memref_slice %arg4[%dma_wait3A_1768, %dma_wait3A_1769] : memref<8x3000xf32, #tpu.memory_space<vmem>> -> memref<1x3000xf32, #tpu.memory_space<vmem>>
    %dma_wait3A_1771 = tpu.memref_squeeze %dma_wait3A_1770 : memref<1x3000xf32, #tpu.memory_space<vmem>> -> memref<3000xf32, #tpu.memory_space<vmem>>
    %dma_wait3A_1772 = arith.constant 0 : i32
    %dma_wait3A_1773 = tpu.memref_slice %arg2[%add3A_32, %add3A_1727, %dma_wait3A_1772] : memref<32x500x3000xf32, #tpu.memory_space<hbm>> -> memref<1x1x3000xf32, #tpu.memory_space<hbm>>
    %dma_wait3A_1774 = tpu.memref_squeeze %dma_wait3A_1773 : memref<1x1x3000xf32, #tpu.memory_space<hbm>> -> memref<3000xf32, #tpu.memory_space<hbm>>
    %dma_wait3A_1775 = arith.constant 0 : i32
    %dma_wait3A_1776 = tpu.memref_slice %arg4[%dma_wait3A_1768, %dma_wait3A_1775] : memref<8x3000xf32, #tpu.memory_space<vmem>> -> memref<1x3000xf32, #tpu.memory_space<vmem>>
    %dma_wait3A_1777 = tpu.memref_squeeze %dma_wait3A_1776 : memref<1x3000xf32, #tpu.memory_space<vmem>> -> memref<3000xf32, #tpu.memory_space<vmem>>
    %dma_wait3A_1778 = arith.constant 0 : i32
    %dma_wait3A_1779 = tpu.memref_slice %arg2[%add3A_32, %add3A_1727, %dma_wait3A_1778] : memref<32x500x3000xf32, #tpu.memory_space<hbm>> -> memref<1x1x3000xf32, #tpu.memory_space<hbm>>
    %dma_wait3A_1780 = tpu.memref_squeeze %dma_wait3A_1779 : memref<1x1x3000xf32, #tpu.memory_space<hbm>> -> memref<3000xf32, #tpu.memory_space<hbm>>
    tpu.wait_dma2 semaphore(%arg6 : memref<!tpu.dma_semaphore, #tpu.memory_space<semaphore_mem>>) src(%dma_wait3A_1780 : memref<3000xf32, #tpu.memory_space<hbm>>) dst(%dma_wait3A_1777 : memref<3000xf32, #tpu.memory_space<vmem>>)
    %dma_wait3A_1781 = arith.constant 1 : i32
    %dma_wait3A_1782 = arith.constant 0 : i32
    %dma_wait3A_1783 = tpu.memref_slice %arg4[%dma_wait3A_1781, %dma_wait3A_1782] : memref<8x3000xf32, #tpu.memory_space<vmem>> -> memref<1x3000xf32, #tpu.memory_space<vmem>>
    %dma_wait3A_1784 = tpu.memref_squeeze %dma_wait3A_1783 : memref<1x3000xf32, #tpu.memory_space<vmem>> -> memref<3000xf32, #tpu.memory_space<vmem>>
    %dma_wait3A_1785 = arith.constant 0 : i32
    %dma_wait3A_1786 = tpu.memref_slice %arg2[%add3A_32, %add3A_1748, %dma_wait3A_1785] : memref<32x500x3000xf32, #tpu.memory_space<hbm>> -> memref<1x1x3000xf32, #tpu.memory_space<hbm>>
    %dma_wait3A_1787 = tpu.memref_squeeze %dma_wait3A_1786 : memref<1x1x3000xf32, #tpu.memory_space<hbm>> -> memref<3000xf32, #tpu.memory_space<hbm>>
    %dma_wait3A_1788 = arith.constant 0 : i32
    %dma_wait3A_1789 = tpu.memref_slice %arg4[%dma_wait3A_1781, %dma_wait3A_1788] : memref<8x3000xf32, #tpu.memory_space<vmem>> -> memref<1x3000xf32, #tpu.memory_space<vmem>>
    %dma_wait3A_1790 = tpu.memref_squeeze %dma_wait3A_1789 : memref<1x3000xf32, #tpu.memory_space<vmem>> -> memref<3000xf32, #tpu.memory_space<vmem>>
    %dma_wait3A_1791 = arith.constant 0 : i32
    %dma_wait3A_1792 = tpu.memref_slice %arg2[%add3A_32, %add3A_1748, %dma_wait3A_1791] : memref<32x500x3000xf32, #tpu.memory_space<hbm>> -> memref<1x1x3000xf32, #tpu.memory_space<hbm>>
    %dma_wait3A_1793 = tpu.memref_squeeze %dma_wait3A_1792 : memref<1x1x3000xf32, #tpu.memory_space<hbm>> -> memref<3000xf32, #tpu.memory_space<hbm>>
    tpu.wait_dma2 semaphore(%arg6 : memref<!tpu.dma_semaphore, #tpu.memory_space<semaphore_mem>>) src(%dma_wait3A_1793 : memref<3000xf32, #tpu.memory_space<hbm>>) dst(%dma_wait3A_1790 : memref<3000xf32, #tpu.memory_space<vmem>>)
    %dma_wait3A_1794 = arith.constant 0 : i32
    %dma_wait3A_1795 = tpu.memref_slice %arg3[%add3A_1763, %dma_wait3A_1794] : memref<1792x3000xf32, #tpu.memory_space<hbm>> -> memref<8x3000xf32, #tpu.memory_space<hbm>>
    %dma_wait3A_1796 = arith.constant 0 : i32
    %dma_wait3A_1797 = tpu.memref_slice %arg3[%add3A_1763, %dma_wait3A_1796] : memref<1792x3000xf32, #tpu.memory_space<hbm>> -> memref<8x3000xf32, #tpu.memory_space<hbm>>
    tpu.wait_dma2 semaphore(%arg9 : memref<!tpu.dma_semaphore, #tpu.memory_space<semaphore_mem>>) src(%arg5 : memref<8x3000xf32, #tpu.memory_space<vmem>>) dst(%dma_wait3A_1797 : memref<8x3000xf32, #tpu.memory_space<hbm>>)
    %add3A_1798 = arith.constant 48 : i32
    %add3A_1799 = arith.addi %add3A_37, %add3A_1798 : i32
    %dma_start3A_1800 = arith.constant 0 : i32
    %dma_start3A_1801 = tpu.memref_slice %arg3[%add3A_1799, %dma_start3A_1800] : memref<1792x3000xf32, #tpu.memory_space<hbm>> -> memref<8x3000xf32, #tpu.memory_space<hbm>>
    %dma_start3A_1802 = arith.constant 0 : i32
    %dma_start3A_1803 = tpu.memref_slice %arg3[%add3A_1799, %dma_start3A_1802] : memref<1792x3000xf32, #tpu.memory_space<hbm>> -> memref<8x3000xf32, #tpu.memory_space<hbm>>
    tpu.enqueue_dma source(%arg4 : memref<8x3000xf32, #tpu.memory_space<vmem>>) target(%dma_start3A_1803 : memref<8x3000xf32, #tpu.memory_space<hbm>>) target_semaphore(%arg8 : memref<!tpu.dma_semaphore, #tpu.memory_space<semaphore_mem>>)
    %dma_wait3A_1804 = arith.constant 0 : i32
    %dma_wait3A_1805 = tpu.memref_slice %arg3[%add3A_1799, %dma_wait3A_1804] : memref<1792x3000xf32, #tpu.memory_space<hbm>> -> memref<8x3000xf32, #tpu.memory_space<hbm>>
    %dma_wait3A_1806 = arith.constant 0 : i32
    %dma_wait3A_1807 = tpu.memref_slice %arg3[%add3A_1799, %dma_wait3A_1806] : memref<1792x3000xf32, #tpu.memory_space<hbm>> -> memref<8x3000xf32, #tpu.memory_space<hbm>>
    tpu.wait_dma2 semaphore(%arg8 : memref<!tpu.dma_semaphore, #tpu.memory_space<semaphore_mem>>) src(%arg4 : memref<8x3000xf32, #tpu.memory_space<vmem>>) dst(%dma_wait3A_1807 : memref<8x3000xf32, #tpu.memory_space<hbm>>)
    return
  }
}

module attributes {stable_mosaic.version = 14 : i64} {
  func.func @_tc_full_body(%arg0: i32, %arg1: memref<1x500x3000xf32, #tpu.memory_space<vmem>>, %arg2: memref<1x500x3000xf32, #tpu.memory_space<vmem>>, %arg3: memref<2x100x5xi32, #tpu.memory_space<vmem>>, %arg4: memref<2x1x2xf32, #tpu.memory_space<vmem>>, %arg5: memref<2x1x2xf32, #tpu.memory_space<vmem>>, %arg6: memref<2x100x1xi32, #tpu.memory_space<vmem>>, %arg7: memref<2x100x4xf32, #tpu.memory_space<vmem>>, %arg8: memref<2x100x1xf32, #tpu.memory_space<vmem>>) attributes {dimension_semantics = [#tpu.dimension_semantics<arbitrary>], iteration_bounds = array<i64: 8>, scalar_prefetch = 0 : i64, scratch_operands = 0 : i64, tpu.core_type = #tpu.core_type<tc>, window_params = [{transform_indices = @transform_0, window_bounds = array<i64: 1, 500, 3000>}, {transform_indices = @transform_1, window_bounds = array<i64: 1, 500, 3000>}, {transform_indices = @transform_2, window_bounds = array<i64: 2, 100, 5>}, {transform_indices = @transform_3, window_bounds = array<i64: 2, 1, 2>}, {transform_indices = @transform_4, window_bounds = array<i64: 2, 1, 2>}, {transform_indices = @transform_5, window_bounds = array<i64: 2, 100, 1>}, {transform_indices = @transform_6, window_bounds = array<i64: 2, 100, 4>}, {transform_indices = @transform_7, window_bounds = array<i64: 2, 100, 1>}]} {
    %get3A = arith.constant 0 : index
    %get3A_0 = arith.constant 0 : index
    %get3A_1 = arith.constant 0 : index
    %get3A_2 = vector.load %arg1[%get3A, %get3A_0, %get3A_1] : memref<1x500x3000xf32, #tpu.memory_space<vmem>>, vector<1x500x3000xf32>
    %get3A_3 = vector.shape_cast %get3A_2 : vector<1x500x3000xf32> to vector<500x3000xf32>
    %slice3A = vector.extract_strided_slice %get3A_3 {offsets = [4, 0], sizes = [1, 3000], strides = [1, 1]} : vector<500x3000xf32> to vector<1x3000xf32>
    %slice3A_4 = vector.extract_strided_slice %get3A_3 {offsets = [9, 0], sizes = [1, 3000], strides = [1, 1]} : vector<500x3000xf32> to vector<1x3000xf32>
    %slice3A_5 = vector.extract_strided_slice %get3A_3 {offsets = [14, 0], sizes = [1, 3000], strides = [1, 1]} : vector<500x3000xf32> to vector<1x3000xf32>
    %slice3A_6 = vector.extract_strided_slice %get3A_3 {offsets = [19, 0], sizes = [1, 3000], strides = [1, 1]} : vector<500x3000xf32> to vector<1x3000xf32>
    %slice3A_7 = vector.extract_strided_slice %get3A_3 {offsets = [24, 0], sizes = [1, 3000], strides = [1, 1]} : vector<500x3000xf32> to vector<1x3000xf32>
    %slice3A_8 = vector.extract_strided_slice %get3A_3 {offsets = [29, 0], sizes = [1, 3000], strides = [1, 1]} : vector<500x3000xf32> to vector<1x3000xf32>
    %slice3A_9 = vector.extract_strided_slice %get3A_3 {offsets = [34, 0], sizes = [1, 3000], strides = [1, 1]} : vector<500x3000xf32> to vector<1x3000xf32>
    %slice3A_10 = vector.extract_strided_slice %get3A_3 {offsets = [39, 0], sizes = [1, 3000], strides = [1, 1]} : vector<500x3000xf32> to vector<1x3000xf32>
    %slice3A_11 = vector.extract_strided_slice %get3A_3 {offsets = [44, 0], sizes = [1, 3000], strides = [1, 1]} : vector<500x3000xf32> to vector<1x3000xf32>
    %slice3A_12 = vector.extract_strided_slice %get3A_3 {offsets = [49, 0], sizes = [1, 3000], strides = [1, 1]} : vector<500x3000xf32> to vector<1x3000xf32>
    %slice3A_13 = vector.extract_strided_slice %get3A_3 {offsets = [54, 0], sizes = [1, 3000], strides = [1, 1]} : vector<500x3000xf32> to vector<1x3000xf32>
    %slice3A_14 = vector.extract_strided_slice %get3A_3 {offsets = [59, 0], sizes = [1, 3000], strides = [1, 1]} : vector<500x3000xf32> to vector<1x3000xf32>
    %slice3A_15 = vector.extract_strided_slice %get3A_3 {offsets = [64, 0], sizes = [1, 3000], strides = [1, 1]} : vector<500x3000xf32> to vector<1x3000xf32>
    %slice3A_16 = vector.extract_strided_slice %get3A_3 {offsets = [69, 0], sizes = [1, 3000], strides = [1, 1]} : vector<500x3000xf32> to vector<1x3000xf32>
    %slice3A_17 = vector.extract_strided_slice %get3A_3 {offsets = [74, 0], sizes = [1, 3000], strides = [1, 1]} : vector<500x3000xf32> to vector<1x3000xf32>
    %slice3A_18 = vector.extract_strided_slice %get3A_3 {offsets = [79, 0], sizes = [1, 3000], strides = [1, 1]} : vector<500x3000xf32> to vector<1x3000xf32>
    %slice3A_19 = vector.extract_strided_slice %get3A_3 {offsets = [84, 0], sizes = [1, 3000], strides = [1, 1]} : vector<500x3000xf32> to vector<1x3000xf32>
    %slice3A_20 = vector.extract_strided_slice %get3A_3 {offsets = [89, 0], sizes = [1, 3000], strides = [1, 1]} : vector<500x3000xf32> to vector<1x3000xf32>
    %slice3A_21 = vector.extract_strided_slice %get3A_3 {offsets = [94, 0], sizes = [1, 3000], strides = [1, 1]} : vector<500x3000xf32> to vector<1x3000xf32>
    %slice3A_22 = vector.extract_strided_slice %get3A_3 {offsets = [99, 0], sizes = [1, 3000], strides = [1, 1]} : vector<500x3000xf32> to vector<1x3000xf32>
    %slice3A_23 = vector.extract_strided_slice %get3A_3 {offsets = [104, 0], sizes = [1, 3000], strides = [1, 1]} : vector<500x3000xf32> to vector<1x3000xf32>
    %slice3A_24 = vector.extract_strided_slice %get3A_3 {offsets = [109, 0], sizes = [1, 3000], strides = [1, 1]} : vector<500x3000xf32> to vector<1x3000xf32>
    %slice3A_25 = vector.extract_strided_slice %get3A_3 {offsets = [114, 0], sizes = [1, 3000], strides = [1, 1]} : vector<500x3000xf32> to vector<1x3000xf32>
    %slice3A_26 = vector.extract_strided_slice %get3A_3 {offsets = [119, 0], sizes = [1, 3000], strides = [1, 1]} : vector<500x3000xf32> to vector<1x3000xf32>
    %slice3A_27 = vector.extract_strided_slice %get3A_3 {offsets = [124, 0], sizes = [1, 3000], strides = [1, 1]} : vector<500x3000xf32> to vector<1x3000xf32>
    %slice3A_28 = vector.extract_strided_slice %get3A_3 {offsets = [129, 0], sizes = [1, 3000], strides = [1, 1]} : vector<500x3000xf32> to vector<1x3000xf32>
    %slice3A_29 = vector.extract_strided_slice %get3A_3 {offsets = [134, 0], sizes = [1, 3000], strides = [1, 1]} : vector<500x3000xf32> to vector<1x3000xf32>
    %slice3A_30 = vector.extract_strided_slice %get3A_3 {offsets = [139, 0], sizes = [1, 3000], strides = [1, 1]} : vector<500x3000xf32> to vector<1x3000xf32>
    %slice3A_31 = vector.extract_strided_slice %get3A_3 {offsets = [144, 0], sizes = [1, 3000], strides = [1, 1]} : vector<500x3000xf32> to vector<1x3000xf32>
    %slice3A_32 = vector.extract_strided_slice %get3A_3 {offsets = [149, 0], sizes = [1, 3000], strides = [1, 1]} : vector<500x3000xf32> to vector<1x3000xf32>
    %slice3A_33 = vector.extract_strided_slice %get3A_3 {offsets = [154, 0], sizes = [1, 3000], strides = [1, 1]} : vector<500x3000xf32> to vector<1x3000xf32>
    %slice3A_34 = vector.extract_strided_slice %get3A_3 {offsets = [159, 0], sizes = [1, 3000], strides = [1, 1]} : vector<500x3000xf32> to vector<1x3000xf32>
    %slice3A_35 = vector.extract_strided_slice %get3A_3 {offsets = [164, 0], sizes = [1, 3000], strides = [1, 1]} : vector<500x3000xf32> to vector<1x3000xf32>
    %slice3A_36 = vector.extract_strided_slice %get3A_3 {offsets = [169, 0], sizes = [1, 3000], strides = [1, 1]} : vector<500x3000xf32> to vector<1x3000xf32>
    %slice3A_37 = vector.extract_strided_slice %get3A_3 {offsets = [174, 0], sizes = [1, 3000], strides = [1, 1]} : vector<500x3000xf32> to vector<1x3000xf32>
    %slice3A_38 = vector.extract_strided_slice %get3A_3 {offsets = [179, 0], sizes = [1, 3000], strides = [1, 1]} : vector<500x3000xf32> to vector<1x3000xf32>
    %slice3A_39 = vector.extract_strided_slice %get3A_3 {offsets = [184, 0], sizes = [1, 3000], strides = [1, 1]} : vector<500x3000xf32> to vector<1x3000xf32>
    %slice3A_40 = vector.extract_strided_slice %get3A_3 {offsets = [189, 0], sizes = [1, 3000], strides = [1, 1]} : vector<500x3000xf32> to vector<1x3000xf32>
    %slice3A_41 = vector.extract_strided_slice %get3A_3 {offsets = [194, 0], sizes = [1, 3000], strides = [1, 1]} : vector<500x3000xf32> to vector<1x3000xf32>
    %slice3A_42 = vector.extract_strided_slice %get3A_3 {offsets = [199, 0], sizes = [1, 3000], strides = [1, 1]} : vector<500x3000xf32> to vector<1x3000xf32>
    %slice3A_43 = vector.extract_strided_slice %get3A_3 {offsets = [204, 0], sizes = [1, 3000], strides = [1, 1]} : vector<500x3000xf32> to vector<1x3000xf32>
    %slice3A_44 = vector.extract_strided_slice %get3A_3 {offsets = [209, 0], sizes = [1, 3000], strides = [1, 1]} : vector<500x3000xf32> to vector<1x3000xf32>
    %slice3A_45 = vector.extract_strided_slice %get3A_3 {offsets = [214, 0], sizes = [1, 3000], strides = [1, 1]} : vector<500x3000xf32> to vector<1x3000xf32>
    %slice3A_46 = vector.extract_strided_slice %get3A_3 {offsets = [219, 0], sizes = [1, 3000], strides = [1, 1]} : vector<500x3000xf32> to vector<1x3000xf32>
    %slice3A_47 = vector.extract_strided_slice %get3A_3 {offsets = [224, 0], sizes = [1, 3000], strides = [1, 1]} : vector<500x3000xf32> to vector<1x3000xf32>
    %slice3A_48 = vector.extract_strided_slice %get3A_3 {offsets = [229, 0], sizes = [1, 3000], strides = [1, 1]} : vector<500x3000xf32> to vector<1x3000xf32>
    %slice3A_49 = vector.extract_strided_slice %get3A_3 {offsets = [234, 0], sizes = [1, 3000], strides = [1, 1]} : vector<500x3000xf32> to vector<1x3000xf32>
    %slice3A_50 = vector.extract_strided_slice %get3A_3 {offsets = [239, 0], sizes = [1, 3000], strides = [1, 1]} : vector<500x3000xf32> to vector<1x3000xf32>
    %slice3A_51 = vector.extract_strided_slice %get3A_3 {offsets = [244, 0], sizes = [1, 3000], strides = [1, 1]} : vector<500x3000xf32> to vector<1x3000xf32>
    %slice3A_52 = vector.extract_strided_slice %get3A_3 {offsets = [249, 0], sizes = [1, 3000], strides = [1, 1]} : vector<500x3000xf32> to vector<1x3000xf32>
    %slice3A_53 = vector.extract_strided_slice %get3A_3 {offsets = [254, 0], sizes = [1, 3000], strides = [1, 1]} : vector<500x3000xf32> to vector<1x3000xf32>
    %slice3A_54 = vector.extract_strided_slice %get3A_3 {offsets = [259, 0], sizes = [1, 3000], strides = [1, 1]} : vector<500x3000xf32> to vector<1x3000xf32>
    %slice3A_55 = vector.extract_strided_slice %get3A_3 {offsets = [264, 0], sizes = [1, 3000], strides = [1, 1]} : vector<500x3000xf32> to vector<1x3000xf32>
    %slice3A_56 = vector.extract_strided_slice %get3A_3 {offsets = [269, 0], sizes = [1, 3000], strides = [1, 1]} : vector<500x3000xf32> to vector<1x3000xf32>
    %slice3A_57 = vector.extract_strided_slice %get3A_3 {offsets = [274, 0], sizes = [1, 3000], strides = [1, 1]} : vector<500x3000xf32> to vector<1x3000xf32>
    %slice3A_58 = vector.extract_strided_slice %get3A_3 {offsets = [279, 0], sizes = [1, 3000], strides = [1, 1]} : vector<500x3000xf32> to vector<1x3000xf32>
    %slice3A_59 = vector.extract_strided_slice %get3A_3 {offsets = [284, 0], sizes = [1, 3000], strides = [1, 1]} : vector<500x3000xf32> to vector<1x3000xf32>
    %slice3A_60 = vector.extract_strided_slice %get3A_3 {offsets = [289, 0], sizes = [1, 3000], strides = [1, 1]} : vector<500x3000xf32> to vector<1x3000xf32>
    %slice3A_61 = vector.extract_strided_slice %get3A_3 {offsets = [294, 0], sizes = [1, 3000], strides = [1, 1]} : vector<500x3000xf32> to vector<1x3000xf32>
    %slice3A_62 = vector.extract_strided_slice %get3A_3 {offsets = [299, 0], sizes = [1, 3000], strides = [1, 1]} : vector<500x3000xf32> to vector<1x3000xf32>
    %slice3A_63 = vector.extract_strided_slice %get3A_3 {offsets = [304, 0], sizes = [1, 3000], strides = [1, 1]} : vector<500x3000xf32> to vector<1x3000xf32>
    %slice3A_64 = vector.extract_strided_slice %get3A_3 {offsets = [309, 0], sizes = [1, 3000], strides = [1, 1]} : vector<500x3000xf32> to vector<1x3000xf32>
    %slice3A_65 = vector.extract_strided_slice %get3A_3 {offsets = [314, 0], sizes = [1, 3000], strides = [1, 1]} : vector<500x3000xf32> to vector<1x3000xf32>
    %slice3A_66 = vector.extract_strided_slice %get3A_3 {offsets = [319, 0], sizes = [1, 3000], strides = [1, 1]} : vector<500x3000xf32> to vector<1x3000xf32>
    %slice3A_67 = vector.extract_strided_slice %get3A_3 {offsets = [324, 0], sizes = [1, 3000], strides = [1, 1]} : vector<500x3000xf32> to vector<1x3000xf32>
    %slice3A_68 = vector.extract_strided_slice %get3A_3 {offsets = [329, 0], sizes = [1, 3000], strides = [1, 1]} : vector<500x3000xf32> to vector<1x3000xf32>
    %slice3A_69 = vector.extract_strided_slice %get3A_3 {offsets = [334, 0], sizes = [1, 3000], strides = [1, 1]} : vector<500x3000xf32> to vector<1x3000xf32>
    %slice3A_70 = vector.extract_strided_slice %get3A_3 {offsets = [339, 0], sizes = [1, 3000], strides = [1, 1]} : vector<500x3000xf32> to vector<1x3000xf32>
    %slice3A_71 = vector.extract_strided_slice %get3A_3 {offsets = [344, 0], sizes = [1, 3000], strides = [1, 1]} : vector<500x3000xf32> to vector<1x3000xf32>
    %slice3A_72 = vector.extract_strided_slice %get3A_3 {offsets = [349, 0], sizes = [1, 3000], strides = [1, 1]} : vector<500x3000xf32> to vector<1x3000xf32>
    %slice3A_73 = vector.extract_strided_slice %get3A_3 {offsets = [354, 0], sizes = [1, 3000], strides = [1, 1]} : vector<500x3000xf32> to vector<1x3000xf32>
    %slice3A_74 = vector.extract_strided_slice %get3A_3 {offsets = [359, 0], sizes = [1, 3000], strides = [1, 1]} : vector<500x3000xf32> to vector<1x3000xf32>
    %slice3A_75 = vector.extract_strided_slice %get3A_3 {offsets = [364, 0], sizes = [1, 3000], strides = [1, 1]} : vector<500x3000xf32> to vector<1x3000xf32>
    %slice3A_76 = vector.extract_strided_slice %get3A_3 {offsets = [369, 0], sizes = [1, 3000], strides = [1, 1]} : vector<500x3000xf32> to vector<1x3000xf32>
    %slice3A_77 = vector.extract_strided_slice %get3A_3 {offsets = [374, 0], sizes = [1, 3000], strides = [1, 1]} : vector<500x3000xf32> to vector<1x3000xf32>
    %slice3A_78 = vector.extract_strided_slice %get3A_3 {offsets = [379, 0], sizes = [1, 3000], strides = [1, 1]} : vector<500x3000xf32> to vector<1x3000xf32>
    %slice3A_79 = vector.extract_strided_slice %get3A_3 {offsets = [384, 0], sizes = [1, 3000], strides = [1, 1]} : vector<500x3000xf32> to vector<1x3000xf32>
    %slice3A_80 = vector.extract_strided_slice %get3A_3 {offsets = [389, 0], sizes = [1, 3000], strides = [1, 1]} : vector<500x3000xf32> to vector<1x3000xf32>
    %slice3A_81 = vector.extract_strided_slice %get3A_3 {offsets = [394, 0], sizes = [1, 3000], strides = [1, 1]} : vector<500x3000xf32> to vector<1x3000xf32>
    %slice3A_82 = vector.extract_strided_slice %get3A_3 {offsets = [399, 0], sizes = [1, 3000], strides = [1, 1]} : vector<500x3000xf32> to vector<1x3000xf32>
    %slice3A_83 = vector.extract_strided_slice %get3A_3 {offsets = [404, 0], sizes = [1, 3000], strides = [1, 1]} : vector<500x3000xf32> to vector<1x3000xf32>
    %slice3A_84 = vector.extract_strided_slice %get3A_3 {offsets = [409, 0], sizes = [1, 3000], strides = [1, 1]} : vector<500x3000xf32> to vector<1x3000xf32>
    %slice3A_85 = vector.extract_strided_slice %get3A_3 {offsets = [414, 0], sizes = [1, 3000], strides = [1, 1]} : vector<500x3000xf32> to vector<1x3000xf32>
    %slice3A_86 = vector.extract_strided_slice %get3A_3 {offsets = [419, 0], sizes = [1, 3000], strides = [1, 1]} : vector<500x3000xf32> to vector<1x3000xf32>
    %slice3A_87 = vector.extract_strided_slice %get3A_3 {offsets = [424, 0], sizes = [1, 3000], strides = [1, 1]} : vector<500x3000xf32> to vector<1x3000xf32>
    %slice3A_88 = vector.extract_strided_slice %get3A_3 {offsets = [429, 0], sizes = [1, 3000], strides = [1, 1]} : vector<500x3000xf32> to vector<1x3000xf32>
    %slice3A_89 = vector.extract_strided_slice %get3A_3 {offsets = [434, 0], sizes = [1, 3000], strides = [1, 1]} : vector<500x3000xf32> to vector<1x3000xf32>
    %slice3A_90 = vector.extract_strided_slice %get3A_3 {offsets = [439, 0], sizes = [1, 3000], strides = [1, 1]} : vector<500x3000xf32> to vector<1x3000xf32>
    %slice3A_91 = vector.extract_strided_slice %get3A_3 {offsets = [444, 0], sizes = [1, 3000], strides = [1, 1]} : vector<500x3000xf32> to vector<1x3000xf32>
    %slice3A_92 = vector.extract_strided_slice %get3A_3 {offsets = [449, 0], sizes = [1, 3000], strides = [1, 1]} : vector<500x3000xf32> to vector<1x3000xf32>
    %slice3A_93 = vector.extract_strided_slice %get3A_3 {offsets = [454, 0], sizes = [1, 3000], strides = [1, 1]} : vector<500x3000xf32> to vector<1x3000xf32>
    %slice3A_94 = vector.extract_strided_slice %get3A_3 {offsets = [459, 0], sizes = [1, 3000], strides = [1, 1]} : vector<500x3000xf32> to vector<1x3000xf32>
    %slice3A_95 = vector.extract_strided_slice %get3A_3 {offsets = [464, 0], sizes = [1, 3000], strides = [1, 1]} : vector<500x3000xf32> to vector<1x3000xf32>
    %slice3A_96 = vector.extract_strided_slice %get3A_3 {offsets = [469, 0], sizes = [1, 3000], strides = [1, 1]} : vector<500x3000xf32> to vector<1x3000xf32>
    %slice3A_97 = vector.extract_strided_slice %get3A_3 {offsets = [474, 0], sizes = [1, 3000], strides = [1, 1]} : vector<500x3000xf32> to vector<1x3000xf32>
    %slice3A_98 = vector.extract_strided_slice %get3A_3 {offsets = [479, 0], sizes = [1, 3000], strides = [1, 1]} : vector<500x3000xf32> to vector<1x3000xf32>
    %slice3A_99 = vector.extract_strided_slice %get3A_3 {offsets = [484, 0], sizes = [1, 3000], strides = [1, 1]} : vector<500x3000xf32> to vector<1x3000xf32>
    %slice3A_100 = vector.extract_strided_slice %get3A_3 {offsets = [489, 0], sizes = [1, 3000], strides = [1, 1]} : vector<500x3000xf32> to vector<1x3000xf32>
    %slice3A_101 = vector.extract_strided_slice %get3A_3 {offsets = [494, 0], sizes = [1, 3000], strides = [1, 1]} : vector<500x3000xf32> to vector<1x3000xf32>
    %slice3A_102 = vector.extract_strided_slice %get3A_3 {offsets = [499, 0], sizes = [1, 3000], strides = [1, 1]} : vector<500x3000xf32> to vector<1x3000xf32>
    %concatenate3A = tpu.concatenate %slice3A, %slice3A_4, %slice3A_5, %slice3A_6, %slice3A_7, %slice3A_8, %slice3A_9, %slice3A_10, %slice3A_11, %slice3A_12, %slice3A_13, %slice3A_14, %slice3A_15, %slice3A_16, %slice3A_17, %slice3A_18, %slice3A_19, %slice3A_20, %slice3A_21, %slice3A_22, %slice3A_23, %slice3A_24, %slice3A_25, %slice3A_26, %slice3A_27, %slice3A_28, %slice3A_29, %slice3A_30, %slice3A_31, %slice3A_32, %slice3A_33, %slice3A_34, %slice3A_35, %slice3A_36, %slice3A_37, %slice3A_38, %slice3A_39, %slice3A_40, %slice3A_41, %slice3A_42, %slice3A_43, %slice3A_44, %slice3A_45, %slice3A_46, %slice3A_47, %slice3A_48, %slice3A_49, %slice3A_50, %slice3A_51, %slice3A_52, %slice3A_53, %slice3A_54, %slice3A_55, %slice3A_56, %slice3A_57, %slice3A_58, %slice3A_59, %slice3A_60, %slice3A_61, %slice3A_62, %slice3A_63, %slice3A_64, %slice3A_65, %slice3A_66, %slice3A_67, %slice3A_68, %slice3A_69, %slice3A_70, %slice3A_71, %slice3A_72, %slice3A_73, %slice3A_74, %slice3A_75, %slice3A_76, %slice3A_77, %slice3A_78, %slice3A_79, %slice3A_80, %slice3A_81, %slice3A_82, %slice3A_83, %slice3A_84, %slice3A_85, %slice3A_86, %slice3A_87, %slice3A_88, %slice3A_89, %slice3A_90, %slice3A_91, %slice3A_92, %slice3A_93, %slice3A_94, %slice3A_95, %slice3A_96, %slice3A_97, %slice3A_98, %slice3A_99, %slice3A_100, %slice3A_101, %slice3A_102 in 0 : vector<1x3000xf32>, vector<1x3000xf32>, vector<1x3000xf32>, vector<1x3000xf32>, vector<1x3000xf32>, vector<1x3000xf32>, vector<1x3000xf32>, vector<1x3000xf32>, vector<1x3000xf32>, vector<1x3000xf32>, vector<1x3000xf32>, vector<1x3000xf32>, vector<1x3000xf32>, vector<1x3000xf32>, vector<1x3000xf32>, vector<1x3000xf32>, vector<1x3000xf32>, vector<1x3000xf32>, vector<1x3000xf32>, vector<1x3000xf32>, vector<1x3000xf32>, vector<1x3000xf32>, vector<1x3000xf32>, vector<1x3000xf32>, vector<1x3000xf32>, vector<1x3000xf32>, vector<1x3000xf32>, vector<1x3000xf32>, vector<1x3000xf32>, vector<1x3000xf32>, vector<1x3000xf32>, vector<1x3000xf32>, vector<1x3000xf32>, vector<1x3000xf32>, vector<1x3000xf32>, vector<1x3000xf32>, vector<1x3000xf32>, vector<1x3000xf32>, vector<1x3000xf32>, vector<1x3000xf32>, vector<1x3000xf32>, vector<1x3000xf32>, vector<1x3000xf32>, vector<1x3000xf32>, vector<1x3000xf32>, vector<1x3000xf32>, vector<1x3000xf32>, vector<1x3000xf32>, vector<1x3000xf32>, vector<1x3000xf32>, vector<1x3000xf32>, vector<1x3000xf32>, vector<1x3000xf32>, vector<1x3000xf32>, vector<1x3000xf32>, vector<1x3000xf32>, vector<1x3000xf32>, vector<1x3000xf32>, vector<1x3000xf32>, vector<1x3000xf32>, vector<1x3000xf32>, vector<1x3000xf32>, vector<1x3000xf32>, vector<1x3000xf32>, vector<1x3000xf32>, vector<1x3000xf32>, vector<1x3000xf32>, vector<1x3000xf32>, vector<1x3000xf32>, vector<1x3000xf32>, vector<1x3000xf32>, vector<1x3000xf32>, vector<1x3000xf32>, vector<1x3000xf32>, vector<1x3000xf32>, vector<1x3000xf32>, vector<1x3000xf32>, vector<1x3000xf32>, vector<1x3000xf32>, vector<1x3000xf32>, vector<1x3000xf32>, vector<1x3000xf32>, vector<1x3000xf32>, vector<1x3000xf32>, vector<1x3000xf32>, vector<1x3000xf32>, vector<1x3000xf32>, vector<1x3000xf32>, vector<1x3000xf32>, vector<1x3000xf32>, vector<1x3000xf32>, vector<1x3000xf32>, vector<1x3000xf32>, vector<1x3000xf32>, vector<1x3000xf32>, vector<1x3000xf32>, vector<1x3000xf32>, vector<1x3000xf32>, vector<1x3000xf32>, vector<1x3000xf32> -> vector<100x3000xf32>
    %iota3A = tpu.iota {dimensions = array<i32: 1>} : vector<1x3000xi32>
    %reduce_max3A = arith.constant dense<0xFF800000> : vector<100xf32>
    %reduce_max3A_103 = vector.multi_reduction <maximumf>, %concatenate3A, %reduce_max3A [1] : vector<100x3000xf32> to vector<100xf32>
    %broadcast_in_dim3A = vector.shape_cast %reduce_max3A_103 : vector<100xf32> to vector<100x1xf32>
    %sub3A = vector.broadcast %broadcast_in_dim3A : vector<100x1xf32> to vector<100x3000xf32>
    %sub3A_104 = arith.subf %concatenate3A, %sub3A : vector<100x3000xf32>
    %exp3A = math.exp %sub3A_104 : vector<100x3000xf32>
    %reduce_sum3A = arith.constant dense<0.000000e+00> : vector<100xf32>
    %reduce_sum3A_105 = vector.multi_reduction <add>, %exp3A, %reduce_sum3A [1] : vector<100x3000xf32> to vector<100xf32>
    %broadcast_in_dim3A_106 = vector.shape_cast %reduce_sum3A_105 : vector<100xf32> to vector<100x1xf32>
    %ge3A = arith.constant 100 : i32
    %ge3A_107 = vector.broadcast %ge3A : i32 to vector<1x3000xi32>
    %ge3A_108 = arith.cmpi sge, %iota3A, %ge3A_107 : vector<1x3000xi32>
    %lt3A = arith.constant 1000 : i32
    %lt3A_109 = vector.broadcast %lt3A : i32 to vector<1x3000xi32>
    %lt3A_110 = arith.cmpi slt, %iota3A, %lt3A_109 : vector<1x3000xi32>
    %and3A = arith.andi %ge3A_108, %lt3A_110 : vector<1x3000xi1>
    %jit3A = arith.constant 0xFF800000 : f32
    %broadcast_in_dim3A_111 = vector.shape_cast %and3A : vector<1x3000xi1> to vector<1x3000xi1>
    %broadcast_in_dim3A_112 = vector.broadcast %broadcast_in_dim3A_111 : vector<1x3000xi1> to vector<100x3000xi1>
    %broadcast_in_dim3A_113 = vector.broadcast %jit3A : f32 to vector<100x3000xf32>
    %select_n3A = arith.select %broadcast_in_dim3A_112, %concatenate3A, %broadcast_in_dim3A_113 : vector<100x3000xi1>, vector<100x3000xf32>
    %reduce_max3A_114 = arith.constant dense<0xFF800000> : vector<100xf32>
    %reduce_max3A_115 = vector.multi_reduction <maximumf>, %select_n3A, %reduce_max3A_114 [1] : vector<100x3000xf32> to vector<100xf32>
    %broadcast_in_dim3A_116 = vector.shape_cast %reduce_max3A_115 : vector<100xf32> to vector<100x1xf32>
    %argmax3A = tpu.reduce_index %select_n3A {axis = 1 : i32, kind = #tpu.reduction_kind<arg_max>} : vector<100x3000xf32> -> vector<100xi32>
    %broadcast_in_dim3A_117 = vector.shape_cast %argmax3A : vector<100xi32> to vector<100x1xi32>
    %sub3A_118 = arith.constant 100 : i32
    %sub3A_119 = vector.broadcast %sub3A_118 : i32 to vector<100x1xi32>
    %sub3A_120 = arith.subi %broadcast_in_dim3A_117, %sub3A_119 : vector<100x1xi32>
    %max3A = arith.constant 0 : i32
    %max3A_121 = vector.broadcast %max3A : i32 to vector<100x1xi32>
    %max3A_122 = arith.maxsi %sub3A_120, %max3A_121 : vector<100x1xi32>
    %sub3A_123 = arith.subf %broadcast_in_dim3A_116, %broadcast_in_dim3A : vector<100x1xf32>
    %exp3A_124 = math.exp %sub3A_123 : vector<100x1xf32>
    %div3A = arith.divf %exp3A_124, %broadcast_in_dim3A_106 : vector<100x1xf32>
    %swap3A = arith.constant 0 : index
    %swap3A_125 = arith.constant 0 : index
    %swap3A_126 = arith.constant 0 : index
    %swap3A_127 = vector.load %arg6[%swap3A, %swap3A_125, %swap3A_126] : memref<2x100x1xi32, #tpu.memory_space<vmem>>, vector<1x100x1xi32>
    %swap3A_128 = vector.shape_cast %swap3A_127 : vector<1x100x1xi32> to vector<100x1xi32>
    %swap3A_129 = vector.shape_cast %max3A_122 : vector<100x1xi32> to vector<1x100x1xi32>
    tpu.vector_store %arg6[%swap3A, %swap3A_125, %swap3A_126], %swap3A_129 {strides = array<i32>} : memref<2x100x1xi32, #tpu.memory_space<vmem>>, vector<1x100x1xi32>,
    %swap3A_130 = arith.constant 0 : index
    %swap3A_131 = arith.constant 0 : index
    %swap3A_132 = arith.constant 0 : index
    %swap3A_133 = vector.load %arg8[%swap3A_130, %swap3A_131, %swap3A_132] : memref<2x100x1xf32, #tpu.memory_space<vmem>>, vector<1x100x1xf32>
    %swap3A_134 = vector.shape_cast %swap3A_133 : vector<1x100x1xf32> to vector<100x1xf32>
    %swap3A_135 = vector.shape_cast %div3A : vector<100x1xf32> to vector<1x100x1xf32>
    tpu.vector_store %arg8[%swap3A_130, %swap3A_131, %swap3A_132], %swap3A_135 {strides = array<i32>} : memref<2x100x1xf32, #tpu.memory_space<vmem>>, vector<1x100x1xf32>,
    %get3A_136 = arith.constant 0 : index
    %get3A_137 = arith.constant 0 : index
    %get3A_138 = arith.constant 0 : index
    %get3A_139 = vector.load %arg3[%get3A_136, %get3A_137, %get3A_138] : memref<2x100x5xi32, #tpu.memory_space<vmem>>, vector<1x100x5xi32>
    %get3A_140 = vector.shape_cast %get3A_139 : vector<1x100x5xi32> to vector<100x5xi32>
    %sub3A_141 = arith.constant 1000 : i32
    %sub3A_142 = vector.broadcast %sub3A_141 : i32 to vector<100x5xi32>
    %sub3A_143 = arith.subi %get3A_140, %sub3A_142 : vector<100x5xi32>
    %convert_element_type3A = arith.sitofp %sub3A_143 : vector<100x5xi32> to vector<100x5xf32>
    %div3A_144 = arith.constant 9.990000e+02 : f32
    %div3A_145 = vector.broadcast %div3A_144 : f32 to vector<100x5xf32>
    %div3A_146 = arith.divf %convert_element_type3A, %div3A_145 : vector<100x5xf32>
    %jit3A_147 = arith.constant 0.000000e+00 : f32
    %jit3A_148 = arith.constant 1.000000e+00 : f32
    %max3A_149 = vector.broadcast %jit3A_147 : f32 to vector<100x5xf32>
    %max3A_150 = arith.maximumf %max3A_149, %div3A_146 : vector<100x5xf32>
    %min3A = vector.broadcast %jit3A_148 : f32 to vector<100x5xf32>
    %min3A_151 = arith.minimumf %min3A, %max3A_150 : vector<100x5xf32>
    %get3A_152 = arith.constant 0 : index
    %get3A_153 = arith.constant 0 : index
    %get3A_154 = arith.constant 0 : index
    %get3A_155 = vector.load %arg5[%get3A_152, %get3A_153, %get3A_154] : memref<2x1x2xf32, #tpu.memory_space<vmem>>, vector<1x1x2xf32>
    %get3A_156 = vector.shape_cast %get3A_155 : vector<1x1x2xf32> to vector<1x2xf32>
    %div3A_157 = arith.constant 1.024000e+03 : f32
    %div3A_158 = vector.broadcast %div3A_157 : f32 to vector<1x2xf32>
    %div3A_159 = arith.divf %div3A_158, %get3A_156 : vector<1x2xf32>
    %get3A_160 = arith.constant 0 : index
    %get3A_161 = arith.constant 0 : index
    %get3A_162 = arith.constant 0 : index
    %get3A_163 = vector.load %arg4[%get3A_160, %get3A_161, %get3A_162] : memref<2x1x2xf32, #tpu.memory_space<vmem>>, vector<1x1x2xf32>
    %get3A_164 = vector.shape_cast %get3A_163 : vector<1x1x2xf32> to vector<1x2xf32>
    %mul3A = arith.mulf %div3A_159, %get3A_164 : vector<1x2xf32>
    %slice3A_165 = vector.extract_strided_slice %min3A_151 {offsets = [0, 1], sizes = [100, 1], strides = [1, 1]} : vector<100x5xf32> to vector<100x1xf32>
    %slice3A_166 = vector.extract_strided_slice %min3A_151 {offsets = [0, 0], sizes = [100, 1], strides = [1, 1]} : vector<100x5xf32> to vector<100x1xf32>
    %slice3A_167 = vector.extract_strided_slice %min3A_151 {offsets = [0, 3], sizes = [100, 1], strides = [1, 1]} : vector<100x5xf32> to vector<100x1xf32>
    %slice3A_168 = vector.extract_strided_slice %min3A_151 {offsets = [0, 2], sizes = [100, 1], strides = [1, 1]} : vector<100x5xf32> to vector<100x1xf32>
    %concatenate3A_169 = tpu.concatenate %slice3A_165, %slice3A_166, %slice3A_167, %slice3A_168 in 1 : vector<100x1xf32>, vector<100x1xf32>, vector<100x1xf32>, vector<100x1xf32> -> vector<100x4xf32>
    %slice3A_170 = vector.extract_strided_slice %mul3A {offsets = [0, 0], sizes = [1, 1], strides = [1, 1]} : vector<1x2xf32> to vector<1x1xf32>
    %slice3A_171 = vector.extract_strided_slice %mul3A {offsets = [0, 1], sizes = [1, 1], strides = [1, 1]} : vector<1x2xf32> to vector<1x1xf32>
    %slice3A_172 = vector.extract_strided_slice %mul3A {offsets = [0, 0], sizes = [1, 1], strides = [1, 1]} : vector<1x2xf32> to vector<1x1xf32>
    %slice3A_173 = vector.extract_strided_slice %mul3A {offsets = [0, 1], sizes = [1, 1], strides = [1, 1]} : vector<1x2xf32> to vector<1x1xf32>
    %concatenate3A_174 = tpu.concatenate %slice3A_170, %slice3A_171, %slice3A_172, %slice3A_173 in 1 : vector<1x1xf32>, vector<1x1xf32>, vector<1x1xf32>, vector<1x1xf32> -> vector<1x4xf32>
    %mul3A_175 = vector.broadcast %concatenate3A_174 : vector<1x4xf32> to vector<100x4xf32>
    %mul3A_176 = arith.mulf %concatenate3A_169, %mul3A_175 : vector<100x4xf32>
    %swap3A_177 = arith.constant 0 : index
    %swap3A_178 = arith.constant 0 : index
    %swap3A_179 = arith.constant 0 : index
    %swap3A_180 = vector.load %arg7[%swap3A_177, %swap3A_178, %swap3A_179] : memref<2x100x4xf32, #tpu.memory_space<vmem>>, vector<1x100x4xf32>
    %swap3A_181 = vector.shape_cast %swap3A_180 : vector<1x100x4xf32> to vector<100x4xf32>
    %swap3A_182 = vector.shape_cast %mul3A_176 : vector<100x4xf32> to vector<1x100x4xf32>
    tpu.vector_store %arg7[%swap3A_177, %swap3A_178, %swap3A_179], %swap3A_182 {strides = array<i32>} : memref<2x100x4xf32, #tpu.memory_space<vmem>>, vector<1x100x4xf32>,
    %get3A_183 = arith.constant 0 : index
    %get3A_184 = arith.constant 0 : index
    %get3A_185 = arith.constant 0 : index
    %get3A_186 = vector.load %arg2[%get3A_183, %get3A_184, %get3A_185] : memref<1x500x3000xf32, #tpu.memory_space<vmem>>, vector<1x500x3000xf32>
    %get3A_187 = vector.shape_cast %get3A_186 : vector<1x500x3000xf32> to vector<500x3000xf32>
    %slice3A_188 = vector.extract_strided_slice %get3A_187 {offsets = [4, 0], sizes = [1, 3000], strides = [1, 1]} : vector<500x3000xf32> to vector<1x3000xf32>
    %slice3A_189 = vector.extract_strided_slice %get3A_187 {offsets = [9, 0], sizes = [1, 3000], strides = [1, 1]} : vector<500x3000xf32> to vector<1x3000xf32>
    %slice3A_190 = vector.extract_strided_slice %get3A_187 {offsets = [14, 0], sizes = [1, 3000], strides = [1, 1]} : vector<500x3000xf32> to vector<1x3000xf32>
    %slice3A_191 = vector.extract_strided_slice %get3A_187 {offsets = [19, 0], sizes = [1, 3000], strides = [1, 1]} : vector<500x3000xf32> to vector<1x3000xf32>
    %slice3A_192 = vector.extract_strided_slice %get3A_187 {offsets = [24, 0], sizes = [1, 3000], strides = [1, 1]} : vector<500x3000xf32> to vector<1x3000xf32>
    %slice3A_193 = vector.extract_strided_slice %get3A_187 {offsets = [29, 0], sizes = [1, 3000], strides = [1, 1]} : vector<500x3000xf32> to vector<1x3000xf32>
    %slice3A_194 = vector.extract_strided_slice %get3A_187 {offsets = [34, 0], sizes = [1, 3000], strides = [1, 1]} : vector<500x3000xf32> to vector<1x3000xf32>
    %slice3A_195 = vector.extract_strided_slice %get3A_187 {offsets = [39, 0], sizes = [1, 3000], strides = [1, 1]} : vector<500x3000xf32> to vector<1x3000xf32>
    %slice3A_196 = vector.extract_strided_slice %get3A_187 {offsets = [44, 0], sizes = [1, 3000], strides = [1, 1]} : vector<500x3000xf32> to vector<1x3000xf32>
    %slice3A_197 = vector.extract_strided_slice %get3A_187 {offsets = [49, 0], sizes = [1, 3000], strides = [1, 1]} : vector<500x3000xf32> to vector<1x3000xf32>
    %slice3A_198 = vector.extract_strided_slice %get3A_187 {offsets = [54, 0], sizes = [1, 3000], strides = [1, 1]} : vector<500x3000xf32> to vector<1x3000xf32>
    %slice3A_199 = vector.extract_strided_slice %get3A_187 {offsets = [59, 0], sizes = [1, 3000], strides = [1, 1]} : vector<500x3000xf32> to vector<1x3000xf32>
    %slice3A_200 = vector.extract_strided_slice %get3A_187 {offsets = [64, 0], sizes = [1, 3000], strides = [1, 1]} : vector<500x3000xf32> to vector<1x3000xf32>
    %slice3A_201 = vector.extract_strided_slice %get3A_187 {offsets = [69, 0], sizes = [1, 3000], strides = [1, 1]} : vector<500x3000xf32> to vector<1x3000xf32>
    %slice3A_202 = vector.extract_strided_slice %get3A_187 {offsets = [74, 0], sizes = [1, 3000], strides = [1, 1]} : vector<500x3000xf32> to vector<1x3000xf32>
    %slice3A_203 = vector.extract_strided_slice %get3A_187 {offsets = [79, 0], sizes = [1, 3000], strides = [1, 1]} : vector<500x3000xf32> to vector<1x3000xf32>
    %slice3A_204 = vector.extract_strided_slice %get3A_187 {offsets = [84, 0], sizes = [1, 3000], strides = [1, 1]} : vector<500x3000xf32> to vector<1x3000xf32>
    %slice3A_205 = vector.extract_strided_slice %get3A_187 {offsets = [89, 0], sizes = [1, 3000], strides = [1, 1]} : vector<500x3000xf32> to vector<1x3000xf32>
    %slice3A_206 = vector.extract_strided_slice %get3A_187 {offsets = [94, 0], sizes = [1, 3000], strides = [1, 1]} : vector<500x3000xf32> to vector<1x3000xf32>
    %slice3A_207 = vector.extract_strided_slice %get3A_187 {offsets = [99, 0], sizes = [1, 3000], strides = [1, 1]} : vector<500x3000xf32> to vector<1x3000xf32>
    %slice3A_208 = vector.extract_strided_slice %get3A_187 {offsets = [104, 0], sizes = [1, 3000], strides = [1, 1]} : vector<500x3000xf32> to vector<1x3000xf32>
    %slice3A_209 = vector.extract_strided_slice %get3A_187 {offsets = [109, 0], sizes = [1, 3000], strides = [1, 1]} : vector<500x3000xf32> to vector<1x3000xf32>
    %slice3A_210 = vector.extract_strided_slice %get3A_187 {offsets = [114, 0], sizes = [1, 3000], strides = [1, 1]} : vector<500x3000xf32> to vector<1x3000xf32>
    %slice3A_211 = vector.extract_strided_slice %get3A_187 {offsets = [119, 0], sizes = [1, 3000], strides = [1, 1]} : vector<500x3000xf32> to vector<1x3000xf32>
    %slice3A_212 = vector.extract_strided_slice %get3A_187 {offsets = [124, 0], sizes = [1, 3000], strides = [1, 1]} : vector<500x3000xf32> to vector<1x3000xf32>
    %slice3A_213 = vector.extract_strided_slice %get3A_187 {offsets = [129, 0], sizes = [1, 3000], strides = [1, 1]} : vector<500x3000xf32> to vector<1x3000xf32>
    %slice3A_214 = vector.extract_strided_slice %get3A_187 {offsets = [134, 0], sizes = [1, 3000], strides = [1, 1]} : vector<500x3000xf32> to vector<1x3000xf32>
    %slice3A_215 = vector.extract_strided_slice %get3A_187 {offsets = [139, 0], sizes = [1, 3000], strides = [1, 1]} : vector<500x3000xf32> to vector<1x3000xf32>
    %slice3A_216 = vector.extract_strided_slice %get3A_187 {offsets = [144, 0], sizes = [1, 3000], strides = [1, 1]} : vector<500x3000xf32> to vector<1x3000xf32>
    %slice3A_217 = vector.extract_strided_slice %get3A_187 {offsets = [149, 0], sizes = [1, 3000], strides = [1, 1]} : vector<500x3000xf32> to vector<1x3000xf32>
    %slice3A_218 = vector.extract_strided_slice %get3A_187 {offsets = [154, 0], sizes = [1, 3000], strides = [1, 1]} : vector<500x3000xf32> to vector<1x3000xf32>
    %slice3A_219 = vector.extract_strided_slice %get3A_187 {offsets = [159, 0], sizes = [1, 3000], strides = [1, 1]} : vector<500x3000xf32> to vector<1x3000xf32>
    %slice3A_220 = vector.extract_strided_slice %get3A_187 {offsets = [164, 0], sizes = [1, 3000], strides = [1, 1]} : vector<500x3000xf32> to vector<1x3000xf32>
    %slice3A_221 = vector.extract_strided_slice %get3A_187 {offsets = [169, 0], sizes = [1, 3000], strides = [1, 1]} : vector<500x3000xf32> to vector<1x3000xf32>
    %slice3A_222 = vector.extract_strided_slice %get3A_187 {offsets = [174, 0], sizes = [1, 3000], strides = [1, 1]} : vector<500x3000xf32> to vector<1x3000xf32>
    %slice3A_223 = vector.extract_strided_slice %get3A_187 {offsets = [179, 0], sizes = [1, 3000], strides = [1, 1]} : vector<500x3000xf32> to vector<1x3000xf32>
    %slice3A_224 = vector.extract_strided_slice %get3A_187 {offsets = [184, 0], sizes = [1, 3000], strides = [1, 1]} : vector<500x3000xf32> to vector<1x3000xf32>
    %slice3A_225 = vector.extract_strided_slice %get3A_187 {offsets = [189, 0], sizes = [1, 3000], strides = [1, 1]} : vector<500x3000xf32> to vector<1x3000xf32>
    %slice3A_226 = vector.extract_strided_slice %get3A_187 {offsets = [194, 0], sizes = [1, 3000], strides = [1, 1]} : vector<500x3000xf32> to vector<1x3000xf32>
    %slice3A_227 = vector.extract_strided_slice %get3A_187 {offsets = [199, 0], sizes = [1, 3000], strides = [1, 1]} : vector<500x3000xf32> to vector<1x3000xf32>
    %slice3A_228 = vector.extract_strided_slice %get3A_187 {offsets = [204, 0], sizes = [1, 3000], strides = [1, 1]} : vector<500x3000xf32> to vector<1x3000xf32>
    %slice3A_229 = vector.extract_strided_slice %get3A_187 {offsets = [209, 0], sizes = [1, 3000], strides = [1, 1]} : vector<500x3000xf32> to vector<1x3000xf32>
    %slice3A_230 = vector.extract_strided_slice %get3A_187 {offsets = [214, 0], sizes = [1, 3000], strides = [1, 1]} : vector<500x3000xf32> to vector<1x3000xf32>
    %slice3A_231 = vector.extract_strided_slice %get3A_187 {offsets = [219, 0], sizes = [1, 3000], strides = [1, 1]} : vector<500x3000xf32> to vector<1x3000xf32>
    %slice3A_232 = vector.extract_strided_slice %get3A_187 {offsets = [224, 0], sizes = [1, 3000], strides = [1, 1]} : vector<500x3000xf32> to vector<1x3000xf32>
    %slice3A_233 = vector.extract_strided_slice %get3A_187 {offsets = [229, 0], sizes = [1, 3000], strides = [1, 1]} : vector<500x3000xf32> to vector<1x3000xf32>
    %slice3A_234 = vector.extract_strided_slice %get3A_187 {offsets = [234, 0], sizes = [1, 3000], strides = [1, 1]} : vector<500x3000xf32> to vector<1x3000xf32>
    %slice3A_235 = vector.extract_strided_slice %get3A_187 {offsets = [239, 0], sizes = [1, 3000], strides = [1, 1]} : vector<500x3000xf32> to vector<1x3000xf32>
    %slice3A_236 = vector.extract_strided_slice %get3A_187 {offsets = [244, 0], sizes = [1, 3000], strides = [1, 1]} : vector<500x3000xf32> to vector<1x3000xf32>
    %slice3A_237 = vector.extract_strided_slice %get3A_187 {offsets = [249, 0], sizes = [1, 3000], strides = [1, 1]} : vector<500x3000xf32> to vector<1x3000xf32>
    %slice3A_238 = vector.extract_strided_slice %get3A_187 {offsets = [254, 0], sizes = [1, 3000], strides = [1, 1]} : vector<500x3000xf32> to vector<1x3000xf32>
    %slice3A_239 = vector.extract_strided_slice %get3A_187 {offsets = [259, 0], sizes = [1, 3000], strides = [1, 1]} : vector<500x3000xf32> to vector<1x3000xf32>
    %slice3A_240 = vector.extract_strided_slice %get3A_187 {offsets = [264, 0], sizes = [1, 3000], strides = [1, 1]} : vector<500x3000xf32> to vector<1x3000xf32>
    %slice3A_241 = vector.extract_strided_slice %get3A_187 {offsets = [269, 0], sizes = [1, 3000], strides = [1, 1]} : vector<500x3000xf32> to vector<1x3000xf32>
    %slice3A_242 = vector.extract_strided_slice %get3A_187 {offsets = [274, 0], sizes = [1, 3000], strides = [1, 1]} : vector<500x3000xf32> to vector<1x3000xf32>
    %slice3A_243 = vector.extract_strided_slice %get3A_187 {offsets = [279, 0], sizes = [1, 3000], strides = [1, 1]} : vector<500x3000xf32> to vector<1x3000xf32>
    %slice3A_244 = vector.extract_strided_slice %get3A_187 {offsets = [284, 0], sizes = [1, 3000], strides = [1, 1]} : vector<500x3000xf32> to vector<1x3000xf32>
    %slice3A_245 = vector.extract_strided_slice %get3A_187 {offsets = [289, 0], sizes = [1, 3000], strides = [1, 1]} : vector<500x3000xf32> to vector<1x3000xf32>
    %slice3A_246 = vector.extract_strided_slice %get3A_187 {offsets = [294, 0], sizes = [1, 3000], strides = [1, 1]} : vector<500x3000xf32> to vector<1x3000xf32>
    %slice3A_247 = vector.extract_strided_slice %get3A_187 {offsets = [299, 0], sizes = [1, 3000], strides = [1, 1]} : vector<500x3000xf32> to vector<1x3000xf32>
    %slice3A_248 = vector.extract_strided_slice %get3A_187 {offsets = [304, 0], sizes = [1, 3000], strides = [1, 1]} : vector<500x3000xf32> to vector<1x3000xf32>
    %slice3A_249 = vector.extract_strided_slice %get3A_187 {offsets = [309, 0], sizes = [1, 3000], strides = [1, 1]} : vector<500x3000xf32> to vector<1x3000xf32>
    %slice3A_250 = vector.extract_strided_slice %get3A_187 {offsets = [314, 0], sizes = [1, 3000], strides = [1, 1]} : vector<500x3000xf32> to vector<1x3000xf32>
    %slice3A_251 = vector.extract_strided_slice %get3A_187 {offsets = [319, 0], sizes = [1, 3000], strides = [1, 1]} : vector<500x3000xf32> to vector<1x3000xf32>
    %slice3A_252 = vector.extract_strided_slice %get3A_187 {offsets = [324, 0], sizes = [1, 3000], strides = [1, 1]} : vector<500x3000xf32> to vector<1x3000xf32>
    %slice3A_253 = vector.extract_strided_slice %get3A_187 {offsets = [329, 0], sizes = [1, 3000], strides = [1, 1]} : vector<500x3000xf32> to vector<1x3000xf32>
    %slice3A_254 = vector.extract_strided_slice %get3A_187 {offsets = [334, 0], sizes = [1, 3000], strides = [1, 1]} : vector<500x3000xf32> to vector<1x3000xf32>
    %slice3A_255 = vector.extract_strided_slice %get3A_187 {offsets = [339, 0], sizes = [1, 3000], strides = [1, 1]} : vector<500x3000xf32> to vector<1x3000xf32>
    %slice3A_256 = vector.extract_strided_slice %get3A_187 {offsets = [344, 0], sizes = [1, 3000], strides = [1, 1]} : vector<500x3000xf32> to vector<1x3000xf32>
    %slice3A_257 = vector.extract_strided_slice %get3A_187 {offsets = [349, 0], sizes = [1, 3000], strides = [1, 1]} : vector<500x3000xf32> to vector<1x3000xf32>
    %slice3A_258 = vector.extract_strided_slice %get3A_187 {offsets = [354, 0], sizes = [1, 3000], strides = [1, 1]} : vector<500x3000xf32> to vector<1x3000xf32>
    %slice3A_259 = vector.extract_strided_slice %get3A_187 {offsets = [359, 0], sizes = [1, 3000], strides = [1, 1]} : vector<500x3000xf32> to vector<1x3000xf32>
    %slice3A_260 = vector.extract_strided_slice %get3A_187 {offsets = [364, 0], sizes = [1, 3000], strides = [1, 1]} : vector<500x3000xf32> to vector<1x3000xf32>
    %slice3A_261 = vector.extract_strided_slice %get3A_187 {offsets = [369, 0], sizes = [1, 3000], strides = [1, 1]} : vector<500x3000xf32> to vector<1x3000xf32>
    %slice3A_262 = vector.extract_strided_slice %get3A_187 {offsets = [374, 0], sizes = [1, 3000], strides = [1, 1]} : vector<500x3000xf32> to vector<1x3000xf32>
    %slice3A_263 = vector.extract_strided_slice %get3A_187 {offsets = [379, 0], sizes = [1, 3000], strides = [1, 1]} : vector<500x3000xf32> to vector<1x3000xf32>
    %slice3A_264 = vector.extract_strided_slice %get3A_187 {offsets = [384, 0], sizes = [1, 3000], strides = [1, 1]} : vector<500x3000xf32> to vector<1x3000xf32>
    %slice3A_265 = vector.extract_strided_slice %get3A_187 {offsets = [389, 0], sizes = [1, 3000], strides = [1, 1]} : vector<500x3000xf32> to vector<1x3000xf32>
    %slice3A_266 = vector.extract_strided_slice %get3A_187 {offsets = [394, 0], sizes = [1, 3000], strides = [1, 1]} : vector<500x3000xf32> to vector<1x3000xf32>
    %slice3A_267 = vector.extract_strided_slice %get3A_187 {offsets = [399, 0], sizes = [1, 3000], strides = [1, 1]} : vector<500x3000xf32> to vector<1x3000xf32>
    %slice3A_268 = vector.extract_strided_slice %get3A_187 {offsets = [404, 0], sizes = [1, 3000], strides = [1, 1]} : vector<500x3000xf32> to vector<1x3000xf32>
    %slice3A_269 = vector.extract_strided_slice %get3A_187 {offsets = [409, 0], sizes = [1, 3000], strides = [1, 1]} : vector<500x3000xf32> to vector<1x3000xf32>
    %slice3A_270 = vector.extract_strided_slice %get3A_187 {offsets = [414, 0], sizes = [1, 3000], strides = [1, 1]} : vector<500x3000xf32> to vector<1x3000xf32>
    %slice3A_271 = vector.extract_strided_slice %get3A_187 {offsets = [419, 0], sizes = [1, 3000], strides = [1, 1]} : vector<500x3000xf32> to vector<1x3000xf32>
    %slice3A_272 = vector.extract_strided_slice %get3A_187 {offsets = [424, 0], sizes = [1, 3000], strides = [1, 1]} : vector<500x3000xf32> to vector<1x3000xf32>
    %slice3A_273 = vector.extract_strided_slice %get3A_187 {offsets = [429, 0], sizes = [1, 3000], strides = [1, 1]} : vector<500x3000xf32> to vector<1x3000xf32>
    %slice3A_274 = vector.extract_strided_slice %get3A_187 {offsets = [434, 0], sizes = [1, 3000], strides = [1, 1]} : vector<500x3000xf32> to vector<1x3000xf32>
    %slice3A_275 = vector.extract_strided_slice %get3A_187 {offsets = [439, 0], sizes = [1, 3000], strides = [1, 1]} : vector<500x3000xf32> to vector<1x3000xf32>
    %slice3A_276 = vector.extract_strided_slice %get3A_187 {offsets = [444, 0], sizes = [1, 3000], strides = [1, 1]} : vector<500x3000xf32> to vector<1x3000xf32>
    %slice3A_277 = vector.extract_strided_slice %get3A_187 {offsets = [449, 0], sizes = [1, 3000], strides = [1, 1]} : vector<500x3000xf32> to vector<1x3000xf32>
    %slice3A_278 = vector.extract_strided_slice %get3A_187 {offsets = [454, 0], sizes = [1, 3000], strides = [1, 1]} : vector<500x3000xf32> to vector<1x3000xf32>
    %slice3A_279 = vector.extract_strided_slice %get3A_187 {offsets = [459, 0], sizes = [1, 3000], strides = [1, 1]} : vector<500x3000xf32> to vector<1x3000xf32>
    %slice3A_280 = vector.extract_strided_slice %get3A_187 {offsets = [464, 0], sizes = [1, 3000], strides = [1, 1]} : vector<500x3000xf32> to vector<1x3000xf32>
    %slice3A_281 = vector.extract_strided_slice %get3A_187 {offsets = [469, 0], sizes = [1, 3000], strides = [1, 1]} : vector<500x3000xf32> to vector<1x3000xf32>
    %slice3A_282 = vector.extract_strided_slice %get3A_187 {offsets = [474, 0], sizes = [1, 3000], strides = [1, 1]} : vector<500x3000xf32> to vector<1x3000xf32>
    %slice3A_283 = vector.extract_strided_slice %get3A_187 {offsets = [479, 0], sizes = [1, 3000], strides = [1, 1]} : vector<500x3000xf32> to vector<1x3000xf32>
    %slice3A_284 = vector.extract_strided_slice %get3A_187 {offsets = [484, 0], sizes = [1, 3000], strides = [1, 1]} : vector<500x3000xf32> to vector<1x3000xf32>
    %slice3A_285 = vector.extract_strided_slice %get3A_187 {offsets = [489, 0], sizes = [1, 3000], strides = [1, 1]} : vector<500x3000xf32> to vector<1x3000xf32>
    %slice3A_286 = vector.extract_strided_slice %get3A_187 {offsets = [494, 0], sizes = [1, 3000], strides = [1, 1]} : vector<500x3000xf32> to vector<1x3000xf32>
    %slice3A_287 = vector.extract_strided_slice %get3A_187 {offsets = [499, 0], sizes = [1, 3000], strides = [1, 1]} : vector<500x3000xf32> to vector<1x3000xf32>
    %concatenate3A_288 = tpu.concatenate %slice3A_188, %slice3A_189, %slice3A_190, %slice3A_191, %slice3A_192, %slice3A_193, %slice3A_194, %slice3A_195, %slice3A_196, %slice3A_197, %slice3A_198, %slice3A_199, %slice3A_200, %slice3A_201, %slice3A_202, %slice3A_203, %slice3A_204, %slice3A_205, %slice3A_206, %slice3A_207, %slice3A_208, %slice3A_209, %slice3A_210, %slice3A_211, %slice3A_212, %slice3A_213, %slice3A_214, %slice3A_215, %slice3A_216, %slice3A_217, %slice3A_218, %slice3A_219, %slice3A_220, %slice3A_221, %slice3A_222, %slice3A_223, %slice3A_224, %slice3A_225, %slice3A_226, %slice3A_227, %slice3A_228, %slice3A_229, %slice3A_230, %slice3A_231, %slice3A_232, %slice3A_233, %slice3A_234, %slice3A_235, %slice3A_236, %slice3A_237, %slice3A_238, %slice3A_239, %slice3A_240, %slice3A_241, %slice3A_242, %slice3A_243, %slice3A_244, %slice3A_245, %slice3A_246, %slice3A_247, %slice3A_248, %slice3A_249, %slice3A_250, %slice3A_251, %slice3A_252, %slice3A_253, %slice3A_254, %slice3A_255, %slice3A_256, %slice3A_257, %slice3A_258, %slice3A_259, %slice3A_260, %slice3A_261, %slice3A_262, %slice3A_263, %slice3A_264, %slice3A_265, %slice3A_266, %slice3A_267, %slice3A_268, %slice3A_269, %slice3A_270, %slice3A_271, %slice3A_272, %slice3A_273, %slice3A_274, %slice3A_275, %slice3A_276, %slice3A_277, %slice3A_278, %slice3A_279, %slice3A_280, %slice3A_281, %slice3A_282, %slice3A_283, %slice3A_284, %slice3A_285, %slice3A_286, %slice3A_287 in 0 : vector<1x3000xf32>, vector<1x3000xf32>, vector<1x3000xf32>, vector<1x3000xf32>, vector<1x3000xf32>, vector<1x3000xf32>, vector<1x3000xf32>, vector<1x3000xf32>, vector<1x3000xf32>, vector<1x3000xf32>, vector<1x3000xf32>, vector<1x3000xf32>, vector<1x3000xf32>, vector<1x3000xf32>, vector<1x3000xf32>, vector<1x3000xf32>, vector<1x3000xf32>, vector<1x3000xf32>, vector<1x3000xf32>, vector<1x3000xf32>, vector<1x3000xf32>, vector<1x3000xf32>, vector<1x3000xf32>, vector<1x3000xf32>, vector<1x3000xf32>, vector<1x3000xf32>, vector<1x3000xf32>, vector<1x3000xf32>, vector<1x3000xf32>, vector<1x3000xf32>, vector<1x3000xf32>, vector<1x3000xf32>, vector<1x3000xf32>, vector<1x3000xf32>, vector<1x3000xf32>, vector<1x3000xf32>, vector<1x3000xf32>, vector<1x3000xf32>, vector<1x3000xf32>, vector<1x3000xf32>, vector<1x3000xf32>, vector<1x3000xf32>, vector<1x3000xf32>, vector<1x3000xf32>, vector<1x3000xf32>, vector<1x3000xf32>, vector<1x3000xf32>, vector<1x3000xf32>, vector<1x3000xf32>, vector<1x3000xf32>, vector<1x3000xf32>, vector<1x3000xf32>, vector<1x3000xf32>, vector<1x3000xf32>, vector<1x3000xf32>, vector<1x3000xf32>, vector<1x3000xf32>, vector<1x3000xf32>, vector<1x3000xf32>, vector<1x3000xf32>, vector<1x3000xf32>, vector<1x3000xf32>, vector<1x3000xf32>, vector<1x3000xf32>, vector<1x3000xf32>, vector<1x3000xf32>, vector<1x3000xf32>, vector<1x3000xf32>, vector<1x3000xf32>, vector<1x3000xf32>, vector<1x3000xf32>, vector<1x3000xf32>, vector<1x3000xf32>, vector<1x3000xf32>, vector<1x3000xf32>, vector<1x3000xf32>, vector<1x3000xf32>, vector<1x3000xf32>, vector<1x3000xf32>, vector<1x3000xf32>, vector<1x3000xf32>, vector<1x3000xf32>, vector<1x3000xf32>, vector<1x3000xf32>, vector<1x3000xf32>, vector<1x3000xf32>, vector<1x3000xf32>, vector<1x3000xf32>, vector<1x3000xf32>, vector<1x3000xf32>, vector<1x3000xf32>, vector<1x3000xf32>, vector<1x3000xf32>, vector<1x3000xf32>, vector<1x3000xf32>, vector<1x3000xf32>, vector<1x3000xf32>, vector<1x3000xf32>, vector<1x3000xf32>, vector<1x3000xf32> -> vector<100x3000xf32>
    %iota3A_289 = tpu.iota {dimensions = array<i32: 1>} : vector<1x3000xi32>
    %reduce_max3A_290 = arith.constant dense<0xFF800000> : vector<100xf32>
    %reduce_max3A_291 = vector.multi_reduction <maximumf>, %concatenate3A_288, %reduce_max3A_290 [1] : vector<100x3000xf32> to vector<100xf32>
    %broadcast_in_dim3A_292 = vector.shape_cast %reduce_max3A_291 : vector<100xf32> to vector<100x1xf32>
    %sub3A_293 = vector.broadcast %broadcast_in_dim3A_292 : vector<100x1xf32> to vector<100x3000xf32>
    %sub3A_294 = arith.subf %concatenate3A_288, %sub3A_293 : vector<100x3000xf32>
    %exp3A_295 = math.exp %sub3A_294 : vector<100x3000xf32>
    %reduce_sum3A_296 = arith.constant dense<0.000000e+00> : vector<100xf32>
    %reduce_sum3A_297 = vector.multi_reduction <add>, %exp3A_295, %reduce_sum3A_296 [1] : vector<100x3000xf32> to vector<100xf32>
    %broadcast_in_dim3A_298 = vector.shape_cast %reduce_sum3A_297 : vector<100xf32> to vector<100x1xf32>
    %ge3A_299 = arith.constant 100 : i32
    %ge3A_300 = vector.broadcast %ge3A_299 : i32 to vector<1x3000xi32>
    %ge3A_301 = arith.cmpi sge, %iota3A_289, %ge3A_300 : vector<1x3000xi32>
    %lt3A_302 = arith.constant 1000 : i32
    %lt3A_303 = vector.broadcast %lt3A_302 : i32 to vector<1x3000xi32>
    %lt3A_304 = arith.cmpi slt, %iota3A_289, %lt3A_303 : vector<1x3000xi32>
    %and3A_305 = arith.andi %ge3A_301, %lt3A_304 : vector<1x3000xi1>
    %jit3A_306 = arith.constant 0xFF800000 : f32
    %broadcast_in_dim3A_307 = vector.shape_cast %and3A_305 : vector<1x3000xi1> to vector<1x3000xi1>
    %broadcast_in_dim3A_308 = vector.broadcast %broadcast_in_dim3A_307 : vector<1x3000xi1> to vector<100x3000xi1>
    %broadcast_in_dim3A_309 = vector.broadcast %jit3A_306 : f32 to vector<100x3000xf32>
    %select_n3A_310 = arith.select %broadcast_in_dim3A_308, %concatenate3A_288, %broadcast_in_dim3A_309 : vector<100x3000xi1>, vector<100x3000xf32>
    %reduce_max3A_311 = arith.constant dense<0xFF800000> : vector<100xf32>
    %reduce_max3A_312 = vector.multi_reduction <maximumf>, %select_n3A_310, %reduce_max3A_311 [1] : vector<100x3000xf32> to vector<100xf32>
    %broadcast_in_dim3A_313 = vector.shape_cast %reduce_max3A_312 : vector<100xf32> to vector<100x1xf32>
    %argmax3A_314 = tpu.reduce_index %select_n3A_310 {axis = 1 : i32, kind = #tpu.reduction_kind<arg_max>} : vector<100x3000xf32> -> vector<100xi32>
    %broadcast_in_dim3A_315 = vector.shape_cast %argmax3A_314 : vector<100xi32> to vector<100x1xi32>
    %sub3A_316 = arith.constant 100 : i32
    %sub3A_317 = vector.broadcast %sub3A_316 : i32 to vector<100x1xi32>
    %sub3A_318 = arith.subi %broadcast_in_dim3A_315, %sub3A_317 : vector<100x1xi32>
    %max3A_319 = arith.constant 0 : i32
    %max3A_320 = vector.broadcast %max3A_319 : i32 to vector<100x1xi32>
    %max3A_321 = arith.maxsi %sub3A_318, %max3A_320 : vector<100x1xi32>
    %sub3A_322 = arith.subf %broadcast_in_dim3A_313, %broadcast_in_dim3A_292 : vector<100x1xf32>
    %exp3A_323 = math.exp %sub3A_322 : vector<100x1xf32>
    %div3A_324 = arith.divf %exp3A_323, %broadcast_in_dim3A_298 : vector<100x1xf32>
    %swap3A_325 = arith.constant 1 : index
    %swap3A_326 = arith.constant 0 : index
    %swap3A_327 = arith.constant 0 : index
    %swap3A_328 = vector.load %arg6[%swap3A_325, %swap3A_326, %swap3A_327] : memref<2x100x1xi32, #tpu.memory_space<vmem>>, vector<1x100x1xi32>
    %swap3A_329 = vector.shape_cast %swap3A_328 : vector<1x100x1xi32> to vector<100x1xi32>
    %swap3A_330 = vector.shape_cast %max3A_321 : vector<100x1xi32> to vector<1x100x1xi32>
    tpu.vector_store %arg6[%swap3A_325, %swap3A_326, %swap3A_327], %swap3A_330 {strides = array<i32>} : memref<2x100x1xi32, #tpu.memory_space<vmem>>, vector<1x100x1xi32>,
    %swap3A_331 = arith.constant 1 : index
    %swap3A_332 = arith.constant 0 : index
    %swap3A_333 = arith.constant 0 : index
    %swap3A_334 = vector.load %arg8[%swap3A_331, %swap3A_332, %swap3A_333] : memref<2x100x1xf32, #tpu.memory_space<vmem>>, vector<1x100x1xf32>
    %swap3A_335 = vector.shape_cast %swap3A_334 : vector<1x100x1xf32> to vector<100x1xf32>
    %swap3A_336 = vector.shape_cast %div3A_324 : vector<100x1xf32> to vector<1x100x1xf32>
    tpu.vector_store %arg8[%swap3A_331, %swap3A_332, %swap3A_333], %swap3A_336 {strides = array<i32>} : memref<2x100x1xf32, #tpu.memory_space<vmem>>, vector<1x100x1xf32>,
    %get3A_337 = arith.constant 1 : index
    %get3A_338 = arith.constant 0 : index
    %get3A_339 = arith.constant 0 : index
    %get3A_340 = vector.load %arg3[%get3A_337, %get3A_338, %get3A_339] : memref<2x100x5xi32, #tpu.memory_space<vmem>>, vector<1x100x5xi32>
    %get3A_341 = vector.shape_cast %get3A_340 : vector<1x100x5xi32> to vector<100x5xi32>
    %sub3A_342 = arith.constant 1000 : i32
    %sub3A_343 = vector.broadcast %sub3A_342 : i32 to vector<100x5xi32>
    %sub3A_344 = arith.subi %get3A_341, %sub3A_343 : vector<100x5xi32>
    %convert_element_type3A_345 = arith.sitofp %sub3A_344 : vector<100x5xi32> to vector<100x5xf32>
    %div3A_346 = arith.constant 9.990000e+02 : f32
    %div3A_347 = vector.broadcast %div3A_346 : f32 to vector<100x5xf32>
    %div3A_348 = arith.divf %convert_element_type3A_345, %div3A_347 : vector<100x5xf32>
    %jit3A_349 = arith.constant 0.000000e+00 : f32
    %jit3A_350 = arith.constant 1.000000e+00 : f32
    %max3A_351 = vector.broadcast %jit3A_349 : f32 to vector<100x5xf32>
    %max3A_352 = arith.maximumf %max3A_351, %div3A_348 : vector<100x5xf32>
    %min3A_353 = vector.broadcast %jit3A_350 : f32 to vector<100x5xf32>
    %min3A_354 = arith.minimumf %min3A_353, %max3A_352 : vector<100x5xf32>
    %get3A_355 = arith.constant 1 : index
    %get3A_356 = arith.constant 0 : index
    %get3A_357 = arith.constant 0 : index
    %get3A_358 = vector.load %arg5[%get3A_355, %get3A_356, %get3A_357] : memref<2x1x2xf32, #tpu.memory_space<vmem>>, vector<1x1x2xf32>
    %get3A_359 = vector.shape_cast %get3A_358 : vector<1x1x2xf32> to vector<1x2xf32>
    %div3A_360 = arith.constant 1.024000e+03 : f32
    %div3A_361 = vector.broadcast %div3A_360 : f32 to vector<1x2xf32>
    %div3A_362 = arith.divf %div3A_361, %get3A_359 : vector<1x2xf32>
    %get3A_363 = arith.constant 1 : index
    %get3A_364 = arith.constant 0 : index
    %get3A_365 = arith.constant 0 : index
    %get3A_366 = vector.load %arg4[%get3A_363, %get3A_364, %get3A_365] : memref<2x1x2xf32, #tpu.memory_space<vmem>>, vector<1x1x2xf32>
    %get3A_367 = vector.shape_cast %get3A_366 : vector<1x1x2xf32> to vector<1x2xf32>
    %mul3A_368 = arith.mulf %div3A_362, %get3A_367 : vector<1x2xf32>
    %slice3A_369 = vector.extract_strided_slice %min3A_354 {offsets = [0, 1], sizes = [100, 1], strides = [1, 1]} : vector<100x5xf32> to vector<100x1xf32>
    %slice3A_370 = vector.extract_strided_slice %min3A_354 {offsets = [0, 0], sizes = [100, 1], strides = [1, 1]} : vector<100x5xf32> to vector<100x1xf32>
    %slice3A_371 = vector.extract_strided_slice %min3A_354 {offsets = [0, 3], sizes = [100, 1], strides = [1, 1]} : vector<100x5xf32> to vector<100x1xf32>
    %slice3A_372 = vector.extract_strided_slice %min3A_354 {offsets = [0, 2], sizes = [100, 1], strides = [1, 1]} : vector<100x5xf32> to vector<100x1xf32>
    %concatenate3A_373 = tpu.concatenate %slice3A_369, %slice3A_370, %slice3A_371, %slice3A_372 in 1 : vector<100x1xf32>, vector<100x1xf32>, vector<100x1xf32>, vector<100x1xf32> -> vector<100x4xf32>
    %slice3A_374 = vector.extract_strided_slice %mul3A_368 {offsets = [0, 0], sizes = [1, 1], strides = [1, 1]} : vector<1x2xf32> to vector<1x1xf32>
    %slice3A_375 = vector.extract_strided_slice %mul3A_368 {offsets = [0, 1], sizes = [1, 1], strides = [1, 1]} : vector<1x2xf32> to vector<1x1xf32>
    %slice3A_376 = vector.extract_strided_slice %mul3A_368 {offsets = [0, 0], sizes = [1, 1], strides = [1, 1]} : vector<1x2xf32> to vector<1x1xf32>
    %slice3A_377 = vector.extract_strided_slice %mul3A_368 {offsets = [0, 1], sizes = [1, 1], strides = [1, 1]} : vector<1x2xf32> to vector<1x1xf32>
    %concatenate3A_378 = tpu.concatenate %slice3A_374, %slice3A_375, %slice3A_376, %slice3A_377 in 1 : vector<1x1xf32>, vector<1x1xf32>, vector<1x1xf32>, vector<1x1xf32> -> vector<1x4xf32>
    %mul3A_379 = vector.broadcast %concatenate3A_378 : vector<1x4xf32> to vector<100x4xf32>
    %mul3A_380 = arith.mulf %concatenate3A_373, %mul3A_379 : vector<100x4xf32>
    %swap3A_381 = arith.constant 1 : index
    %swap3A_382 = arith.constant 0 : index
    %swap3A_383 = arith.constant 0 : index
    %swap3A_384 = vector.load %arg7[%swap3A_381, %swap3A_382, %swap3A_383] : memref<2x100x4xf32, #tpu.memory_space<vmem>>, vector<1x100x4xf32>
    %swap3A_385 = vector.shape_cast %swap3A_384 : vector<1x100x4xf32> to vector<100x4xf32>
    %swap3A_386 = vector.shape_cast %mul3A_380 : vector<100x4xf32> to vector<1x100x4xf32>
    tpu.vector_store %arg7[%swap3A_381, %swap3A_382, %swap3A_383], %swap3A_386 {strides = array<i32>} : memref<2x100x4xf32, #tpu.memory_space<vmem>>, vector<1x100x4xf32>,
    return
  }
  func.func @transform_0(%arg0: i32) -> (i32, i32, i32) {
    %mul3A = arith.constant 2 : i32
    %mul3A_0 = arith.muli %mul3A, %arg0 : i32
    %add3A = arith.constant 0 : i32
    %add3A_1 = arith.addi %mul3A_0, %add3A : i32
    %c0_i32 = arith.constant 0 : i32
    %c0_i32_2 = arith.constant 0 : i32
    %c0_i32_3 = arith.constant 0 : i32
    return %add3A_1, %c0_i32, %c0_i32_2 : i32, i32, i32
  }
  func.func @transform_1(%arg0: i32) -> (i32, i32, i32) {
    %mul3A = arith.constant 2 : i32
    %mul3A_0 = arith.muli %mul3A, %arg0 : i32
    %add3A = arith.constant 1 : i32
    %add3A_1 = arith.addi %mul3A_0, %add3A : i32
    %c0_i32 = arith.constant 0 : i32
    %c0_i32_2 = arith.constant 0 : i32
    %c0_i32_3 = arith.constant 0 : i32
    return %add3A_1, %c0_i32, %c0_i32_2 : i32, i32, i32
  }
  func.func @transform_2(%arg0: i32) -> (i32, i32, i32) {
    %c0_i32 = arith.constant 0 : i32
    %c0_i32_0 = arith.constant 0 : i32
    %c0_i32_1 = arith.constant 0 : i32
    return %arg0, %c0_i32, %c0_i32_0 : i32, i32, i32
  }
  func.func @transform_3(%arg0: i32) -> (i32, i32, i32) {
    %c0_i32 = arith.constant 0 : i32
    %c0_i32_0 = arith.constant 0 : i32
    %c0_i32_1 = arith.constant 0 : i32
    return %arg0, %c0_i32, %c0_i32_0 : i32, i32, i32
  }
  func.func @transform_4(%arg0: i32) -> (i32, i32, i32) {
    %c0_i32 = arith.constant 0 : i32
    %c0_i32_0 = arith.constant 0 : i32
    %c0_i32_1 = arith.constant 0 : i32
    return %arg0, %c0_i32, %c0_i32_0 : i32, i32, i32
  }
  func.func @transform_5(%arg0: i32) -> (i32, i32, i32) {
    %c0_i32 = arith.constant 0 : i32
    %c0_i32_0 = arith.constant 0 : i32
    %c0_i32_1 = arith.constant 0 : i32
    return %arg0, %c0_i32, %c0_i32_0 : i32, i32, i32
  }
  func.func @transform_6(%arg0: i32) -> (i32, i32, i32) {
    %c0_i32 = arith.constant 0 : i32
    %c0_i32_0 = arith.constant 0 : i32
    %c0_i32_1 = arith.constant 0 : i32
    return %arg0, %c0_i32, %c0_i32_0 : i32, i32, i32
  }
  func.func @transform_7(%arg0: i32) -> (i32, i32, i32) {
    %c0_i32 = arith.constant 0 : i32
    %c0_i32_0 = arith.constant 0 : i32
    %c0_i32_1 = arith.constant 0 : i32
    return %arg0, %c0_i32, %c0_i32_0 : i32, i32, i32
  }
}

module attributes {stable_mosaic.version = 14 : i64} {
  func.func @_tc_compact_body(%arg0: i32, %arg1: memref<112x3000xf32, #tpu.memory_space<vmem>>, %arg2: memref<1x100x5xi32, #tpu.memory_space<vmem>>, %arg3: memref<1x1x2xf32, #tpu.memory_space<vmem>>, %arg4: memref<1x1x2xf32, #tpu.memory_space<vmem>>, %arg5: memref<1x100x1xi32, #tpu.memory_space<vmem>>, %arg6: memref<1x100x4xf32, #tpu.memory_space<vmem>>, %arg7: memref<1x100x1xf32, #tpu.memory_space<vmem>>) attributes {dimension_semantics = [#tpu.dimension_semantics<arbitrary>], iteration_bounds = array<i64: 16>, scalar_prefetch = 0 : i64, scratch_operands = 0 : i64, tpu.core_type = #tpu.core_type<tc>, window_params = [{transform_indices = @transform_0, window_bounds = array<i64: 112, 3000>}, {transform_indices = @transform_1, window_bounds = array<i64: 1, 100, 5>}, {transform_indices = @transform_2, window_bounds = array<i64: 1, 1, 2>}, {transform_indices = @transform_3, window_bounds = array<i64: 1, 1, 2>}, {transform_indices = @transform_4, window_bounds = array<i64: 1, 100, 1>}, {transform_indices = @transform_5, window_bounds = array<i64: 1, 100, 4>}, {transform_indices = @transform_6, window_bounds = array<i64: 1, 100, 1>}]} {
    %get3A = arith.constant 0 : index
    %get3A_0 = arith.constant 0 : index
    %get3A_1 = vector.load %arg1[%get3A, %get3A_0] : memref<112x3000xf32, #tpu.memory_space<vmem>>, vector<112x3000xf32>
    %slice3A = vector.extract_strided_slice %get3A_1 {offsets = [0, 0], sizes = [50, 3000], strides = [1, 1]} : vector<112x3000xf32> to vector<50x3000xf32>
    %slice3A_2 = vector.extract_strided_slice %get3A_1 {offsets = [56, 0], sizes = [50, 3000], strides = [1, 1]} : vector<112x3000xf32> to vector<50x3000xf32>
    %concatenate3A = tpu.concatenate %slice3A, %slice3A_2 in 0 : vector<50x3000xf32>, vector<50x3000xf32> -> vector<100x3000xf32>
    %iota3A = tpu.iota {dimensions = array<i32: 1>} : vector<1x3000xi32>
    %reduce_max3A = arith.constant dense<0xFF800000> : vector<100xf32>
    %reduce_max3A_3 = vector.multi_reduction <maximumf>, %concatenate3A, %reduce_max3A [1] : vector<100x3000xf32> to vector<100xf32>
    %broadcast_in_dim3A = vector.shape_cast %reduce_max3A_3 : vector<100xf32> to vector<100x1xf32>
    %sub3A = vector.broadcast %broadcast_in_dim3A : vector<100x1xf32> to vector<100x3000xf32>
    %sub3A_4 = arith.subf %concatenate3A, %sub3A : vector<100x3000xf32>
    %exp3A = math.exp %sub3A_4 : vector<100x3000xf32>
    %reduce_sum3A = arith.constant dense<0.000000e+00> : vector<100xf32>
    %reduce_sum3A_5 = vector.multi_reduction <add>, %exp3A, %reduce_sum3A [1] : vector<100x3000xf32> to vector<100xf32>
    %broadcast_in_dim3A_6 = vector.shape_cast %reduce_sum3A_5 : vector<100xf32> to vector<100x1xf32>
    %ge3A = arith.constant 100 : i32
    %ge3A_7 = vector.broadcast %ge3A : i32 to vector<1x3000xi32>
    %ge3A_8 = arith.cmpi sge, %iota3A, %ge3A_7 : vector<1x3000xi32>
    %lt3A = arith.constant 1000 : i32
    %lt3A_9 = vector.broadcast %lt3A : i32 to vector<1x3000xi32>
    %lt3A_10 = arith.cmpi slt, %iota3A, %lt3A_9 : vector<1x3000xi32>
    %and3A = arith.andi %ge3A_8, %lt3A_10 : vector<1x3000xi1>
    %jit3A = arith.constant 0xFF800000 : f32
    %broadcast_in_dim3A_11 = vector.shape_cast %and3A : vector<1x3000xi1> to vector<1x3000xi1>
    %broadcast_in_dim3A_12 = vector.broadcast %broadcast_in_dim3A_11 : vector<1x3000xi1> to vector<100x3000xi1>
    %broadcast_in_dim3A_13 = vector.broadcast %jit3A : f32 to vector<100x3000xf32>
    %select_n3A = arith.select %broadcast_in_dim3A_12, %concatenate3A, %broadcast_in_dim3A_13 : vector<100x3000xi1>, vector<100x3000xf32>
    %reduce_max3A_14 = arith.constant dense<0xFF800000> : vector<100xf32>
    %reduce_max3A_15 = vector.multi_reduction <maximumf>, %select_n3A, %reduce_max3A_14 [1] : vector<100x3000xf32> to vector<100xf32>
    %broadcast_in_dim3A_16 = vector.shape_cast %reduce_max3A_15 : vector<100xf32> to vector<100x1xf32>
    %argmax3A = tpu.reduce_index %select_n3A {axis = 1 : i32, kind = #tpu.reduction_kind<arg_max>} : vector<100x3000xf32> -> vector<100xi32>
    %broadcast_in_dim3A_17 = vector.shape_cast %argmax3A : vector<100xi32> to vector<100x1xi32>
    %sub3A_18 = arith.constant 100 : i32
    %sub3A_19 = vector.broadcast %sub3A_18 : i32 to vector<100x1xi32>
    %sub3A_20 = arith.subi %broadcast_in_dim3A_17, %sub3A_19 : vector<100x1xi32>
    %max3A = arith.constant 0 : i32
    %max3A_21 = vector.broadcast %max3A : i32 to vector<100x1xi32>
    %max3A_22 = arith.maxsi %sub3A_20, %max3A_21 : vector<100x1xi32>
    %sub3A_23 = arith.subf %broadcast_in_dim3A_16, %broadcast_in_dim3A : vector<100x1xf32>
    %exp3A_24 = math.exp %sub3A_23 : vector<100x1xf32>
    %div3A = arith.divf %exp3A_24, %broadcast_in_dim3A_6 : vector<100x1xf32>
    %swap3A = arith.constant 0 : index
    %swap3A_25 = arith.constant 0 : index
    %swap3A_26 = arith.constant 0 : index
    %swap3A_27 = vector.load %arg5[%swap3A, %swap3A_25, %swap3A_26] : memref<1x100x1xi32, #tpu.memory_space<vmem>>, vector<1x100x1xi32>
    %swap3A_28 = vector.shape_cast %swap3A_27 : vector<1x100x1xi32> to vector<100x1xi32>
    %swap3A_29 = vector.shape_cast %max3A_22 : vector<100x1xi32> to vector<1x100x1xi32>
    tpu.vector_store %arg5[%swap3A, %swap3A_25, %swap3A_26], %swap3A_29 {strides = array<i32>} : memref<1x100x1xi32, #tpu.memory_space<vmem>>, vector<1x100x1xi32>,
    %swap3A_30 = arith.constant 0 : index
    %swap3A_31 = arith.constant 0 : index
    %swap3A_32 = arith.constant 0 : index
    %swap3A_33 = vector.load %arg7[%swap3A_30, %swap3A_31, %swap3A_32] : memref<1x100x1xf32, #tpu.memory_space<vmem>>, vector<1x100x1xf32>
    %swap3A_34 = vector.shape_cast %swap3A_33 : vector<1x100x1xf32> to vector<100x1xf32>
    %swap3A_35 = vector.shape_cast %div3A : vector<100x1xf32> to vector<1x100x1xf32>
    tpu.vector_store %arg7[%swap3A_30, %swap3A_31, %swap3A_32], %swap3A_35 {strides = array<i32>} : memref<1x100x1xf32, #tpu.memory_space<vmem>>, vector<1x100x1xf32>,
    %get3A_36 = arith.constant 0 : index
    %get3A_37 = arith.constant 0 : index
    %get3A_38 = arith.constant 0 : index
    %get3A_39 = vector.load %arg2[%get3A_36, %get3A_37, %get3A_38] : memref<1x100x5xi32, #tpu.memory_space<vmem>>, vector<1x100x5xi32>
    %get3A_40 = vector.shape_cast %get3A_39 : vector<1x100x5xi32> to vector<100x5xi32>
    %sub3A_41 = arith.constant 1000 : i32
    %sub3A_42 = vector.broadcast %sub3A_41 : i32 to vector<100x5xi32>
    %sub3A_43 = arith.subi %get3A_40, %sub3A_42 : vector<100x5xi32>
    %convert_element_type3A = arith.sitofp %sub3A_43 : vector<100x5xi32> to vector<100x5xf32>
    %div3A_44 = arith.constant 9.990000e+02 : f32
    %div3A_45 = vector.broadcast %div3A_44 : f32 to vector<100x5xf32>
    %div3A_46 = arith.divf %convert_element_type3A, %div3A_45 : vector<100x5xf32>
    %jit3A_47 = arith.constant 0.000000e+00 : f32
    %jit3A_48 = arith.constant 1.000000e+00 : f32
    %max3A_49 = vector.broadcast %jit3A_47 : f32 to vector<100x5xf32>
    %max3A_50 = arith.maximumf %max3A_49, %div3A_46 : vector<100x5xf32>
    %min3A = vector.broadcast %jit3A_48 : f32 to vector<100x5xf32>
    %min3A_51 = arith.minimumf %min3A, %max3A_50 : vector<100x5xf32>
    %get3A_52 = arith.constant 0 : index
    %get3A_53 = arith.constant 0 : index
    %get3A_54 = arith.constant 0 : index
    %get3A_55 = vector.load %arg4[%get3A_52, %get3A_53, %get3A_54] : memref<1x1x2xf32, #tpu.memory_space<vmem>>, vector<1x1x2xf32>
    %get3A_56 = vector.shape_cast %get3A_55 : vector<1x1x2xf32> to vector<1x2xf32>
    %div3A_57 = arith.constant 1.024000e+03 : f32
    %div3A_58 = vector.broadcast %div3A_57 : f32 to vector<1x2xf32>
    %div3A_59 = arith.divf %div3A_58, %get3A_56 : vector<1x2xf32>
    %get3A_60 = arith.constant 0 : index
    %get3A_61 = arith.constant 0 : index
    %get3A_62 = arith.constant 0 : index
    %get3A_63 = vector.load %arg3[%get3A_60, %get3A_61, %get3A_62] : memref<1x1x2xf32, #tpu.memory_space<vmem>>, vector<1x1x2xf32>
    %get3A_64 = vector.shape_cast %get3A_63 : vector<1x1x2xf32> to vector<1x2xf32>
    %mul3A = arith.mulf %div3A_59, %get3A_64 : vector<1x2xf32>
    %slice3A_65 = vector.extract_strided_slice %min3A_51 {offsets = [0, 1], sizes = [100, 1], strides = [1, 1]} : vector<100x5xf32> to vector<100x1xf32>
    %slice3A_66 = vector.extract_strided_slice %min3A_51 {offsets = [0, 0], sizes = [100, 1], strides = [1, 1]} : vector<100x5xf32> to vector<100x1xf32>
    %slice3A_67 = vector.extract_strided_slice %min3A_51 {offsets = [0, 3], sizes = [100, 1], strides = [1, 1]} : vector<100x5xf32> to vector<100x1xf32>
    %slice3A_68 = vector.extract_strided_slice %min3A_51 {offsets = [0, 2], sizes = [100, 1], strides = [1, 1]} : vector<100x5xf32> to vector<100x1xf32>
    %concatenate3A_69 = tpu.concatenate %slice3A_65, %slice3A_66, %slice3A_67, %slice3A_68 in 1 : vector<100x1xf32>, vector<100x1xf32>, vector<100x1xf32>, vector<100x1xf32> -> vector<100x4xf32>
    %slice3A_70 = vector.extract_strided_slice %mul3A {offsets = [0, 0], sizes = [1, 1], strides = [1, 1]} : vector<1x2xf32> to vector<1x1xf32>
    %slice3A_71 = vector.extract_strided_slice %mul3A {offsets = [0, 1], sizes = [1, 1], strides = [1, 1]} : vector<1x2xf32> to vector<1x1xf32>
    %slice3A_72 = vector.extract_strided_slice %mul3A {offsets = [0, 0], sizes = [1, 1], strides = [1, 1]} : vector<1x2xf32> to vector<1x1xf32>
    %slice3A_73 = vector.extract_strided_slice %mul3A {offsets = [0, 1], sizes = [1, 1], strides = [1, 1]} : vector<1x2xf32> to vector<1x1xf32>
    %concatenate3A_74 = tpu.concatenate %slice3A_70, %slice3A_71, %slice3A_72, %slice3A_73 in 1 : vector<1x1xf32>, vector<1x1xf32>, vector<1x1xf32>, vector<1x1xf32> -> vector<1x4xf32>
    %mul3A_75 = vector.broadcast %concatenate3A_74 : vector<1x4xf32> to vector<100x4xf32>
    %mul3A_76 = arith.mulf %concatenate3A_69, %mul3A_75 : vector<100x4xf32>
    %swap3A_77 = arith.constant 0 : index
    %swap3A_78 = arith.constant 0 : index
    %swap3A_79 = arith.constant 0 : index
    %swap3A_80 = vector.load %arg6[%swap3A_77, %swap3A_78, %swap3A_79] : memref<1x100x4xf32, #tpu.memory_space<vmem>>, vector<1x100x4xf32>
    %swap3A_81 = vector.shape_cast %swap3A_80 : vector<1x100x4xf32> to vector<100x4xf32>
    %swap3A_82 = vector.shape_cast %mul3A_76 : vector<100x4xf32> to vector<1x100x4xf32>
    tpu.vector_store %arg6[%swap3A_77, %swap3A_78, %swap3A_79], %swap3A_82 {strides = array<i32>} : memref<1x100x4xf32, #tpu.memory_space<vmem>>, vector<1x100x4xf32>,
    return
  }
  func.func @transform_0(%arg0: i32) -> (i32, i32) {
    %c0_i32 = arith.constant 0 : i32
    %c0_i32_0 = arith.constant 0 : i32
    return %arg0, %c0_i32 : i32, i32
  }
  func.func @transform_1(%arg0: i32) -> (i32, i32, i32) {
    %add3A = arith.constant 16 : i32
    %add3A_0 = arith.addi %arg0, %add3A : i32
    %c0_i32 = arith.constant 0 : i32
    %c0_i32_1 = arith.constant 0 : i32
    %c0_i32_2 = arith.constant 0 : i32
    return %add3A_0, %c0_i32, %c0_i32_1 : i32, i32, i32
  }
  func.func @transform_2(%arg0: i32) -> (i32, i32, i32) {
    %add3A = arith.constant 16 : i32
    %add3A_0 = arith.addi %arg0, %add3A : i32
    %c0_i32 = arith.constant 0 : i32
    %c0_i32_1 = arith.constant 0 : i32
    %c0_i32_2 = arith.constant 0 : i32
    return %add3A_0, %c0_i32, %c0_i32_1 : i32, i32, i32
  }
  func.func @transform_3(%arg0: i32) -> (i32, i32, i32) {
    %add3A = arith.constant 16 : i32
    %add3A_0 = arith.addi %arg0, %add3A : i32
    %c0_i32 = arith.constant 0 : i32
    %c0_i32_1 = arith.constant 0 : i32
    %c0_i32_2 = arith.constant 0 : i32
    return %add3A_0, %c0_i32, %c0_i32_1 : i32, i32, i32
  }
  func.func @transform_4(%arg0: i32) -> (i32, i32, i32) {
    %c0_i32 = arith.constant 0 : i32
    %c0_i32_0 = arith.constant 0 : i32
    %c0_i32_1 = arith.constant 0 : i32
    return %arg0, %c0_i32, %c0_i32_0 : i32, i32, i32
  }
  func.func @transform_5(%arg0: i32) -> (i32, i32, i32) {
    %c0_i32 = arith.constant 0 : i32
    %c0_i32_0 = arith.constant 0 : i32
    %c0_i32_1 = arith.constant 0 : i32
    return %arg0, %c0_i32, %c0_i32_0 : i32, i32, i32
  }
  func.func @transform_6(%arg0: i32) -> (i32, i32, i32) {
    %c0_i32 = arith.constant 0 : i32
    %c0_i32_0 = arith.constant 0 : i32
    %c0_i32_1 = arith.constant 0 : i32
    return %arg0, %c0_i32, %c0_i32_0 : i32, i32, i32
  }
}

</mosaic_0001>

<sc_bundles>
// kernel: kernel.5.cloned.1.call-start
scs
__scs_entry_jumppad:
0x0: {  	(pc) =	sbr.rel $0x88, $3  }
0x1: {  	(tag) =	ssettag $0x0;
	lr =	simm.s32 $0x1  }
0x2: {  	[smem:$0x3F9D] =	sst lr;
	_ =	strace $0xD0000000  }
0x3: {  	_ = 	snop  }
0x4: {  	_ = 	snop  }
0x5: {  	_ = 	snop  }
0x6: {  	_ = 	snop  }
0x7: {  	_ = 	snop  }
__scs_overlays_trampoline_lowered:
0x8: {  	[smem:$0x3FAC] =	sst s0  }
0x9: {  	[smem:$0x3FAD] =	sst s1  }
0xa: {  	[smem:$0x3FAE] =	sst s2  }
0xb: {  	[smem:$0x3FAF] =	sst s3  }
0xc: {  	[smem:$0x3FB0] =	sst s4  }
0xd: {  	[smem:$0x3FB1] =	sst s5  }
0xe: {  	[smem:$0x3FB2] =	sst s6  }
0xf: {  	[smem:$0x3FB3] =	sst s7  }
0x10: {  	[smem:$0x3FB4] =	sst s8  }
0x11: {  	[smem:$0x3FB5] =	sst s9;
	s0 =	simm.s32 @!p0 $0x0  }
0x12: {  	s1 =	sld [smem:$0x3F9B];
	s0 =	simm.s32 @p0 $0x1  }
0x13: {  	[smem:$0x3FB6] =	sst s0;
	s0 =	simm.s32 @!p1 $0x0  }
0x14: {  	s2 =	sld [smem:$0x3F9A];
	s0 =	simm.s32 @p1 $0x1  }
0x15: {  	[smem:$0x3FB7] =	sst s0;
	s0 =	simm.s32 @!p2 $0x0  }
0x16: {  	s3 =	sld [smem:$0x3FDB];
	s0 =	simm.s32 @p2 $0x1  }
0x17: {  	s4 =	simm.s32 $0x1BF5;
	[smem:$0x3FB9] =	sst s0  }
0x18: {  	s0 =	sld [smem:$0x3F9C];
	_ =	swait.ge [sflag:s4], $0x0  }
0x19: {  	s7 =	sld [smem:$0x3F9D]  }
0x1a: {  	s8 =	sadd.s32 $0xFFFFE003, lr  }
0x1b: {  	s9 =	sadd.s32 $0xFFFFFEF7, lr;
	s5 =	simm.s32 $0xFFFFFFFF;
	p2 =	slt.u32 s8, $0xFFFFF086  }
0x1c: {  	p1 =	slt.u32 s9, $0xF7A;
	s5 =	simm.s32 @!p2 $0x0  }
0x1d: {  	s5 =	simm.s32 @p1 $0x1;
	p0 =	seq.s32 s7, s2  }
0x1e: {  	s7 =	smul.u32 @!p0 $0xF7A, s2;
	p2 =	seq.s32 @!p0 s5, $0x0  }
0x1f: {  	s9 =	smul.u32 $0xF7A, s1;
	s8 =	simm.s32 @!p0 $0x1BF5;
	p2 =	por !p2, p0  }
0x20: {  	[sflag:s8] =	ssyncset.s32 @!p0 $0xFFFFF086;
	s6 =	sadd.s32 @!p0 s3, s7;
	s7 =	simm.s32 @!p0 $0x108  }
0x21: {  	s3 =	sadd.s32 s3, s9;
	s6 =	sadd.s32 @!p0 $0x88, s6;
	s7 =	simm.s32 @p2 $0x1082  }
0x22: {  	[simem:s7], [sflag:s8] =	dma.local @!p0 [hbm:s6], $0xF7A  }
0x23: {  	s9 =	sor.u32 $0xD0000000, s2;
	s6 =	simm.s32 $0x108;
	_ =	swait.ge @!p0 [sflag:s8], $0x0  }
0x24: {  	s3 =	sadd.s32 $0x88, s3;
	s6 =	simm.s32 @!p1 $0x1082;
	[sflag:s4] =	ssyncset.s32 $0xFFFFF086  }
0x25: {  	[simem:s6], [sflag:s4] =	dma.local [hbm:s3], $0xF7A  }
0x26: {  	[smem:$0x3F9D] =	sst s1;
	(tag) =	ssettag s2;
	_ =	strace s9  }
0x27: {  	s1 =	sld [smem:$0x3FAD]  }
0x28: {  	s2 =	sld [smem:$0x3FAE]  }
0x29: {  	s4 =	sld [smem:$0x3FB0]  }
0x2a: {  	p0 =	seq.s32 s5, $0x0;
	s5 =	sld [smem:$0x3FB1]  }
0x2b: {  	s6 =	sld [smem:$0x3FB2]  }
0x2c: {  	s7 =	sld [smem:$0x3FB3]  }
0x2d: {  	s3 =	simm.s32 $0x108;
	s8 =	sld [smem:$0x3FB4]  }
0x2e: {  	s3 =	simm.s32 @!p0 $0x1082;
	s9 =	sld [smem:$0x3FB5]  }
0x2f: {  	lr =	sadd.s32 s0, s3;
	s0 =	sld [smem:$0x3FAC]  }
0x30: {  	s3 =	sld [smem:$0x3FAF]  }
0x31: {  	[smem:$0x3FB8] =	sst s10  }
0x32: {  	s10 =	sld [smem:$0x3FB6];
	_ =	sdelay $0x3  }
0x33: {  	p0 =	seq.s32 s10, $0x1;
	s10 =	sld [smem:$0x3FB8];
	_ =	sdelay $0x3  }
0x34: {  	[smem:$0x3FB8] =	sst s10  }
0x35: {  	s10 =	sld [smem:$0x3FB7];
	_ =	sdelay $0x3  }
0x36: {  	p1 =	seq.s32 s10, $0x1;
	s10 =	sld [smem:$0x3FB8];
	_ =	sdelay $0x3  }
0x37: {  	[smem:$0x3FB8] =	sst s10  }
0x38: {  	s10 =	sld [smem:$0x3FB9]  }
0x39: {  	_ = 	snop;
	(pc) =	sbr.ind lr, $3  }
0x3a: {  	_ = 	snop  }
0x3b: {  	_ = 	snop  }
0x3c: {  	p2 =	seq.s32 s10, $0x1;
	s10 =	sld [smem:$0x3FB8]  }
0x3d: {  	_ =	shalt  }
0x3e: {  	_ =	shalt  }
0x3f: {  	_ =	shalt  }
0x40: {  	_ =	shalt  }
0x41: {  	_ =	shalt  }
0x42: {  	_ =	shalt  }
0x43: {  	_ =	shalt  }
0x44: {  	_ =	shalt  }
0x45: {  	_ =	shalt  }
0x46: {  	_ =	shalt  }
0x47: {  	_ =	shalt  }
0x48: {  	_ =	shalt  }
0x49: {  	_ =	shalt  }
0x4a: {  	_ =	shalt  }
0x4b: {  	_ =	shalt  }
0x4c: {  	_ =	shalt  }
0x4d: {  	_ =	shalt  }
0x4e: {  	_ =	shalt  }
0x4f: {  	_ =	shalt  }
0x50: {  	_ =	shalt  }
0x51: {  	_ =	shalt  }
0x52: {  	_ =	shalt  }
0x53: {  	_ =	shalt  }
0x54: {  	_ =	shalt  }
0x55: {  	_ =	shalt  }
0x56: {  	_ =	shalt  }
0x57: {  	_ =	shalt  }
0x58: {  	_ =	shalt  }
0x59: {  	_ =	shalt  }
0x5a: {  	_ =	shalt  }
0x5b: {  	_ =	shalt  }
0x5c: {  	_ =	shalt  }
0x5d: {  	_ =	shalt  }
0x5e: {  	_ =	shalt  }
0x5f: {  	_ =	shalt  }
0x60: {  	_ =	shalt  }
0x61: {  	_ =	shalt  }
0x62: {  	_ =	shalt  }
0x63: {  	_ =	shalt  }
0x64: {  	_ =	shalt  }
0x65: {  	_ =	shalt  }
0x66: {  	_ =	shalt  }
0x67: {  	_ =	shalt  }
0x68: {  	_ =	shalt  }
0x69: {  	_ =	shalt  }
0x6a: {  	_ =	shalt  }
0x6b: {  	_ =	shalt  }
0x6c: {  	_ =	shalt  }
0x6d: {  	_ =	shalt  }
0x6e: {  	_ =	shalt  }
0x6f: {  	_ =	shalt  }
0x70: {  	_ =	shalt  }
0x71: {  	_ =	shalt  }
0x72: {  	_ =	shalt  }
0x73: {  	_ =	shalt  }
0x74: {  	_ =	shalt  }
0x75: {  	_ =	shalt  }
0x76: {  	_ =	shalt  }
0x77: {  	_ =	shalt  }
0x78: {  	_ =	shalt  }
0x79: {  	_ =	shalt  }
0x7a: {  	_ =	shalt  }
0x7b: {  	_ =	shalt  }
0x7c: {  	_ =	shalt  }
0x7d: {  	_ =	shalt  }
0x7e: {  	_ =	shalt  }
0x7f: {  	_ =	shalt  }
0x80: {  	_ =	shalt  }
0x81: {  	_ =	shalt  }
0x82: {  	_ =	shalt  }
0x83: {  	_ =	shalt  }
0x84: {  	_ =	shalt  }
0x85: {  	_ =	shalt  }
0x86: {  	_ =	shalt  }
0x87: {  	_ =	shalt  }
.Lfunc_end0:
.L_simem_size_0:
called_computation_lowered:
.L_overlay_start_0:
0x88: {  	s2 =	sld [smem:$0x3FD9]  }
0x89: {  	s3 =	sld [smem:$0x3FFE];
	_ =	sdelay $0x1  }
0x8a: {  	s1 =	srdreg.scid  }
0x8b: {  	s0 =	sand.u32 $0x1, s1  }
0x8c: {  	s16 =	sshll.u32 s0, $0xA;
	s2 =	sadd.s32 s3, s2  }
0x8d: {  	s2 =	sadd.s32 s2, s16  }
0x8e: {  	[smem:$0x3FC4] =	sst s2  }
0x8f: {  	_ = 	snop  }
0x90: {  	(tm) =	ssettm $0x1  }
0x91: {  	s17 =	sld [smem:$0x3FFB];
	_ =	sdelay $0x3  }
0x92: {  	_ =	strace s17  }
0x93: {  	s2 =	sld [smem:$0x3FFC];
	_ =	sdelay $0x3  }
0x94: {  	_ =	strace s2  }
0x95: {  	s2 =	sld [smem:$0x3FFD];
	_ =	sdelay $0x3  }
0x96: {  	_ =	strace s2  }
0x97: {  	_ =	strace $0x8FFFFFFF  }
0x98: {  	s18 =	sld [smem:$0x3FDB];
	_ =	sdelay $0x1  }
0x99: {  	s19 =	simm.s32 $_scs_section_size  }
0x9a: {  	s4 =	simm.s32 $_size__tile_overlayer_lowered;
	s5 =	simm.s32 $_tile_overlayer_lowered  }
0x9b: {  	s22 =	simm.s32 $0x1BFF;
	s21 =	sshll.u32 s5, $0x1;
	s2 =	sadd.s32 s19, s18  }
0x9c: {  	s6 =	simm.s32 $0x0;
	s20 =	sshll.u32 s4, $0x1;
	s4 =	sadd.s32 s21, s2  }
0x9d: {  	[timem:s6], [sflag:s22] =	dma.local [hbm:s4], s20  }
0x9e: {  	_ =	swait.ge [sflag:s22], s20  }
0x9f: {  	s3 =	ssub.s32 $0x0, s20;
	[sflag:s22] =	ssyncset.done $0x0  }
0xa0: {  	[sflag:s22] =	ssyncadd.s32 s3;
	_ =	sdelay $0x1  }
0xa1: {  	s23 =	simm.s32 $0x1B8B  }
0xa2: {  	_ =	swait.ge [sflag:s23], $0x1  }
0xa3: {  	[sflag:s23] =	ssyncset.done $0x0  }
0xa4: {  	s25 =	simm.s32 $0x1B8E;
	s24 =	sld [smem:$0x3FFE];
	[sflag:s23] =	ssyncadd.s32 $0xFFFFFFFF  }
0xa5: {  	s26 =	simm.s32 $execute0_lowered;
	[smem:$0x3FD2] =	sst s25  }
0xa6: {  	s4 =	sshll.u32 s26, $0x1;
	_ =	strace $0x80000046;
	[dreg:$0x1] =	wrdreg $0xFFFFFFFF  }
0xa7: {  	s28 =	simm.s32 $_size_execute0_lowered;
	s2 =	sadd.s32 s2, s4;
	[dreg:$0x0] =	wrdreg $0x0  }
0xa8: {  	s4 =	sshll.u32 s28, $0x1;
	[dreg:$0x2] =	wrdreg s2  }
0xa9: {  	[dreg:$0x3] =	wrdreg s4  }
0xaa: {  	[dreg:$0x4] =	wrdreg $0xC0  }
0xab: {  	_ =	task [dreg:s6], $0x5FFFF  }
0xac: {  	[dreg:$0x1] =	wrdreg $0xFFFFFFFF  }
0xad: {  	[dreg:$0x0] =	wrdreg $0x60  }
0xae: {  	[dreg:$0x2] =	wrdreg s24  }
0xaf: {  	[dreg:$0x3] =	wrdreg $0x9  }
0xb0: {  	_ =	task.clear_ibuf [dreg:s6], $0x4FFFF;
	_ =	strace $0x90000046  }
0xb1: {  	s29 =	simm.s32 $0x9;
	_ =	strace $0x80000048  }
0xb2: {  	_ =	swait.ge [sflag:s29], $0x1  }
0xb3: {  	[sflag:s29] =	ssyncadd.s32 $0xFFFFFFFF  }
0xb4: {  	_ =	strace $0x90000048  }
0xb5: {  	_ =	sfence  }
0xb6: {  	s30 =	sld [smem:$0x0];
	_ =	sdelay $0x2  }
0xb7: {  	s31 =	sshll.u32 s1, $0xD;
	s1 =	sshrl.u32 s1, $0x2  }
0xb8: {  	s3 =	sand.u32 $0x4000, s31;
	s1 =	sadd.s32 s1, s30  }
0xb9: {  	s0 =	sor.u32 s3, s0;
	s1 =	sshll.u32 s1, $0x11  }
0xba: {  	s0 =	sor.u32 s1, s0  }
0xbb: {  	s0 =	sadd.s32 $0x8F2B, s0  }
0xbc: {  	[sflag:s0] =	ssyncadd.remote.s32 $0x1  }
0xbd: {  	_ =	sfence.sel $0xFFFF  }
0xbe: {  	[dreg:$0x0] =	wrdreg $0xFFFFFFFF;
	(pc) =	sbr.abs _section_cstart, $3  }
0xbf: {  	[dreg:$0x1] =	wrdreg $0xFFFFFFFF  }
0xc0: {  	_ =	task.clear_ibuf [dreg:s6], $0x2FFFF;
	_ =	strace $0x9FFFFFFF  }
0xc1: {  	(tm) =	ssettm $0x7FFFFFFF  }
tec
execute0_lowered:
.L_overlay_start_1:
0x0: {  	(tag) =	ssettag $0x1  }
0x1: {  	s0 =	srdreg.scid  }
0x2: {  	s1 =	stileid.u32;
	s19 =	sand.u32 $0x1, s0  }
0x3: {  	s0 =	sor.u32 s19, s1  }
0x4: {  	p1 =	seq.s32 s19, $0x1;
	p0 =	seq.s32 s0, $0x0  }
0x5: {  	p0 =	por !p0, !p1  }
0x6: {  	s5 =	ssub.s32 $0x2, s19;
	s0 =	simm.s32 $0x1;
	p0 =	por !p0, !p0  }
0x7: {  	s3 =	smul.u32 $0x38, s19;
	s7 =	sshrl.u32 s5, $0x1;
	s0 =	simm.s32 @!p0 $0x0  }
0x8: {  	s5 =	ssub.s32 s5, s7;
	s0 =	ssub.s32 s1, s0;
	s1 =	smul.u32 $0xFA, s19  }
0x9: {  	[smem:$0x7FC] =	sst s5;
	s2 =	smul.u32 $0x70, s0  }
0xa: {  	s0 =	smul.u32 $0x17A000, s0;
	s4 =	sadd.s32 $0x4, s1;
	s13 =	sadd.s32 $0x9, s1  }
0xb: {  	s16 =	sadd.s32 $0xE, s1;
	s20 =	sadd.s32 $0x13, s1;
	s24 =	sadd.s32 $0x1D, s1  }
0xc: {  	s9 =	sadd.s32 $0x27, s1;
	s6 =	sshrl.u32 s4, $0x3;
	s0 =	sadd.s32 $0x17A0000, s0  }
0xd: {  	s23 =	sadd.s32 s3, s2;
	s15 =	sshrl.u32 s13, $0x3;
	s4 =	sshll.u32 s4, $0x7  }
0xe: {  	s5 =	sshll.u32 s13, $0x7;
	s17 =	sshrl.u32 s16, $0x3;
	s6 =	smul.u32 $0x6000, s6  }
0xf: {  	s22 =	sshrl.u32 s20, $0x3;
	s25 =	sshrl.u32 s24, $0x3;
	s3 =	smul.u32 $0x6000, s15  }
0x10: {  	s10 =	sshrl.u32 s9, $0x3;
	s4 =	sand.u32 $0x300, s4;
	s7 =	smul.u32 $0x6000, s17  }
0x11: {  	s5 =	sand.u32 $0x380, s5;
	s12 =	smul.u32 $0x6000, s10;
	s17 =	sshll.u32 s9, $0x7  }
0x12: {  	s14 =	sadd.s32 s6, s0;
	s3 =	sadd.s32 s3, s0;
	s21 =	sadd.s32 s7, s0  }
0x13: {  	s6 =	sshll.u32 s16, $0x7;
	s7 =	smul.u32 $0x6000, s25;
	s15 =	sadd.s32 s12, s0  }
0x14: {  	s2 =	sor.u32 s4, s14;
	s18 =	sor.u32 s5, s3;
	s4 =	smul.u32 $0x6000, s22  }
0x15: {  	s6 =	sand.u32 $0x300, s6;
	s14 =	sadd.s32 $0x2C, s1;
	[smem:$0x7DB] =	sst s2  }
0x16: {  	s22 =	sadd.s32 $0x36, s1;
	[smem:$0x7DC] =	sst s18;
	s2 =	sshll.u32 s20, $0x7  }
0x17: {  	s3 =	sor.u32 s6, s21;
	s6 =	sadd.s32 $0x22, s1;
	s16 =	sshrl.u32 s14, $0x3  }
0x18: {  	s18 =	sadd.s32 $0x31, s1;
	s25 =	sshrl.u32 s22, $0x3;
	[smem:$0x7DD] =	sst s3  }
0x19: {  	s26 =	sadd.s32 s4, s0;
	s2 =	sand.u32 $0x380, s2;
	s3 =	sadd.s32 s7, s0  }
0x1a: {  	s7 =	sshll.u32 s24, $0x7;
	s8 =	sshrl.u32 s6, $0x3;
	s11 =	sshll.u32 s6, $0x7  }
0x1b: {  	s20 =	sshrl.u32 s18, $0x3;
	s6 =	sshll.u32 s18, $0x7;
	s5 =	smul.u32 $0x6000, s8  }
0x1c: {  	s2 =	sor.u32 s2, s26;
	s4 =	sand.u32 $0x380, s7;
	s7 =	smul.u32 $0x6000, s20  }
0x1d: {  	s26 =	sadd.s32 $0x3B, s1;
	s6 =	sand.u32 $0x380, s6;
	s20 =	sadd.s32 $0x4F, s1  }
0x1e: {  	[smem:$0x7DE] =	sst s2;
	s2 =	sor.u32 s4, s3;
	s3 =	smul.u32 $0x6000, s16  }
0x1f: {  	s4 =	sand.u32 $0x380, s17;
	s8 =	sshrl.u32 s26, $0x3;
	s12 =	sshll.u32 s26, $0x7  }
0x20: {  	[smem:$0x7DF] =	sst s2;
	s13 =	sadd.s32 s5, s0;
	s2 =	sand.u32 $0x300, s11  }
0x21: {  	s5 =	sshll.u32 s14, $0x7;
	s24 =	sadd.s32 s7, s0;
	s7 =	smul.u32 $0x6000, s8  }
0x22: {  	s11 =	sadd.s32 $0x45, s1;
	s14 =	sadd.s32 $0x4A, s1;
	s8 =	sadd.s32 $0x59, s1  }
0x23: {  	s2 =	sor.u32 s2, s13;
	s3 =	sadd.s32 s3, s0;
	s5 =	sand.u32 $0x300, s5  }
0x24: {  	s13 =	sshrl.u32 s11, $0x3;
	s16 =	sshll.u32 s11, $0x7;
	s11 =	sadd.s32 $0x5E, s1  }
0x25: {  	[smem:$0x7E0] =	sst s2;
	s2 =	sor.u32 s4, s15;
	s21 =	sor.u32 s5, s3  }
0x26: {  	s4 =	smul.u32 $0x6000, s25;
	s3 =	sor.u32 s6, s24;
	s10 =	sadd.s32 s7, s0  }
0x27: {  	s5 =	smul.u32 $0x6000, s13;
	s15 =	sshrl.u32 s14, $0x3;
	[smem:$0x7E1] =	sst s2  }
0x28: {  	s24 =	sshll.u32 s14, $0x7;
	s25 =	sadd.s32 $0x54, s1;
	[smem:$0x7E2] =	sst s21  }
0x29: {  	s2 =	sshll.u32 s22, $0x7;
	[smem:$0x7E3] =	sst s3;
	s17 =	smul.u32 $0x6000, s15  }
0x2a: {  	s22 =	sshrl.u32 s20, $0x3;
	s26 =	sshrl.u32 s25, $0x3;
	s6 =	sshll.u32 s25, $0x7  }
0x2b: {  	s15 =	sadd.s32 $0x63, s1;
	s25 =	sadd.s32 $0x72, s1;
	s9 =	sadd.s32 s4, s0  }
0x2c: {  	s2 =	sand.u32 $0x300, s2;
	s4 =	sand.u32 $0x380, s12;
	s3 =	smul.u32 $0x6000, s22  }
0x2d: {  	s18 =	sadd.s32 s5, s0;
	s5 =	sshll.u32 s20, $0x7;
	s7 =	smul.u32 $0x6000, s26  }
0x2e: {  	s12 =	sshrl.u32 s11, $0x3;
	s6 =	sand.u32 $0x300, s6;
	s2 =	sor.u32 s2, s9  }
0x2f: {  	s21 =	sadd.s32 s17, s0;
	s5 =	sand.u32 $0x380, s5;
	s17 =	sshrl.u32 s15, $0x3  }
0x30: {  	[smem:$0x7E4] =	sst s2;
	s2 =	sor.u32 s4, s10;
	s4 =	sand.u32 $0x300, s24  }
0x31: {  	s3 =	sadd.s32 s3, s0;
	s9 =	sadd.s32 s7, s0;
	s10 =	sshrl.u32 s8, $0x3  }
0x32: {  	s7 =	smul.u32 $0x6000, s12;
	[smem:$0x7E5] =	sst s2;
	s5 =	sor.u32 s5, s3  }
0x33: {  	s2 =	sand.u32 $0x380, s16;
	s3 =	sor.u32 s6, s9;
	[smem:$0x7E8] =	sst s5  }
0x34: {  	s16 =	sshll.u32 s11, $0x7;
	s2 =	sor.u32 s2, s18;
	[smem:$0x7E9] =	sst s3  }
0x35: {  	s14 =	sadd.s32 s7, s0;
	s18 =	sadd.s32 $0x6D, s1;
	s5 =	smul.u32 $0x6000, s17  }
0x36: {  	s17 =	sadd.s32 $0x81, s1;
	[smem:$0x7E6] =	sst s2;
	s2 =	sor.u32 s4, s21  }
0x37: {  	s4 =	smul.u32 $0x6000, s10;
	s20 =	sshrl.u32 s18, $0x3;
	s21 =	sshll.u32 s15, $0x7  }
0x38: {  	s9 =	sshll.u32 s18, $0x7;
	s10 =	sadd.s32 $0x77, s1;
	s15 =	sadd.s32 $0x7C, s1  }
0x39: {  	s18 =	sshrl.u32 s17, $0x3;
	[smem:$0x7E7] =	sst s2;
	s2 =	sshll.u32 s8, $0x7  }
0x3a: {  	s22 =	smul.u32 $0x6000, s20;
	s24 =	sadd.s32 s5, s0;
	s8 =	sshrl.u32 s25, $0x3  }
0x3b: {  	s5 =	sshll.u32 s25, $0x7;
	s11 =	sshrl.u32 s10, $0x3;
	s20 =	sadd.s32 $0x86, s1  }
0x3c: {  	s25 =	sadd.s32 $0x8B, s1;
	s13 =	sadd.s32 s4, s0;
	s2 =	sand.u32 $0x380, s2  }
0x3d: {  	s4 =	sand.u32 $0x300, s16;
	s3 =	smul.u32 $0x6000, s8;
	s5 =	sand.u32 $0x300, s5  }
0x3e: {  	s7 =	smul.u32 $0x6000, s11;
	s16 =	sshrl.u32 s15, $0x3;
	s6 =	sshll.u32 s20, $0x7  }
0x3f: {  	s8 =	sadd.s32 $0x95, s1;
	s2 =	sor.u32 s2, s13;
	s26 =	sadd.s32 s22, s0  }
0x40: {  	s13 =	sshll.u32 s10, $0x7;
	s6 =	sand.u32 $0x300, s6;
	[smem:$0x7EA] =	sst s2  }
0x41: {  	s2 =	sor.u32 s4, s14;
	s4 =	sand.u32 $0x380, s9;
	s3 =	sadd.s32 s3, s0  }
0x42: {  	s14 =	sadd.s32 s7, s0;
	s9 =	sshrl.u32 s25, $0x3;
	[smem:$0x7EB] =	sst s2  }
0x43: {  	s2 =	sand.u32 $0x380, s21;
	s12 =	sor.u32 s5, s3;
	s5 =	smul.u32 $0x6000, s18  }
0x44: {  	s21 =	sshrl.u32 s20, $0x3;
	s3 =	sshll.u32 s17, $0x7;
	s2 =	sor.u32 s2, s24  }
0x45: {  	[smem:$0x7EE] =	sst s12;
	s7 =	smul.u32 $0x6000, s21;
	s3 =	sand.u32 $0x380, s3  }
0x46: {  	s12 =	sshll.u32 s25, $0x7;
	s25 =	sadd.s32 $0xA9, s1;
	[smem:$0x7EC] =	sst s2  }
0x47: {  	s2 =	sor.u32 s4, s26;
	s4 =	sshll.u32 s15, $0x7;
	s22 =	sadd.s32 s5, s0  }
0x48: {  	s15 =	sshll.u32 s8, $0x7;
	[smem:$0x7ED] =	sst s2;
	s2 =	sand.u32 $0x380, s13  }
0x49: {  	s4 =	sand.u32 $0x300, s4;
	s24 =	sadd.s32 s7, s0;
	s7 =	smul.u32 $0x6000, s9  }
0x4a: {  	s9 =	sshrl.u32 s8, $0x3;
	s28 =	sor.u32 s3, s22;
	s13 =	sadd.s32 $0x9A, s1  }
0x4b: {  	s22 =	sadd.s32 $0xA4, s1;
	s8 =	sadd.s32 $0x18, s1;
	s2 =	sor.u32 s2, s14  }
0x4c: {  	s29 =	sor.u32 s6, s24;
	s10 =	smul.u32 $0x6000, s9;
	s14 =	sshrl.u32 s13, $0x3  }
0x4d: {  	s5 =	sshll.u32 s13, $0x7;
	[smem:$0x7EF] =	sst s2;
	s2 =	smul.u32 $0x6000, s16  }
0x4e: {  	s24 =	sshrl.u32 s22, $0x3;
	s11 =	sadd.s32 s7, s0;
	s6 =	smul.u32 $0x6000, s14  }
0x4f: {  	s16 =	sadd.s32 $0x9F, s1;
	s7 =	sand.u32 $0x380, s15;
	s5 =	sand.u32 $0x300, s5  }
0x50: {  	s14 =	sadd.s32 $0xB3, s1;
	s17 =	sshrl.u32 s16, $0x3;
	s21 =	sshll.u32 s16, $0x7  }
0x51: {  	s2 =	sadd.s32 s2, s0;
	s6 =	sadd.s32 s6, s0;
	s9 =	smul.u32 $0x6000, s17  }
0x52: {  	s3 =	sand.u32 $0x380, s21;
	s17 =	sshll.u32 s14, $0x7;
	s21 =	sadd.s32 $0x68, s1  }
0x53: {  	s26 =	sor.u32 s4, s2;
	s4 =	sand.u32 $0x380, s12;
	s2 =	sadd.s32 s10, s0  }
0x54: {  	s18 =	sor.u32 s5, s6;
	s5 =	smul.u32 $0x6000, s24;
	s10 =	sshrl.u32 s8, $0x3  }
0x55: {  	s12 =	sadd.s32 $0xAE, s1;
	s6 =	sshll.u32 s25, $0x7;
	s30 =	sor.u32 s4, s11  }
0x56: {  	s31 =	sor.u32 s7, s2;
	[smem:$0x7F0] =	sst s18;
	s20 =	sadd.s32 s9, s0  }
0x57: {  	s9 =	sshrl.u32 s25, $0x3;
	s4 =	sshll.u32 s22, $0x7;
	s13 =	sshrl.u32 s12, $0x3  }
0x58: {  	s6 =	sand.u32 $0x380, s6;
	s7 =	sshll.u32 s12, $0x7;
	s18 =	sshll.u32 s19, $0x8  }
0x59: {  	s22 =	sadd.s32 $0xB8, s1;
	s2 =	sor.u32 s3, s20;
	s11 =	smul.u32 $0x6000, s9  }
0x5a: {  	s5 =	sadd.s32 s5, s0;
	s4 =	sand.u32 $0x300, s4;
	s8 =	smul.u32 $0x6000, s13  }
0x5b: {  	s7 =	sand.u32 $0x300, s7;
	s20 =	sshrl.u32 s1, $0x3;
	s9 =	sshrl.u32 s21, $0x3  }
0x5c: {  	s13 =	sadd.s32 $0xC7, s1;
	[smem:$0x7F1] =	sst s2;
	s2 =	smul.u32 $0x6000, s10  }
0x5d: {  	s10 =	sshrl.u32 s14, $0x3;
	s4 =	sor.u32 s4, s5;
	s9 =	smul.u32 $0x6000, s9  }
0x5e: {  	s3 =	sadd.s32 s11, s0;
	[smem:$0x7F2] =	sst s4;
	s15 =	smul.u32 $0x6000, s10  }
0x5f: {  	s16 =	sadd.s32 s8, s0;
	s8 =	sand.u32 $0x380, s17;
	s10 =	sshrl.u32 s22, $0x3  }
0x60: {  	s11 =	sadd.s32 $0xBD, s1;
	s3 =	sor.u32 s6, s3;
	s24 =	sor.u32 s7, s16  }
0x61: {  	s2 =	sadd.s32 s2, s0;
	s10 =	smul.u32 $0x6000, s10;
	s12 =	sshrl.u32 s11, $0x3  }
0x62: {  	s9 =	sadd.s32 s9, s0;
	s6 =	sadd.s32 $0xC2, s1;
	s14 =	sshll.u32 s11, $0x7  }
0x63: {  	[smem:$0x7F3] =	sst s3;
	s3 =	sadd.s32 s15, s0;
	s7 =	sor.u32 s18, s2  }
0x64: {  	s12 =	smul.u32 $0x6000, s12;
	s17 =	sor.u32 s18, s9;
	s15 =	sshrl.u32 s6, $0x3  }
0x65: {  	s16 =	sshll.u32 s6, $0x7;
	s6 =	sadd.s32 $0xDB, s1;
	s25 =	sor.u32 s8, s3  }
0x66: {  	s3 =	smul.u32 $0x6000, s20;
	s4 =	sadd.s32 s10, s0;
	s10 =	sand.u32 $0x380, s14  }
0x67: {  	s11 =	smul.u32 $0x6000, s15;
	s14 =	sshrl.u32 s13, $0x3;
	s9 =	sand.u32 $0x300, s16  }
0x68: {  	s20 =	sadd.s32 $0xCC, s1;
	s13 =	sshll.u32 s13, $0x7;
	s15 =	sadd.s32 $0xD1, s1  }
0x69: {  	s8 =	sor.u32 s18, s4;
	s5 =	sadd.s32 s12, s0;
	s22 =	sshrl.u32 s20, $0x3  }
0x6a: {  	s13 =	sand.u32 $0x380, s13;
	s16 =	sshrl.u32 s15, $0x3;
	s2 =	sshll.u32 s15, $0x7  }
0x6b: {  	s4 =	sadd.s32 $0xD6, s1;
	s3 =	sadd.s32 s0, s3;
	s12 =	smul.u32 $0x6000, s22  }
0x6c: {  	s10 =	sor.u32 s10, s5;
	s11 =	sadd.s32 s11, s0;
	s16 =	smul.u32 $0x6000, s16  }
0x6d: {  	s5 =	sshrl.u32 s4, $0x3;
	s15 =	sshll.u32 s4, $0x7;
	s22 =	sadd.s32 $0xEA, s1  }
0x6e: {  	s19 =	sor.u32 s18, s3;
	s18 =	smul.u32 $0x6000, s14;
	s9 =	sor.u32 s9, s11  }
0x6f: {  	s14 =	sshll.u32 s20, $0x7;
	s20 =	sadd.s32 $0xE5, s1;
	s15 =	sand.u32 $0x300, s15  }
0x70: {  	s4 =	sshrl.u32 s22, $0x3;
	s12 =	sadd.s32 s12, s0;
	s14 =	sand.u32 $0x300, s14  }
0x71: {  	s3 =	sadd.s32 s16, s0;
	s16 =	sshll.u32 s6, $0x7;
	s21 =	sadd.s32 s18, s0  }
0x72: {  	s18 =	sshrl.u32 s6, $0x3;
	s16 =	sand.u32 $0x380, s16;
	s11 =	sor.u32 s13, s21  }
0x73: {  	s13 =	sor.u32 s14, s12;
	s12 =	sand.u32 $0x380, s2;
	s14 =	smul.u32 $0x6000, s5  }
0x74: {  	s18 =	smul.u32 $0x6000, s18;
	s21 =	sshrl.u32 s20, $0x3;
	s20 =	sshll.u32 s20, $0x7  }
0x75: {  	s2 =	sadd.s32 $0xEF, s1;
	s5 =	smul.u32 $0x6000, s4;
	s12 =	sor.u32 s12, s3  }
0x76: {  	s21 =	smul.u32 $0x6000, s21;
	s20 =	sand.u32 $0x380, s20;
	s6 =	sshrl.u32 s2, $0x3  }
0x77: {  	s2 =	sshll.u32 s2, $0x7;
	s14 =	sadd.s32 s14, s0;
	s18 =	sadd.s32 s18, s0  }
0x78: {  	s3 =	smul.u32 $0x6000, s6;
	s6 =	sadd.s32 s5, s0;
	s4 =	sand.u32 $0x380, s2  }
0x79: {  	s14 =	sor.u32 s15, s14;
	s21 =	sadd.s32 s21, s0;
	s15 =	sor.u32 s16, s18  }
0x7a: {  	s16 =	sor.u32 s20, s21;
	s21 =	sshll.u32 s22, $0x7;
	s20 =	sadd.s32 $0xF4, s1  }
0x7b: {  	s5 =	sadd.s32 s3, s0;
	s1 =	sadd.s32 $0xF9, s1;
	s18 =	sand.u32 $0x300, s21  }
0x7c: {  	s22 =	sshrl.u32 s20, $0x3;
	s20 =	sshll.u32 s20, $0x7;
	s3 =	sshrl.u32 s1, $0x3  }
0x7d: {  	s21 =	smul.u32 $0x6000, s22;
	s18 =	sor.u32 s18, s6;
	s6 =	sld [smem:$0x7DB]  }
0x7e: {  	s22 =	sand.u32 $0x300, s20;
	s20 =	sor.u32 s4, s5;
	s4 =	sld [smem:$0x7DC]  }
0x7f: {  	s2 =	smul.u32 $0x6000, s3;
	s5 =	sld [smem:$0x7DD];
	s21 =	sadd.s32 s21, s0  }
0x80: {  	s1 =	sshll.u32 s1, $0x7;
	s3 =	sor.u32 s22, s21;
	s22 =	rddreg [dreg:$0x0]  }
0x81: {  	s0 =	sadd.s32 s2, s0;
	s2 =	sshrl.u32 s6, $0x3;
	s6 =	sld [smem:$0x7DE]  }
0x82: {  	s21 =	sand.u32 $0x380, s1;
	[smem:$0x7F4] =	sst s3  }
0x83: {  	s21 =	sor.u32 s21, s0;
	s3 =	sadd.s32 s22, s2;
	s0 =	sshrl.u32 s4, $0x3  }
0x84: {  	s2 =	sshrl.u32 s5, $0x3;
	s5 =	sshrl.u32 s7, $0x3;
	s7 =	sld [smem:$0x7E0]  }
0x85: {  	[dreg:$0x2] =	wrdreg s3;
	s0 =	sadd.s32 s22, s0  }
0x86: {  	s2 =	sadd.s32 s22, s2;
	[dreg:$0x3] =	wrdreg s0  }
0x87: {  	[dreg:$0x4] =	wrdreg s2  }
0x88: {  	s3 =	sshrl.u32 s6, $0x3;
	s6 =	sld [smem:$0x7DF]  }
0x89: {  	s0 =	sadd.s32 s22, s5;
	s5 =	sld [smem:$0x7E1]  }
0x8a: {  	[dreg:$0x6] =	wrdreg s0  }
0x8b: {  	s4 =	sadd.s32 s22, s3;
	s3 =	sshrl.u32 s7, $0x3;
	s7 =	sld [smem:$0x7E3]  }
0x8c: {  	[dreg:$0x5] =	wrdreg s4;
	s4 =	sadd.s32 s22, s3  }
0x8d: {  	[dreg:$0x8] =	wrdreg s4  }
0x8e: {  	s2 =	sshrl.u32 s6, $0x3;
	s6 =	sld [smem:$0x7E2]  }
0x8f: {  	s0 =	sshrl.u32 s5, $0x3;
	s5 =	sld [smem:$0x7E4];
	s2 =	sadd.s32 s22, s2  }
0x90: {  	s0 =	sadd.s32 s22, s0;
	[dreg:$0x7] =	wrdreg s2  }
0x91: {  	s3 =	sshrl.u32 s7, $0x3;
	[dreg:$0x9] =	wrdreg s0  }
0x92: {  	s4 =	sadd.s32 s22, s3;
	s3 =	sld [smem:$0x7E9]  }
0x93: {  	[dreg:$0xb] =	wrdreg s4  }
0x94: {  	s7 =	sadd.s32 $0x30000, s19;
	s2 =	sshrl.u32 s6, $0x3;
	s6 =	sld [smem:$0x7E5]  }
0x95: {  	s0 =	sshrl.u32 s5, $0x3;
	s5 =	sld [smem:$0x7E6];
	s2 =	sadd.s32 s22, s2  }
0x96: {  	s4 =	sshrl.u32 s7, $0x3;
	s0 =	sadd.s32 s22, s0;
	[dreg:$0xa] =	wrdreg s2  }
0x97: {  	[dreg:$0xc] =	wrdreg s0;
	s0 =	sadd.s32 s22, s4  }
0x98: {  	[dreg:$0xe] =	wrdreg s0  }
0x99: {  	s2 =	sshrl.u32 s6, $0x3;
	s6 =	sld [smem:$0x7E7]  }
0x9a: {  	s0 =	sshrl.u32 s5, $0x3;
	s5 =	sld [smem:$0x7EA];
	s2 =	sadd.s32 s22, s2  }
0x9b: {  	s8 =	sshrl.u32 s8, $0x3;
	s0 =	sadd.s32 s22, s0;
	[dreg:$0xd] =	wrdreg s2  }
0x9c: {  	s10 =	sshrl.u32 s10, $0x3;
	[dreg:$0xf] =	wrdreg s0;
	s2 =	sshrl.u32 s6, $0x3  }
0x9d: {  	s11 =	sshrl.u32 s11, $0x3;
	s7 =	sadd.s32 s22, s2;
	s2 =	sld [smem:$0x7E8]  }
0x9e: {  	s13 =	sshrl.u32 s13, $0x3;
	s14 =	sshrl.u32 s14, $0x3;
	s6 =	sld [smem:$0x7EB]  }
0x9f: {  	s15 =	sshrl.u32 s15, $0x3;
	s4 =	sshrl.u32 s23, $0x3;
	[dreg:$0x10] =	wrdreg s7  }
0xa0: {  	s7 =	sld [smem:$0x7EC];
	s0 =	sshrl.u32 s2, $0x3;
	s2 =	smul.u32 $0xC00, s4  }
0xa1: {  	s4 =	sshrl.u32 s17, $0x3;
	s17 =	sld [smem:$0x7EF];
	s0 =	sadd.s32 s22, s0  }
0xa2: {  	s18 =	sshrl.u32 s18, $0x3;
	[dreg:$0x11] =	wrdreg s0;
	s0 =	sshrl.u32 s3, $0x3  }
0xa3: {  	[smem:$0x7F5] =	sst s2;
	s2 =	sshrl.u32 s7, $0x3;
	s0 =	sadd.s32 s22, s0  }
0xa4: {  	s8 =	sadd.s32 s22, s8;
	s3 =	sadd.s32 s22, s2;
	[dreg:$0x12] =	wrdreg s0  }
0xa5: {  	s11 =	sadd.s32 s22, s11;
	s14 =	sadd.s32 s22, s14;
	[dreg:$0x15] =	wrdreg s3  }
0xa6: {  	s0 =	sshrl.u32 s5, $0x3;
	s5 =	sld [smem:$0x7ED];
	s3 =	sshrl.u32 s28, $0x3  }
0xa7: {  	s0 =	sadd.s32 s22, s0;
	s28 =	sadd.s32 s22, s3;
	s3 =	sld [smem:$0x7F0]  }
0xa8: {  	s15 =	sadd.s32 s22, s15;
	[dreg:$0x13] =	wrdreg s0;
	s0 =	sshrl.u32 s6, $0x3  }
0xa9: {  	s18 =	sadd.s32 s22, s18;
	s6 =	sld [smem:$0x7EE];
	s0 =	sadd.s32 s22, s0  }
0xaa: {  	s21 =	sshrl.u32 s21, $0x3;
	[dreg:$0x14] =	wrdreg s0;
	s0 =	sadd.s32 s22, s4  }
0xab: {  	s21 =	sadd.s32 s22, s21;
	s4 =	sshrl.u32 s29, $0x3;
	[dreg:$0x16] =	wrdreg s0  }
0xac: {  	s0 =	sshrl.u32 s5, $0x3;
	s2 =	sshrl.u32 s6, $0x3;
	s29 =	sadd.s32 s22, s4  }
0xad: {  	s5 =	sshrl.u32 s30, $0x3;
	s6 =	sadd.s32 $0x6C000, s19;
	s4 =	sld [smem:$0x7F1]  }
0xae: {  	s0 =	sadd.s32 s22, s0;
	s30 =	sadd.s32 s22, s5;
	s5 =	sld [smem:$0x7F2]  }
0xaf: {  	s19 =	sadd.s32 $0xA8000, s19;
	s7 =	sadd.s32 s22, s2;
	[dreg:$0x17] =	wrdreg s0  }
0xb0: {  	s2 =	sshrl.u32 s26, $0x3;
	[dreg:$0x18] =	wrdreg s7;
	s0 =	sshrl.u32 s17, $0x3  }
0xb1: {  	s26 =	sadd.s32 s22, s2;
	s7 =	sshrl.u32 s6, $0x3;
	s17 =	sshrl.u32 s31, $0x3  }
0xb2: {  	s2 =	sshrl.u32 s3, $0x3;
	s6 =	sld [smem:$0x7F3];
	s0 =	sadd.s32 s22, s0  }
0xb3: {  	s31 =	sadd.s32 s22, s7;
	s3 =	sshrl.u32 s4, $0x3;
	s7 =	sshrl.u32 s24, $0x3  }
0xb4: {  	s24 =	sshrl.u32 s9, $0x3;
	s9 =	sadd.s32 s22, s10;
	[dreg:$0x19] =	wrdreg s0  }
0xb5: {  	s0 =	sadd.s32 s22, s17;
	s4 =	sshrl.u32 s5, $0x3;
	s17 =	sshrl.u32 s25, $0x3  }
0xb6: {  	s10 =	sadd.s32 s22, s24;
	s24 =	sshrl.u32 s16, $0x3;
	s5 =	sshrl.u32 s6, $0x3  }
0xb7: {  	s6 =	sadd.s32 s22, s7;
	s7 =	sadd.s32 s22, s17;
	s17 =	sshrl.u32 s19, $0x3  }
0xb8: {  	s16 =	sadd.s32 s22, s17;
	s17 =	sadd.s32 s22, s24;
	s24 =	sld [smem:$0x7F4]  }
0xb9: {  	s2 =	sadd.s32 s22, s2;
	s3 =	sadd.s32 s22, s3;
	s25 =	sshrl.u32 s12, $0x3  }
0xba: {  	s12 =	sadd.s32 s22, s13;
	s4 =	sadd.s32 s22, s4;
	s13 =	sadd.s32 s22, s25  }
0xbb: {  	s25 =	sshrl.u32 s20, $0x3;
	s20 =	sshrl.u32 s24, $0x3;
	s24 =	sld [smem:$0x7F5]  }
0xbc: {  	s5 =	sadd.s32 s22, s5;
	s19 =	sadd.s32 s22, s25;
	s25 =	sadd.s32 $0x8, s23  }
0xbd: {  	s25 =	sshrl.u32 s25, $0x3;
	s20 =	sadd.s32 s22, s20;
	s22 =	sadd.s32 $0x5E8000, s22  }
0xbe: {  	s25 =	smul.u32 $0xC00, s25;
	s24 =	sadd.s32 s22, s24  }
0xbf: {  	[dreg:$0x1b] =	wrdreg s24;
	s24 =	sadd.s32 $0x10, s23  }
0xc0: {  	[smem:$0x7F6] =	sst s25;
	s25 =	sadd.s32 $0x18, s23;
	s24 =	sshrl.u32 s24, $0x3  }
0xc1: {  	s25 =	sshrl.u32 s25, $0x3;
	s24 =	smul.u32 $0xC00, s24  }
0xc2: {  	s25 =	smul.u32 $0xC00, s25  }
0xc3: {  	[smem:$0x7F7] =	sst s24;
	s24 =	sadd.s32 $0x20, s23  }
0xc4: {  	[smem:$0x7F8] =	sst s25;
	s25 =	sshrl.u32 s24, $0x3  }
0xc5: {  	s25 =	smul.u32 $0xC00, s25;
	_ =	sdelay $0x1  }
0xc6: {  	[smem:$0x7F9] =	sst s25  }
0xc7: {  	s25 =	sld [smem:$0x7F6];
	_ =	sdelay $0x2  }
0xc8: {  	s25 =	sadd.s32 s22, s25  }
0xc9: {  	[dreg:$0x1c] =	wrdreg s25  }
0xca: {  	s25 =	sld [smem:$0x7F7];
	_ =	sdelay $0x2  }
0xcb: {  	s25 =	sadd.s32 s22, s25  }
0xcc: {  	[dreg:$0x1d] =	wrdreg s25  }
0xcd: {  	s25 =	sld [smem:$0x7F8];
	_ =	sdelay $0x2  }
0xce: {  	s24 =	sadd.s32 $0x28, s23;
	s25 =	sadd.s32 s22, s25  }
0xcf: {  	s24 =	sshrl.u32 s24, $0x3;
	[dreg:$0x1e] =	wrdreg s25  }
0xd0: {  	s23 =	sadd.s32 $0x30, s23;
	s24 =	smul.u32 $0xC00, s24;
	s25 =	sld [smem:$0x7F9]  }
0xd1: {  	s1 =	simm.s32 $0x0;
	s23 =	sshrl.u32 s23, $0x3  }
0xd2: {  	[smem:$0x7FF] =	sst s1;
	s23 =	smul.u32 $0xC00, s23;
	s24 =	sadd.s32 s22, s24  }
0xd3: {  	[smem:$0x7FA] =	sst s24;
	s25 =	sadd.s32 s22, s25  }
0xd4: {  	s22 =	sadd.s32 s22, s23;
	[dreg:$0x1f] =	wrdreg s25  }
0xd5: {  	[smem:$0x7FB] =	sst s22  }
0xd6: {  	_ =	strace $0x80000047  }
0xd7: {  	s25 =	sld [smem:$0x7FC];
	_ =	sdelay $0x2  }
0xd8: {  	[dreg:$0x1a] =	wrdreg s26;
	s22 =	smax.u32 s25, $0x1  }
0xd9: {  	s24 =	simm.s32 $0x0;
	[smem:$0x7FD] =	sst s22  }
.LBB2_1:
0xda: {  	[smem:$0x7DA] =	sst s24  }
0xdb: {  	s22 =	simm.s32 $0x80;
	s26 =	rddreg [dreg:$0x2]  }
0xdc: {  	s23 =	simm.s32 $0x400;
	s24 =	simm.s32 $0x0;
	s25 =	sadd.s32 $0x0, s26  }
.LBB2_2:
0xdd: {  	[tilespmem:s24], [sflag:$0x1] =	stream.linear.gather [hbm4b:s25+s1], $0x80, $0x38;
	[tilespmem:$0xC000] =	vst v63  }
0xde: {  	s25 =	smov.u32 s22;
	s24 =	smov.u32 s23;
	p0 =	sne.s32 s22, $0xB80  }
.Ltmp0:
0xdf: {  	s22 =	sadd.s32 $0x80, s22;
	(pc) =	sbr.rel @p0 .LBB2_2-.Ltmp0, $2  }
0xe0: {  	_ =	sdelay $0x2  }
0xe1: {  	s23 =	sadd.s32 $0x400, s23;
	s25 =	sadd.s32 s25, s26  }
0xe2: {  	[tilespmem:s24], [sflag:$0x1] =	stream.linear.gather [hbm4b:s25+s1], $0x80, $0x38;
	[tilespmem:$0xC000] =	vst v63  }
0xe3: {  	s22 =	simm.s32 $0x80;
	s26 =	rddreg [dreg:$0x3]  }
0xe4: {  	s23 =	simm.s32 $0x80;
	s24 =	simm.s32 $0x480;
	s25 =	sadd.s32 $0x0, s26  }
.LBB2_4:
0xe5: {  	[tilespmem:s22], [sflag:$0x1] =	stream.linear.gather [hbm4b:s25+s1], $0x80, $0x38;
	[tilespmem:$0xC000] =	vst v63  }
0xe6: {  	s25 =	smov.u32 s23;
	s22 =	smov.u32 s24;
	p0 =	sne.s32 s23, $0xB80  }
.Ltmp1:
0xe7: {  	s23 =	sadd.s32 $0x80, s23;
	(pc) =	sbr.rel @p0 .LBB2_4-.Ltmp1, $2  }
0xe8: {  	_ =	sdelay $0x2  }
0xe9: {  	s24 =	sadd.s32 $0x400, s24;
	s25 =	sadd.s32 s25, s26  }
0xea: {  	[tilespmem:s22], [sflag:$0x1] =	stream.linear.gather [hbm4b:s25+s1], $0x80, $0x38;
	[tilespmem:$0xC000] =	vst v63  }
0xeb: {  	s22 =	simm.s32 $0x100;
	s26 =	rddreg [dreg:$0x4]  }
0xec: {  	s23 =	simm.s32 $0x80;
	s24 =	simm.s32 $0x500;
	s25 =	sadd.s32 $0x0, s26  }
.LBB2_6:
0xed: {  	[tilespmem:s22], [sflag:$0x1] =	stream.linear.gather [hbm4b:s25+s1], $0x80, $0x38;
	[tilespmem:$0xC000] =	vst v63  }
0xee: {  	s25 =	smov.u32 s23;
	s22 =	smov.u32 s24;
	p0 =	sne.s32 s23, $0xB80  }
.Ltmp2:
0xef: {  	s23 =	sadd.s32 $0x80, s23;
	(pc) =	sbr.rel @p0 .LBB2_6-.Ltmp2, $2  }
0xf0: {  	_ =	sdelay $0x2  }
0xf1: {  	s24 =	sadd.s32 $0x400, s24;
	s25 =	sadd.s32 s25, s26  }
0xf2: {  	[tilespmem:s22], [sflag:$0x1] =	stream.linear.gather [hbm4b:s25+s1], $0x80, $0x38;
	[tilespmem:$0xC000] =	vst v63  }
0xf3: {  	s22 =	simm.s32 $0x180;
	s26 =	rddreg [dreg:$0x5]  }
0xf4: {  	s23 =	simm.s32 $0x80;
	s24 =	simm.s32 $0x580;
	s25 =	sadd.s32 $0x0, s26  }
.LBB2_8:
0xf5: {  	[tilespmem:s22], [sflag:$0x1] =	stream.linear.gather [hbm4b:s25+s1], $0x80, $0x38;
	[tilespmem:$0xC000] =	vst v63  }
0xf6: {  	s25 =	smov.u32 s23;
	s22 =	smov.u32 s24;
	p0 =	sne.s32 s23, $0xB80  }
.Ltmp3:
0xf7: {  	s23 =	sadd.s32 $0x80, s23;
	(pc) =	sbr.rel @p0 .LBB2_8-.Ltmp3, $2  }
0xf8: {  	_ =	sdelay $0x2  }
0xf9: {  	s24 =	sadd.s32 $0x400, s24;
	s25 =	sadd.s32 s25, s26  }
0xfa: {  	[tilespmem:s22], [sflag:$0x1] =	stream.linear.gather [hbm4b:s25+s1], $0x80, $0x38;
	[tilespmem:$0xC000] =	vst v63  }
0xfb: {  	s22 =	simm.s32 $0x200;
	s26 =	rddreg [dreg:$0x6]  }
0xfc: {  	s23 =	simm.s32 $0x80;
	s24 =	simm.s32 $0x600;
	s25 =	sadd.s32 $0x0, s26  }
.LBB2_10:
0xfd: {  	[tilespmem:s22], [sflag:$0x1] =	stream.linear.gather [hbm4b:s25+s1], $0x80, $0x38;
	[tilespmem:$0xC000] =	vst v63  }
0xfe: {  	s25 =	smov.u32 s23;
	s22 =	smov.u32 s24;
	p0 =	sne.s32 s23, $0xB80  }
.Ltmp4:
0xff: {  	s23 =	sadd.s32 $0x80, s23;
	(pc) =	sbr.rel @p0 .LBB2_10-.Ltmp4, $2  }
0x100: {  	_ =	sdelay $0x2  }
0x101: {  	s24 =	sadd.s32 $0x400, s24;
	s25 =	sadd.s32 s25, s26  }
0x102: {  	[tilespmem:s22], [sflag:$0x1] =	stream.linear.gather [hbm4b:s25+s1], $0x80, $0x38;
	[tilespmem:$0xC000] =	vst v63  }
0x103: {  	s22 =	simm.s32 $0x280;
	s26 =	rddreg [dreg:$0x7]  }
0x104: {  	s23 =	simm.s32 $0x80;
	s24 =	simm.s32 $0x680;
	s25 =	sadd.s32 $0x0, s26  }
.LBB2_12:
0x105: {  	[tilespmem:s22], [sflag:$0x1] =	stream.linear.gather [hbm4b:s25+s1], $0x80, $0x38;
	[tilespmem:$0xC000] =	vst v63  }
0x106: {  	s25 =	smov.u32 s23;
	s22 =	smov.u32 s24;
	p0 =	sne.s32 s23, $0xB80  }
.Ltmp5:
0x107: {  	s23 =	sadd.s32 $0x80, s23;
	(pc) =	sbr.rel @p0 .LBB2_12-.Ltmp5, $2  }
0x108: {  	_ =	sdelay $0x2  }
0x109: {  	s24 =	sadd.s32 $0x400, s24;
	s25 =	sadd.s32 s25, s26  }
0x10a: {  	[tilespmem:s22], [sflag:$0x1] =	stream.linear.gather [hbm4b:s25+s1], $0x80, $0x38;
	[tilespmem:$0xC000] =	vst v63  }
0x10b: {  	s22 =	simm.s32 $0x300;
	s26 =	rddreg [dreg:$0x8]  }
0x10c: {  	s23 =	simm.s32 $0x80;
	s24 =	simm.s32 $0x700;
	s25 =	sadd.s32 $0x0, s26  }
.LBB2_14:
0x10d: {  	[tilespmem:s22], [sflag:$0x1] =	stream.linear.gather [hbm4b:s25+s1], $0x80, $0x38;
	[tilespmem:$0xC000] =	vst v63  }
0x10e: {  	s25 =	smov.u32 s23;
	s22 =	smov.u32 s24;
	p0 =	sne.s32 s23, $0xB80  }
.Ltmp6:
0x10f: {  	s23 =	sadd.s32 $0x80, s23;
	(pc) =	sbr.rel @p0 .LBB2_14-.Ltmp6, $2  }
0x110: {  	_ =	sdelay $0x2  }
0x111: {  	s24 =	sadd.s32 $0x400, s24;
	s25 =	sadd.s32 s25, s26  }
0x112: {  	[tilespmem:s22], [sflag:$0x1] =	stream.linear.gather [hbm4b:s25+s1], $0x80, $0x38;
	[tilespmem:$0xC000] =	vst v63  }
0x113: {  	s22 =	simm.s32 $0x380;
	s26 =	rddreg [dreg:$0x9]  }
0x114: {  	s23 =	simm.s32 $0x80;
	s24 =	simm.s32 $0x780;
	s25 =	sadd.s32 $0x0, s26  }
.LBB2_16:
0x115: {  	[tilespmem:s22], [sflag:$0x1] =	stream.linear.gather [hbm4b:s25+s1], $0x80, $0x38;
	[tilespmem:$0xC000] =	vst v63  }
0x116: {  	s25 =	smov.u32 s23;
	s22 =	smov.u32 s24;
	p0 =	sne.s32 s23, $0xB80  }
.Ltmp7:
0x117: {  	s23 =	sadd.s32 $0x80, s23;
	(pc) =	sbr.rel @p0 .LBB2_16-.Ltmp7, $2  }
0x118: {  	_ =	sdelay $0x2  }
0x119: {  	s24 =	sadd.s32 $0x400, s24;
	s25 =	sadd.s32 s25, s26  }
0x11a: {  	[tilespmem:s22], [sflag:$0x1] =	stream.linear.gather [hbm4b:s25+s1], $0x80, $0x38;
	[tilespmem:$0xC000] =	vst v63  }
0x11b: {  	s26 =	simm.s32 $0x1  }
0x11c: {  	_ =	swait.ge [sflag:s26], $0xC00  }
0x11d: {  	[sflag:s26] =	ssyncset.done $0x0  }
0x11e: {  	[sflag:s26] =	ssyncadd.s32 $0xFFFFF400  }
0x11f: {  	_ =	swait.ge [sflag:s26], $0xC00  }
0x120: {  	[sflag:s26] =	ssyncset.done $0x0  }
0x121: {  	[sflag:s26] =	ssyncadd.s32 $0xFFFFF400  }
0x122: {  	_ =	swait.ge [sflag:s26], $0xC00  }
0x123: {  	[sflag:s26] =	ssyncset.done $0x0  }
0x124: {  	[sflag:s26] =	ssyncadd.s32 $0xFFFFF400  }
0x125: {  	_ =	swait.ge [sflag:s26], $0xC00  }
0x126: {  	[sflag:s26] =	ssyncset.done $0x0  }
0x127: {  	[sflag:s26] =	ssyncadd.s32 $0xFFFFF400  }
0x128: {  	_ =	swait.ge [sflag:s26], $0xC00  }
0x129: {  	[sflag:s26] =	ssyncset.done $0x0  }
0x12a: {  	[sflag:s26] =	ssyncadd.s32 $0xFFFFF400  }
0x12b: {  	_ =	swait.ge [sflag:s26], $0xC00  }
0x12c: {  	[sflag:s26] =	ssyncset.done $0x0  }
0x12d: {  	[sflag:s26] =	ssyncadd.s32 $0xFFFFF400  }
0x12e: {  	_ =	swait.ge [sflag:s26], $0xC00  }
0x12f: {  	[sflag:s26] =	ssyncset.done $0x0  }
0x130: {  	[sflag:s26] =	ssyncadd.s32 $0xFFFFF400  }
0x131: {  	_ =	swait.ge [sflag:s26], $0xC00  }
0x132: {  	[sflag:s26] =	ssyncset.done $0x0  }
0x133: {  	s22 =	simm.s32 $0x6000;
	[sflag:s26] =	ssyncadd.s32 $0xFFFFF400;
	s26 =	rddreg [dreg:$0xa]  }
0x134: {  	s23 =	simm.s32 $0x80;
	s24 =	simm.s32 $0x6400;
	s25 =	sadd.s32 $0x0, s26  }
.LBB2_18:
0x135: {  	[tilespmem:s22], [sflag:$0x2] =	stream.linear.gather [hbm4b:s25+s1], $0x80, $0x38;
	[tilespmem:$0xC000] =	vst v63  }
0x136: {  	s25 =	smov.u32 s23;
	s22 =	smov.u32 s24;
	p0 =	sne.s32 s23, $0xB80  }
.Ltmp8:
0x137: {  	s23 =	sadd.s32 $0x80, s23;
	(pc) =	sbr.rel @p0 .LBB2_18-.Ltmp8, $2  }
0x138: {  	_ =	sdelay $0x2  }
0x139: {  	s24 =	sadd.s32 $0x400, s24;
	s25 =	sadd.s32 s25, s26  }
0x13a: {  	[tilespmem:s22], [sflag:$0x2] =	stream.linear.gather [hbm4b:s25+s1], $0x80, $0x38;
	[tilespmem:$0xC000] =	vst v63  }
0x13b: {  	s22 =	simm.s32 $0x6080;
	s26 =	rddreg [dreg:$0xb]  }
0x13c: {  	s23 =	simm.s32 $0x80;
	s24 =	simm.s32 $0x6480;
	s25 =	sadd.s32 $0x0, s26  }
.LBB2_20:
0x13d: {  	[tilespmem:s22], [sflag:$0x2] =	stream.linear.gather [hbm4b:s25+s1], $0x80, $0x38;
	[tilespmem:$0xC000] =	vst v63  }
0x13e: {  	s25 =	smov.u32 s23;
	s22 =	smov.u32 s24;
	p0 =	sne.s32 s23, $0xB80  }
.Ltmp9:
0x13f: {  	s23 =	sadd.s32 $0x80, s23;
	(pc) =	sbr.rel @p0 .LBB2_20-.Ltmp9, $2  }
0x140: {  	_ =	sdelay $0x2  }
0x141: {  	s24 =	sadd.s32 $0x400, s24;
	s25 =	sadd.s32 s25, s26  }
0x142: {  	[tilespmem:s22], [sflag:$0x2] =	stream.linear.gather [hbm4b:s25+s1], $0x80, $0x38;
	[tilespmem:$0xC000] =	vst v63  }
0x143: {  	s22 =	simm.s32 $0x6100;
	s26 =	rddreg [dreg:$0xc]  }
0x144: {  	s23 =	simm.s32 $0x80;
	s24 =	simm.s32 $0x6500;
	s25 =	sadd.s32 $0x0, s26  }
.LBB2_22:
0x145: {  	[tilespmem:s22], [sflag:$0x2] =	stream.linear.gather [hbm4b:s25+s1], $0x80, $0x38;
	[tilespmem:$0xC000] =	vst v63  }
0x146: {  	s25 =	smov.u32 s23;
	s22 =	smov.u32 s24;
	p0 =	sne.s32 s23, $0xB80  }
.Ltmp10:
0x147: {  	s23 =	sadd.s32 $0x80, s23;
	(pc) =	sbr.rel @p0 .LBB2_22-.Ltmp10, $2  }
0x148: {  	_ =	sdelay $0x2  }
0x149: {  	s24 =	sadd.s32 $0x400, s24;
	s25 =	sadd.s32 s25, s26  }
0x14a: {  	[tilespmem:s22], [sflag:$0x2] =	stream.linear.gather [hbm4b:s25+s1], $0x80, $0x38;
	[tilespmem:$0xC000] =	vst v63  }
0x14b: {  	s22 =	simm.s32 $0x6180;
	s26 =	rddreg [dreg:$0xd]  }
0x14c: {  	s23 =	simm.s32 $0x80;
	s24 =	simm.s32 $0x6580;
	s25 =	sadd.s32 $0x0, s26  }
.LBB2_24:
0x14d: {  	[tilespmem:s22], [sflag:$0x2] =	stream.linear.gather [hbm4b:s25+s1], $0x80, $0x38;
	[tilespmem:$0xC000] =	vst v63  }
0x14e: {  	s25 =	smov.u32 s23;
	s22 =	smov.u32 s24;
	p0 =	sne.s32 s23, $0xB80  }
.Ltmp11:
0x14f: {  	s23 =	sadd.s32 $0x80, s23;
	(pc) =	sbr.rel @p0 .LBB2_24-.Ltmp11, $2  }
0x150: {  	_ =	sdelay $0x2  }
0x151: {  	s24 =	sadd.s32 $0x400, s24;
	s25 =	sadd.s32 s25, s26  }
0x152: {  	[tilespmem:s22], [sflag:$0x2] =	stream.linear.gather [hbm4b:s25+s1], $0x80, $0x38;
	[tilespmem:$0xC000] =	vst v63  }
0x153: {  	s22 =	simm.s32 $0x6200;
	s26 =	rddreg [dreg:$0xe]  }
0x154: {  	s23 =	simm.s32 $0x80;
	s24 =	simm.s32 $0x6600;
	s25 =	sadd.s32 $0x0, s26  }
.LBB2_26:
0x155: {  	[tilespmem:s22], [sflag:$0x2] =	stream.linear.gather [hbm4b:s25+s1], $0x80, $0x38;
	[tilespmem:$0xC000] =	vst v63  }
0x156: {  	s25 =	smov.u32 s23;
	s22 =	smov.u32 s24;
	p0 =	sne.s32 s23, $0xB80  }
.Ltmp12:
0x157: {  	s23 =	sadd.s32 $0x80, s23;
	(pc) =	sbr.rel @p0 .LBB2_26-.Ltmp12, $2  }
0x158: {  	_ =	sdelay $0x2  }
0x159: {  	s24 =	sadd.s32 $0x400, s24;
	s25 =	sadd.s32 s25, s26  }
0x15a: {  	[tilespmem:s22], [sflag:$0x2] =	stream.linear.gather [hbm4b:s25+s1], $0x80, $0x38;
	[tilespmem:$0xC000] =	vst v63  }
0x15b: {  	s22 =	simm.s32 $0x6280;
	s26 =	rddreg [dreg:$0xf]  }
0x15c: {  	s23 =	simm.s32 $0x80;
	s24 =	simm.s32 $0x6680;
	s25 =	sadd.s32 $0x0, s26  }
.LBB2_28:
0x15d: {  	[tilespmem:s22], [sflag:$0x2] =	stream.linear.gather [hbm4b:s25+s1], $0x80, $0x38;
	[tilespmem:$0xC000] =	vst v63  }
0x15e: {  	s25 =	smov.u32 s23;
	s22 =	smov.u32 s24;
	p0 =	sne.s32 s23, $0xB80  }
.Ltmp13:
0x15f: {  	s23 =	sadd.s32 $0x80, s23;
	(pc) =	sbr.rel @p0 .LBB2_28-.Ltmp13, $2  }
0x160: {  	_ =	sdelay $0x2  }
0x161: {  	s24 =	sadd.s32 $0x400, s24;
	s25 =	sadd.s32 s25, s26  }
0x162: {  	[tilespmem:s22], [sflag:$0x2] =	stream.linear.gather [hbm4b:s25+s1], $0x80, $0x38;
	[tilespmem:$0xC000] =	vst v63  }
0x163: {  	s22 =	simm.s32 $0x6300;
	s26 =	rddreg [dreg:$0x10]  }
0x164: {  	s23 =	simm.s32 $0x80;
	s24 =	simm.s32 $0x6700;
	s25 =	sadd.s32 $0x0, s26  }
.LBB2_30:
0x165: {  	[tilespmem:s22], [sflag:$0x2] =	stream.linear.gather [hbm4b:s25+s1], $0x80, $0x38;
	[tilespmem:$0xC000] =	vst v63  }
0x166: {  	s25 =	smov.u32 s23;
	s22 =	smov.u32 s24;
	p0 =	sne.s32 s23, $0xB80  }
.Ltmp14:
0x167: {  	s23 =	sadd.s32 $0x80, s23;
	(pc) =	sbr.rel @p0 .LBB2_30-.Ltmp14, $2  }
0x168: {  	_ =	sdelay $0x2  }
0x169: {  	s24 =	sadd.s32 $0x400, s24;
	s25 =	sadd.s32 s25, s26  }
0x16a: {  	[tilespmem:s22], [sflag:$0x2] =	stream.linear.gather [hbm4b:s25+s1], $0x80, $0x38;
	[tilespmem:$0xC000] =	vst v63  }
0x16b: {  	s22 =	simm.s32 $0x6380;
	s26 =	rddreg [dreg:$0x11]  }
0x16c: {  	s23 =	simm.s32 $0x80;
	s24 =	simm.s32 $0x6780;
	s25 =	sadd.s32 $0x0, s26  }
.LBB2_32:
0x16d: {  	[tilespmem:s22], [sflag:$0x2] =	stream.linear.gather [hbm4b:s25+s1], $0x80, $0x38;
	[tilespmem:$0xC000] =	vst v63  }
0x16e: {  	s25 =	smov.u32 s23;
	s22 =	smov.u32 s24;
	p0 =	sne.s32 s23, $0xB80  }
.Ltmp15:
0x16f: {  	s23 =	sadd.s32 $0x80, s23;
	(pc) =	sbr.rel @p0 .LBB2_32-.Ltmp15, $2  }
0x170: {  	_ =	sdelay $0x2  }
0x171: {  	s24 =	sadd.s32 $0x400, s24;
	s25 =	sadd.s32 s25, s26  }
0x172: {  	[tilespmem:s22], [sflag:$0x2] =	stream.linear.gather [hbm4b:s25+s1], $0x80, $0x38;
	[tilespmem:$0xC000] =	vst v63  }
0x173: {  	s22 =	simm.s32 $0x0;
	s23 =	rddreg [dreg:$0x1b];
	s25 =	simm.s32 $0x2  }
0x174: {  	[hbm4b:s23+s22] =	stream.linear.scatter [tilespmem:s22], [sflag:$0x3], $0x6000, $0x38;
	[tilespmem:$0xC000] =	vst v63  }
0x175: {  	_ =	swait.ge [sflag:s25], $0xC00  }
0x176: {  	[sflag:s25] =	ssyncset.done $0x0  }
0x177: {  	[sflag:s25] =	ssyncadd.s32 $0xFFFFF400  }
0x178: {  	_ =	swait.ge [sflag:s25], $0xC00  }
0x179: {  	[sflag:s25] =	ssyncset.done $0x0  }
0x17a: {  	[sflag:s25] =	ssyncadd.s32 $0xFFFFF400  }
0x17b: {  	_ =	swait.ge [sflag:s25], $0xC00  }
0x17c: {  	[sflag:s25] =	ssyncset.done $0x0  }
0x17d: {  	[sflag:s25] =	ssyncadd.s32 $0xFFFFF400  }
0x17e: {  	_ =	swait.ge [sflag:s25], $0xC00  }
0x17f: {  	[sflag:s25] =	ssyncset.done $0x0  }
0x180: {  	[sflag:s25] =	ssyncadd.s32 $0xFFFFF400  }
0x181: {  	_ =	swait.ge [sflag:s25], $0xC00  }
0x182: {  	[sflag:s25] =	ssyncset.done $0x0  }
0x183: {  	[sflag:s25] =	ssyncadd.s32 $0xFFFFF400  }
0x184: {  	_ =	swait.ge [sflag:s25], $0xC00  }
0x185: {  	[sflag:s25] =	ssyncset.done $0x0  }
0x186: {  	[sflag:s25] =	ssyncadd.s32 $0xFFFFF400  }
0x187: {  	_ =	swait.ge [sflag:s25], $0xC00  }
0x188: {  	[sflag:s25] =	ssyncset.done $0x0  }
0x189: {  	[sflag:s25] =	ssyncadd.s32 $0xFFFFF400  }
0x18a: {  	_ =	swait.ge [sflag:s25], $0xC00  }
0x18b: {  	[sflag:s25] =	ssyncset.done $0x0  }
0x18c: {  	s26 =	simm.s32 $0x3;
	[sflag:s25] =	ssyncadd.s32 $0xFFFFF400  }
0x18d: {  	_ =	swait.ge [sflag:s26], $0x6000  }
0x18e: {  	[sflag:s26] =	ssyncset.done $0x0  }
0x18f: {  	[sflag:s26] =	ssyncadd.s32 $0xFFFFA000;
	s26 =	rddreg [dreg:$0x12]  }
0x190: {  	s24 =	simm.s32 $0x400;
	s23 =	simm.s32 $0x80;
	s25 =	sadd.s32 $0x0, s26  }
.LBB2_34:
0x191: {  	[tilespmem:s22], [sflag:$0x1] =	stream.linear.gather [hbm4b:s25+s1], $0x80, $0x38;
	[tilespmem:$0xC000] =	vst v63  }
0x192: {  	s25 =	smov.u32 s23;
	s22 =	smov.u32 s24;
	p0 =	sne.s32 s23, $0xB80  }
.Ltmp16:
0x193: {  	s23 =	sadd.s32 $0x80, s23;
	(pc) =	sbr.rel @p0 .LBB2_34-.Ltmp16, $2  }
0x194: {  	_ =	sdelay $0x2  }
0x195: {  	s24 =	sadd.s32 $0x400, s24;
	s25 =	sadd.s32 s25, s26  }
0x196: {  	[tilespmem:s22], [sflag:$0x1] =	stream.linear.gather [hbm4b:s25+s1], $0x80, $0x38;
	[tilespmem:$0xC000] =	vst v63  }
0x197: {  	s22 =	simm.s32 $0x80;
	s26 =	rddreg [dreg:$0x13]  }
0x198: {  	s23 =	simm.s32 $0x80;
	s24 =	simm.s32 $0x480;
	s25 =	sadd.s32 $0x0, s26  }
.LBB2_36:
0x199: {  	[tilespmem:s22], [sflag:$0x1] =	stream.linear.gather [hbm4b:s25+s1], $0x80, $0x38;
	[tilespmem:$0xC000] =	vst v63  }
0x19a: {  	s25 =	smov.u32 s23;
	s22 =	smov.u32 s24;
	p0 =	sne.s32 s23, $0xB80  }
.Ltmp17:
0x19b: {  	s23 =	sadd.s32 $0x80, s23;
	(pc) =	sbr.rel @p0 .LBB2_36-.Ltmp17, $2  }
0x19c: {  	_ =	sdelay $0x2  }
0x19d: {  	s24 =	sadd.s32 $0x400, s24;
	s25 =	sadd.s32 s25, s26  }
0x19e: {  	[tilespmem:s22], [sflag:$0x1] =	stream.linear.gather [hbm4b:s25+s1], $0x80, $0x38;
	[tilespmem:$0xC000] =	vst v63  }
0x19f: {  	s22 =	simm.s32 $0x100;
	s26 =	rddreg [dreg:$0x14]  }
0x1a0: {  	s23 =	simm.s32 $0x80;
	s24 =	simm.s32 $0x500;
	s25 =	sadd.s32 $0x0, s26  }
.LBB2_38:
0x1a1: {  	[tilespmem:s22], [sflag:$0x1] =	stream.linear.gather [hbm4b:s25+s1], $0x80, $0x38;
	[tilespmem:$0xC000] =	vst v63  }
0x1a2: {  	s25 =	smov.u32 s23;
	s22 =	smov.u32 s24;
	p0 =	sne.s32 s23, $0xB80  }
.Ltmp18:
0x1a3: {  	s23 =	sadd.s32 $0x80, s23;
	(pc) =	sbr.rel @p0 .LBB2_38-.Ltmp18, $2  }
0x1a4: {  	_ =	sdelay $0x2  }
0x1a5: {  	s24 =	sadd.s32 $0x400, s24;
	s25 =	sadd.s32 s25, s26  }
0x1a6: {  	[tilespmem:s22], [sflag:$0x1] =	stream.linear.gather [hbm4b:s25+s1], $0x80, $0x38;
	[tilespmem:$0xC000] =	vst v63  }
0x1a7: {  	s22 =	simm.s32 $0x180;
	s26 =	rddreg [dreg:$0x15]  }
0x1a8: {  	s23 =	simm.s32 $0x80;
	s24 =	simm.s32 $0x580;
	s25 =	sadd.s32 $0x0, s26  }
.LBB2_40:
0x1a9: {  	[tilespmem:s22], [sflag:$0x1] =	stream.linear.gather [hbm4b:s25+s1], $0x80, $0x38;
	[tilespmem:$0xC000] =	vst v63  }
0x1aa: {  	s25 =	smov.u32 s23;
	s22 =	smov.u32 s24;
	p0 =	sne.s32 s23, $0xB80  }
.Ltmp19:
0x1ab: {  	s23 =	sadd.s32 $0x80, s23;
	(pc) =	sbr.rel @p0 .LBB2_40-.Ltmp19, $2  }
0x1ac: {  	_ =	sdelay $0x2  }
0x1ad: {  	s24 =	sadd.s32 $0x400, s24;
	s25 =	sadd.s32 s25, s26  }
0x1ae: {  	[tilespmem:s22], [sflag:$0x1] =	stream.linear.gather [hbm4b:s25+s1], $0x80, $0x38;
	[tilespmem:$0xC000] =	vst v63  }
0x1af: {  	s22 =	simm.s32 $0x200;
	s26 =	rddreg [dreg:$0x16]  }
0x1b0: {  	s23 =	simm.s32 $0x80;
	s24 =	simm.s32 $0x600;
	s25 =	sadd.s32 $0x0, s26  }
.LBB2_42:
0x1b1: {  	[tilespmem:s22], [sflag:$0x1] =	stream.linear.gather [hbm4b:s25+s1], $0x80, $0x38;
	[tilespmem:$0xC000] =	vst v63  }
0x1b2: {  	s25 =	smov.u32 s23;
	s22 =	smov.u32 s24;
	p0 =	sne.s32 s23, $0xB80  }
.Ltmp20:
0x1b3: {  	s23 =	sadd.s32 $0x80, s23;
	(pc) =	sbr.rel @p0 .LBB2_42-.Ltmp20, $2  }
0x1b4: {  	_ =	sdelay $0x2  }
0x1b5: {  	s24 =	sadd.s32 $0x400, s24;
	s25 =	sadd.s32 s25, s26  }
0x1b6: {  	[tilespmem:s22], [sflag:$0x1] =	stream.linear.gather [hbm4b:s25+s1], $0x80, $0x38;
	[tilespmem:$0xC000] =	vst v63  }
0x1b7: {  	s22 =	simm.s32 $0x280;
	s26 =	rddreg [dreg:$0x17]  }
0x1b8: {  	s23 =	simm.s32 $0x80;
	s24 =	simm.s32 $0x680;
	s25 =	sadd.s32 $0x0, s26  }
.LBB2_44:
0x1b9: {  	[tilespmem:s22], [sflag:$0x1] =	stream.linear.gather [hbm4b:s25+s1], $0x80, $0x38;
	[tilespmem:$0xC000] =	vst v63  }
0x1ba: {  	s25 =	smov.u32 s23;
	s22 =	smov.u32 s24;
	p0 =	sne.s32 s23, $0xB80  }
.Ltmp21:
0x1bb: {  	s23 =	sadd.s32 $0x80, s23;
	(pc) =	sbr.rel @p0 .LBB2_44-.Ltmp21, $2  }
0x1bc: {  	_ =	sdelay $0x2  }
0x1bd: {  	s24 =	sadd.s32 $0x400, s24;
	s25 =	sadd.s32 s25, s26  }
0x1be: {  	[tilespmem:s22], [sflag:$0x1] =	stream.linear.gather [hbm4b:s25+s1], $0x80, $0x38;
	[tilespmem:$0xC000] =	vst v63  }
0x1bf: {  	s22 =	simm.s32 $0x300;
	s26 =	rddreg [dreg:$0x18]  }
0x1c0: {  	s23 =	simm.s32 $0x80;
	s24 =	simm.s32 $0x700;
	s25 =	sadd.s32 $0x0, s26  }
.LBB2_46:
0x1c1: {  	[tilespmem:s22], [sflag:$0x1] =	stream.linear.gather [hbm4b:s25+s1], $0x80, $0x38;
	[tilespmem:$0xC000] =	vst v63  }
0x1c2: {  	s25 =	smov.u32 s23;
	s22 =	smov.u32 s24;
	p0 =	sne.s32 s23, $0xB80  }
.Ltmp22:
0x1c3: {  	s23 =	sadd.s32 $0x80, s23;
	(pc) =	sbr.rel @p0 .LBB2_46-.Ltmp22, $2  }
0x1c4: {  	_ =	sdelay $0x2  }
0x1c5: {  	s24 =	sadd.s32 $0x400, s24;
	s25 =	sadd.s32 s25, s26  }
0x1c6: {  	[tilespmem:s22], [sflag:$0x1] =	stream.linear.gather [hbm4b:s25+s1], $0x80, $0x38;
	[tilespmem:$0xC000] =	vst v63  }
0x1c7: {  	s22 =	simm.s32 $0x380;
	s26 =	rddreg [dreg:$0x19]  }
0x1c8: {  	s23 =	simm.s32 $0x80;
	s24 =	simm.s32 $0x780;
	s25 =	sadd.s32 $0x0, s26  }
.LBB2_48:
0x1c9: {  	[tilespmem:s22], [sflag:$0x1] =	stream.linear.gather [hbm4b:s25+s1], $0x80, $0x38;
	[tilespmem:$0xC000] =	vst v63  }
0x1ca: {  	s25 =	smov.u32 s23;
	s22 =	smov.u32 s24;
	p0 =	sne.s32 s23, $0xB80  }
.Ltmp23:
0x1cb: {  	s23 =	sadd.s32 $0x80, s23;
	(pc) =	sbr.rel @p0 .LBB2_48-.Ltmp23, $2  }
0x1cc: {  	_ =	sdelay $0x2  }
0x1cd: {  	s24 =	sadd.s32 $0x400, s24;
	s25 =	sadd.s32 s25, s26  }
0x1ce: {  	[tilespmem:s22], [sflag:$0x1] =	stream.linear.gather [hbm4b:s25+s1], $0x80, $0x38;
	[tilespmem:$0xC000] =	vst v63  }
0x1cf: {  	s23 =	simm.s32 $0x0  }
0x1d0: {  	s22 =	simm.s32 $0x6000;
	s24 =	rddreg [dreg:$0x1c];
	s25 =	simm.s32 $0x1  }
0x1d1: {  	[hbm4b:s24+s23] =	stream.linear.scatter [tilespmem:s22], [sflag:$0x4], $0x6000, $0x38;
	[tilespmem:$0xC000] =	vst v63  }
0x1d2: {  	_ =	swait.ge [sflag:s25], $0xC00  }
0x1d3: {  	[sflag:s25] =	ssyncset.done $0x0  }
0x1d4: {  	[sflag:s25] =	ssyncadd.s32 $0xFFFFF400  }
0x1d5: {  	_ =	swait.ge [sflag:s25], $0xC00  }
0x1d6: {  	[sflag:s25] =	ssyncset.done $0x0  }
0x1d7: {  	[sflag:s25] =	ssyncadd.s32 $0xFFFFF400  }
0x1d8: {  	_ =	swait.ge [sflag:s25], $0xC00  }
0x1d9: {  	[sflag:s25] =	ssyncset.done $0x0  }
0x1da: {  	[sflag:s25] =	ssyncadd.s32 $0xFFFFF400  }
0x1db: {  	_ =	swait.ge [sflag:s25], $0xC00  }
0x1dc: {  	[sflag:s25] =	ssyncset.done $0x0  }
0x1dd: {  	[sflag:s25] =	ssyncadd.s32 $0xFFFFF400  }
0x1de: {  	_ =	swait.ge [sflag:s25], $0xC00  }
0x1df: {  	[sflag:s25] =	ssyncset.done $0x0  }
0x1e0: {  	[sflag:s25] =	ssyncadd.s32 $0xFFFFF400  }
0x1e1: {  	_ =	swait.ge [sflag:s25], $0xC00  }
0x1e2: {  	[sflag:s25] =	ssyncset.done $0x0  }
0x1e3: {  	[sflag:s25] =	ssyncadd.s32 $0xFFFFF400  }
0x1e4: {  	_ =	swait.ge [sflag:s25], $0xC00  }
0x1e5: {  	[sflag:s25] =	ssyncset.done $0x0  }
0x1e6: {  	[sflag:s25] =	ssyncadd.s32 $0xFFFFF400  }
0x1e7: {  	_ =	swait.ge [sflag:s25], $0xC00  }
0x1e8: {  	[sflag:s25] =	ssyncset.done $0x0  }
0x1e9: {  	s26 =	simm.s32 $0x4;
	[sflag:s25] =	ssyncadd.s32 $0xFFFFF400  }
0x1ea: {  	_ =	swait.ge [sflag:s26], $0x6000  }
0x1eb: {  	[sflag:s26] =	ssyncset.done $0x0  }
0x1ec: {  	[sflag:s26] =	ssyncadd.s32 $0xFFFFA000;
	s26 =	rddreg [dreg:$0x1a]  }
0x1ed: {  	s23 =	simm.s32 $0x80;
	s24 =	simm.s32 $0x6400;
	s25 =	sadd.s32 $0x0, s26  }
.LBB2_50:
0x1ee: {  	[tilespmem:s22], [sflag:$0x2] =	stream.linear.gather [hbm4b:s25+s1], $0x80, $0x38;
	[tilespmem:$0xC000] =	vst v63  }
0x1ef: {  	s25 =	smov.u32 s23;
	s22 =	smov.u32 s24;
	p0 =	sne.s32 s23, $0xB80  }
.Ltmp24:
0x1f0: {  	s23 =	sadd.s32 $0x80, s23;
	(pc) =	sbr.rel @p0 .LBB2_50-.Ltmp24, $2  }
0x1f1: {  	_ =	sdelay $0x2  }
0x1f2: {  	s24 =	sadd.s32 $0x400, s24;
	s25 =	sadd.s32 s25, s26  }
0x1f3: {  	[tilespmem:s22], [sflag:$0x2] =	stream.linear.gather [hbm4b:s25+s1], $0x80, $0x38;
	[tilespmem:$0xC000] =	vst v63  }
0x1f4: {  	s22 =	simm.s32 $0x6080  }
0x1f5: {  	s23 =	simm.s32 $0x80;
	s25 =	sadd.s32 $0x0, s28;
	s24 =	simm.s32 $0x6480  }
.LBB2_52:
0x1f6: {  	[tilespmem:s22], [sflag:$0x2] =	stream.linear.gather [hbm4b:s25+s1], $0x80, $0x38;
	[tilespmem:$0xC000] =	vst v63  }
0x1f7: {  	s25 =	smov.u32 s23;
	s22 =	smov.u32 s24;
	p0 =	sne.s32 s23, $0xB80  }
.Ltmp25:
0x1f8: {  	s23 =	sadd.s32 $0x80, s23;
	(pc) =	sbr.rel @p0 .LBB2_52-.Ltmp25, $2  }
0x1f9: {  	_ =	sdelay $0x2  }
0x1fa: {  	s24 =	sadd.s32 $0x400, s24;
	s25 =	sadd.s32 s25, s28  }
0x1fb: {  	[tilespmem:s22], [sflag:$0x2] =	stream.linear.gather [hbm4b:s25+s1], $0x80, $0x38;
	[tilespmem:$0xC000] =	vst v63  }
0x1fc: {  	s22 =	simm.s32 $0x6100  }
0x1fd: {  	s23 =	simm.s32 $0x80;
	s25 =	sadd.s32 $0x0, s29;
	s24 =	simm.s32 $0x6500  }
.LBB2_54:
0x1fe: {  	[tilespmem:s22], [sflag:$0x2] =	stream.linear.gather [hbm4b:s25+s1], $0x80, $0x38;
	[tilespmem:$0xC000] =	vst v63  }
0x1ff: {  	s25 =	smov.u32 s23;
	s22 =	smov.u32 s24;
	p0 =	sne.s32 s23, $0xB80  }
.Ltmp26:
0x200: {  	s23 =	sadd.s32 $0x80, s23;
	(pc) =	sbr.rel @p0 .LBB2_54-.Ltmp26, $2  }
0x201: {  	_ =	sdelay $0x2  }
0x202: {  	s24 =	sadd.s32 $0x400, s24;
	s25 =	sadd.s32 s25, s29  }
0x203: {  	[tilespmem:s22], [sflag:$0x2] =	stream.linear.gather [hbm4b:s25+s1], $0x80, $0x38;
	[tilespmem:$0xC000] =	vst v63  }
0x204: {  	s22 =	simm.s32 $0x6180  }
0x205: {  	s23 =	simm.s32 $0x80;
	s25 =	sadd.s32 $0x0, s30;
	s24 =	simm.s32 $0x6580  }
.LBB2_56:
0x206: {  	[tilespmem:s22], [sflag:$0x2] =	stream.linear.gather [hbm4b:s25+s1], $0x80, $0x38;
	[tilespmem:$0xC000] =	vst v63  }
0x207: {  	s25 =	smov.u32 s23;
	s22 =	smov.u32 s24;
	p0 =	sne.s32 s23, $0xB80  }
.Ltmp27:
0x208: {  	s23 =	sadd.s32 $0x80, s23;
	(pc) =	sbr.rel @p0 .LBB2_56-.Ltmp27, $2  }
0x209: {  	_ =	sdelay $0x2  }
0x20a: {  	s24 =	sadd.s32 $0x400, s24;
	s25 =	sadd.s32 s25, s30  }
0x20b: {  	[tilespmem:s22], [sflag:$0x2] =	stream.linear.gather [hbm4b:s25+s1], $0x80, $0x38;
	[tilespmem:$0xC000] =	vst v63  }
0x20c: {  	s22 =	simm.s32 $0x6200  }
0x20d: {  	s23 =	simm.s32 $0x80;
	s25 =	sadd.s32 $0x0, s31;
	s24 =	simm.s32 $0x6600  }
.LBB2_58:
0x20e: {  	[tilespmem:s22], [sflag:$0x2] =	stream.linear.gather [hbm4b:s25+s1], $0x80, $0x38;
	[tilespmem:$0xC000] =	vst v63  }
0x20f: {  	s25 =	smov.u32 s23;
	s22 =	smov.u32 s24;
	p0 =	sne.s32 s23, $0xB80  }
.Ltmp28:
0x210: {  	s23 =	sadd.s32 $0x80, s23;
	(pc) =	sbr.rel @p0 .LBB2_58-.Ltmp28, $2  }
0x211: {  	_ =	sdelay $0x2  }
0x212: {  	s24 =	sadd.s32 $0x400, s24;
	s25 =	sadd.s32 s25, s31  }
0x213: {  	[tilespmem:s22], [sflag:$0x2] =	stream.linear.gather [hbm4b:s25+s1], $0x80, $0x38;
	[tilespmem:$0xC000] =	vst v63  }
0x214: {  	s22 =	simm.s32 $0x6280  }
0x215: {  	s23 =	simm.s32 $0x80;
	s25 =	sadd.s32 $0x0, s0;
	s24 =	simm.s32 $0x6680  }
.LBB2_60:
0x216: {  	[tilespmem:s22], [sflag:$0x2] =	stream.linear.gather [hbm4b:s25+s1], $0x80, $0x38;
	[tilespmem:$0xC000] =	vst v63  }
0x217: {  	s25 =	smov.u32 s23;
	s22 =	smov.u32 s24;
	p0 =	sne.s32 s23, $0xB80  }
.Ltmp29:
0x218: {  	s23 =	sadd.s32 $0x80, s23;
	(pc) =	sbr.rel @p0 .LBB2_60-.Ltmp29, $2  }
0x219: {  	_ =	sdelay $0x2  }
0x21a: {  	s24 =	sadd.s32 $0x400, s24;
	s25 =	sadd.s32 s25, s0  }
0x21b: {  	[tilespmem:s22], [sflag:$0x2] =	stream.linear.gather [hbm4b:s25+s1], $0x80, $0x38;
	[tilespmem:$0xC000] =	vst v63  }
0x21c: {  	s22 =	simm.s32 $0x6300  }
0x21d: {  	s23 =	simm.s32 $0x80;
	s25 =	sadd.s32 $0x0, s2;
	s24 =	simm.s32 $0x6700  }
.LBB2_62:
0x21e: {  	[tilespmem:s22], [sflag:$0x2] =	stream.linear.gather [hbm4b:s25+s1], $0x80, $0x38;
	[tilespmem:$0xC000] =	vst v63  }
0x21f: {  	s25 =	smov.u32 s23;
	s22 =	smov.u32 s24;
	p0 =	sne.s32 s23, $0xB80  }
.Ltmp30:
0x220: {  	s23 =	sadd.s32 $0x80, s23;
	(pc) =	sbr.rel @p0 .LBB2_62-.Ltmp30, $2  }
0x221: {  	_ =	sdelay $0x2  }
0x222: {  	s24 =	sadd.s32 $0x400, s24;
	s25 =	sadd.s32 s25, s2  }
0x223: {  	[tilespmem:s22], [sflag:$0x2] =	stream.linear.gather [hbm4b:s25+s1], $0x80, $0x38;
	[tilespmem:$0xC000] =	vst v63  }
0x224: {  	s22 =	simm.s32 $0x6380  }
0x225: {  	s23 =	simm.s32 $0x80;
	s25 =	sadd.s32 $0x0, s3;
	s24 =	simm.s32 $0x6780  }
.LBB2_64:
0x226: {  	[tilespmem:s22], [sflag:$0x2] =	stream.linear.gather [hbm4b:s25+s1], $0x80, $0x38;
	[tilespmem:$0xC000] =	vst v63  }
0x227: {  	s25 =	smov.u32 s23;
	s22 =	smov.u32 s24;
	p0 =	sne.s32 s23, $0xB80  }
.Ltmp31:
0x228: {  	s23 =	sadd.s32 $0x80, s23;
	(pc) =	sbr.rel @p0 .LBB2_64-.Ltmp31, $2  }
0x229: {  	_ =	sdelay $0x2  }
0x22a: {  	s24 =	sadd.s32 $0x400, s24;
	s25 =	sadd.s32 s25, s3  }
0x22b: {  	[tilespmem:s22], [sflag:$0x2] =	stream.linear.gather [hbm4b:s25+s1], $0x80, $0x38;
	[tilespmem:$0xC000] =	vst v63  }
0x22c: {  	s22 =	simm.s32 $0x0;
	s23 =	rddreg [dreg:$0x1d];
	s25 =	simm.s32 $0x2  }
0x22d: {  	[hbm4b:s23+s22] =	stream.linear.scatter [tilespmem:s22], [sflag:$0x3], $0x6000, $0x38;
	[tilespmem:$0xC000] =	vst v63  }
0x22e: {  	_ =	swait.ge [sflag:s25], $0xC00  }
0x22f: {  	[sflag:s25] =	ssyncset.done $0x0  }
0x230: {  	[sflag:s25] =	ssyncadd.s32 $0xFFFFF400  }
0x231: {  	_ =	swait.ge [sflag:s25], $0xC00  }
0x232: {  	[sflag:s25] =	ssyncset.done $0x0  }
0x233: {  	[sflag:s25] =	ssyncadd.s32 $0xFFFFF400  }
0x234: {  	_ =	swait.ge [sflag:s25], $0xC00  }
0x235: {  	[sflag:s25] =	ssyncset.done $0x0  }
0x236: {  	[sflag:s25] =	ssyncadd.s32 $0xFFFFF400  }
0x237: {  	_ =	swait.ge [sflag:s25], $0xC00  }
0x238: {  	[sflag:s25] =	ssyncset.done $0x0  }
0x239: {  	[sflag:s25] =	ssyncadd.s32 $0xFFFFF400  }
0x23a: {  	_ =	swait.ge [sflag:s25], $0xC00  }
0x23b: {  	[sflag:s25] =	ssyncset.done $0x0  }
0x23c: {  	[sflag:s25] =	ssyncadd.s32 $0xFFFFF400  }
0x23d: {  	_ =	swait.ge [sflag:s25], $0xC00  }
0x23e: {  	[sflag:s25] =	ssyncset.done $0x0  }
0x23f: {  	[sflag:s25] =	ssyncadd.s32 $0xFFFFF400  }
0x240: {  	_ =	swait.ge [sflag:s25], $0xC00  }
0x241: {  	[sflag:s25] =	ssyncset.done $0x0  }
0x242: {  	[sflag:s25] =	ssyncadd.s32 $0xFFFFF400  }
0x243: {  	_ =	swait.ge [sflag:s25], $0xC00  }
0x244: {  	[sflag:s25] =	ssyncset.done $0x0  }
0x245: {  	s26 =	simm.s32 $0x3;
	[sflag:s25] =	ssyncadd.s32 $0xFFFFF400  }
0x246: {  	_ =	swait.ge [sflag:s26], $0x6000  }
0x247: {  	s24 =	simm.s32 $0x400;
	[sflag:s26] =	ssyncset.done $0x0  }
0x248: {  	s23 =	simm.s32 $0x80;
	s25 =	sadd.s32 $0x0, s4;
	[sflag:s26] =	ssyncadd.s32 $0xFFFFA000  }
.LBB2_66:
0x249: {  	[tilespmem:s22], [sflag:$0x1] =	stream.linear.gather [hbm4b:s25+s1], $0x80, $0x38;
	[tilespmem:$0xC000] =	vst v63  }
0x24a: {  	s25 =	smov.u32 s23;
	s22 =	smov.u32 s24;
	p0 =	sne.s32 s23, $0xB80  }
.Ltmp32:
0x24b: {  	s23 =	sadd.s32 $0x80, s23;
	(pc) =	sbr.rel @p0 .LBB2_66-.Ltmp32, $2  }
0x24c: {  	_ =	sdelay $0x2  }
0x24d: {  	s24 =	sadd.s32 $0x400, s24;
	s25 =	sadd.s32 s25, s4  }
0x24e: {  	[tilespmem:s22], [sflag:$0x1] =	stream.linear.gather [hbm4b:s25+s1], $0x80, $0x38;
	[tilespmem:$0xC000] =	vst v63  }
0x24f: {  	s22 =	simm.s32 $0x80  }
0x250: {  	s23 =	simm.s32 $0x80;
	s25 =	sadd.s32 $0x0, s5;
	s24 =	simm.s32 $0x480  }
.LBB2_68:
0x251: {  	[tilespmem:s22], [sflag:$0x1] =	stream.linear.gather [hbm4b:s25+s1], $0x80, $0x38;
	[tilespmem:$0xC000] =	vst v63  }
0x252: {  	s25 =	smov.u32 s23;
	s22 =	smov.u32 s24;
	p0 =	sne.s32 s23, $0xB80  }
.Ltmp33:
0x253: {  	s23 =	sadd.s32 $0x80, s23;
	(pc) =	sbr.rel @p0 .LBB2_68-.Ltmp33, $2  }
0x254: {  	_ =	sdelay $0x2  }
0x255: {  	s24 =	sadd.s32 $0x400, s24;
	s25 =	sadd.s32 s25, s5  }
0x256: {  	[tilespmem:s22], [sflag:$0x1] =	stream.linear.gather [hbm4b:s25+s1], $0x80, $0x38;
	[tilespmem:$0xC000] =	vst v63  }
0x257: {  	s22 =	simm.s32 $0x100  }
0x258: {  	s23 =	simm.s32 $0x80;
	s25 =	sadd.s32 $0x0, s6;
	s24 =	simm.s32 $0x500  }
.LBB2_70:
0x259: {  	[tilespmem:s22], [sflag:$0x1] =	stream.linear.gather [hbm4b:s25+s1], $0x80, $0x38;
	[tilespmem:$0xC000] =	vst v63  }
0x25a: {  	s25 =	smov.u32 s23;
	s22 =	smov.u32 s24;
	p0 =	sne.s32 s23, $0xB80  }
.Ltmp34:
0x25b: {  	s23 =	sadd.s32 $0x80, s23;
	(pc) =	sbr.rel @p0 .LBB2_70-.Ltmp34, $2  }
0x25c: {  	_ =	sdelay $0x2  }
0x25d: {  	s24 =	sadd.s32 $0x400, s24;
	s25 =	sadd.s32 s25, s6  }
0x25e: {  	[tilespmem:s22], [sflag:$0x1] =	stream.linear.gather [hbm4b:s25+s1], $0x80, $0x38;
	[tilespmem:$0xC000] =	vst v63  }
0x25f: {  	s22 =	simm.s32 $0x180  }
0x260: {  	s23 =	simm.s32 $0x80;
	s25 =	sadd.s32 $0x0, s7;
	s24 =	simm.s32 $0x580  }
.LBB2_72:
0x261: {  	[tilespmem:s22], [sflag:$0x1] =	stream.linear.gather [hbm4b:s25+s1], $0x80, $0x38;
	[tilespmem:$0xC000] =	vst v63  }
0x262: {  	s25 =	smov.u32 s23;
	s22 =	smov.u32 s24;
	p0 =	sne.s32 s23, $0xB80  }
.Ltmp35:
0x263: {  	s23 =	sadd.s32 $0x80, s23;
	(pc) =	sbr.rel @p0 .LBB2_72-.Ltmp35, $2  }
0x264: {  	_ =	sdelay $0x2  }
0x265: {  	s24 =	sadd.s32 $0x400, s24;
	s25 =	sadd.s32 s25, s7  }
0x266: {  	[tilespmem:s22], [sflag:$0x1] =	stream.linear.gather [hbm4b:s25+s1], $0x80, $0x38;
	[tilespmem:$0xC000] =	vst v63  }
0x267: {  	s22 =	simm.s32 $0x200  }
0x268: {  	s23 =	simm.s32 $0x80;
	s25 =	sadd.s32 $0x0, s8;
	s24 =	simm.s32 $0x600  }
.LBB2_74:
0x269: {  	[tilespmem:s22], [sflag:$0x1] =	stream.linear.gather [hbm4b:s25+s1], $0x80, $0x38;
	[tilespmem:$0xC000] =	vst v63  }
0x26a: {  	s25 =	smov.u32 s23;
	s22 =	smov.u32 s24;
	p0 =	sne.s32 s23, $0xB80  }
.Ltmp36:
0x26b: {  	s23 =	sadd.s32 $0x80, s23;
	(pc) =	sbr.rel @p0 .LBB2_74-.Ltmp36, $2  }
0x26c: {  	_ =	sdelay $0x2  }
0x26d: {  	s24 =	sadd.s32 $0x400, s24;
	s25 =	sadd.s32 s25, s8  }
0x26e: {  	[tilespmem:s22], [sflag:$0x1] =	stream.linear.gather [hbm4b:s25+s1], $0x80, $0x38;
	[tilespmem:$0xC000] =	vst v63  }
0x26f: {  	s22 =	simm.s32 $0x280  }
0x270: {  	s23 =	simm.s32 $0x80;
	s25 =	sadd.s32 $0x0, s9;
	s24 =	simm.s32 $0x680  }
.LBB2_76:
0x271: {  	[tilespmem:s22], [sflag:$0x1] =	stream.linear.gather [hbm4b:s25+s1], $0x80, $0x38;
	[tilespmem:$0xC000] =	vst v63  }
0x272: {  	s25 =	smov.u32 s23;
	s22 =	smov.u32 s24;
	p0 =	sne.s32 s23, $0xB80  }
.Ltmp37:
0x273: {  	s23 =	sadd.s32 $0x80, s23;
	(pc) =	sbr.rel @p0 .LBB2_76-.Ltmp37, $2  }
0x274: {  	_ =	sdelay $0x2  }
0x275: {  	s24 =	sadd.s32 $0x400, s24;
	s25 =	sadd.s32 s25, s9  }
0x276: {  	[tilespmem:s22], [sflag:$0x1] =	stream.linear.gather [hbm4b:s25+s1], $0x80, $0x38;
	[tilespmem:$0xC000] =	vst v63  }
0x277: {  	s22 =	simm.s32 $0x300  }
0x278: {  	s23 =	simm.s32 $0x80;
	s25 =	sadd.s32 $0x0, s10;
	s24 =	simm.s32 $0x700  }
.LBB2_78:
0x279: {  	[tilespmem:s22], [sflag:$0x1] =	stream.linear.gather [hbm4b:s25+s1], $0x80, $0x38;
	[tilespmem:$0xC000] =	vst v63  }
0x27a: {  	s25 =	smov.u32 s23;
	s22 =	smov.u32 s24;
	p0 =	sne.s32 s23, $0xB80  }
.Ltmp38:
0x27b: {  	s23 =	sadd.s32 $0x80, s23;
	(pc) =	sbr.rel @p0 .LBB2_78-.Ltmp38, $2  }
0x27c: {  	_ =	sdelay $0x2  }
0x27d: {  	s24 =	sadd.s32 $0x400, s24;
	s25 =	sadd.s32 s25, s10  }
0x27e: {  	[tilespmem:s22], [sflag:$0x1] =	stream.linear.gather [hbm4b:s25+s1], $0x80, $0x38;
	[tilespmem:$0xC000] =	vst v63  }
0x27f: {  	s22 =	simm.s32 $0x380  }
0x280: {  	s23 =	simm.s32 $0x80;
	s25 =	sadd.s32 $0x0, s11;
	s24 =	simm.s32 $0x780  }
.LBB2_80:
0x281: {  	[tilespmem:s22], [sflag:$0x1] =	stream.linear.gather [hbm4b:s25+s1], $0x80, $0x38;
	[tilespmem:$0xC000] =	vst v63  }
0x282: {  	s25 =	smov.u32 s23;
	s22 =	smov.u32 s24;
	p0 =	sne.s32 s23, $0xB80  }
.Ltmp39:
0x283: {  	s23 =	sadd.s32 $0x80, s23;
	(pc) =	sbr.rel @p0 .LBB2_80-.Ltmp39, $2  }
0x284: {  	_ =	sdelay $0x2  }
0x285: {  	s24 =	sadd.s32 $0x400, s24;
	s25 =	sadd.s32 s25, s11  }
0x286: {  	[tilespmem:s22], [sflag:$0x1] =	stream.linear.gather [hbm4b:s25+s1], $0x80, $0x38;
	[tilespmem:$0xC000] =	vst v63  }
0x287: {  	s23 =	simm.s32 $0x0  }
0x288: {  	s22 =	simm.s32 $0x6000;
	s24 =	rddreg [dreg:$0x1e];
	s25 =	simm.s32 $0x1  }
0x289: {  	[hbm4b:s24+s23] =	stream.linear.scatter [tilespmem:s22], [sflag:$0x4], $0x6000, $0x38;
	[tilespmem:$0xC000] =	vst v63  }
0x28a: {  	_ =	swait.ge [sflag:s25], $0xC00  }
0x28b: {  	[sflag:s25] =	ssyncset.done $0x0  }
0x28c: {  	[sflag:s25] =	ssyncadd.s32 $0xFFFFF400  }
0x28d: {  	_ =	swait.ge [sflag:s25], $0xC00  }
0x28e: {  	[sflag:s25] =	ssyncset.done $0x0  }
0x28f: {  	[sflag:s25] =	ssyncadd.s32 $0xFFFFF400  }
0x290: {  	_ =	swait.ge [sflag:s25], $0xC00  }
0x291: {  	[sflag:s25] =	ssyncset.done $0x0  }
0x292: {  	[sflag:s25] =	ssyncadd.s32 $0xFFFFF400  }
0x293: {  	_ =	swait.ge [sflag:s25], $0xC00  }
0x294: {  	[sflag:s25] =	ssyncset.done $0x0  }
0x295: {  	[sflag:s25] =	ssyncadd.s32 $0xFFFFF400  }
0x296: {  	_ =	swait.ge [sflag:s25], $0xC00  }
0x297: {  	[sflag:s25] =	ssyncset.done $0x0  }
0x298: {  	[sflag:s25] =	ssyncadd.s32 $0xFFFFF400  }
0x299: {  	_ =	swait.ge [sflag:s25], $0xC00  }
0x29a: {  	[sflag:s25] =	ssyncset.done $0x0  }
0x29b: {  	[sflag:s25] =	ssyncadd.s32 $0xFFFFF400  }
0x29c: {  	_ =	swait.ge [sflag:s25], $0xC00  }
0x29d: {  	[sflag:s25] =	ssyncset.done $0x0  }
0x29e: {  	[sflag:s25] =	ssyncadd.s32 $0xFFFFF400  }
0x29f: {  	_ =	swait.ge [sflag:s25], $0xC00  }
0x2a0: {  	[sflag:s25] =	ssyncset.done $0x0  }
0x2a1: {  	s26 =	simm.s32 $0x4;
	[sflag:s25] =	ssyncadd.s32 $0xFFFFF400  }
0x2a2: {  	_ =	swait.ge [sflag:s26], $0x6000  }
0x2a3: {  	s23 =	simm.s32 $0x80;
	[sflag:s26] =	ssyncset.done $0x0  }
0x2a4: {  	s24 =	simm.s32 $0x6400;
	s25 =	sadd.s32 $0x0, s12;
	[sflag:s26] =	ssyncadd.s32 $0xFFFFA000  }
.LBB2_82:
0x2a5: {  	[tilespmem:s22], [sflag:$0x2] =	stream.linear.gather [hbm4b:s25+s1], $0x80, $0x38;
	[tilespmem:$0xC000] =	vst v63  }
0x2a6: {  	s25 =	smov.u32 s23;
	s22 =	smov.u32 s24;
	p0 =	sne.s32 s23, $0xB80  }
.Ltmp40:
0x2a7: {  	s23 =	sadd.s32 $0x80, s23;
	(pc) =	sbr.rel @p0 .LBB2_82-.Ltmp40, $2  }
0x2a8: {  	_ =	sdelay $0x2  }
0x2a9: {  	s24 =	sadd.s32 $0x400, s24;
	s25 =	sadd.s32 s25, s12  }
0x2aa: {  	[tilespmem:s22], [sflag:$0x2] =	stream.linear.gather [hbm4b:s25+s1], $0x80, $0x38;
	[tilespmem:$0xC000] =	vst v63  }
0x2ab: {  	s22 =	simm.s32 $0x6080  }
0x2ac: {  	s23 =	simm.s32 $0x80;
	s25 =	sadd.s32 $0x0, s13;
	s24 =	simm.s32 $0x6480  }
.LBB2_84:
0x2ad: {  	[tilespmem:s22], [sflag:$0x2] =	stream.linear.gather [hbm4b:s25+s1], $0x80, $0x38;
	[tilespmem:$0xC000] =	vst v63  }
0x2ae: {  	s25 =	smov.u32 s23;
	s22 =	smov.u32 s24;
	p0 =	sne.s32 s23, $0xB80  }
.Ltmp41:
0x2af: {  	s23 =	sadd.s32 $0x80, s23;
	(pc) =	sbr.rel @p0 .LBB2_84-.Ltmp41, $2  }
0x2b0: {  	_ =	sdelay $0x2  }
0x2b1: {  	s24 =	sadd.s32 $0x400, s24;
	s25 =	sadd.s32 s25, s13  }
0x2b2: {  	[tilespmem:s22], [sflag:$0x2] =	stream.linear.gather [hbm4b:s25+s1], $0x80, $0x38;
	[tilespmem:$0xC000] =	vst v63  }
0x2b3: {  	s22 =	simm.s32 $0x6100  }
0x2b4: {  	s23 =	simm.s32 $0x80;
	s25 =	sadd.s32 $0x0, s14;
	s24 =	simm.s32 $0x6500  }
.LBB2_86:
0x2b5: {  	[tilespmem:s22], [sflag:$0x2] =	stream.linear.gather [hbm4b:s25+s1], $0x80, $0x38;
	[tilespmem:$0xC000] =	vst v63  }
0x2b6: {  	s25 =	smov.u32 s23;
	s22 =	smov.u32 s24;
	p0 =	sne.s32 s23, $0xB80  }
.Ltmp42:
0x2b7: {  	s23 =	sadd.s32 $0x80, s23;
	(pc) =	sbr.rel @p0 .LBB2_86-.Ltmp42, $2  }
0x2b8: {  	_ =	sdelay $0x2  }
0x2b9: {  	s24 =	sadd.s32 $0x400, s24;
	s25 =	sadd.s32 s25, s14  }
0x2ba: {  	[tilespmem:s22], [sflag:$0x2] =	stream.linear.gather [hbm4b:s25+s1], $0x80, $0x38;
	[tilespmem:$0xC000] =	vst v63  }
0x2bb: {  	s22 =	simm.s32 $0x6180  }
0x2bc: {  	s23 =	simm.s32 $0x80;
	s25 =	sadd.s32 $0x0, s15;
	s24 =	simm.s32 $0x6580  }
.LBB2_88:
0x2bd: {  	[tilespmem:s22], [sflag:$0x2] =	stream.linear.gather [hbm4b:s25+s1], $0x80, $0x38;
	[tilespmem:$0xC000] =	vst v63  }
0x2be: {  	s25 =	smov.u32 s23;
	s22 =	smov.u32 s24;
	p0 =	sne.s32 s23, $0xB80  }
.Ltmp43:
0x2bf: {  	s23 =	sadd.s32 $0x80, s23;
	(pc) =	sbr.rel @p0 .LBB2_88-.Ltmp43, $2  }
0x2c0: {  	_ =	sdelay $0x2  }
0x2c1: {  	s24 =	sadd.s32 $0x400, s24;
	s25 =	sadd.s32 s25, s15  }
0x2c2: {  	[tilespmem:s22], [sflag:$0x2] =	stream.linear.gather [hbm4b:s25+s1], $0x80, $0x38;
	[tilespmem:$0xC000] =	vst v63  }
0x2c3: {  	s22 =	simm.s32 $0x6200  }
0x2c4: {  	s23 =	simm.s32 $0x80;
	s25 =	sadd.s32 $0x0, s16;
	s24 =	simm.s32 $0x6600  }
.LBB2_90:
0x2c5: {  	[tilespmem:s22], [sflag:$0x2] =	stream.linear.gather [hbm4b:s25+s1], $0x80, $0x38;
	[tilespmem:$0xC000] =	vst v63  }
0x2c6: {  	s25 =	smov.u32 s23;
	s22 =	smov.u32 s24;
	p0 =	sne.s32 s23, $0xB80  }
.Ltmp44:
0x2c7: {  	s23 =	sadd.s32 $0x80, s23;
	(pc) =	sbr.rel @p0 .LBB2_90-.Ltmp44, $2  }
0x2c8: {  	_ =	sdelay $0x2  }
0x2c9: {  	s24 =	sadd.s32 $0x400, s24;
	s25 =	sadd.s32 s25, s16  }
0x2ca: {  	[tilespmem:s22], [sflag:$0x2] =	stream.linear.gather [hbm4b:s25+s1], $0x80, $0x38;
	[tilespmem:$0xC000] =	vst v63  }
0x2cb: {  	s22 =	simm.s32 $0x6280  }
0x2cc: {  	s23 =	simm.s32 $0x80;
	s25 =	sadd.s32 $0x0, s17;
	s24 =	simm.s32 $0x6680  }
.LBB2_92:
0x2cd: {  	[tilespmem:s22], [sflag:$0x2] =	stream.linear.gather [hbm4b:s25+s1], $0x80, $0x38;
	[tilespmem:$0xC000] =	vst v63  }
0x2ce: {  	s25 =	smov.u32 s23;
	s22 =	smov.u32 s24;
	p0 =	sne.s32 s23, $0xB80  }
.Ltmp45:
0x2cf: {  	s23 =	sadd.s32 $0x80, s23;
	(pc) =	sbr.rel @p0 .LBB2_92-.Ltmp45, $2  }
0x2d0: {  	_ =	sdelay $0x2  }
0x2d1: {  	s24 =	sadd.s32 $0x400, s24;
	s25 =	sadd.s32 s25, s17  }
0x2d2: {  	[tilespmem:s22], [sflag:$0x2] =	stream.linear.gather [hbm4b:s25+s1], $0x80, $0x38;
	[tilespmem:$0xC000] =	vst v63  }
0x2d3: {  	s22 =	simm.s32 $0x6300  }
0x2d4: {  	s23 =	simm.s32 $0x80;
	s25 =	sadd.s32 $0x0, s18;
	s24 =	simm.s32 $0x6700  }
.LBB2_94:
0x2d5: {  	[tilespmem:s22], [sflag:$0x2] =	stream.linear.gather [hbm4b:s25+s1], $0x80, $0x38;
	[tilespmem:$0xC000] =	vst v63  }
0x2d6: {  	s25 =	smov.u32 s23;
	s22 =	smov.u32 s24;
	p0 =	sne.s32 s23, $0xB80  }
.Ltmp46:
0x2d7: {  	s23 =	sadd.s32 $0x80, s23;
	(pc) =	sbr.rel @p0 .LBB2_94-.Ltmp46, $2  }
0x2d8: {  	_ =	sdelay $0x2  }
0x2d9: {  	s24 =	sadd.s32 $0x400, s24;
	s25 =	sadd.s32 s25, s18  }
0x2da: {  	[tilespmem:s22], [sflag:$0x2] =	stream.linear.gather [hbm4b:s25+s1], $0x80, $0x38;
	[tilespmem:$0xC000] =	vst v63  }
0x2db: {  	s22 =	simm.s32 $0x6380  }
0x2dc: {  	s23 =	simm.s32 $0x80;
	s25 =	sadd.s32 $0x0, s19;
	s24 =	simm.s32 $0x6780  }
.LBB2_96:
0x2dd: {  	[tilespmem:s22], [sflag:$0x2] =	stream.linear.gather [hbm4b:s25+s1], $0x80, $0x38;
	[tilespmem:$0xC000] =	vst v63  }
0x2de: {  	s25 =	smov.u32 s23;
	s22 =	smov.u32 s24;
	p0 =	sne.s32 s23, $0xB80  }
.Ltmp47:
0x2df: {  	s23 =	sadd.s32 $0x80, s23;
	(pc) =	sbr.rel @p0 .LBB2_96-.Ltmp47, $2  }
0x2e0: {  	_ =	sdelay $0x2  }
0x2e1: {  	s24 =	sadd.s32 $0x400, s24;
	s25 =	sadd.s32 s25, s19  }
0x2e2: {  	[tilespmem:s22], [sflag:$0x2] =	stream.linear.gather [hbm4b:s25+s1], $0x80, $0x38;
	[tilespmem:$0xC000] =	vst v63  }
0x2e3: {  	s22 =	simm.s32 $0x0;
	s23 =	rddreg [dreg:$0x1f];
	s25 =	simm.s32 $0x2  }
0x2e4: {  	[hbm4b:s23+s22] =	stream.linear.scatter [tilespmem:s22], [sflag:$0x3], $0x6000, $0x38;
	[tilespmem:$0xC000] =	vst v63  }
0x2e5: {  	_ =	swait.ge [sflag:s25], $0xC00  }
0x2e6: {  	[sflag:s25] =	ssyncset.done $0x0  }
0x2e7: {  	[sflag:s25] =	ssyncadd.s32 $0xFFFFF400  }
0x2e8: {  	_ =	swait.ge [sflag:s25], $0xC00  }
0x2e9: {  	[sflag:s25] =	ssyncset.done $0x0  }
0x2ea: {  	[sflag:s25] =	ssyncadd.s32 $0xFFFFF400  }
0x2eb: {  	_ =	swait.ge [sflag:s25], $0xC00  }
0x2ec: {  	[sflag:s25] =	ssyncset.done $0x0  }
0x2ed: {  	[sflag:s25] =	ssyncadd.s32 $0xFFFFF400  }
0x2ee: {  	_ =	swait.ge [sflag:s25], $0xC00  }
0x2ef: {  	[sflag:s25] =	ssyncset.done $0x0  }
0x2f0: {  	[sflag:s25] =	ssyncadd.s32 $0xFFFFF400  }
0x2f1: {  	_ =	swait.ge [sflag:s25], $0xC00  }
0x2f2: {  	[sflag:s25] =	ssyncset.done $0x0  }
0x2f3: {  	[sflag:s25] =	ssyncadd.s32 $0xFFFFF400  }
0x2f4: {  	_ =	swait.ge [sflag:s25], $0xC00  }
0x2f5: {  	[sflag:s25] =	ssyncset.done $0x0  }
0x2f6: {  	[sflag:s25] =	ssyncadd.s32 $0xFFFFF400  }
0x2f7: {  	_ =	swait.ge [sflag:s25], $0xC00  }
0x2f8: {  	[sflag:s25] =	ssyncset.done $0x0  }
0x2f9: {  	[sflag:s25] =	ssyncadd.s32 $0xFFFFF400  }
0x2fa: {  	_ =	swait.ge [sflag:s25], $0xC00  }
0x2fb: {  	[sflag:s25] =	ssyncset.done $0x0  }
0x2fc: {  	s26 =	simm.s32 $0x3;
	[sflag:s25] =	ssyncadd.s32 $0xFFFFF400  }
0x2fd: {  	_ =	swait.ge [sflag:s26], $0x6000  }
0x2fe: {  	s24 =	simm.s32 $0x400;
	[sflag:s26] =	ssyncset.done $0x0  }
0x2ff: {  	s23 =	simm.s32 $0x80;
	s25 =	sadd.s32 $0x0, s20;
	[sflag:s26] =	ssyncadd.s32 $0xFFFFA000  }
.LBB2_98:
0x300: {  	[tilespmem:s22], [sflag:$0x1] =	stream.linear.gather [hbm4b:s25+s1], $0x80, $0x38;
	[tilespmem:$0xC000] =	vst v63  }
0x301: {  	s25 =	smov.u32 s23;
	s22 =	smov.u32 s24;
	p0 =	sne.s32 s23, $0xB80  }
.Ltmp48:
0x302: {  	s23 =	sadd.s32 $0x80, s23;
	(pc) =	sbr.rel @p0 .LBB2_98-.Ltmp48, $2  }
0x303: {  	_ =	sdelay $0x2  }
0x304: {  	s24 =	sadd.s32 $0x400, s24;
	s25 =	sadd.s32 s25, s20  }
0x305: {  	[tilespmem:s22], [sflag:$0x1] =	stream.linear.gather [hbm4b:s25+s1], $0x80, $0x38;
	[tilespmem:$0xC000] =	vst v63  }
0x306: {  	s22 =	simm.s32 $0x80  }
0x307: {  	s23 =	simm.s32 $0x80;
	s25 =	sadd.s32 $0x0, s21;
	s24 =	simm.s32 $0x480  }
.LBB2_100:
0x308: {  	[tilespmem:s22], [sflag:$0x1] =	stream.linear.gather [hbm4b:s25+s1], $0x80, $0x38;
	[tilespmem:$0xC000] =	vst v63  }
0x309: {  	s25 =	smov.u32 s23;
	s22 =	smov.u32 s24;
	p0 =	sne.s32 s23, $0xB80  }
.Ltmp49:
0x30a: {  	s23 =	sadd.s32 $0x80, s23;
	(pc) =	sbr.rel @p0 .LBB2_100-.Ltmp49, $2  }
0x30b: {  	_ =	sdelay $0x2  }
0x30c: {  	s24 =	sadd.s32 $0x400, s24;
	s25 =	sadd.s32 s25, s21  }
0x30d: {  	[tilespmem:s22], [sflag:$0x1] =	stream.linear.gather [hbm4b:s25+s1], $0x80, $0x38;
	[tilespmem:$0xC000] =	vst v63  }
0x30e: {  	s25 =	sld [smem:$0x7FA];
	_ =	sdelay $0x1  }
0x30f: {  	s23 =	simm.s32 $0x6000;
	s26 =	simm.s32 $0x1  }
0x310: {  	[hbm4b:s25+s1] =	stream.linear.scatter [tilespmem:s23], [sflag:$0x4], $0x6000, $0x38;
	[tilespmem:$0xC000] =	vst v63  }
0x311: {  	_ =	swait.ge [sflag:s26], $0xC00  }
0x312: {  	[sflag:s26] =	ssyncset.done $0x0  }
0x313: {  	[sflag:s26] =	ssyncadd.s32 $0xFFFFF400  }
0x314: {  	_ =	swait.ge [sflag:s26], $0xC00  }
0x315: {  	[sflag:s26] =	ssyncset.done $0x0  }
0x316: {  	s23 =	simm.s32 $0x4;
	[sflag:s26] =	ssyncadd.s32 $0xFFFFF400  }
0x317: {  	_ =	swait.ge [sflag:s23], $0x6000  }
0x318: {  	s24 =	sld [smem:$0x7FB]  }
0x319: {  	[sflag:s23] =	ssyncset.done $0x0  }
0x31a: {  	s25 =	simm.s32 $0x3;
	[sflag:s23] =	ssyncadd.s32 $0xFFFFA000  }
0x31b: {  	[hbm4b:s24+s1] =	stream.linear.scatter [tilespmem:s1], [sflag:$0x3], $0x6000, $0x38;
	[tilespmem:$0xC000] =	vst v63  }
0x31c: {  	_ =	swait.ge [sflag:s25], $0x6000  }
0x31d: {  	s24 =	sld [smem:$0x7DA]  }
0x31e: {  	s26 =	sld [smem:$0x7FD];
	_ =	sdelay $0x1  }
0x31f: {  	s24 =	sadd.s32 $0x1, s24  }
0x320: {  	p0 =	sne.s32 s24, s26  }
.Ltmp50:
0x321: {  	_ = 	snop;
	(pc) =	sbr.rel @p0 .LBB2_1-.Ltmp50, $3  }
0x322: {  	_ =	sdelay $0x1  }
0x323: {  	[sflag:s25] =	ssyncset.done $0x0  }
0x324: {  	[sflag:s25] =	ssyncadd.s32 $0xFFFFA000  }
0x325: {  	_ =	sfence.sel $0x180000  }
0x326: {  	[bflag:$0x0] =	sbarrier.arrive $0xFFFF  }
0x327: {  	_ =	strace $0x90000047  }
0x328: {  	s0 =	stileid.u32;
	[bflag:$0x2] =	sbarrier.arrive $0xFFFF  }
0x329: {  	p0 =	sne.s32 s0, $0x0;
	s0 =	rddreg [dreg:$0x1]  }
0x32a: {  	s0 =	sadd.s32 @!p0 $0x100000, s0  }
0x32b: {  	[sflag:s0] =	ssyncadd.tile.s32 @!p0 $0x1;
	_ =	shalt  }
.Lfunc_end2:
_tile_overlayer_lowered:
.L_overlay_start_2:
0x32c: {  	(tag) =	ssettag $0x2  }
0x32d: {  	s0 =	rddreg [dreg:$0x0];
	s2 =	stileid.u32  }
0x32e: {  	s1 =	rddreg [dreg:$0x1];
	p0 =	sne.s32 s2, $0x0  }
0x32f: {  	s3 =	rddreg [dreg:$0x2];
	[bflag:$0x3] =	sbarrier.arrive $0xFFFF;
	s2 =	simm.s32 @!p0 $0x1C05  }
0x330: {  	[timem:s3], [sflag:s2] =	dma.local @!p0 [hbm:s0], s1  }
0x331: {  	s0 =	simm.s32 @!p0 $0x5  }
0x332: {  	_ =	swait.ge @!p0 [sflag:s0], s1  }
0x333: {  	s1 =	ssub.s32 @!p0 $0x0, s1;
	[sflag:s0] =	ssyncset.done @!p0 $0x0  }
0x334: {  	[sflag:s0] =	ssyncadd.s32 @!p0 s1  }
0x335: {  	[bflag:$0x3] =	sbarrier.arrive $0xFFFF  }
0x336: {  	_ =	shalt  }

</sc_bundles>
